<compile_context>
chip_gen: v7x
topology: tpu7x:2x2x1
jax: 0.10.2.dev20260603
libtpu: 0.0.44.dev20260713+nightly
codegen_flags: <defaults>
</compile_context>

<pallas_src>
import functools

import jax
import jax.numpy as jnp
from jax import lax
from jax.experimental import pallas as pl
from jax.experimental.pallas import tpu as pltpu
from jax.experimental.pallas import tpu_sc as plsc

N = 10000
E = 320000
NC, NS = 2, 16
NW = NC * NS
CH = 128
NCH = E // CH
CPW = NCH // NW
EXTRA = NCH - NW * CPW
NBUF = 2
NHALF = 2
CPH = CPW // NHALF
NITER = (CPH + NBUF - 1) // NBUF
RPS = 624
REXTRA = N - NS * RPS


def _make_agg(D):
    mesh = plsc.VectorSubcoreMesh(
        core_axis_name="c", subcore_axis_name="s",
        num_cores=NC, num_subcores=NS)

    @functools.partial(
        pl.kernel,
        out_type=jax.ShapeDtypeStruct((NC, N, D), jnp.float32),
        mesh=mesh,
        scratch_types=[
            pltpu.VMEM((CPH, CH), jnp.int32),
            pltpu.VMEM((CPH, CH), jnp.int32),
            [pltpu.VMEM((CH, D), jnp.float32) for _ in range(NBUF)],
            [pltpu.SemaphoreType.DMA for _ in range(NBUF)],
            pltpu.VMEM_SHARED((N, D), jnp.float32),
        ],
        compiler_params=pltpu.CompilerParams(use_tc_tiling_on_sc=False),
    )
    def agg(x_hbm, src_hbm, dst_hbm, z_hbm, out_hbm,
            srcs, dsts, bufs, gsems, acc):
        c = lax.axis_index("c")
        s = lax.axis_index("s")
        wid = c * NS + s
        r0 = s * RPS
        pltpu.sync_copy(z_hbm.at[pl.ds(0, RPS)], acc.at[pl.ds(r0, RPS)])

        @pl.when(s == NS - 1)
        def _():
            pltpu.sync_copy(z_hbm.at[pl.ds(RPS, REXTRA)],
                            acc.at[pl.ds(NS * RPS, REXTRA)])

        def run_bank(first):
            def body(i, carry):
                for k in range(NBUF):
                    cid = i * NBUF + k

                    @pl.when(cid < CPH)
                    def _():
                        pltpu.make_async_copy(
                            x_hbm.at[srcs.at[0]], bufs[k], gsems[k]).wait()
                        pltpu.sync_copy(bufs[k], acc.at[dsts.at[cid]],
                                        add=True)

                        @pl.when(cid + NBUF < CPH)
                        def _():
                            pltpu.async_copy(
                                x_hbm.at[srcs.at[cid + NBUF]],
                                bufs[k], gsems[k])
                return carry
            return body

        for half in range(NHALF):
            row0 = wid * CPW + half * CPH
            pltpu.sync_copy(src_hbm.at[pl.ds(row0, CPH)], srcs)
            pltpu.sync_copy(dst_hbm.at[pl.ds(row0, CPH)], dsts)
            for k in range(NBUF):
                pltpu.async_copy(x_hbm.at[srcs.at[k]], bufs[k], gsems[k])
            if half == 0:
                plsc.subcore_barrier()
            lax.fori_loop(0, NITER, run_bank(half), 0, unroll=False)

        @pl.when(wid < EXTRA)
        def _():
            pltpu.sync_copy(src_hbm.at[pl.ds(NW * CPW + wid, 1)],
                            srcs.at[pl.ds(0, 1)])
            pltpu.sync_copy(dst_hbm.at[pl.ds(NW * CPW + wid, 1)],
                            dsts.at[pl.ds(0, 1)])
            pltpu.async_copy(x_hbm.at[srcs.at[0]], bufs[0], gsems[0]).wait()
            pltpu.sync_copy(bufs[0], acc.at[dsts.at[0]], add=True)

        plsc.subcore_barrier()
        pltpu.sync_copy(acc.at[pl.ds(r0, RPS)], out_hbm.at[c, pl.ds(r0, RPS)])

        @pl.when(s == NS - 1)
        def _():
            pltpu.sync_copy(acc.at[pl.ds(NS * RPS, REXTRA)],
                            out_hbm.at[c, pl.ds(NS * RPS, REXTRA)])

    return agg


_agg128 = _make_agg(128)
_agg64 = _make_agg(64)
_agg16 = _make_agg(16)

_BLK = 1000
_GRID = N // _BLK


def _tc1_body(p_ref, w_ref, b_ref, o_ref):
    p = p_ref[0] + p_ref[1]
    h = jnp.dot(p, w_ref[...], preferred_element_type=jnp.float32) + b_ref[...]
    o_ref[...] = jnp.maximum(h, 0.0)


def _tc2_body(p_ref, w2_ref, b2_ref, w3_ref, o_ref):
    p = p_ref[0] + p_ref[1]
    h = jnp.maximum(
        jnp.dot(p, w2_ref[...], preferred_element_type=jnp.float32)
        + b2_ref[...], 0.0)
    o_ref[...] = jnp.dot(h, w3_ref[...], preferred_element_type=jnp.float32)


def _tc3_body(p_ref, b3_ref, w4_ref, o_ref):
    t = jnp.maximum(p_ref[0] + p_ref[1] + b3_ref[...], 0.0)
    o_ref[...] = jnp.dot(t, w4_ref[...], preferred_element_type=jnp.float32)


def _tc4_body(p_ref, b4_ref, o_ref):
    o_ref[...] = (p_ref[0] + p_ref[1])[:, :2] + b4_ref[...]


def _full(shape):
    return pl.BlockSpec(shape, lambda i: tuple(0 for _ in shape))


def kernel(x, edge_index, W1, b1, W2, b2, W3, b3, W4, b4):
    src = edge_index[0].reshape(NCH, CH)
    dst = edge_index[1].reshape(NCH, CH)
    z128 = jnp.zeros((RPS + REXTRA, 128), jnp.float32)
    z64 = jnp.zeros((RPS + REXTRA, 64), jnp.float32)
    z16 = jnp.zeros((RPS + REXTRA, 16), jnp.float32)
    W4p = jnp.pad(W4, ((0, 0), (0, 16 - W4.shape[1])))
    b1r, b2r, b3r, b4r = (b.reshape(1, -1) for b in (b1, b2, b3, b4))

    P1 = _agg128(x, src, dst, z128)
    h1 = pl.pallas_call(
        _tc1_body,
        grid=(_GRID,),
        in_specs=[
            pl.BlockSpec((NC, _BLK, 128), lambda i: (0, i, 0)),
            _full((128, 128)),
            _full((1, 128)),
        ],
        out_specs=pl.BlockSpec((_BLK, 128), lambda i: (i, 0)),
        out_shape=jax.ShapeDtypeStruct((N, 128), jnp.float32),
    )(P1, W1, b1r)

    P2 = _agg128(h1, src, dst, z128)
    t3 = pl.pallas_call(
        _tc2_body,
        grid=(_GRID,),
        in_specs=[
            pl.BlockSpec((NC, _BLK, 128), lambda i: (0, i, 0)),
            _full((128, 128)),
            _full((1, 128)),
            _full((128, 64)),
        ],
        out_specs=pl.BlockSpec((_BLK, 64), lambda i: (i, 0)),
        out_shape=jax.ShapeDtypeStruct((N, 64), jnp.float32),
    )(P2, W2, b2r, W3)

    P3 = _agg64(t3, src, dst, z64)
    t4 = pl.pallas_call(
        _tc3_body,
        grid=(_GRID,),
        in_specs=[
            pl.BlockSpec((NC, _BLK, 64), lambda i: (0, i, 0)),
            _full((1, 64)),
            _full((64, 16)),
        ],
        out_specs=pl.BlockSpec((_BLK, 16), lambda i: (i, 0)),
        out_shape=jax.ShapeDtypeStruct((N, 16), jnp.float32),
    )(P3, b3r, W4p)

    P4 = _agg16(t4, src, dst, z16)
    out = pl.pallas_call(
        _tc4_body,
        grid=(_GRID,),
        in_specs=[
            pl.BlockSpec((NC, _BLK, 16), lambda i: (0, i, 0)),
            _full((1, 2)),
        ],
        out_specs=pl.BlockSpec((_BLK, 2), lambda i: (i, 0)),
        out_shape=jax.ShapeDtypeStruct((N, 2), jnp.float32),
    )(P4, b4r)
    return out

# --- scband reference (transcript-rebuilt; emitter-appended) ---
"""Pipeline reference for scband-net4-90486370992283 (READ-ONLY COPY).

The authoritative reference and input builder live on the scoring server;
editing this copy changes nothing except your own understanding.
"""

import jax, jax.numpy as jnp
import numpy as np

N_NODES = 10000
N_EDGES = 320000
D_FEAT = 128
H2, H3, H4, OUT = 128, 128, 64, 2


def gcn_layer(x, edge_index, W, b):
    # DGL update_all(copy_u('h','m'), sum('m','h')):
    # for each edge (src, dst): message = x[src]; h[dst] = sum of incoming messages
    src = edge_index[0]
    dst = edge_index[1]
    m = jnp.take(x, src, axis=0)
    h = jax.ops.segment_sum(m, dst, num_segments=x.shape[0])
    # nn.Linear
    return h @ W + b


def setup_inputs(seed: int = 0) -> dict:
    key = jax.random.key(seed)
    ks = jax.random.split(key, 12)
    x = jax.random.normal(ks[0], (N_NODES, D_FEAT), dtype=jnp.float32)
    edge_index = jax.random.randint(ks[1], (2, N_EDGES), 0, N_NODES, dtype=jnp.int32)
    W1 = jax.random.normal(ks[2], (D_FEAT, H2), dtype=jnp.float32) * 0.05
    b1 = jnp.zeros((H2,), dtype=jnp.float32)
    W2 = jax.random.normal(ks[3], (H2, H3), dtype=jnp.float32) * 0.05
    b2 = jnp.zeros((H3,), dtype=jnp.float32)
    W3 = jax.random.normal(ks[4], (H3, H4), dtype=jnp.float32) * 0.05
    b3 = jnp.zeros((H4,), dtype=jnp.float32)
    W4 = jax.random.normal(ks[5], (H4, OUT), dtype=jnp.float32) * 0.05
    b4 = jnp.zeros((OUT,), dtype=jnp.float32)
    return {"x": x, "edge_index": edge_index, "W1": W1, "b1": b1, "W2": W2, "b2": b2, "W3": W3, "b3": b3, "W4": W4, "b4": b4}


def reference(x, edge_index, W1, b1, W2, b2, W3, b3, W4, b4):
    # Net4.forward: relu after layers 1-3 (dropout rate 0.0 -> identity), layer4 raw
    h = jax.nn.relu(gcn_layer(x, edge_index, W1, b1))
    h = jax.nn.relu(gcn_layer(h, edge_index, W2, b2))
    h = jax.nn.relu(gcn_layer(h, edge_index, W3, b3))
    h = gcn_layer(h, edge_index, W4, b4)
    return h

if __name__ == "__main__":
    import jax
    _d = setup_inputs()
    print(jax.jit(kernel)(*tuple(_d.values())))

</pallas_src>

<mosaic_0001>
#map = affine_map<(d0, d1) -> (0, 0)>
#map1 = affine_map<(d0, d1) -> (0, 0, 0)>
module attributes {stable_mosaic.version = 14 : i64} {
  func.func @agg(%arg0: i32, %arg1: i32, %arg2: memref<10000x16xf32, #tpu.memory_space<hbm>>, %arg3: memref<2500x128xi32, #tpu.memory_space<hbm>>, %arg4: memref<2500x128xi32, #tpu.memory_space<hbm>>, %arg5: memref<640x16xf32, #tpu.memory_space<hbm>>, %arg6: memref<2x10000x16xf32, #tpu.memory_space<hbm>>, %arg7: memref<39x128xi32, #tpu.memory_space<vmem>>, %arg8: memref<39x128xi32, #tpu.memory_space<vmem>>, %arg9: memref<128x16xf32, #tpu.memory_space<vmem>>, %arg10: memref<128x16xf32, #tpu.memory_space<vmem>>, %arg11: memref<!tpu.dma_semaphore, #tpu.memory_space<semaphore_mem>>, %arg12: memref<!tpu.dma_semaphore, #tpu.memory_space<semaphore_mem>>, %arg13: memref<10000x16xf32, #tpu.memory_space<vmem_shared>>) attributes {dimension_semantics = [#tpu.dimension_semantics<core_parallel>, #tpu.dimension_semantics<subcore_parallel>], iteration_bounds = array<i64: 2, 16>, scalar_prefetch = 0 : i64, scratch_operands = 7 : i64, tpu.core_type = #tpu.core_type<sc_vector_subcore>, window_params = [{transform_indices = #map}, {transform_indices = #map}, {transform_indices = #map}, {transform_indices = #map}, {transform_indices = #map1}]} {
    %mul3A = arith.constant 16 : i32
    %mul3A_0 = arith.muli %arg0, %mul3A : i32
    %add3A = arith.addi %mul3A_0, %arg1 : i32
    %mul3A_1 = arith.constant 624 : i32
    %mul3A_2 = arith.muli %arg1, %mul3A_1 : i32
    "tpu.region"() ({
      %run_scoped3A = tpu.sem_alloc : memref<!tpu.dma_semaphore, #tpu.memory_space<semaphore_mem>>
      %dma_start3A_61 = arith.constant 0 : i32
      %dma_start3A_62 = tpu.memref_slice %arg13[%mul3A_2, %dma_start3A_61] : memref<10000x16xf32, #tpu.memory_space<vmem_shared>> -> memref<624x16xf32, #tpu.memory_space<vmem_shared>>
      %dma_start3A_63 = arith.constant 0 : i32
      %dma_start3A_64 = arith.constant 0 : i32
      %dma_start3A_65 = tpu.memref_slice %arg5[%dma_start3A_63, %dma_start3A_64] : memref<640x16xf32, #tpu.memory_space<hbm>> -> memref<624x16xf32, #tpu.memory_space<hbm>>
      tpu.enqueue_dma source(%dma_start3A_65 : memref<624x16xf32, #tpu.memory_space<hbm>>) target(%dma_start3A_62 : memref<624x16xf32, #tpu.memory_space<vmem_shared>>) target_semaphore(%run_scoped3A : memref<!tpu.dma_semaphore, #tpu.memory_space<semaphore_mem>>)
      %dma_wait3A = arith.constant 0 : i32
      %dma_wait3A_66 = tpu.memref_slice %arg13[%mul3A_2, %dma_wait3A] : memref<10000x16xf32, #tpu.memory_space<vmem_shared>> -> memref<624x16xf32, #tpu.memory_space<vmem_shared>>
      %dma_wait3A_67 = arith.constant 0 : i32
      %dma_wait3A_68 = arith.constant 0 : i32
      %dma_wait3A_69 = tpu.memref_slice %arg5[%dma_wait3A_67, %dma_wait3A_68] : memref<640x16xf32, #tpu.memory_space<hbm>> -> memref<624x16xf32, #tpu.memory_space<hbm>>
      tpu.wait_dma2 semaphore(%run_scoped3A : memref<!tpu.dma_semaphore, #tpu.memory_space<semaphore_mem>>) src(%dma_wait3A_69 : memref<624x16xf32, #tpu.memory_space<hbm>>) dst(%dma_wait3A_66 : memref<624x16xf32, #tpu.memory_space<vmem_shared>>)
      tpu.yield
    }) : () -> ()
    %eq3A = arith.constant 15 : i32
    %eq3A_3 = arith.cmpi eq, %arg1, %eq3A : i32
    %convert_element_type3A = arith.extui %eq3A_3 : i1 to i32
    %cond3A = arith.constant 0 : i32
    %cond3A_4 = arith.cmpi ne, %convert_element_type3A, %cond3A : i32
    scf.if %cond3A_4 {
      "tpu.region"() ({
        %run_scoped3A = tpu.sem_alloc : memref<!tpu.dma_semaphore, #tpu.memory_space<semaphore_mem>>
        %dma_start3A_61 = arith.constant 9984 : i32
        %dma_start3A_62 = arith.constant 0 : i32
        %dma_start3A_63 = tpu.memref_slice %arg13[%dma_start3A_61, %dma_start3A_62] : memref<10000x16xf32, #tpu.memory_space<vmem_shared>> -> memref<16x16xf32, #tpu.memory_space<vmem_shared>>
        %dma_start3A_64 = arith.constant 624 : i32
        %dma_start3A_65 = arith.constant 0 : i32
        %dma_start3A_66 = tpu.memref_slice %arg5[%dma_start3A_64, %dma_start3A_65] : memref<640x16xf32, #tpu.memory_space<hbm>> -> memref<16x16xf32, #tpu.memory_space<hbm>>
        tpu.enqueue_dma source(%dma_start3A_66 : memref<16x16xf32, #tpu.memory_space<hbm>>) target(%dma_start3A_63 : memref<16x16xf32, #tpu.memory_space<vmem_shared>>) target_semaphore(%run_scoped3A : memref<!tpu.dma_semaphore, #tpu.memory_space<semaphore_mem>>)
        %dma_wait3A = arith.constant 9984 : i32
        %dma_wait3A_67 = arith.constant 0 : i32
        %dma_wait3A_68 = tpu.memref_slice %arg13[%dma_wait3A, %dma_wait3A_67] : memref<10000x16xf32, #tpu.memory_space<vmem_shared>> -> memref<16x16xf32, #tpu.memory_space<vmem_shared>>
        %dma_wait3A_69 = arith.constant 624 : i32
        %dma_wait3A_70 = arith.constant 0 : i32
        %dma_wait3A_71 = tpu.memref_slice %arg5[%dma_wait3A_69, %dma_wait3A_70] : memref<640x16xf32, #tpu.memory_space<hbm>> -> memref<16x16xf32, #tpu.memory_space<hbm>>
        tpu.wait_dma2 semaphore(%run_scoped3A : memref<!tpu.dma_semaphore, #tpu.memory_space<semaphore_mem>>) src(%dma_wait3A_71 : memref<16x16xf32, #tpu.memory_space<hbm>>) dst(%dma_wait3A_68 : memref<16x16xf32, #tpu.memory_space<vmem_shared>>)
        tpu.yield
      }) : () -> ()
    } else {
    }
    %mul3A_5 = arith.constant 78 : i32
    %mul3A_6 = arith.muli %add3A, %mul3A_5 : i32
    %add3A_7 = arith.constant 0 : i32
    %add3A_8 = arith.addi %mul3A_6, %add3A_7 : i32
    "tpu.region"() ({
      %run_scoped3A = tpu.sem_alloc : memref<!tpu.dma_semaphore, #tpu.memory_space<semaphore_mem>>
      %dma_start3A_61 = arith.constant 0 : i32
      %dma_start3A_62 = tpu.memref_slice %arg3[%add3A_8, %dma_start3A_61] : memref<2500x128xi32, #tpu.memory_space<hbm>> -> memref<39x128xi32, #tpu.memory_space<hbm>>
      %dma_start3A_63 = arith.constant 0 : i32
      %dma_start3A_64 = tpu.memref_slice %arg3[%add3A_8, %dma_start3A_63] : memref<2500x128xi32, #tpu.memory_space<hbm>> -> memref<39x128xi32, #tpu.memory_space<hbm>>
      tpu.enqueue_dma source(%dma_start3A_64 : memref<39x128xi32, #tpu.memory_space<hbm>>) target(%arg7 : memref<39x128xi32, #tpu.memory_space<vmem>>) target_semaphore(%run_scoped3A : memref<!tpu.dma_semaphore, #tpu.memory_space<semaphore_mem>>)
      %dma_wait3A = arith.constant 0 : i32
      %dma_wait3A_65 = tpu.memref_slice %arg3[%add3A_8, %dma_wait3A] : memref<2500x128xi32, #tpu.memory_space<hbm>> -> memref<39x128xi32, #tpu.memory_space<hbm>>
      %dma_wait3A_66 = arith.constant 0 : i32
      %dma_wait3A_67 = tpu.memref_slice %arg3[%add3A_8, %dma_wait3A_66] : memref<2500x128xi32, #tpu.memory_space<hbm>> -> memref<39x128xi32, #tpu.memory_space<hbm>>
      tpu.wait_dma2 semaphore(%run_scoped3A : memref<!tpu.dma_semaphore, #tpu.memory_space<semaphore_mem>>) src(%dma_wait3A_67 : memref<39x128xi32, #tpu.memory_space<hbm>>) dst(%arg7 : memref<39x128xi32, #tpu.memory_space<vmem>>)
      tpu.yield
    }) : () -> ()
    "tpu.region"() ({
      %run_scoped3A = tpu.sem_alloc : memref<!tpu.dma_semaphore, #tpu.memory_space<semaphore_mem>>
      %dma_start3A_61 = arith.constant 0 : i32
      %dma_start3A_62 = tpu.memref_slice %arg4[%add3A_8, %dma_start3A_61] : memref<2500x128xi32, #tpu.memory_space<hbm>> -> memref<39x128xi32, #tpu.memory_space<hbm>>
      %dma_start3A_63 = arith.constant 0 : i32
      %dma_start3A_64 = tpu.memref_slice %arg4[%add3A_8, %dma_start3A_63] : memref<2500x128xi32, #tpu.memory_space<hbm>> -> memref<39x128xi32, #tpu.memory_space<hbm>>
      tpu.enqueue_dma source(%dma_start3A_64 : memref<39x128xi32, #tpu.memory_space<hbm>>) target(%arg8 : memref<39x128xi32, #tpu.memory_space<vmem>>) target_semaphore(%run_scoped3A : memref<!tpu.dma_semaphore, #tpu.memory_space<semaphore_mem>>)
      %dma_wait3A = arith.constant 0 : i32
      %dma_wait3A_65 = tpu.memref_slice %arg4[%add3A_8, %dma_wait3A] : memref<2500x128xi32, #tpu.memory_space<hbm>> -> memref<39x128xi32, #tpu.memory_space<hbm>>
      %dma_wait3A_66 = arith.constant 0 : i32
      %dma_wait3A_67 = tpu.memref_slice %arg4[%add3A_8, %dma_wait3A_66] : memref<2500x128xi32, #tpu.memory_space<hbm>> -> memref<39x128xi32, #tpu.memory_space<hbm>>
      tpu.wait_dma2 semaphore(%run_scoped3A : memref<!tpu.dma_semaphore, #tpu.memory_space<semaphore_mem>>) src(%dma_wait3A_67 : memref<39x128xi32, #tpu.memory_space<hbm>>) dst(%arg8 : memref<39x128xi32, #tpu.memory_space<vmem>>)
      tpu.yield
    }) : () -> ()
    %dma_start3A = arith.constant 0 : i32
    %dma_start3A_9 = arith.constant 0 : i32
    %dma_start3A_10 = tpu.memref_slice %arg7[%dma_start3A, %dma_start3A_9] : memref<39x128xi32, #tpu.memory_space<vmem>> -> memref<1x128xi32, #tpu.memory_space<vmem>>
    %dma_start3A_11 = tpu.memref_squeeze %dma_start3A_10 : memref<1x128xi32, #tpu.memory_space<vmem>> -> memref<128xi32, #tpu.memory_space<vmem>>
    %dma_start3A_12 = arith.constant 0 : i32
    %dma_start3A_13 = arith.constant 0 : i32
    %dma_start3A_14 = tpu.memref_slice %arg2[%dma_start3A_12, %dma_start3A_13] : memref<10000x16xf32, #tpu.memory_space<hbm>> -> memref<10000x16xf32, #tpu.memory_space<hbm>>
    tpu.enqueue_indirect_dma source(%dma_start3A_14 : memref<10000x16xf32, #tpu.memory_space<hbm>>) target(%arg9 : memref<128x16xf32, #tpu.memory_space<vmem>>) offsets(%dma_start3A_11 : memref<128xi32, #tpu.memory_space<vmem>>) semaphore(%arg11 : memref<!tpu.dma_semaphore, #tpu.memory_space<semaphore_mem>>)
    %dma_start3A_15 = arith.constant 1 : i32
    %dma_start3A_16 = arith.constant 0 : i32
    %dma_start3A_17 = tpu.memref_slice %arg7[%dma_start3A_15, %dma_start3A_16] : memref<39x128xi32, #tpu.memory_space<vmem>> -> memref<1x128xi32, #tpu.memory_space<vmem>>
    %dma_start3A_18 = tpu.memref_squeeze %dma_start3A_17 : memref<1x128xi32, #tpu.memory_space<vmem>> -> memref<128xi32, #tpu.memory_space<vmem>>
    %dma_start3A_19 = arith.constant 0 : i32
    %dma_start3A_20 = arith.constant 0 : i32
    %dma_start3A_21 = tpu.memref_slice %arg2[%dma_start3A_19, %dma_start3A_20] : memref<10000x16xf32, #tpu.memory_space<hbm>> -> memref<10000x16xf32, #tpu.memory_space<hbm>>
    tpu.enqueue_indirect_dma source(%dma_start3A_21 : memref<10000x16xf32, #tpu.memory_space<hbm>>) target(%arg10 : memref<128x16xf32, #tpu.memory_space<vmem>>) offsets(%dma_start3A_18 : memref<128xi32, #tpu.memory_space<vmem>>) semaphore(%arg12 : memref<!tpu.dma_semaphore, #tpu.memory_space<semaphore_mem>>)
    %barrier3A = arith.constant 0 : index
    tpu.barrier barrier_id(%barrier3A)
    %scan3A = arith.constant 0 : i32
    %scan3A_22 = arith.constant 0 : i32
    %scan3A_23 = arith.constant 20 : i32
    %scan3A_24 = arith.addi %scan3A_22, %scan3A_23 : i32
    %scan3A_25 = arith.constant 1 : i32
    scf.for %scan3A_61 = %scan3A_22 to %scan3A_24 step %scan3A_25  : i32 {
      %mul3A_62 = arith.constant 2 : i32
      %mul3A_63 = arith.muli %scan3A_61, %mul3A_62 : i32
      %add3A_64 = arith.constant 0 : i32
      %add3A_65 = arith.addi %mul3A_63, %add3A_64 : i32
      %lt3A_66 = arith.constant 39 : i32
      %lt3A_67 = arith.cmpi slt, %add3A_65, %lt3A_66 : i32
      %convert_element_type3A_68 = arith.extui %lt3A_67 : i1 to i32
      %cond3A_69 = arith.constant 0 : i32
      %cond3A_70 = arith.cmpi ne, %convert_element_type3A_68, %cond3A_69 : i32
      scf.if %cond3A_70 {
        %dma_wait3A = arith.constant 0 : i32
        %dma_wait3A_80 = arith.constant 0 : i32
        %dma_wait3A_81 = tpu.memref_slice %arg7[%dma_wait3A, %dma_wait3A_80] : memref<39x128xi32, #tpu.memory_space<vmem>> -> memref<1x128xi32, #tpu.memory_space<vmem>>
        %dma_wait3A_82 = tpu.memref_squeeze %dma_wait3A_81 : memref<1x128xi32, #tpu.memory_space<vmem>> -> memref<128xi32, #tpu.memory_space<vmem>>
        %dma_wait3A_83 = arith.constant 0 : i32
        %dma_wait3A_84 = arith.constant 0 : i32
        %dma_wait3A_85 = tpu.memref_slice %arg2[%dma_wait3A_83, %dma_wait3A_84] : memref<10000x16xf32, #tpu.memory_space<hbm>> -> memref<10000x16xf32, #tpu.memory_space<hbm>>
        tpu.wait_indirect_dma semaphore(%arg11 : memref<!tpu.dma_semaphore, #tpu.memory_space<semaphore_mem>>) src(%dma_wait3A_85 : memref<10000x16xf32, #tpu.memory_space<hbm>>) dst(%arg9 : memref<128x16xf32, #tpu.memory_space<vmem>>)
        "tpu.region"() ({
          %run_scoped3A = tpu.sem_alloc : memref<!tpu.dma_semaphore, #tpu.memory_space<semaphore_mem>>
          %dma_start3A_93 = arith.constant 0 : i32
          %dma_start3A_94 = tpu.memref_slice %arg8[%add3A_65, %dma_start3A_93] : memref<39x128xi32, #tpu.memory_space<vmem>> -> memref<1x128xi32, #tpu.memory_space<vmem>>
          %dma_start3A_95 = tpu.memref_squeeze %dma_start3A_94 : memref<1x128xi32, #tpu.memory_space<vmem>> -> memref<128xi32, #tpu.memory_space<vmem>>
          %dma_start3A_96 = arith.constant 0 : i32
          %dma_start3A_97 = arith.constant 0 : i32
          %dma_start3A_98 = tpu.memref_slice %arg13[%dma_start3A_96, %dma_start3A_97] : memref<10000x16xf32, #tpu.memory_space<vmem_shared>> -> memref<10000x16xf32, #tpu.memory_space<vmem_shared>>
          tpu.enqueue_indirect_dma source(%arg9 : memref<128x16xf32, #tpu.memory_space<vmem>>) target(%dma_start3A_98 : memref<10000x16xf32, #tpu.memory_space<vmem_shared>>) offsets(%dma_start3A_95 : memref<128xi32, #tpu.memory_space<vmem>>) semaphore(%run_scoped3A : memref<!tpu.dma_semaphore, #tpu.memory_space<semaphore_mem>>) {add = true}
          %dma_wait3A_99 = arith.constant 0 : i32
          %dma_wait3A_100 = tpu.memref_slice %arg8[%add3A_65, %dma_wait3A_99] : memref<39x128xi32, #tpu.memory_space<vmem>> -> memref<1x128xi32, #tpu.memory_space<vmem>>
          %dma_wait3A_101 = tpu.memref_squeeze %dma_wait3A_100 : memref<1x128xi32, #tpu.memory_space<vmem>> -> memref<128xi32, #tpu.memory_space<vmem>>
          %dma_wait3A_102 = arith.constant 0 : i32
          %dma_wait3A_103 = arith.constant 0 : i32
          %dma_wait3A_104 = tpu.memref_slice %arg13[%dma_wait3A_102, %dma_wait3A_103] : memref<10000x16xf32, #tpu.memory_space<vmem_shared>> -> memref<10000x16xf32, #tpu.memory_space<vmem_shared>>
          tpu.wait_indirect_dma semaphore(%run_scoped3A : memref<!tpu.dma_semaphore, #tpu.memory_space<semaphore_mem>>) src(%arg9 : memref<128x16xf32, #tpu.memory_space<vmem>>) dst(%dma_wait3A_104 : memref<10000x16xf32, #tpu.memory_space<vmem_shared>>)
          tpu.yield
        }) : () -> ()
        %add3A_86 = arith.constant 2 : i32
        %add3A_87 = arith.addi %add3A_65, %add3A_86 : i32
        %lt3A_88 = arith.constant 39 : i32
        %lt3A_89 = arith.cmpi slt, %add3A_87, %lt3A_88 : i32
        %convert_element_type3A_90 = arith.extui %lt3A_89 : i1 to i32
        %cond3A_91 = arith.constant 0 : i32
        %cond3A_92 = arith.cmpi ne, %convert_element_type3A_90, %cond3A_91 : i32
        scf.if %cond3A_92 {
          %add3A_93 = arith.constant 2 : i32
          %add3A_94 = arith.addi %add3A_65, %add3A_93 : i32
          %dma_start3A_95 = arith.constant 0 : i32
          %dma_start3A_96 = tpu.memref_slice %arg7[%add3A_94, %dma_start3A_95] : memref<39x128xi32, #tpu.memory_space<vmem>> -> memref<1x128xi32, #tpu.memory_space<vmem>>
          %dma_start3A_97 = tpu.memref_squeeze %dma_start3A_96 : memref<1x128xi32, #tpu.memory_space<vmem>> -> memref<128xi32, #tpu.memory_space<vmem>>
          %dma_start3A_98 = arith.constant 0 : i32
          %dma_start3A_99 = arith.constant 0 : i32
          %dma_start3A_100 = tpu.memref_slice %arg2[%dma_start3A_98, %dma_start3A_99] : memref<10000x16xf32, #tpu.memory_space<hbm>> -> memref<10000x16xf32, #tpu.memory_space<hbm>>
          tpu.enqueue_indirect_dma source(%dma_start3A_100 : memref<10000x16xf32, #tpu.memory_space<hbm>>) target(%arg9 : memref<128x16xf32, #tpu.memory_space<vmem>>) offsets(%dma_start3A_97 : memref<128xi32, #tpu.memory_space<vmem>>) semaphore(%arg11 : memref<!tpu.dma_semaphore, #tpu.memory_space<semaphore_mem>>)
        } else {
        }
      } else {
      }
      %mul3A_71 = arith.constant 2 : i32
      %mul3A_72 = arith.muli %scan3A_61, %mul3A_71 : i32
      %add3A_73 = arith.constant 1 : i32
      %add3A_74 = arith.addi %mul3A_72, %add3A_73 : i32
      %lt3A_75 = arith.constant 39 : i32
      %lt3A_76 = arith.cmpi slt, %add3A_74, %lt3A_75 : i32
      %convert_element_type3A_77 = arith.extui %lt3A_76 : i1 to i32
      %cond3A_78 = arith.constant 0 : i32
      %cond3A_79 = arith.cmpi ne, %convert_element_type3A_77, %cond3A_78 : i32
      scf.if %cond3A_79 {
        %dma_wait3A = arith.constant 0 : i32
        %dma_wait3A_80 = arith.constant 0 : i32
        %dma_wait3A_81 = tpu.memref_slice %arg7[%dma_wait3A, %dma_wait3A_80] : memref<39x128xi32, #tpu.memory_space<vmem>> -> memref<1x128xi32, #tpu.memory_space<vmem>>
        %dma_wait3A_82 = tpu.memref_squeeze %dma_wait3A_81 : memref<1x128xi32, #tpu.memory_space<vmem>> -> memref<128xi32, #tpu.memory_space<vmem>>
        %dma_wait3A_83 = arith.constant 0 : i32
        %dma_wait3A_84 = arith.constant 0 : i32
        %dma_wait3A_85 = tpu.memref_slice %arg2[%dma_wait3A_83, %dma_wait3A_84] : memref<10000x16xf32, #tpu.memory_space<hbm>> -> memref<10000x16xf32, #tpu.memory_space<hbm>>
        tpu.wait_indirect_dma semaphore(%arg12 : memref<!tpu.dma_semaphore, #tpu.memory_space<semaphore_mem>>) src(%dma_wait3A_85 : memref<10000x16xf32, #tpu.memory_space<hbm>>) dst(%arg10 : memref<128x16xf32, #tpu.memory_space<vmem>>)
        "tpu.region"() ({
          %run_scoped3A = tpu.sem_alloc : memref<!tpu.dma_semaphore, #tpu.memory_space<semaphore_mem>>
          %dma_start3A_93 = arith.constant 0 : i32
          %dma_start3A_94 = tpu.memref_slice %arg8[%add3A_74, %dma_start3A_93] : memref<39x128xi32, #tpu.memory_space<vmem>> -> memref<1x128xi32, #tpu.memory_space<vmem>>
          %dma_start3A_95 = tpu.memref_squeeze %dma_start3A_94 : memref<1x128xi32, #tpu.memory_space<vmem>> -> memref<128xi32, #tpu.memory_space<vmem>>
          %dma_start3A_96 = arith.constant 0 : i32
          %dma_start3A_97 = arith.constant 0 : i32
          %dma_start3A_98 = tpu.memref_slice %arg13[%dma_start3A_96, %dma_start3A_97] : memref<10000x16xf32, #tpu.memory_space<vmem_shared>> -> memref<10000x16xf32, #tpu.memory_space<vmem_shared>>
          tpu.enqueue_indirect_dma source(%arg10 : memref<128x16xf32, #tpu.memory_space<vmem>>) target(%dma_start3A_98 : memref<10000x16xf32, #tpu.memory_space<vmem_shared>>) offsets(%dma_start3A_95 : memref<128xi32, #tpu.memory_space<vmem>>) semaphore(%run_scoped3A : memref<!tpu.dma_semaphore, #tpu.memory_space<semaphore_mem>>) {add = true}
          %dma_wait3A_99 = arith.constant 0 : i32
          %dma_wait3A_100 = tpu.memref_slice %arg8[%add3A_74, %dma_wait3A_99] : memref<39x128xi32, #tpu.memory_space<vmem>> -> memref<1x128xi32, #tpu.memory_space<vmem>>
          %dma_wait3A_101 = tpu.memref_squeeze %dma_wait3A_100 : memref<1x128xi32, #tpu.memory_space<vmem>> -> memref<128xi32, #tpu.memory_space<vmem>>
          %dma_wait3A_102 = arith.constant 0 : i32
          %dma_wait3A_103 = arith.constant 0 : i32
          %dma_wait3A_104 = tpu.memref_slice %arg13[%dma_wait3A_102, %dma_wait3A_103] : memref<10000x16xf32, #tpu.memory_space<vmem_shared>> -> memref<10000x16xf32, #tpu.memory_space<vmem_shared>>
          tpu.wait_indirect_dma semaphore(%run_scoped3A : memref<!tpu.dma_semaphore, #tpu.memory_space<semaphore_mem>>) src(%arg10 : memref<128x16xf32, #tpu.memory_space<vmem>>) dst(%dma_wait3A_104 : memref<10000x16xf32, #tpu.memory_space<vmem_shared>>)
          tpu.yield
        }) : () -> ()
        %add3A_86 = arith.constant 2 : i32
        %add3A_87 = arith.addi %add3A_74, %add3A_86 : i32
        %lt3A_88 = arith.constant 39 : i32
        %lt3A_89 = arith.cmpi slt, %add3A_87, %lt3A_88 : i32
        %convert_element_type3A_90 = arith.extui %lt3A_89 : i1 to i32
        %cond3A_91 = arith.constant 0 : i32
        %cond3A_92 = arith.cmpi ne, %convert_element_type3A_90, %cond3A_91 : i32
        scf.if %cond3A_92 {
          %add3A_93 = arith.constant 2 : i32
          %add3A_94 = arith.addi %add3A_74, %add3A_93 : i32
          %dma_start3A_95 = arith.constant 0 : i32
          %dma_start3A_96 = tpu.memref_slice %arg7[%add3A_94, %dma_start3A_95] : memref<39x128xi32, #tpu.memory_space<vmem>> -> memref<1x128xi32, #tpu.memory_space<vmem>>
          %dma_start3A_97 = tpu.memref_squeeze %dma_start3A_96 : memref<1x128xi32, #tpu.memory_space<vmem>> -> memref<128xi32, #tpu.memory_space<vmem>>
          %dma_start3A_98 = arith.constant 0 : i32
          %dma_start3A_99 = arith.constant 0 : i32
          %dma_start3A_100 = tpu.memref_slice %arg2[%dma_start3A_98, %dma_start3A_99] : memref<10000x16xf32, #tpu.memory_space<hbm>> -> memref<10000x16xf32, #tpu.memory_space<hbm>>
          tpu.enqueue_indirect_dma source(%dma_start3A_100 : memref<10000x16xf32, #tpu.memory_space<hbm>>) target(%arg10 : memref<128x16xf32, #tpu.memory_space<vmem>>) offsets(%dma_start3A_97 : memref<128xi32, #tpu.memory_space<vmem>>) semaphore(%arg12 : memref<!tpu.dma_semaphore, #tpu.memory_space<semaphore_mem>>)
        } else {
        }
      } else {
      }
    }
    %scan3A_26 = arith.constant 20 : i32
    %mul3A_27 = arith.constant 78 : i32
    %mul3A_28 = arith.muli %add3A, %mul3A_27 : i32
    %add3A_29 = arith.constant 39 : i32
    %add3A_30 = arith.addi %mul3A_28, %add3A_29 : i32
    "tpu.region"() ({
      %run_scoped3A = tpu.sem_alloc : memref<!tpu.dma_semaphore, #tpu.memory_space<semaphore_mem>>
      %dma_start3A_61 = arith.constant 0 : i32
      %dma_start3A_62 = tpu.memref_slice %arg3[%add3A_30, %dma_start3A_61] : memref<2500x128xi32, #tpu.memory_space<hbm>> -> memref<39x128xi32, #tpu.memory_space<hbm>>
      %dma_start3A_63 = arith.constant 0 : i32
      %dma_start3A_64 = tpu.memref_slice %arg3[%add3A_30, %dma_start3A_63] : memref<2500x128xi32, #tpu.memory_space<hbm>> -> memref<39x128xi32, #tpu.memory_space<hbm>>
      tpu.enqueue_dma source(%dma_start3A_64 : memref<39x128xi32, #tpu.memory_space<hbm>>) target(%arg7 : memref<39x128xi32, #tpu.memory_space<vmem>>) target_semaphore(%run_scoped3A : memref<!tpu.dma_semaphore, #tpu.memory_space<semaphore_mem>>)
      %dma_wait3A = arith.constant 0 : i32
      %dma_wait3A_65 = tpu.memref_slice %arg3[%add3A_30, %dma_wait3A] : memref<2500x128xi32, #tpu.memory_space<hbm>> -> memref<39x128xi32, #tpu.memory_space<hbm>>
      %dma_wait3A_66 = arith.constant 0 : i32
      %dma_wait3A_67 = tpu.memref_slice %arg3[%add3A_30, %dma_wait3A_66] : memref<2500x128xi32, #tpu.memory_space<hbm>> -> memref<39x128xi32, #tpu.memory_space<hbm>>
      tpu.wait_dma2 semaphore(%run_scoped3A : memref<!tpu.dma_semaphore, #tpu.memory_space<semaphore_mem>>) src(%dma_wait3A_67 : memref<39x128xi32, #tpu.memory_space<hbm>>) dst(%arg7 : memref<39x128xi32, #tpu.memory_space<vmem>>)
      tpu.yield
    }) : () -> ()
    "tpu.region"() ({
      %run_scoped3A = tpu.sem_alloc : memref<!tpu.dma_semaphore, #tpu.memory_space<semaphore_mem>>
      %dma_start3A_61 = arith.constant 0 : i32
      %dma_start3A_62 = tpu.memref_slice %arg4[%add3A_30, %dma_start3A_61] : memref<2500x128xi32, #tpu.memory_space<hbm>> -> memref<39x128xi32, #tpu.memory_space<hbm>>
      %dma_start3A_63 = arith.constant 0 : i32
      %dma_start3A_64 = tpu.memref_slice %arg4[%add3A_30, %dma_start3A_63] : memref<2500x128xi32, #tpu.memory_space<hbm>> -> memref<39x128xi32, #tpu.memory_space<hbm>>
      tpu.enqueue_dma source(%dma_start3A_64 : memref<39x128xi32, #tpu.memory_space<hbm>>) target(%arg8 : memref<39x128xi32, #tpu.memory_space<vmem>>) target_semaphore(%run_scoped3A : memref<!tpu.dma_semaphore, #tpu.memory_space<semaphore_mem>>)
      %dma_wait3A = arith.constant 0 : i32
      %dma_wait3A_65 = tpu.memref_slice %arg4[%add3A_30, %dma_wait3A] : memref<2500x128xi32, #tpu.memory_space<hbm>> -> memref<39x128xi32, #tpu.memory_space<hbm>>
      %dma_wait3A_66 = arith.constant 0 : i32
      %dma_wait3A_67 = tpu.memref_slice %arg4[%add3A_30, %dma_wait3A_66] : memref<2500x128xi32, #tpu.memory_space<hbm>> -> memref<39x128xi32, #tpu.memory_space<hbm>>
      tpu.wait_dma2 semaphore(%run_scoped3A : memref<!tpu.dma_semaphore, #tpu.memory_space<semaphore_mem>>) src(%dma_wait3A_67 : memref<39x128xi32, #tpu.memory_space<hbm>>) dst(%arg8 : memref<39x128xi32, #tpu.memory_space<vmem>>)
      tpu.yield
    }) : () -> ()
    %dma_start3A_31 = arith.constant 0 : i32
    %dma_start3A_32 = arith.constant 0 : i32
    %dma_start3A_33 = tpu.memref_slice %arg7[%dma_start3A_31, %dma_start3A_32] : memref<39x128xi32, #tpu.memory_space<vmem>> -> memref<1x128xi32, #tpu.memory_space<vmem>>
    %dma_start3A_34 = tpu.memref_squeeze %dma_start3A_33 : memref<1x128xi32, #tpu.memory_space<vmem>> -> memref<128xi32, #tpu.memory_space<vmem>>
    %dma_start3A_35 = arith.constant 0 : i32
    %dma_start3A_36 = arith.constant 0 : i32
    %dma_start3A_37 = tpu.memref_slice %arg2[%dma_start3A_35, %dma_start3A_36] : memref<10000x16xf32, #tpu.memory_space<hbm>> -> memref<10000x16xf32, #tpu.memory_space<hbm>>
    tpu.enqueue_indirect_dma source(%dma_start3A_37 : memref<10000x16xf32, #tpu.memory_space<hbm>>) target(%arg9 : memref<128x16xf32, #tpu.memory_space<vmem>>) offsets(%dma_start3A_34 : memref<128xi32, #tpu.memory_space<vmem>>) semaphore(%arg11 : memref<!tpu.dma_semaphore, #tpu.memory_space<semaphore_mem>>)
    %dma_start3A_38 = arith.constant 1 : i32
    %dma_start3A_39 = arith.constant 0 : i32
    %dma_start3A_40 = tpu.memref_slice %arg7[%dma_start3A_38, %dma_start3A_39] : memref<39x128xi32, #tpu.memory_space<vmem>> -> memref<1x128xi32, #tpu.memory_space<vmem>>
    %dma_start3A_41 = tpu.memref_squeeze %dma_start3A_40 : memref<1x128xi32, #tpu.memory_space<vmem>> -> memref<128xi32, #tpu.memory_space<vmem>>
    %dma_start3A_42 = arith.constant 0 : i32
    %dma_start3A_43 = arith.constant 0 : i32
    %dma_start3A_44 = tpu.memref_slice %arg2[%dma_start3A_42, %dma_start3A_43] : memref<10000x16xf32, #tpu.memory_space<hbm>> -> memref<10000x16xf32, #tpu.memory_space<hbm>>
    tpu.enqueue_indirect_dma source(%dma_start3A_44 : memref<10000x16xf32, #tpu.memory_space<hbm>>) target(%arg10 : memref<128x16xf32, #tpu.memory_space<vmem>>) offsets(%dma_start3A_41 : memref<128xi32, #tpu.memory_space<vmem>>) semaphore(%arg12 : memref<!tpu.dma_semaphore, #tpu.memory_space<semaphore_mem>>)
    %scan3A_45 = arith.constant 0 : i32
    %scan3A_46 = arith.constant 0 : i32
    %scan3A_47 = arith.constant 20 : i32
    %scan3A_48 = arith.addi %scan3A_46, %scan3A_47 : i32
    %scan3A_49 = arith.constant 1 : i32
    scf.for %scan3A_61 = %scan3A_46 to %scan3A_48 step %scan3A_49  : i32 {
      %mul3A_62 = arith.constant 2 : i32
      %mul3A_63 = arith.muli %scan3A_61, %mul3A_62 : i32
      %add3A_64 = arith.constant 0 : i32
      %add3A_65 = arith.addi %mul3A_63, %add3A_64 : i32
      %lt3A_66 = arith.constant 39 : i32
      %lt3A_67 = arith.cmpi slt, %add3A_65, %lt3A_66 : i32
      %convert_element_type3A_68 = arith.extui %lt3A_67 : i1 to i32
      %cond3A_69 = arith.constant 0 : i32
      %cond3A_70 = arith.cmpi ne, %convert_element_type3A_68, %cond3A_69 : i32
      scf.if %cond3A_70 {
        %dma_wait3A = arith.constant 0 : i32
        %dma_wait3A_80 = arith.constant 0 : i32
        %dma_wait3A_81 = tpu.memref_slice %arg7[%dma_wait3A, %dma_wait3A_80] : memref<39x128xi32, #tpu.memory_space<vmem>> -> memref<1x128xi32, #tpu.memory_space<vmem>>
        %dma_wait3A_82 = tpu.memref_squeeze %dma_wait3A_81 : memref<1x128xi32, #tpu.memory_space<vmem>> -> memref<128xi32, #tpu.memory_space<vmem>>
        %dma_wait3A_83 = arith.constant 0 : i32
        %dma_wait3A_84 = arith.constant 0 : i32
        %dma_wait3A_85 = tpu.memref_slice %arg2[%dma_wait3A_83, %dma_wait3A_84] : memref<10000x16xf32, #tpu.memory_space<hbm>> -> memref<10000x16xf32, #tpu.memory_space<hbm>>
        tpu.wait_indirect_dma semaphore(%arg11 : memref<!tpu.dma_semaphore, #tpu.memory_space<semaphore_mem>>) src(%dma_wait3A_85 : memref<10000x16xf32, #tpu.memory_space<hbm>>) dst(%arg9 : memref<128x16xf32, #tpu.memory_space<vmem>>)
        "tpu.region"() ({
          %run_scoped3A = tpu.sem_alloc : memref<!tpu.dma_semaphore, #tpu.memory_space<semaphore_mem>>
          %dma_start3A_93 = arith.constant 0 : i32
          %dma_start3A_94 = tpu.memref_slice %arg8[%add3A_65, %dma_start3A_93] : memref<39x128xi32, #tpu.memory_space<vmem>> -> memref<1x128xi32, #tpu.memory_space<vmem>>
          %dma_start3A_95 = tpu.memref_squeeze %dma_start3A_94 : memref<1x128xi32, #tpu.memory_space<vmem>> -> memref<128xi32, #tpu.memory_space<vmem>>
          %dma_start3A_96 = arith.constant 0 : i32
          %dma_start3A_97 = arith.constant 0 : i32
          %dma_start3A_98 = tpu.memref_slice %arg13[%dma_start3A_96, %dma_start3A_97] : memref<10000x16xf32, #tpu.memory_space<vmem_shared>> -> memref<10000x16xf32, #tpu.memory_space<vmem_shared>>
          tpu.enqueue_indirect_dma source(%arg9 : memref<128x16xf32, #tpu.memory_space<vmem>>) target(%dma_start3A_98 : memref<10000x16xf32, #tpu.memory_space<vmem_shared>>) offsets(%dma_start3A_95 : memref<128xi32, #tpu.memory_space<vmem>>) semaphore(%run_scoped3A : memref<!tpu.dma_semaphore, #tpu.memory_space<semaphore_mem>>) {add = true}
          %dma_wait3A_99 = arith.constant 0 : i32
          %dma_wait3A_100 = tpu.memref_slice %arg8[%add3A_65, %dma_wait3A_99] : memref<39x128xi32, #tpu.memory_space<vmem>> -> memref<1x128xi32, #tpu.memory_space<vmem>>
          %dma_wait3A_101 = tpu.memref_squeeze %dma_wait3A_100 : memref<1x128xi32, #tpu.memory_space<vmem>> -> memref<128xi32, #tpu.memory_space<vmem>>
          %dma_wait3A_102 = arith.constant 0 : i32
          %dma_wait3A_103 = arith.constant 0 : i32
          %dma_wait3A_104 = tpu.memref_slice %arg13[%dma_wait3A_102, %dma_wait3A_103] : memref<10000x16xf32, #tpu.memory_space<vmem_shared>> -> memref<10000x16xf32, #tpu.memory_space<vmem_shared>>
          tpu.wait_indirect_dma semaphore(%run_scoped3A : memref<!tpu.dma_semaphore, #tpu.memory_space<semaphore_mem>>) src(%arg9 : memref<128x16xf32, #tpu.memory_space<vmem>>) dst(%dma_wait3A_104 : memref<10000x16xf32, #tpu.memory_space<vmem_shared>>)
          tpu.yield
        }) : () -> ()
        %add3A_86 = arith.constant 2 : i32
        %add3A_87 = arith.addi %add3A_65, %add3A_86 : i32
        %lt3A_88 = arith.constant 39 : i32
        %lt3A_89 = arith.cmpi slt, %add3A_87, %lt3A_88 : i32
        %convert_element_type3A_90 = arith.extui %lt3A_89 : i1 to i32
        %cond3A_91 = arith.constant 0 : i32
        %cond3A_92 = arith.cmpi ne, %convert_element_type3A_90, %cond3A_91 : i32
        scf.if %cond3A_92 {
          %add3A_93 = arith.constant 2 : i32
          %add3A_94 = arith.addi %add3A_65, %add3A_93 : i32
          %dma_start3A_95 = arith.constant 0 : i32
          %dma_start3A_96 = tpu.memref_slice %arg7[%add3A_94, %dma_start3A_95] : memref<39x128xi32, #tpu.memory_space<vmem>> -> memref<1x128xi32, #tpu.memory_space<vmem>>
          %dma_start3A_97 = tpu.memref_squeeze %dma_start3A_96 : memref<1x128xi32, #tpu.memory_space<vmem>> -> memref<128xi32, #tpu.memory_space<vmem>>
          %dma_start3A_98 = arith.constant 0 : i32
          %dma_start3A_99 = arith.constant 0 : i32
          %dma_start3A_100 = tpu.memref_slice %arg2[%dma_start3A_98, %dma_start3A_99] : memref<10000x16xf32, #tpu.memory_space<hbm>> -> memref<10000x16xf32, #tpu.memory_space<hbm>>
          tpu.enqueue_indirect_dma source(%dma_start3A_100 : memref<10000x16xf32, #tpu.memory_space<hbm>>) target(%arg9 : memref<128x16xf32, #tpu.memory_space<vmem>>) offsets(%dma_start3A_97 : memref<128xi32, #tpu.memory_space<vmem>>) semaphore(%arg11 : memref<!tpu.dma_semaphore, #tpu.memory_space<semaphore_mem>>)
        } else {
        }
      } else {
      }
      %mul3A_71 = arith.constant 2 : i32
      %mul3A_72 = arith.muli %scan3A_61, %mul3A_71 : i32
      %add3A_73 = arith.constant 1 : i32
      %add3A_74 = arith.addi %mul3A_72, %add3A_73 : i32
      %lt3A_75 = arith.constant 39 : i32
      %lt3A_76 = arith.cmpi slt, %add3A_74, %lt3A_75 : i32
      %convert_element_type3A_77 = arith.extui %lt3A_76 : i1 to i32
      %cond3A_78 = arith.constant 0 : i32
      %cond3A_79 = arith.cmpi ne, %convert_element_type3A_77, %cond3A_78 : i32
      scf.if %cond3A_79 {
        %dma_wait3A = arith.constant 0 : i32
        %dma_wait3A_80 = arith.constant 0 : i32
        %dma_wait3A_81 = tpu.memref_slice %arg7[%dma_wait3A, %dma_wait3A_80] : memref<39x128xi32, #tpu.memory_space<vmem>> -> memref<1x128xi32, #tpu.memory_space<vmem>>
        %dma_wait3A_82 = tpu.memref_squeeze %dma_wait3A_81 : memref<1x128xi32, #tpu.memory_space<vmem>> -> memref<128xi32, #tpu.memory_space<vmem>>
        %dma_wait3A_83 = arith.constant 0 : i32
        %dma_wait3A_84 = arith.constant 0 : i32
        %dma_wait3A_85 = tpu.memref_slice %arg2[%dma_wait3A_83, %dma_wait3A_84] : memref<10000x16xf32, #tpu.memory_space<hbm>> -> memref<10000x16xf32, #tpu.memory_space<hbm>>
        tpu.wait_indirect_dma semaphore(%arg12 : memref<!tpu.dma_semaphore, #tpu.memory_space<semaphore_mem>>) src(%dma_wait3A_85 : memref<10000x16xf32, #tpu.memory_space<hbm>>) dst(%arg10 : memref<128x16xf32, #tpu.memory_space<vmem>>)
        "tpu.region"() ({
          %run_scoped3A = tpu.sem_alloc : memref<!tpu.dma_semaphore, #tpu.memory_space<semaphore_mem>>
          %dma_start3A_93 = arith.constant 0 : i32
          %dma_start3A_94 = tpu.memref_slice %arg8[%add3A_74, %dma_start3A_93] : memref<39x128xi32, #tpu.memory_space<vmem>> -> memref<1x128xi32, #tpu.memory_space<vmem>>
          %dma_start3A_95 = tpu.memref_squeeze %dma_start3A_94 : memref<1x128xi32, #tpu.memory_space<vmem>> -> memref<128xi32, #tpu.memory_space<vmem>>
          %dma_start3A_96 = arith.constant 0 : i32
          %dma_start3A_97 = arith.constant 0 : i32
          %dma_start3A_98 = tpu.memref_slice %arg13[%dma_start3A_96, %dma_start3A_97] : memref<10000x16xf32, #tpu.memory_space<vmem_shared>> -> memref<10000x16xf32, #tpu.memory_space<vmem_shared>>
          tpu.enqueue_indirect_dma source(%arg10 : memref<128x16xf32, #tpu.memory_space<vmem>>) target(%dma_start3A_98 : memref<10000x16xf32, #tpu.memory_space<vmem_shared>>) offsets(%dma_start3A_95 : memref<128xi32, #tpu.memory_space<vmem>>) semaphore(%run_scoped3A : memref<!tpu.dma_semaphore, #tpu.memory_space<semaphore_mem>>) {add = true}
          %dma_wait3A_99 = arith.constant 0 : i32
          %dma_wait3A_100 = tpu.memref_slice %arg8[%add3A_74, %dma_wait3A_99] : memref<39x128xi32, #tpu.memory_space<vmem>> -> memref<1x128xi32, #tpu.memory_space<vmem>>
          %dma_wait3A_101 = tpu.memref_squeeze %dma_wait3A_100 : memref<1x128xi32, #tpu.memory_space<vmem>> -> memref<128xi32, #tpu.memory_space<vmem>>
          %dma_wait3A_102 = arith.constant 0 : i32
          %dma_wait3A_103 = arith.constant 0 : i32
          %dma_wait3A_104 = tpu.memref_slice %arg13[%dma_wait3A_102, %dma_wait3A_103] : memref<10000x16xf32, #tpu.memory_space<vmem_shared>> -> memref<10000x16xf32, #tpu.memory_space<vmem_shared>>
          tpu.wait_indirect_dma semaphore(%run_scoped3A : memref<!tpu.dma_semaphore, #tpu.memory_space<semaphore_mem>>) src(%arg10 : memref<128x16xf32, #tpu.memory_space<vmem>>) dst(%dma_wait3A_104 : memref<10000x16xf32, #tpu.memory_space<vmem_shared>>)
          tpu.yield
        }) : () -> ()
        %add3A_86 = arith.constant 2 : i32
        %add3A_87 = arith.addi %add3A_74, %add3A_86 : i32
        %lt3A_88 = arith.constant 39 : i32
        %lt3A_89 = arith.cmpi slt, %add3A_87, %lt3A_88 : i32
        %convert_element_type3A_90 = arith.extui %lt3A_89 : i1 to i32
        %cond3A_91 = arith.constant 0 : i32
        %cond3A_92 = arith.cmpi ne, %convert_element_type3A_90, %cond3A_91 : i32
        scf.if %cond3A_92 {
          %add3A_93 = arith.constant 2 : i32
          %add3A_94 = arith.addi %add3A_74, %add3A_93 : i32
          %dma_start3A_95 = arith.constant 0 : i32
          %dma_start3A_96 = tpu.memref_slice %arg7[%add3A_94, %dma_start3A_95] : memref<39x128xi32, #tpu.memory_space<vmem>> -> memref<1x128xi32, #tpu.memory_space<vmem>>
          %dma_start3A_97 = tpu.memref_squeeze %dma_start3A_96 : memref<1x128xi32, #tpu.memory_space<vmem>> -> memref<128xi32, #tpu.memory_space<vmem>>
          %dma_start3A_98 = arith.constant 0 : i32
          %dma_start3A_99 = arith.constant 0 : i32
          %dma_start3A_100 = tpu.memref_slice %arg2[%dma_start3A_98, %dma_start3A_99] : memref<10000x16xf32, #tpu.memory_space<hbm>> -> memref<10000x16xf32, #tpu.memory_space<hbm>>
          tpu.enqueue_indirect_dma source(%dma_start3A_100 : memref<10000x16xf32, #tpu.memory_space<hbm>>) target(%arg10 : memref<128x16xf32, #tpu.memory_space<vmem>>) offsets(%dma_start3A_97 : memref<128xi32, #tpu.memory_space<vmem>>) semaphore(%arg12 : memref<!tpu.dma_semaphore, #tpu.memory_space<semaphore_mem>>)
        } else {
        }
      } else {
      }
    }
    %scan3A_50 = arith.constant 20 : i32
    %lt3A = arith.constant 4 : i32
    %lt3A_51 = arith.cmpi slt, %add3A, %lt3A : i32
    %convert_element_type3A_52 = arith.extui %lt3A_51 : i1 to i32
    %cond3A_53 = arith.constant 0 : i32
    %cond3A_54 = arith.cmpi ne, %convert_element_type3A_52, %cond3A_53 : i32
    scf.if %cond3A_54 {
      %add3A_61 = arith.constant 2496 : i32
      %add3A_62 = arith.addi %add3A_61, %add3A : i32
      "tpu.region"() ({
        %run_scoped3A_78 = tpu.sem_alloc : memref<!tpu.dma_semaphore, #tpu.memory_space<semaphore_mem>>
        %dma_start3A_79 = arith.constant 0 : i32
        %dma_start3A_80 = arith.constant 0 : i32
        %dma_start3A_81 = tpu.memref_slice %arg7[%dma_start3A_79, %dma_start3A_80] : memref<39x128xi32, #tpu.memory_space<vmem>> -> memref<1x128xi32, #tpu.memory_space<vmem>>
        %dma_start3A_82 = arith.constant 0 : i32
        %dma_start3A_83 = tpu.memref_slice %arg3[%add3A_62, %dma_start3A_82] : memref<2500x128xi32, #tpu.memory_space<hbm>> -> memref<1x128xi32, #tpu.memory_space<hbm>>
        %dma_start3A_84 = arith.constant 0 : i32
        %dma_start3A_85 = arith.constant 0 : i32
        %dma_start3A_86 = tpu.memref_slice %arg7[%dma_start3A_84, %dma_start3A_85] : memref<39x128xi32, #tpu.memory_space<vmem>> -> memref<1x128xi32, #tpu.memory_space<vmem>>
        %dma_start3A_87 = arith.constant 0 : i32
        %dma_start3A_88 = tpu.memref_slice %arg3[%add3A_62, %dma_start3A_87] : memref<2500x128xi32, #tpu.memory_space<hbm>> -> memref<1x128xi32, #tpu.memory_space<hbm>>
        tpu.enqueue_dma source(%dma_start3A_88 : memref<1x128xi32, #tpu.memory_space<hbm>>) target(%dma_start3A_86 : memref<1x128xi32, #tpu.memory_space<vmem>>) target_semaphore(%run_scoped3A_78 : memref<!tpu.dma_semaphore, #tpu.memory_space<semaphore_mem>>)
        %dma_wait3A_89 = arith.constant 0 : i32
        %dma_wait3A_90 = arith.constant 0 : i32
        %dma_wait3A_91 = tpu.memref_slice %arg7[%dma_wait3A_89, %dma_wait3A_90] : memref<39x128xi32, #tpu.memory_space<vmem>> -> memref<1x128xi32, #tpu.memory_space<vmem>>
        %dma_wait3A_92 = arith.constant 0 : i32
        %dma_wait3A_93 = tpu.memref_slice %arg3[%add3A_62, %dma_wait3A_92] : memref<2500x128xi32, #tpu.memory_space<hbm>> -> memref<1x128xi32, #tpu.memory_space<hbm>>
        %dma_wait3A_94 = arith.constant 0 : i32
        %dma_wait3A_95 = arith.constant 0 : i32
        %dma_wait3A_96 = tpu.memref_slice %arg7[%dma_wait3A_94, %dma_wait3A_95] : memref<39x128xi32, #tpu.memory_space<vmem>> -> memref<1x128xi32, #tpu.memory_space<vmem>>
        %dma_wait3A_97 = arith.constant 0 : i32
        %dma_wait3A_98 = tpu.memref_slice %arg3[%add3A_62, %dma_wait3A_97] : memref<2500x128xi32, #tpu.memory_space<hbm>> -> memref<1x128xi32, #tpu.memory_space<hbm>>
        tpu.wait_dma2 semaphore(%run_scoped3A_78 : memref<!tpu.dma_semaphore, #tpu.memory_space<semaphore_mem>>) src(%dma_wait3A_98 : memref<1x128xi32, #tpu.memory_space<hbm>>) dst(%dma_wait3A_96 : memref<1x128xi32, #tpu.memory_space<vmem>>)
        tpu.yield
      }) : () -> ()
      %add3A_63 = arith.constant 2496 : i32
      %add3A_64 = arith.addi %add3A_63, %add3A : i32
      "tpu.region"() ({
        %run_scoped3A_78 = tpu.sem_alloc : memref<!tpu.dma_semaphore, #tpu.memory_space<semaphore_mem>>
        %dma_start3A_79 = arith.constant 0 : i32
        %dma_start3A_80 = arith.constant 0 : i32
        %dma_start3A_81 = tpu.memref_slice %arg8[%dma_start3A_79, %dma_start3A_80] : memref<39x128xi32, #tpu.memory_space<vmem>> -> memref<1x128xi32, #tpu.memory_space<vmem>>
        %dma_start3A_82 = arith.constant 0 : i32
        %dma_start3A_83 = tpu.memref_slice %arg4[%add3A_64, %dma_start3A_82] : memref<2500x128xi32, #tpu.memory_space<hbm>> -> memref<1x128xi32, #tpu.memory_space<hbm>>
        %dma_start3A_84 = arith.constant 0 : i32
        %dma_start3A_85 = arith.constant 0 : i32
        %dma_start3A_86 = tpu.memref_slice %arg8[%dma_start3A_84, %dma_start3A_85] : memref<39x128xi32, #tpu.memory_space<vmem>> -> memref<1x128xi32, #tpu.memory_space<vmem>>
        %dma_start3A_87 = arith.constant 0 : i32
        %dma_start3A_88 = tpu.memref_slice %arg4[%add3A_64, %dma_start3A_87] : memref<2500x128xi32, #tpu.memory_space<hbm>> -> memref<1x128xi32, #tpu.memory_space<hbm>>
        tpu.enqueue_dma source(%dma_start3A_88 : memref<1x128xi32, #tpu.memory_space<hbm>>) target(%dma_start3A_86 : memref<1x128xi32, #tpu.memory_space<vmem>>) target_semaphore(%run_scoped3A_78 : memref<!tpu.dma_semaphore, #tpu.memory_space<semaphore_mem>>)
        %dma_wait3A_89 = arith.constant 0 : i32
        %dma_wait3A_90 = arith.constant 0 : i32
        %dma_wait3A_91 = tpu.memref_slice %arg8[%dma_wait3A_89, %dma_wait3A_90] : memref<39x128xi32, #tpu.memory_space<vmem>> -> memref<1x128xi32, #tpu.memory_space<vmem>>
        %dma_wait3A_92 = arith.constant 0 : i32
        %dma_wait3A_93 = tpu.memref_slice %arg4[%add3A_64, %dma_wait3A_92] : memref<2500x128xi32, #tpu.memory_space<hbm>> -> memref<1x128xi32, #tpu.memory_space<hbm>>
        %dma_wait3A_94 = arith.constant 0 : i32
        %dma_wait3A_95 = arith.constant 0 : i32
        %dma_wait3A_96 = tpu.memref_slice %arg8[%dma_wait3A_94, %dma_wait3A_95] : memref<39x128xi32, #tpu.memory_space<vmem>> -> memref<1x128xi32, #tpu.memory_space<vmem>>
        %dma_wait3A_97 = arith.constant 0 : i32
        %dma_wait3A_98 = tpu.memref_slice %arg4[%add3A_64, %dma_wait3A_97] : memref<2500x128xi32, #tpu.memory_space<hbm>> -> memref<1x128xi32, #tpu.memory_space<hbm>>
        tpu.wait_dma2 semaphore(%run_scoped3A_78 : memref<!tpu.dma_semaphore, #tpu.memory_space<semaphore_mem>>) src(%dma_wait3A_98 : memref<1x128xi32, #tpu.memory_space<hbm>>) dst(%dma_wait3A_96 : memref<1x128xi32, #tpu.memory_space<vmem>>)
        tpu.yield
      }) : () -> ()
      %dma_start3A_65 = arith.constant 0 : i32
      %dma_start3A_66 = arith.constant 0 : i32
      %dma_start3A_67 = tpu.memref_slice %arg7[%dma_start3A_65, %dma_start3A_66] : memref<39x128xi32, #tpu.memory_space<vmem>> -> memref<1x128xi32, #tpu.memory_space<vmem>>
      %dma_start3A_68 = tpu.memref_squeeze %dma_start3A_67 : memref<1x128xi32, #tpu.memory_space<vmem>> -> memref<128xi32, #tpu.memory_space<vmem>>
      %dma_start3A_69 = arith.constant 0 : i32
      %dma_start3A_70 = arith.constant 0 : i32
      %dma_start3A_71 = tpu.memref_slice %arg2[%dma_start3A_69, %dma_start3A_70] : memref<10000x16xf32, #tpu.memory_space<hbm>> -> memref<10000x16xf32, #tpu.memory_space<hbm>>
      tpu.enqueue_indirect_dma source(%dma_start3A_71 : memref<10000x16xf32, #tpu.memory_space<hbm>>) target(%arg9 : memref<128x16xf32, #tpu.memory_space<vmem>>) offsets(%dma_start3A_68 : memref<128xi32, #tpu.memory_space<vmem>>) semaphore(%arg11 : memref<!tpu.dma_semaphore, #tpu.memory_space<semaphore_mem>>)
      %dma_wait3A = arith.constant 0 : i32
      %dma_wait3A_72 = arith.constant 0 : i32
      %dma_wait3A_73 = tpu.memref_slice %arg7[%dma_wait3A, %dma_wait3A_72] : memref<39x128xi32, #tpu.memory_space<vmem>> -> memref<1x128xi32, #tpu.memory_space<vmem>>
      %dma_wait3A_74 = tpu.memref_squeeze %dma_wait3A_73 : memref<1x128xi32, #tpu.memory_space<vmem>> -> memref<128xi32, #tpu.memory_space<vmem>>
      %dma_wait3A_75 = arith.constant 0 : i32
      %dma_wait3A_76 = arith.constant 0 : i32
      %dma_wait3A_77 = tpu.memref_slice %arg2[%dma_wait3A_75, %dma_wait3A_76] : memref<10000x16xf32, #tpu.memory_space<hbm>> -> memref<10000x16xf32, #tpu.memory_space<hbm>>
      tpu.wait_indirect_dma semaphore(%arg11 : memref<!tpu.dma_semaphore, #tpu.memory_space<semaphore_mem>>) src(%dma_wait3A_77 : memref<10000x16xf32, #tpu.memory_space<hbm>>) dst(%arg9 : memref<128x16xf32, #tpu.memory_space<vmem>>)
      %run_scoped3A = arith.constant 0 : i32
      "tpu.region"() ({
        %run_scoped3A_78 = tpu.sem_alloc : memref<!tpu.dma_semaphore, #tpu.memory_space<semaphore_mem>>
        %dma_start3A_79 = arith.constant 0 : i32
        %dma_start3A_80 = tpu.memref_slice %arg8[%run_scoped3A, %dma_start3A_79] : memref<39x128xi32, #tpu.memory_space<vmem>> -> memref<1x128xi32, #tpu.memory_space<vmem>>
        %dma_start3A_81 = tpu.memref_squeeze %dma_start3A_80 : memref<1x128xi32, #tpu.memory_space<vmem>> -> memref<128xi32, #tpu.memory_space<vmem>>
        %dma_start3A_82 = arith.constant 0 : i32
        %dma_start3A_83 = arith.constant 0 : i32
        %dma_start3A_84 = tpu.memref_slice %arg13[%dma_start3A_82, %dma_start3A_83] : memref<10000x16xf32, #tpu.memory_space<vmem_shared>> -> memref<10000x16xf32, #tpu.memory_space<vmem_shared>>
        tpu.enqueue_indirect_dma source(%arg9 : memref<128x16xf32, #tpu.memory_space<vmem>>) target(%dma_start3A_84 : memref<10000x16xf32, #tpu.memory_space<vmem_shared>>) offsets(%dma_start3A_81 : memref<128xi32, #tpu.memory_space<vmem>>) semaphore(%run_scoped3A_78 : memref<!tpu.dma_semaphore, #tpu.memory_space<semaphore_mem>>) {add = true}
        %dma_wait3A_85 = arith.constant 0 : i32
        %dma_wait3A_86 = tpu.memref_slice %arg8[%run_scoped3A, %dma_wait3A_85] : memref<39x128xi32, #tpu.memory_space<vmem>> -> memref<1x128xi32, #tpu.memory_space<vmem>>
        %dma_wait3A_87 = tpu.memref_squeeze %dma_wait3A_86 : memref<1x128xi32, #tpu.memory_space<vmem>> -> memref<128xi32, #tpu.memory_space<vmem>>
        %dma_wait3A_88 = arith.constant 0 : i32
        %dma_wait3A_89 = arith.constant 0 : i32
        %dma_wait3A_90 = tpu.memref_slice %arg13[%dma_wait3A_88, %dma_wait3A_89] : memref<10000x16xf32, #tpu.memory_space<vmem_shared>> -> memref<10000x16xf32, #tpu.memory_space<vmem_shared>>
        tpu.wait_indirect_dma semaphore(%run_scoped3A_78 : memref<!tpu.dma_semaphore, #tpu.memory_space<semaphore_mem>>) src(%arg9 : memref<128x16xf32, #tpu.memory_space<vmem>>) dst(%dma_wait3A_90 : memref<10000x16xf32, #tpu.memory_space<vmem_shared>>)
        tpu.yield
      }) : () -> ()
    } else {
    }
    %barrier3A_55 = arith.constant 0 : index
    tpu.barrier barrier_id(%barrier3A_55)
    "tpu.region"() ({
      %run_scoped3A = tpu.sem_alloc : memref<!tpu.dma_semaphore, #tpu.memory_space<semaphore_mem>>
      %dma_start3A_61 = arith.constant 0 : i32
      %dma_start3A_62 = tpu.memref_slice %arg6[%arg0, %mul3A_2, %dma_start3A_61] : memref<2x10000x16xf32, #tpu.memory_space<hbm>> -> memref<1x624x16xf32, #tpu.memory_space<hbm>>
      %dma_start3A_63 = tpu.memref_squeeze %dma_start3A_62 : memref<1x624x16xf32, #tpu.memory_space<hbm>> -> memref<624x16xf32, #tpu.memory_space<hbm>>
      %dma_start3A_64 = arith.constant 0 : i32
      %dma_start3A_65 = tpu.memref_slice %arg13[%mul3A_2, %dma_start3A_64] : memref<10000x16xf32, #tpu.memory_space<vmem_shared>> -> memref<624x16xf32, #tpu.memory_space<vmem_shared>>
      tpu.enqueue_dma source(%dma_start3A_65 : memref<624x16xf32, #tpu.memory_space<vmem_shared>>) target(%dma_start3A_63 : memref<624x16xf32, #tpu.memory_space<hbm>>) target_semaphore(%run_scoped3A : memref<!tpu.dma_semaphore, #tpu.memory_space<semaphore_mem>>)
      %dma_wait3A = arith.constant 0 : i32
      %dma_wait3A_66 = tpu.memref_slice %arg6[%arg0, %mul3A_2, %dma_wait3A] : memref<2x10000x16xf32, #tpu.memory_space<hbm>> -> memref<1x624x16xf32, #tpu.memory_space<hbm>>
      %dma_wait3A_67 = tpu.memref_squeeze %dma_wait3A_66 : memref<1x624x16xf32, #tpu.memory_space<hbm>> -> memref<624x16xf32, #tpu.memory_space<hbm>>
      %dma_wait3A_68 = arith.constant 0 : i32
      %dma_wait3A_69 = tpu.memref_slice %arg13[%mul3A_2, %dma_wait3A_68] : memref<10000x16xf32, #tpu.memory_space<vmem_shared>> -> memref<624x16xf32, #tpu.memory_space<vmem_shared>>
      tpu.wait_dma2 semaphore(%run_scoped3A : memref<!tpu.dma_semaphore, #tpu.memory_space<semaphore_mem>>) src(%dma_wait3A_69 : memref<624x16xf32, #tpu.memory_space<vmem_shared>>) dst(%dma_wait3A_67 : memref<624x16xf32, #tpu.memory_space<hbm>>)
      tpu.yield
    }) : () -> ()
    %eq3A_56 = arith.constant 15 : i32
    %eq3A_57 = arith.cmpi eq, %arg1, %eq3A_56 : i32
    %convert_element_type3A_58 = arith.extui %eq3A_57 : i1 to i32
    %cond3A_59 = arith.constant 0 : i32
    %cond3A_60 = arith.cmpi ne, %convert_element_type3A_58, %cond3A_59 : i32
    scf.if %cond3A_60 {
      "tpu.region"() ({
        %run_scoped3A = tpu.sem_alloc : memref<!tpu.dma_semaphore, #tpu.memory_space<semaphore_mem>>
        %dma_start3A_61 = arith.constant 9984 : i32
        %dma_start3A_62 = arith.constant 0 : i32
        %dma_start3A_63 = tpu.memref_slice %arg6[%arg0, %dma_start3A_61, %dma_start3A_62] : memref<2x10000x16xf32, #tpu.memory_space<hbm>> -> memref<1x16x16xf32, #tpu.memory_space<hbm>>
        %dma_start3A_64 = tpu.memref_squeeze %dma_start3A_63 : memref<1x16x16xf32, #tpu.memory_space<hbm>> -> memref<16x16xf32, #tpu.memory_space<hbm>>
        %dma_start3A_65 = arith.constant 9984 : i32
        %dma_start3A_66 = arith.constant 0 : i32
        %dma_start3A_67 = tpu.memref_slice %arg13[%dma_start3A_65, %dma_start3A_66] : memref<10000x16xf32, #tpu.memory_space<vmem_shared>> -> memref<16x16xf32, #tpu.memory_space<vmem_shared>>
        tpu.enqueue_dma source(%dma_start3A_67 : memref<16x16xf32, #tpu.memory_space<vmem_shared>>) target(%dma_start3A_64 : memref<16x16xf32, #tpu.memory_space<hbm>>) target_semaphore(%run_scoped3A : memref<!tpu.dma_semaphore, #tpu.memory_space<semaphore_mem>>)
        %dma_wait3A = arith.constant 9984 : i32
        %dma_wait3A_68 = arith.constant 0 : i32
        %dma_wait3A_69 = tpu.memref_slice %arg6[%arg0, %dma_wait3A, %dma_wait3A_68] : memref<2x10000x16xf32, #tpu.memory_space<hbm>> -> memref<1x16x16xf32, #tpu.memory_space<hbm>>
        %dma_wait3A_70 = tpu.memref_squeeze %dma_wait3A_69 : memref<1x16x16xf32, #tpu.memory_space<hbm>> -> memref<16x16xf32, #tpu.memory_space<hbm>>
        %dma_wait3A_71 = arith.constant 9984 : i32
        %dma_wait3A_72 = arith.constant 0 : i32
        %dma_wait3A_73 = tpu.memref_slice %arg13[%dma_wait3A_71, %dma_wait3A_72] : memref<10000x16xf32, #tpu.memory_space<vmem_shared>> -> memref<16x16xf32, #tpu.memory_space<vmem_shared>>
        tpu.wait_dma2 semaphore(%run_scoped3A : memref<!tpu.dma_semaphore, #tpu.memory_space<semaphore_mem>>) src(%dma_wait3A_73 : memref<16x16xf32, #tpu.memory_space<vmem_shared>>) dst(%dma_wait3A_70 : memref<16x16xf32, #tpu.memory_space<hbm>>)
        tpu.yield
      }) : () -> ()
    } else {
    }
    return
  }
}

#map = affine_map<(d0, d1) -> (0, 0)>
#map1 = affine_map<(d0, d1) -> (0, 0, 0)>
module attributes {stable_mosaic.version = 14 : i64} {
  func.func @agg(%arg0: i32, %arg1: i32, %arg2: memref<10000x128xf32, #tpu.memory_space<hbm>>, %arg3: memref<2500x128xi32, #tpu.memory_space<hbm>>, %arg4: memref<2500x128xi32, #tpu.memory_space<hbm>>, %arg5: memref<640x128xf32, #tpu.memory_space<hbm>>, %arg6: memref<2x10000x128xf32, #tpu.memory_space<hbm>>, %arg7: memref<39x128xi32, #tpu.memory_space<vmem>>, %arg8: memref<39x128xi32, #tpu.memory_space<vmem>>, %arg9: memref<128x128xf32, #tpu.memory_space<vmem>>, %arg10: memref<128x128xf32, #tpu.memory_space<vmem>>, %arg11: memref<!tpu.dma_semaphore, #tpu.memory_space<semaphore_mem>>, %arg12: memref<!tpu.dma_semaphore, #tpu.memory_space<semaphore_mem>>, %arg13: memref<10000x128xf32, #tpu.memory_space<vmem_shared>>) attributes {dimension_semantics = [#tpu.dimension_semantics<core_parallel>, #tpu.dimension_semantics<subcore_parallel>], iteration_bounds = array<i64: 2, 16>, scalar_prefetch = 0 : i64, scratch_operands = 7 : i64, tpu.core_type = #tpu.core_type<sc_vector_subcore>, window_params = [{transform_indices = #map}, {transform_indices = #map}, {transform_indices = #map}, {transform_indices = #map}, {transform_indices = #map1}]} {
    %mul3A = arith.constant 16 : i32
    %mul3A_0 = arith.muli %arg0, %mul3A : i32
    %add3A = arith.addi %mul3A_0, %arg1 : i32
    %mul3A_1 = arith.constant 624 : i32
    %mul3A_2 = arith.muli %arg1, %mul3A_1 : i32
    "tpu.region"() ({
      %run_scoped3A = tpu.sem_alloc : memref<!tpu.dma_semaphore, #tpu.memory_space<semaphore_mem>>
      %dma_start3A_61 = arith.constant 0 : i32
      %dma_start3A_62 = tpu.memref_slice %arg13[%mul3A_2, %dma_start3A_61] : memref<10000x128xf32, #tpu.memory_space<vmem_shared>> -> memref<624x128xf32, #tpu.memory_space<vmem_shared>>
      %dma_start3A_63 = arith.constant 0 : i32
      %dma_start3A_64 = arith.constant 0 : i32
      %dma_start3A_65 = tpu.memref_slice %arg5[%dma_start3A_63, %dma_start3A_64] : memref<640x128xf32, #tpu.memory_space<hbm>> -> memref<624x128xf32, #tpu.memory_space<hbm>>
      tpu.enqueue_dma source(%dma_start3A_65 : memref<624x128xf32, #tpu.memory_space<hbm>>) target(%dma_start3A_62 : memref<624x128xf32, #tpu.memory_space<vmem_shared>>) target_semaphore(%run_scoped3A : memref<!tpu.dma_semaphore, #tpu.memory_space<semaphore_mem>>)
      %dma_wait3A = arith.constant 0 : i32
      %dma_wait3A_66 = tpu.memref_slice %arg13[%mul3A_2, %dma_wait3A] : memref<10000x128xf32, #tpu.memory_space<vmem_shared>> -> memref<624x128xf32, #tpu.memory_space<vmem_shared>>
      %dma_wait3A_67 = arith.constant 0 : i32
      %dma_wait3A_68 = arith.constant 0 : i32
      %dma_wait3A_69 = tpu.memref_slice %arg5[%dma_wait3A_67, %dma_wait3A_68] : memref<640x128xf32, #tpu.memory_space<hbm>> -> memref<624x128xf32, #tpu.memory_space<hbm>>
      tpu.wait_dma2 semaphore(%run_scoped3A : memref<!tpu.dma_semaphore, #tpu.memory_space<semaphore_mem>>) src(%dma_wait3A_69 : memref<624x128xf32, #tpu.memory_space<hbm>>) dst(%dma_wait3A_66 : memref<624x128xf32, #tpu.memory_space<vmem_shared>>)
      tpu.yield
    }) : () -> ()
    %eq3A = arith.constant 15 : i32
    %eq3A_3 = arith.cmpi eq, %arg1, %eq3A : i32
    %convert_element_type3A = arith.extui %eq3A_3 : i1 to i32
    %cond3A = arith.constant 0 : i32
    %cond3A_4 = arith.cmpi ne, %convert_element_type3A, %cond3A : i32
    scf.if %cond3A_4 {
      "tpu.region"() ({
        %run_scoped3A = tpu.sem_alloc : memref<!tpu.dma_semaphore, #tpu.memory_space<semaphore_mem>>
        %dma_start3A_61 = arith.constant 9984 : i32
        %dma_start3A_62 = arith.constant 0 : i32
        %dma_start3A_63 = tpu.memref_slice %arg13[%dma_start3A_61, %dma_start3A_62] : memref<10000x128xf32, #tpu.memory_space<vmem_shared>> -> memref<16x128xf32, #tpu.memory_space<vmem_shared>>
        %dma_start3A_64 = arith.constant 624 : i32
        %dma_start3A_65 = arith.constant 0 : i32
        %dma_start3A_66 = tpu.memref_slice %arg5[%dma_start3A_64, %dma_start3A_65] : memref<640x128xf32, #tpu.memory_space<hbm>> -> memref<16x128xf32, #tpu.memory_space<hbm>>
        tpu.enqueue_dma source(%dma_start3A_66 : memref<16x128xf32, #tpu.memory_space<hbm>>) target(%dma_start3A_63 : memref<16x128xf32, #tpu.memory_space<vmem_shared>>) target_semaphore(%run_scoped3A : memref<!tpu.dma_semaphore, #tpu.memory_space<semaphore_mem>>)
        %dma_wait3A = arith.constant 9984 : i32
        %dma_wait3A_67 = arith.constant 0 : i32
        %dma_wait3A_68 = tpu.memref_slice %arg13[%dma_wait3A, %dma_wait3A_67] : memref<10000x128xf32, #tpu.memory_space<vmem_shared>> -> memref<16x128xf32, #tpu.memory_space<vmem_shared>>
        %dma_wait3A_69 = arith.constant 624 : i32
        %dma_wait3A_70 = arith.constant 0 : i32
        %dma_wait3A_71 = tpu.memref_slice %arg5[%dma_wait3A_69, %dma_wait3A_70] : memref<640x128xf32, #tpu.memory_space<hbm>> -> memref<16x128xf32, #tpu.memory_space<hbm>>
        tpu.wait_dma2 semaphore(%run_scoped3A : memref<!tpu.dma_semaphore, #tpu.memory_space<semaphore_mem>>) src(%dma_wait3A_71 : memref<16x128xf32, #tpu.memory_space<hbm>>) dst(%dma_wait3A_68 : memref<16x128xf32, #tpu.memory_space<vmem_shared>>)
        tpu.yield
      }) : () -> ()
    } else {
    }
    %mul3A_5 = arith.constant 78 : i32
    %mul3A_6 = arith.muli %add3A, %mul3A_5 : i32
    %add3A_7 = arith.constant 0 : i32
    %add3A_8 = arith.addi %mul3A_6, %add3A_7 : i32
    "tpu.region"() ({
      %run_scoped3A = tpu.sem_alloc : memref<!tpu.dma_semaphore, #tpu.memory_space<semaphore_mem>>
      %dma_start3A_61 = arith.constant 0 : i32
      %dma_start3A_62 = tpu.memref_slice %arg3[%add3A_8, %dma_start3A_61] : memref<2500x128xi32, #tpu.memory_space<hbm>> -> memref<39x128xi32, #tpu.memory_space<hbm>>
      %dma_start3A_63 = arith.constant 0 : i32
      %dma_start3A_64 = tpu.memref_slice %arg3[%add3A_8, %dma_start3A_63] : memref<2500x128xi32, #tpu.memory_space<hbm>> -> memref<39x128xi32, #tpu.memory_space<hbm>>
      tpu.enqueue_dma source(%dma_start3A_64 : memref<39x128xi32, #tpu.memory_space<hbm>>) target(%arg7 : memref<39x128xi32, #tpu.memory_space<vmem>>) target_semaphore(%run_scoped3A : memref<!tpu.dma_semaphore, #tpu.memory_space<semaphore_mem>>)
      %dma_wait3A = arith.constant 0 : i32
      %dma_wait3A_65 = tpu.memref_slice %arg3[%add3A_8, %dma_wait3A] : memref<2500x128xi32, #tpu.memory_space<hbm>> -> memref<39x128xi32, #tpu.memory_space<hbm>>
      %dma_wait3A_66 = arith.constant 0 : i32
      %dma_wait3A_67 = tpu.memref_slice %arg3[%add3A_8, %dma_wait3A_66] : memref<2500x128xi32, #tpu.memory_space<hbm>> -> memref<39x128xi32, #tpu.memory_space<hbm>>
      tpu.wait_dma2 semaphore(%run_scoped3A : memref<!tpu.dma_semaphore, #tpu.memory_space<semaphore_mem>>) src(%dma_wait3A_67 : memref<39x128xi32, #tpu.memory_space<hbm>>) dst(%arg7 : memref<39x128xi32, #tpu.memory_space<vmem>>)
      tpu.yield
    }) : () -> ()
    "tpu.region"() ({
      %run_scoped3A = tpu.sem_alloc : memref<!tpu.dma_semaphore, #tpu.memory_space<semaphore_mem>>
      %dma_start3A_61 = arith.constant 0 : i32
      %dma_start3A_62 = tpu.memref_slice %arg4[%add3A_8, %dma_start3A_61] : memref<2500x128xi32, #tpu.memory_space<hbm>> -> memref<39x128xi32, #tpu.memory_space<hbm>>
      %dma_start3A_63 = arith.constant 0 : i32
      %dma_start3A_64 = tpu.memref_slice %arg4[%add3A_8, %dma_start3A_63] : memref<2500x128xi32, #tpu.memory_space<hbm>> -> memref<39x128xi32, #tpu.memory_space<hbm>>
      tpu.enqueue_dma source(%dma_start3A_64 : memref<39x128xi32, #tpu.memory_space<hbm>>) target(%arg8 : memref<39x128xi32, #tpu.memory_space<vmem>>) target_semaphore(%run_scoped3A : memref<!tpu.dma_semaphore, #tpu.memory_space<semaphore_mem>>)
      %dma_wait3A = arith.constant 0 : i32
      %dma_wait3A_65 = tpu.memref_slice %arg4[%add3A_8, %dma_wait3A] : memref<2500x128xi32, #tpu.memory_space<hbm>> -> memref<39x128xi32, #tpu.memory_space<hbm>>
      %dma_wait3A_66 = arith.constant 0 : i32
      %dma_wait3A_67 = tpu.memref_slice %arg4[%add3A_8, %dma_wait3A_66] : memref<2500x128xi32, #tpu.memory_space<hbm>> -> memref<39x128xi32, #tpu.memory_space<hbm>>
      tpu.wait_dma2 semaphore(%run_scoped3A : memref<!tpu.dma_semaphore, #tpu.memory_space<semaphore_mem>>) src(%dma_wait3A_67 : memref<39x128xi32, #tpu.memory_space<hbm>>) dst(%arg8 : memref<39x128xi32, #tpu.memory_space<vmem>>)
      tpu.yield
    }) : () -> ()
    %dma_start3A = arith.constant 0 : i32
    %dma_start3A_9 = arith.constant 0 : i32
    %dma_start3A_10 = tpu.memref_slice %arg7[%dma_start3A, %dma_start3A_9] : memref<39x128xi32, #tpu.memory_space<vmem>> -> memref<1x128xi32, #tpu.memory_space<vmem>>
    %dma_start3A_11 = tpu.memref_squeeze %dma_start3A_10 : memref<1x128xi32, #tpu.memory_space<vmem>> -> memref<128xi32, #tpu.memory_space<vmem>>
    %dma_start3A_12 = arith.constant 0 : i32
    %dma_start3A_13 = arith.constant 0 : i32
    %dma_start3A_14 = tpu.memref_slice %arg2[%dma_start3A_12, %dma_start3A_13] : memref<10000x128xf32, #tpu.memory_space<hbm>> -> memref<10000x128xf32, #tpu.memory_space<hbm>>
    tpu.enqueue_indirect_dma source(%dma_start3A_14 : memref<10000x128xf32, #tpu.memory_space<hbm>>) target(%arg9 : memref<128x128xf32, #tpu.memory_space<vmem>>) offsets(%dma_start3A_11 : memref<128xi32, #tpu.memory_space<vmem>>) semaphore(%arg11 : memref<!tpu.dma_semaphore, #tpu.memory_space<semaphore_mem>>)
    %dma_start3A_15 = arith.constant 1 : i32
    %dma_start3A_16 = arith.constant 0 : i32
    %dma_start3A_17 = tpu.memref_slice %arg7[%dma_start3A_15, %dma_start3A_16] : memref<39x128xi32, #tpu.memory_space<vmem>> -> memref<1x128xi32, #tpu.memory_space<vmem>>
    %dma_start3A_18 = tpu.memref_squeeze %dma_start3A_17 : memref<1x128xi32, #tpu.memory_space<vmem>> -> memref<128xi32, #tpu.memory_space<vmem>>
    %dma_start3A_19 = arith.constant 0 : i32
    %dma_start3A_20 = arith.constant 0 : i32
    %dma_start3A_21 = tpu.memref_slice %arg2[%dma_start3A_19, %dma_start3A_20] : memref<10000x128xf32, #tpu.memory_space<hbm>> -> memref<10000x128xf32, #tpu.memory_space<hbm>>
    tpu.enqueue_indirect_dma source(%dma_start3A_21 : memref<10000x128xf32, #tpu.memory_space<hbm>>) target(%arg10 : memref<128x128xf32, #tpu.memory_space<vmem>>) offsets(%dma_start3A_18 : memref<128xi32, #tpu.memory_space<vmem>>) semaphore(%arg12 : memref<!tpu.dma_semaphore, #tpu.memory_space<semaphore_mem>>)
    %barrier3A = arith.constant 0 : index
    tpu.barrier barrier_id(%barrier3A)
    %scan3A = arith.constant 0 : i32
    %scan3A_22 = arith.constant 0 : i32
    %scan3A_23 = arith.constant 20 : i32
    %scan3A_24 = arith.addi %scan3A_22, %scan3A_23 : i32
    %scan3A_25 = arith.constant 1 : i32
    scf.for %scan3A_61 = %scan3A_22 to %scan3A_24 step %scan3A_25  : i32 {
      %mul3A_62 = arith.constant 2 : i32
      %mul3A_63 = arith.muli %scan3A_61, %mul3A_62 : i32
      %add3A_64 = arith.constant 0 : i32
      %add3A_65 = arith.addi %mul3A_63, %add3A_64 : i32
      %lt3A_66 = arith.constant 39 : i32
      %lt3A_67 = arith.cmpi slt, %add3A_65, %lt3A_66 : i32
      %convert_element_type3A_68 = arith.extui %lt3A_67 : i1 to i32
      %cond3A_69 = arith.constant 0 : i32
      %cond3A_70 = arith.cmpi ne, %convert_element_type3A_68, %cond3A_69 : i32
      scf.if %cond3A_70 {
        %dma_wait3A = arith.constant 0 : i32
        %dma_wait3A_80 = arith.constant 0 : i32
        %dma_wait3A_81 = tpu.memref_slice %arg7[%dma_wait3A, %dma_wait3A_80] : memref<39x128xi32, #tpu.memory_space<vmem>> -> memref<1x128xi32, #tpu.memory_space<vmem>>
        %dma_wait3A_82 = tpu.memref_squeeze %dma_wait3A_81 : memref<1x128xi32, #tpu.memory_space<vmem>> -> memref<128xi32, #tpu.memory_space<vmem>>
        %dma_wait3A_83 = arith.constant 0 : i32
        %dma_wait3A_84 = arith.constant 0 : i32
        %dma_wait3A_85 = tpu.memref_slice %arg2[%dma_wait3A_83, %dma_wait3A_84] : memref<10000x128xf32, #tpu.memory_space<hbm>> -> memref<10000x128xf32, #tpu.memory_space<hbm>>
        tpu.wait_indirect_dma semaphore(%arg11 : memref<!tpu.dma_semaphore, #tpu.memory_space<semaphore_mem>>) src(%dma_wait3A_85 : memref<10000x128xf32, #tpu.memory_space<hbm>>) dst(%arg9 : memref<128x128xf32, #tpu.memory_space<vmem>>)
        "tpu.region"() ({
          %run_scoped3A = tpu.sem_alloc : memref<!tpu.dma_semaphore, #tpu.memory_space<semaphore_mem>>
          %dma_start3A_93 = arith.constant 0 : i32
          %dma_start3A_94 = tpu.memref_slice %arg8[%add3A_65, %dma_start3A_93] : memref<39x128xi32, #tpu.memory_space<vmem>> -> memref<1x128xi32, #tpu.memory_space<vmem>>
          %dma_start3A_95 = tpu.memref_squeeze %dma_start3A_94 : memref<1x128xi32, #tpu.memory_space<vmem>> -> memref<128xi32, #tpu.memory_space<vmem>>
          %dma_start3A_96 = arith.constant 0 : i32
          %dma_start3A_97 = arith.constant 0 : i32
          %dma_start3A_98 = tpu.memref_slice %arg13[%dma_start3A_96, %dma_start3A_97] : memref<10000x128xf32, #tpu.memory_space<vmem_shared>> -> memref<10000x128xf32, #tpu.memory_space<vmem_shared>>
          tpu.enqueue_indirect_dma source(%arg9 : memref<128x128xf32, #tpu.memory_space<vmem>>) target(%dma_start3A_98 : memref<10000x128xf32, #tpu.memory_space<vmem_shared>>) offsets(%dma_start3A_95 : memref<128xi32, #tpu.memory_space<vmem>>) semaphore(%run_scoped3A : memref<!tpu.dma_semaphore, #tpu.memory_space<semaphore_mem>>) {add = true}
          %dma_wait3A_99 = arith.constant 0 : i32
          %dma_wait3A_100 = tpu.memref_slice %arg8[%add3A_65, %dma_wait3A_99] : memref<39x128xi32, #tpu.memory_space<vmem>> -> memref<1x128xi32, #tpu.memory_space<vmem>>
          %dma_wait3A_101 = tpu.memref_squeeze %dma_wait3A_100 : memref<1x128xi32, #tpu.memory_space<vmem>> -> memref<128xi32, #tpu.memory_space<vmem>>
          %dma_wait3A_102 = arith.constant 0 : i32
          %dma_wait3A_103 = arith.constant 0 : i32
          %dma_wait3A_104 = tpu.memref_slice %arg13[%dma_wait3A_102, %dma_wait3A_103] : memref<10000x128xf32, #tpu.memory_space<vmem_shared>> -> memref<10000x128xf32, #tpu.memory_space<vmem_shared>>
          tpu.wait_indirect_dma semaphore(%run_scoped3A : memref<!tpu.dma_semaphore, #tpu.memory_space<semaphore_mem>>) src(%arg9 : memref<128x128xf32, #tpu.memory_space<vmem>>) dst(%dma_wait3A_104 : memref<10000x128xf32, #tpu.memory_space<vmem_shared>>)
          tpu.yield
        }) : () -> ()
        %add3A_86 = arith.constant 2 : i32
        %add3A_87 = arith.addi %add3A_65, %add3A_86 : i32
        %lt3A_88 = arith.constant 39 : i32
        %lt3A_89 = arith.cmpi slt, %add3A_87, %lt3A_88 : i32
        %convert_element_type3A_90 = arith.extui %lt3A_89 : i1 to i32
        %cond3A_91 = arith.constant 0 : i32
        %cond3A_92 = arith.cmpi ne, %convert_element_type3A_90, %cond3A_91 : i32
        scf.if %cond3A_92 {
          %add3A_93 = arith.constant 2 : i32
          %add3A_94 = arith.addi %add3A_65, %add3A_93 : i32
          %dma_start3A_95 = arith.constant 0 : i32
          %dma_start3A_96 = tpu.memref_slice %arg7[%add3A_94, %dma_start3A_95] : memref<39x128xi32, #tpu.memory_space<vmem>> -> memref<1x128xi32, #tpu.memory_space<vmem>>
          %dma_start3A_97 = tpu.memref_squeeze %dma_start3A_96 : memref<1x128xi32, #tpu.memory_space<vmem>> -> memref<128xi32, #tpu.memory_space<vmem>>
          %dma_start3A_98 = arith.constant 0 : i32
          %dma_start3A_99 = arith.constant 0 : i32
          %dma_start3A_100 = tpu.memref_slice %arg2[%dma_start3A_98, %dma_start3A_99] : memref<10000x128xf32, #tpu.memory_space<hbm>> -> memref<10000x128xf32, #tpu.memory_space<hbm>>
          tpu.enqueue_indirect_dma source(%dma_start3A_100 : memref<10000x128xf32, #tpu.memory_space<hbm>>) target(%arg9 : memref<128x128xf32, #tpu.memory_space<vmem>>) offsets(%dma_start3A_97 : memref<128xi32, #tpu.memory_space<vmem>>) semaphore(%arg11 : memref<!tpu.dma_semaphore, #tpu.memory_space<semaphore_mem>>)
        } else {
        }
      } else {
      }
      %mul3A_71 = arith.constant 2 : i32
      %mul3A_72 = arith.muli %scan3A_61, %mul3A_71 : i32
      %add3A_73 = arith.constant 1 : i32
      %add3A_74 = arith.addi %mul3A_72, %add3A_73 : i32
      %lt3A_75 = arith.constant 39 : i32
      %lt3A_76 = arith.cmpi slt, %add3A_74, %lt3A_75 : i32
      %convert_element_type3A_77 = arith.extui %lt3A_76 : i1 to i32
      %cond3A_78 = arith.constant 0 : i32
      %cond3A_79 = arith.cmpi ne, %convert_element_type3A_77, %cond3A_78 : i32
      scf.if %cond3A_79 {
        %dma_wait3A = arith.constant 0 : i32
        %dma_wait3A_80 = arith.constant 0 : i32
        %dma_wait3A_81 = tpu.memref_slice %arg7[%dma_wait3A, %dma_wait3A_80] : memref<39x128xi32, #tpu.memory_space<vmem>> -> memref<1x128xi32, #tpu.memory_space<vmem>>
        %dma_wait3A_82 = tpu.memref_squeeze %dma_wait3A_81 : memref<1x128xi32, #tpu.memory_space<vmem>> -> memref<128xi32, #tpu.memory_space<vmem>>
        %dma_wait3A_83 = arith.constant 0 : i32
        %dma_wait3A_84 = arith.constant 0 : i32
        %dma_wait3A_85 = tpu.memref_slice %arg2[%dma_wait3A_83, %dma_wait3A_84] : memref<10000x128xf32, #tpu.memory_space<hbm>> -> memref<10000x128xf32, #tpu.memory_space<hbm>>
        tpu.wait_indirect_dma semaphore(%arg12 : memref<!tpu.dma_semaphore, #tpu.memory_space<semaphore_mem>>) src(%dma_wait3A_85 : memref<10000x128xf32, #tpu.memory_space<hbm>>) dst(%arg10 : memref<128x128xf32, #tpu.memory_space<vmem>>)
        "tpu.region"() ({
          %run_scoped3A = tpu.sem_alloc : memref<!tpu.dma_semaphore, #tpu.memory_space<semaphore_mem>>
          %dma_start3A_93 = arith.constant 0 : i32
          %dma_start3A_94 = tpu.memref_slice %arg8[%add3A_74, %dma_start3A_93] : memref<39x128xi32, #tpu.memory_space<vmem>> -> memref<1x128xi32, #tpu.memory_space<vmem>>
          %dma_start3A_95 = tpu.memref_squeeze %dma_start3A_94 : memref<1x128xi32, #tpu.memory_space<vmem>> -> memref<128xi32, #tpu.memory_space<vmem>>
          %dma_start3A_96 = arith.constant 0 : i32
          %dma_start3A_97 = arith.constant 0 : i32
          %dma_start3A_98 = tpu.memref_slice %arg13[%dma_start3A_96, %dma_start3A_97] : memref<10000x128xf32, #tpu.memory_space<vmem_shared>> -> memref<10000x128xf32, #tpu.memory_space<vmem_shared>>
          tpu.enqueue_indirect_dma source(%arg10 : memref<128x128xf32, #tpu.memory_space<vmem>>) target(%dma_start3A_98 : memref<10000x128xf32, #tpu.memory_space<vmem_shared>>) offsets(%dma_start3A_95 : memref<128xi32, #tpu.memory_space<vmem>>) semaphore(%run_scoped3A : memref<!tpu.dma_semaphore, #tpu.memory_space<semaphore_mem>>) {add = true}
          %dma_wait3A_99 = arith.constant 0 : i32
          %dma_wait3A_100 = tpu.memref_slice %arg8[%add3A_74, %dma_wait3A_99] : memref<39x128xi32, #tpu.memory_space<vmem>> -> memref<1x128xi32, #tpu.memory_space<vmem>>
          %dma_wait3A_101 = tpu.memref_squeeze %dma_wait3A_100 : memref<1x128xi32, #tpu.memory_space<vmem>> -> memref<128xi32, #tpu.memory_space<vmem>>
          %dma_wait3A_102 = arith.constant 0 : i32
          %dma_wait3A_103 = arith.constant 0 : i32
          %dma_wait3A_104 = tpu.memref_slice %arg13[%dma_wait3A_102, %dma_wait3A_103] : memref<10000x128xf32, #tpu.memory_space<vmem_shared>> -> memref<10000x128xf32, #tpu.memory_space<vmem_shared>>
          tpu.wait_indirect_dma semaphore(%run_scoped3A : memref<!tpu.dma_semaphore, #tpu.memory_space<semaphore_mem>>) src(%arg10 : memref<128x128xf32, #tpu.memory_space<vmem>>) dst(%dma_wait3A_104 : memref<10000x128xf32, #tpu.memory_space<vmem_shared>>)
          tpu.yield
        }) : () -> ()
        %add3A_86 = arith.constant 2 : i32
        %add3A_87 = arith.addi %add3A_74, %add3A_86 : i32
        %lt3A_88 = arith.constant 39 : i32
        %lt3A_89 = arith.cmpi slt, %add3A_87, %lt3A_88 : i32
        %convert_element_type3A_90 = arith.extui %lt3A_89 : i1 to i32
        %cond3A_91 = arith.constant 0 : i32
        %cond3A_92 = arith.cmpi ne, %convert_element_type3A_90, %cond3A_91 : i32
        scf.if %cond3A_92 {
          %add3A_93 = arith.constant 2 : i32
          %add3A_94 = arith.addi %add3A_74, %add3A_93 : i32
          %dma_start3A_95 = arith.constant 0 : i32
          %dma_start3A_96 = tpu.memref_slice %arg7[%add3A_94, %dma_start3A_95] : memref<39x128xi32, #tpu.memory_space<vmem>> -> memref<1x128xi32, #tpu.memory_space<vmem>>
          %dma_start3A_97 = tpu.memref_squeeze %dma_start3A_96 : memref<1x128xi32, #tpu.memory_space<vmem>> -> memref<128xi32, #tpu.memory_space<vmem>>
          %dma_start3A_98 = arith.constant 0 : i32
          %dma_start3A_99 = arith.constant 0 : i32
          %dma_start3A_100 = tpu.memref_slice %arg2[%dma_start3A_98, %dma_start3A_99] : memref<10000x128xf32, #tpu.memory_space<hbm>> -> memref<10000x128xf32, #tpu.memory_space<hbm>>
          tpu.enqueue_indirect_dma source(%dma_start3A_100 : memref<10000x128xf32, #tpu.memory_space<hbm>>) target(%arg10 : memref<128x128xf32, #tpu.memory_space<vmem>>) offsets(%dma_start3A_97 : memref<128xi32, #tpu.memory_space<vmem>>) semaphore(%arg12 : memref<!tpu.dma_semaphore, #tpu.memory_space<semaphore_mem>>)
        } else {
        }
      } else {
      }
    }
    %scan3A_26 = arith.constant 20 : i32
    %mul3A_27 = arith.constant 78 : i32
    %mul3A_28 = arith.muli %add3A, %mul3A_27 : i32
    %add3A_29 = arith.constant 39 : i32
    %add3A_30 = arith.addi %mul3A_28, %add3A_29 : i32
    "tpu.region"() ({
      %run_scoped3A = tpu.sem_alloc : memref<!tpu.dma_semaphore, #tpu.memory_space<semaphore_mem>>
      %dma_start3A_61 = arith.constant 0 : i32
      %dma_start3A_62 = tpu.memref_slice %arg3[%add3A_30, %dma_start3A_61] : memref<2500x128xi32, #tpu.memory_space<hbm>> -> memref<39x128xi32, #tpu.memory_space<hbm>>
      %dma_start3A_63 = arith.constant 0 : i32
      %dma_start3A_64 = tpu.memref_slice %arg3[%add3A_30, %dma_start3A_63] : memref<2500x128xi32, #tpu.memory_space<hbm>> -> memref<39x128xi32, #tpu.memory_space<hbm>>
      tpu.enqueue_dma source(%dma_start3A_64 : memref<39x128xi32, #tpu.memory_space<hbm>>) target(%arg7 : memref<39x128xi32, #tpu.memory_space<vmem>>) target_semaphore(%run_scoped3A : memref<!tpu.dma_semaphore, #tpu.memory_space<semaphore_mem>>)
      %dma_wait3A = arith.constant 0 : i32
      %dma_wait3A_65 = tpu.memref_slice %arg3[%add3A_30, %dma_wait3A] : memref<2500x128xi32, #tpu.memory_space<hbm>> -> memref<39x128xi32, #tpu.memory_space<hbm>>
      %dma_wait3A_66 = arith.constant 0 : i32
      %dma_wait3A_67 = tpu.memref_slice %arg3[%add3A_30, %dma_wait3A_66] : memref<2500x128xi32, #tpu.memory_space<hbm>> -> memref<39x128xi32, #tpu.memory_space<hbm>>
      tpu.wait_dma2 semaphore(%run_scoped3A : memref<!tpu.dma_semaphore, #tpu.memory_space<semaphore_mem>>) src(%dma_wait3A_67 : memref<39x128xi32, #tpu.memory_space<hbm>>) dst(%arg7 : memref<39x128xi32, #tpu.memory_space<vmem>>)
      tpu.yield
    }) : () -> ()
    "tpu.region"() ({
      %run_scoped3A = tpu.sem_alloc : memref<!tpu.dma_semaphore, #tpu.memory_space<semaphore_mem>>
      %dma_start3A_61 = arith.constant 0 : i32
      %dma_start3A_62 = tpu.memref_slice %arg4[%add3A_30, %dma_start3A_61] : memref<2500x128xi32, #tpu.memory_space<hbm>> -> memref<39x128xi32, #tpu.memory_space<hbm>>
      %dma_start3A_63 = arith.constant 0 : i32
      %dma_start3A_64 = tpu.memref_slice %arg4[%add3A_30, %dma_start3A_63] : memref<2500x128xi32, #tpu.memory_space<hbm>> -> memref<39x128xi32, #tpu.memory_space<hbm>>
      tpu.enqueue_dma source(%dma_start3A_64 : memref<39x128xi32, #tpu.memory_space<hbm>>) target(%arg8 : memref<39x128xi32, #tpu.memory_space<vmem>>) target_semaphore(%run_scoped3A : memref<!tpu.dma_semaphore, #tpu.memory_space<semaphore_mem>>)
      %dma_wait3A = arith.constant 0 : i32
      %dma_wait3A_65 = tpu.memref_slice %arg4[%add3A_30, %dma_wait3A] : memref<2500x128xi32, #tpu.memory_space<hbm>> -> memref<39x128xi32, #tpu.memory_space<hbm>>
      %dma_wait3A_66 = arith.constant 0 : i32
      %dma_wait3A_67 = tpu.memref_slice %arg4[%add3A_30, %dma_wait3A_66] : memref<2500x128xi32, #tpu.memory_space<hbm>> -> memref<39x128xi32, #tpu.memory_space<hbm>>
      tpu.wait_dma2 semaphore(%run_scoped3A : memref<!tpu.dma_semaphore, #tpu.memory_space<semaphore_mem>>) src(%dma_wait3A_67 : memref<39x128xi32, #tpu.memory_space<hbm>>) dst(%arg8 : memref<39x128xi32, #tpu.memory_space<vmem>>)
      tpu.yield
    }) : () -> ()
    %dma_start3A_31 = arith.constant 0 : i32
    %dma_start3A_32 = arith.constant 0 : i32
    %dma_start3A_33 = tpu.memref_slice %arg7[%dma_start3A_31, %dma_start3A_32] : memref<39x128xi32, #tpu.memory_space<vmem>> -> memref<1x128xi32, #tpu.memory_space<vmem>>
    %dma_start3A_34 = tpu.memref_squeeze %dma_start3A_33 : memref<1x128xi32, #tpu.memory_space<vmem>> -> memref<128xi32, #tpu.memory_space<vmem>>
    %dma_start3A_35 = arith.constant 0 : i32
    %dma_start3A_36 = arith.constant 0 : i32
    %dma_start3A_37 = tpu.memref_slice %arg2[%dma_start3A_35, %dma_start3A_36] : memref<10000x128xf32, #tpu.memory_space<hbm>> -> memref<10000x128xf32, #tpu.memory_space<hbm>>
    tpu.enqueue_indirect_dma source(%dma_start3A_37 : memref<10000x128xf32, #tpu.memory_space<hbm>>) target(%arg9 : memref<128x128xf32, #tpu.memory_space<vmem>>) offsets(%dma_start3A_34 : memref<128xi32, #tpu.memory_space<vmem>>) semaphore(%arg11 : memref<!tpu.dma_semaphore, #tpu.memory_space<semaphore_mem>>)
    %dma_start3A_38 = arith.constant 1 : i32
    %dma_start3A_39 = arith.constant 0 : i32
    %dma_start3A_40 = tpu.memref_slice %arg7[%dma_start3A_38, %dma_start3A_39] : memref<39x128xi32, #tpu.memory_space<vmem>> -> memref<1x128xi32, #tpu.memory_space<vmem>>
    %dma_start3A_41 = tpu.memref_squeeze %dma_start3A_40 : memref<1x128xi32, #tpu.memory_space<vmem>> -> memref<128xi32, #tpu.memory_space<vmem>>
    %dma_start3A_42 = arith.constant 0 : i32
    %dma_start3A_43 = arith.constant 0 : i32
    %dma_start3A_44 = tpu.memref_slice %arg2[%dma_start3A_42, %dma_start3A_43] : memref<10000x128xf32, #tpu.memory_space<hbm>> -> memref<10000x128xf32, #tpu.memory_space<hbm>>
    tpu.enqueue_indirect_dma source(%dma_start3A_44 : memref<10000x128xf32, #tpu.memory_space<hbm>>) target(%arg10 : memref<128x128xf32, #tpu.memory_space<vmem>>) offsets(%dma_start3A_41 : memref<128xi32, #tpu.memory_space<vmem>>) semaphore(%arg12 : memref<!tpu.dma_semaphore, #tpu.memory_space<semaphore_mem>>)
    %scan3A_45 = arith.constant 0 : i32
    %scan3A_46 = arith.constant 0 : i32
    %scan3A_47 = arith.constant 20 : i32
    %scan3A_48 = arith.addi %scan3A_46, %scan3A_47 : i32
    %scan3A_49 = arith.constant 1 : i32
    scf.for %scan3A_61 = %scan3A_46 to %scan3A_48 step %scan3A_49  : i32 {
      %mul3A_62 = arith.constant 2 : i32
      %mul3A_63 = arith.muli %scan3A_61, %mul3A_62 : i32
      %add3A_64 = arith.constant 0 : i32
      %add3A_65 = arith.addi %mul3A_63, %add3A_64 : i32
      %lt3A_66 = arith.constant 39 : i32
      %lt3A_67 = arith.cmpi slt, %add3A_65, %lt3A_66 : i32
      %convert_element_type3A_68 = arith.extui %lt3A_67 : i1 to i32
      %cond3A_69 = arith.constant 0 : i32
      %cond3A_70 = arith.cmpi ne, %convert_element_type3A_68, %cond3A_69 : i32
      scf.if %cond3A_70 {
        %dma_wait3A = arith.constant 0 : i32
        %dma_wait3A_80 = arith.constant 0 : i32
        %dma_wait3A_81 = tpu.memref_slice %arg7[%dma_wait3A, %dma_wait3A_80] : memref<39x128xi32, #tpu.memory_space<vmem>> -> memref<1x128xi32, #tpu.memory_space<vmem>>
        %dma_wait3A_82 = tpu.memref_squeeze %dma_wait3A_81 : memref<1x128xi32, #tpu.memory_space<vmem>> -> memref<128xi32, #tpu.memory_space<vmem>>
        %dma_wait3A_83 = arith.constant 0 : i32
        %dma_wait3A_84 = arith.constant 0 : i32
        %dma_wait3A_85 = tpu.memref_slice %arg2[%dma_wait3A_83, %dma_wait3A_84] : memref<10000x128xf32, #tpu.memory_space<hbm>> -> memref<10000x128xf32, #tpu.memory_space<hbm>>
        tpu.wait_indirect_dma semaphore(%arg11 : memref<!tpu.dma_semaphore, #tpu.memory_space<semaphore_mem>>) src(%dma_wait3A_85 : memref<10000x128xf32, #tpu.memory_space<hbm>>) dst(%arg9 : memref<128x128xf32, #tpu.memory_space<vmem>>)
        "tpu.region"() ({
          %run_scoped3A = tpu.sem_alloc : memref<!tpu.dma_semaphore, #tpu.memory_space<semaphore_mem>>
          %dma_start3A_93 = arith.constant 0 : i32
          %dma_start3A_94 = tpu.memref_slice %arg8[%add3A_65, %dma_start3A_93] : memref<39x128xi32, #tpu.memory_space<vmem>> -> memref<1x128xi32, #tpu.memory_space<vmem>>
          %dma_start3A_95 = tpu.memref_squeeze %dma_start3A_94 : memref<1x128xi32, #tpu.memory_space<vmem>> -> memref<128xi32, #tpu.memory_space<vmem>>
          %dma_start3A_96 = arith.constant 0 : i32
          %dma_start3A_97 = arith.constant 0 : i32
          %dma_start3A_98 = tpu.memref_slice %arg13[%dma_start3A_96, %dma_start3A_97] : memref<10000x128xf32, #tpu.memory_space<vmem_shared>> -> memref<10000x128xf32, #tpu.memory_space<vmem_shared>>
          tpu.enqueue_indirect_dma source(%arg9 : memref<128x128xf32, #tpu.memory_space<vmem>>) target(%dma_start3A_98 : memref<10000x128xf32, #tpu.memory_space<vmem_shared>>) offsets(%dma_start3A_95 : memref<128xi32, #tpu.memory_space<vmem>>) semaphore(%run_scoped3A : memref<!tpu.dma_semaphore, #tpu.memory_space<semaphore_mem>>) {add = true}
          %dma_wait3A_99 = arith.constant 0 : i32
          %dma_wait3A_100 = tpu.memref_slice %arg8[%add3A_65, %dma_wait3A_99] : memref<39x128xi32, #tpu.memory_space<vmem>> -> memref<1x128xi32, #tpu.memory_space<vmem>>
          %dma_wait3A_101 = tpu.memref_squeeze %dma_wait3A_100 : memref<1x128xi32, #tpu.memory_space<vmem>> -> memref<128xi32, #tpu.memory_space<vmem>>
          %dma_wait3A_102 = arith.constant 0 : i32
          %dma_wait3A_103 = arith.constant 0 : i32
          %dma_wait3A_104 = tpu.memref_slice %arg13[%dma_wait3A_102, %dma_wait3A_103] : memref<10000x128xf32, #tpu.memory_space<vmem_shared>> -> memref<10000x128xf32, #tpu.memory_space<vmem_shared>>
          tpu.wait_indirect_dma semaphore(%run_scoped3A : memref<!tpu.dma_semaphore, #tpu.memory_space<semaphore_mem>>) src(%arg9 : memref<128x128xf32, #tpu.memory_space<vmem>>) dst(%dma_wait3A_104 : memref<10000x128xf32, #tpu.memory_space<vmem_shared>>)
          tpu.yield
        }) : () -> ()
        %add3A_86 = arith.constant 2 : i32
        %add3A_87 = arith.addi %add3A_65, %add3A_86 : i32
        %lt3A_88 = arith.constant 39 : i32
        %lt3A_89 = arith.cmpi slt, %add3A_87, %lt3A_88 : i32
        %convert_element_type3A_90 = arith.extui %lt3A_89 : i1 to i32
        %cond3A_91 = arith.constant 0 : i32
        %cond3A_92 = arith.cmpi ne, %convert_element_type3A_90, %cond3A_91 : i32
        scf.if %cond3A_92 {
          %add3A_93 = arith.constant 2 : i32
          %add3A_94 = arith.addi %add3A_65, %add3A_93 : i32
          %dma_start3A_95 = arith.constant 0 : i32
          %dma_start3A_96 = tpu.memref_slice %arg7[%add3A_94, %dma_start3A_95] : memref<39x128xi32, #tpu.memory_space<vmem>> -> memref<1x128xi32, #tpu.memory_space<vmem>>
          %dma_start3A_97 = tpu.memref_squeeze %dma_start3A_96 : memref<1x128xi32, #tpu.memory_space<vmem>> -> memref<128xi32, #tpu.memory_space<vmem>>
          %dma_start3A_98 = arith.constant 0 : i32
          %dma_start3A_99 = arith.constant 0 : i32
          %dma_start3A_100 = tpu.memref_slice %arg2[%dma_start3A_98, %dma_start3A_99] : memref<10000x128xf32, #tpu.memory_space<hbm>> -> memref<10000x128xf32, #tpu.memory_space<hbm>>
          tpu.enqueue_indirect_dma source(%dma_start3A_100 : memref<10000x128xf32, #tpu.memory_space<hbm>>) target(%arg9 : memref<128x128xf32, #tpu.memory_space<vmem>>) offsets(%dma_start3A_97 : memref<128xi32, #tpu.memory_space<vmem>>) semaphore(%arg11 : memref<!tpu.dma_semaphore, #tpu.memory_space<semaphore_mem>>)
        } else {
        }
      } else {
      }
      %mul3A_71 = arith.constant 2 : i32
      %mul3A_72 = arith.muli %scan3A_61, %mul3A_71 : i32
      %add3A_73 = arith.constant 1 : i32
      %add3A_74 = arith.addi %mul3A_72, %add3A_73 : i32
      %lt3A_75 = arith.constant 39 : i32
      %lt3A_76 = arith.cmpi slt, %add3A_74, %lt3A_75 : i32
      %convert_element_type3A_77 = arith.extui %lt3A_76 : i1 to i32
      %cond3A_78 = arith.constant 0 : i32
      %cond3A_79 = arith.cmpi ne, %convert_element_type3A_77, %cond3A_78 : i32
      scf.if %cond3A_79 {
        %dma_wait3A = arith.constant 0 : i32
        %dma_wait3A_80 = arith.constant 0 : i32
        %dma_wait3A_81 = tpu.memref_slice %arg7[%dma_wait3A, %dma_wait3A_80] : memref<39x128xi32, #tpu.memory_space<vmem>> -> memref<1x128xi32, #tpu.memory_space<vmem>>
        %dma_wait3A_82 = tpu.memref_squeeze %dma_wait3A_81 : memref<1x128xi32, #tpu.memory_space<vmem>> -> memref<128xi32, #tpu.memory_space<vmem>>
        %dma_wait3A_83 = arith.constant 0 : i32
        %dma_wait3A_84 = arith.constant 0 : i32
        %dma_wait3A_85 = tpu.memref_slice %arg2[%dma_wait3A_83, %dma_wait3A_84] : memref<10000x128xf32, #tpu.memory_space<hbm>> -> memref<10000x128xf32, #tpu.memory_space<hbm>>
        tpu.wait_indirect_dma semaphore(%arg12 : memref<!tpu.dma_semaphore, #tpu.memory_space<semaphore_mem>>) src(%dma_wait3A_85 : memref<10000x128xf32, #tpu.memory_space<hbm>>) dst(%arg10 : memref<128x128xf32, #tpu.memory_space<vmem>>)
        "tpu.region"() ({
          %run_scoped3A = tpu.sem_alloc : memref<!tpu.dma_semaphore, #tpu.memory_space<semaphore_mem>>
          %dma_start3A_93 = arith.constant 0 : i32
          %dma_start3A_94 = tpu.memref_slice %arg8[%add3A_74, %dma_start3A_93] : memref<39x128xi32, #tpu.memory_space<vmem>> -> memref<1x128xi32, #tpu.memory_space<vmem>>
          %dma_start3A_95 = tpu.memref_squeeze %dma_start3A_94 : memref<1x128xi32, #tpu.memory_space<vmem>> -> memref<128xi32, #tpu.memory_space<vmem>>
          %dma_start3A_96 = arith.constant 0 : i32
          %dma_start3A_97 = arith.constant 0 : i32
          %dma_start3A_98 = tpu.memref_slice %arg13[%dma_start3A_96, %dma_start3A_97] : memref<10000x128xf32, #tpu.memory_space<vmem_shared>> -> memref<10000x128xf32, #tpu.memory_space<vmem_shared>>
          tpu.enqueue_indirect_dma source(%arg10 : memref<128x128xf32, #tpu.memory_space<vmem>>) target(%dma_start3A_98 : memref<10000x128xf32, #tpu.memory_space<vmem_shared>>) offsets(%dma_start3A_95 : memref<128xi32, #tpu.memory_space<vmem>>) semaphore(%run_scoped3A : memref<!tpu.dma_semaphore, #tpu.memory_space<semaphore_mem>>) {add = true}
          %dma_wait3A_99 = arith.constant 0 : i32
          %dma_wait3A_100 = tpu.memref_slice %arg8[%add3A_74, %dma_wait3A_99] : memref<39x128xi32, #tpu.memory_space<vmem>> -> memref<1x128xi32, #tpu.memory_space<vmem>>
          %dma_wait3A_101 = tpu.memref_squeeze %dma_wait3A_100 : memref<1x128xi32, #tpu.memory_space<vmem>> -> memref<128xi32, #tpu.memory_space<vmem>>
          %dma_wait3A_102 = arith.constant 0 : i32
          %dma_wait3A_103 = arith.constant 0 : i32
          %dma_wait3A_104 = tpu.memref_slice %arg13[%dma_wait3A_102, %dma_wait3A_103] : memref<10000x128xf32, #tpu.memory_space<vmem_shared>> -> memref<10000x128xf32, #tpu.memory_space<vmem_shared>>
          tpu.wait_indirect_dma semaphore(%run_scoped3A : memref<!tpu.dma_semaphore, #tpu.memory_space<semaphore_mem>>) src(%arg10 : memref<128x128xf32, #tpu.memory_space<vmem>>) dst(%dma_wait3A_104 : memref<10000x128xf32, #tpu.memory_space<vmem_shared>>)
          tpu.yield
        }) : () -> ()
        %add3A_86 = arith.constant 2 : i32
        %add3A_87 = arith.addi %add3A_74, %add3A_86 : i32
        %lt3A_88 = arith.constant 39 : i32
        %lt3A_89 = arith.cmpi slt, %add3A_87, %lt3A_88 : i32
        %convert_element_type3A_90 = arith.extui %lt3A_89 : i1 to i32
        %cond3A_91 = arith.constant 0 : i32
        %cond3A_92 = arith.cmpi ne, %convert_element_type3A_90, %cond3A_91 : i32
        scf.if %cond3A_92 {
          %add3A_93 = arith.constant 2 : i32
          %add3A_94 = arith.addi %add3A_74, %add3A_93 : i32
          %dma_start3A_95 = arith.constant 0 : i32
          %dma_start3A_96 = tpu.memref_slice %arg7[%add3A_94, %dma_start3A_95] : memref<39x128xi32, #tpu.memory_space<vmem>> -> memref<1x128xi32, #tpu.memory_space<vmem>>
          %dma_start3A_97 = tpu.memref_squeeze %dma_start3A_96 : memref<1x128xi32, #tpu.memory_space<vmem>> -> memref<128xi32, #tpu.memory_space<vmem>>
          %dma_start3A_98 = arith.constant 0 : i32
          %dma_start3A_99 = arith.constant 0 : i32
          %dma_start3A_100 = tpu.memref_slice %arg2[%dma_start3A_98, %dma_start3A_99] : memref<10000x128xf32, #tpu.memory_space<hbm>> -> memref<10000x128xf32, #tpu.memory_space<hbm>>
          tpu.enqueue_indirect_dma source(%dma_start3A_100 : memref<10000x128xf32, #tpu.memory_space<hbm>>) target(%arg10 : memref<128x128xf32, #tpu.memory_space<vmem>>) offsets(%dma_start3A_97 : memref<128xi32, #tpu.memory_space<vmem>>) semaphore(%arg12 : memref<!tpu.dma_semaphore, #tpu.memory_space<semaphore_mem>>)
        } else {
        }
      } else {
      }
    }
    %scan3A_50 = arith.constant 20 : i32
    %lt3A = arith.constant 4 : i32
    %lt3A_51 = arith.cmpi slt, %add3A, %lt3A : i32
    %convert_element_type3A_52 = arith.extui %lt3A_51 : i1 to i32
    %cond3A_53 = arith.constant 0 : i32
    %cond3A_54 = arith.cmpi ne, %convert_element_type3A_52, %cond3A_53 : i32
    scf.if %cond3A_54 {
      %add3A_61 = arith.constant 2496 : i32
      %add3A_62 = arith.addi %add3A_61, %add3A : i32
      "tpu.region"() ({
        %run_scoped3A_78 = tpu.sem_alloc : memref<!tpu.dma_semaphore, #tpu.memory_space<semaphore_mem>>
        %dma_start3A_79 = arith.constant 0 : i32
        %dma_start3A_80 = arith.constant 0 : i32
        %dma_start3A_81 = tpu.memref_slice %arg7[%dma_start3A_79, %dma_start3A_80] : memref<39x128xi32, #tpu.memory_space<vmem>> -> memref<1x128xi32, #tpu.memory_space<vmem>>
        %dma_start3A_82 = arith.constant 0 : i32
        %dma_start3A_83 = tpu.memref_slice %arg3[%add3A_62, %dma_start3A_82] : memref<2500x128xi32, #tpu.memory_space<hbm>> -> memref<1x128xi32, #tpu.memory_space<hbm>>
        %dma_start3A_84 = arith.constant 0 : i32
        %dma_start3A_85 = arith.constant 0 : i32
        %dma_start3A_86 = tpu.memref_slice %arg7[%dma_start3A_84, %dma_start3A_85] : memref<39x128xi32, #tpu.memory_space<vmem>> -> memref<1x128xi32, #tpu.memory_space<vmem>>
        %dma_start3A_87 = arith.constant 0 : i32
        %dma_start3A_88 = tpu.memref_slice %arg3[%add3A_62, %dma_start3A_87] : memref<2500x128xi32, #tpu.memory_space<hbm>> -> memref<1x128xi32, #tpu.memory_space<hbm>>
        tpu.enqueue_dma source(%dma_start3A_88 : memref<1x128xi32, #tpu.memory_space<hbm>>) target(%dma_start3A_86 : memref<1x128xi32, #tpu.memory_space<vmem>>) target_semaphore(%run_scoped3A_78 : memref<!tpu.dma_semaphore, #tpu.memory_space<semaphore_mem>>)
        %dma_wait3A_89 = arith.constant 0 : i32
        %dma_wait3A_90 = arith.constant 0 : i32
        %dma_wait3A_91 = tpu.memref_slice %arg7[%dma_wait3A_89, %dma_wait3A_90] : memref<39x128xi32, #tpu.memory_space<vmem>> -> memref<1x128xi32, #tpu.memory_space<vmem>>
        %dma_wait3A_92 = arith.constant 0 : i32
        %dma_wait3A_93 = tpu.memref_slice %arg3[%add3A_62, %dma_wait3A_92] : memref<2500x128xi32, #tpu.memory_space<hbm>> -> memref<1x128xi32, #tpu.memory_space<hbm>>
        %dma_wait3A_94 = arith.constant 0 : i32
        %dma_wait3A_95 = arith.constant 0 : i32
        %dma_wait3A_96 = tpu.memref_slice %arg7[%dma_wait3A_94, %dma_wait3A_95] : memref<39x128xi32, #tpu.memory_space<vmem>> -> memref<1x128xi32, #tpu.memory_space<vmem>>
        %dma_wait3A_97 = arith.constant 0 : i32
        %dma_wait3A_98 = tpu.memref_slice %arg3[%add3A_62, %dma_wait3A_97] : memref<2500x128xi32, #tpu.memory_space<hbm>> -> memref<1x128xi32, #tpu.memory_space<hbm>>
        tpu.wait_dma2 semaphore(%run_scoped3A_78 : memref<!tpu.dma_semaphore, #tpu.memory_space<semaphore_mem>>) src(%dma_wait3A_98 : memref<1x128xi32, #tpu.memory_space<hbm>>) dst(%dma_wait3A_96 : memref<1x128xi32, #tpu.memory_space<vmem>>)
        tpu.yield
      }) : () -> ()
      %add3A_63 = arith.constant 2496 : i32
      %add3A_64 = arith.addi %add3A_63, %add3A : i32
      "tpu.region"() ({
        %run_scoped3A_78 = tpu.sem_alloc : memref<!tpu.dma_semaphore, #tpu.memory_space<semaphore_mem>>
        %dma_start3A_79 = arith.constant 0 : i32
        %dma_start3A_80 = arith.constant 0 : i32
        %dma_start3A_81 = tpu.memref_slice %arg8[%dma_start3A_79, %dma_start3A_80] : memref<39x128xi32, #tpu.memory_space<vmem>> -> memref<1x128xi32, #tpu.memory_space<vmem>>
        %dma_start3A_82 = arith.constant 0 : i32
        %dma_start3A_83 = tpu.memref_slice %arg4[%add3A_64, %dma_start3A_82] : memref<2500x128xi32, #tpu.memory_space<hbm>> -> memref<1x128xi32, #tpu.memory_space<hbm>>
        %dma_start3A_84 = arith.constant 0 : i32
        %dma_start3A_85 = arith.constant 0 : i32
        %dma_start3A_86 = tpu.memref_slice %arg8[%dma_start3A_84, %dma_start3A_85] : memref<39x128xi32, #tpu.memory_space<vmem>> -> memref<1x128xi32, #tpu.memory_space<vmem>>
        %dma_start3A_87 = arith.constant 0 : i32
        %dma_start3A_88 = tpu.memref_slice %arg4[%add3A_64, %dma_start3A_87] : memref<2500x128xi32, #tpu.memory_space<hbm>> -> memref<1x128xi32, #tpu.memory_space<hbm>>
        tpu.enqueue_dma source(%dma_start3A_88 : memref<1x128xi32, #tpu.memory_space<hbm>>) target(%dma_start3A_86 : memref<1x128xi32, #tpu.memory_space<vmem>>) target_semaphore(%run_scoped3A_78 : memref<!tpu.dma_semaphore, #tpu.memory_space<semaphore_mem>>)
        %dma_wait3A_89 = arith.constant 0 : i32
        %dma_wait3A_90 = arith.constant 0 : i32
        %dma_wait3A_91 = tpu.memref_slice %arg8[%dma_wait3A_89, %dma_wait3A_90] : memref<39x128xi32, #tpu.memory_space<vmem>> -> memref<1x128xi32, #tpu.memory_space<vmem>>
        %dma_wait3A_92 = arith.constant 0 : i32
        %dma_wait3A_93 = tpu.memref_slice %arg4[%add3A_64, %dma_wait3A_92] : memref<2500x128xi32, #tpu.memory_space<hbm>> -> memref<1x128xi32, #tpu.memory_space<hbm>>
        %dma_wait3A_94 = arith.constant 0 : i32
        %dma_wait3A_95 = arith.constant 0 : i32
        %dma_wait3A_96 = tpu.memref_slice %arg8[%dma_wait3A_94, %dma_wait3A_95] : memref<39x128xi32, #tpu.memory_space<vmem>> -> memref<1x128xi32, #tpu.memory_space<vmem>>
        %dma_wait3A_97 = arith.constant 0 : i32
        %dma_wait3A_98 = tpu.memref_slice %arg4[%add3A_64, %dma_wait3A_97] : memref<2500x128xi32, #tpu.memory_space<hbm>> -> memref<1x128xi32, #tpu.memory_space<hbm>>
        tpu.wait_dma2 semaphore(%run_scoped3A_78 : memref<!tpu.dma_semaphore, #tpu.memory_space<semaphore_mem>>) src(%dma_wait3A_98 : memref<1x128xi32, #tpu.memory_space<hbm>>) dst(%dma_wait3A_96 : memref<1x128xi32, #tpu.memory_space<vmem>>)
        tpu.yield
      }) : () -> ()
      %dma_start3A_65 = arith.constant 0 : i32
      %dma_start3A_66 = arith.constant 0 : i32
      %dma_start3A_67 = tpu.memref_slice %arg7[%dma_start3A_65, %dma_start3A_66] : memref<39x128xi32, #tpu.memory_space<vmem>> -> memref<1x128xi32, #tpu.memory_space<vmem>>
      %dma_start3A_68 = tpu.memref_squeeze %dma_start3A_67 : memref<1x128xi32, #tpu.memory_space<vmem>> -> memref<128xi32, #tpu.memory_space<vmem>>
      %dma_start3A_69 = arith.constant 0 : i32
      %dma_start3A_70 = arith.constant 0 : i32
      %dma_start3A_71 = tpu.memref_slice %arg2[%dma_start3A_69, %dma_start3A_70] : memref<10000x128xf32, #tpu.memory_space<hbm>> -> memref<10000x128xf32, #tpu.memory_space<hbm>>
      tpu.enqueue_indirect_dma source(%dma_start3A_71 : memref<10000x128xf32, #tpu.memory_space<hbm>>) target(%arg9 : memref<128x128xf32, #tpu.memory_space<vmem>>) offsets(%dma_start3A_68 : memref<128xi32, #tpu.memory_space<vmem>>) semaphore(%arg11 : memref<!tpu.dma_semaphore, #tpu.memory_space<semaphore_mem>>)
      %dma_wait3A = arith.constant 0 : i32
      %dma_wait3A_72 = arith.constant 0 : i32
      %dma_wait3A_73 = tpu.memref_slice %arg7[%dma_wait3A, %dma_wait3A_72] : memref<39x128xi32, #tpu.memory_space<vmem>> -> memref<1x128xi32, #tpu.memory_space<vmem>>
      %dma_wait3A_74 = tpu.memref_squeeze %dma_wait3A_73 : memref<1x128xi32, #tpu.memory_space<vmem>> -> memref<128xi32, #tpu.memory_space<vmem>>
      %dma_wait3A_75 = arith.constant 0 : i32
      %dma_wait3A_76 = arith.constant 0 : i32
      %dma_wait3A_77 = tpu.memref_slice %arg2[%dma_wait3A_75, %dma_wait3A_76] : memref<10000x128xf32, #tpu.memory_space<hbm>> -> memref<10000x128xf32, #tpu.memory_space<hbm>>
      tpu.wait_indirect_dma semaphore(%arg11 : memref<!tpu.dma_semaphore, #tpu.memory_space<semaphore_mem>>) src(%dma_wait3A_77 : memref<10000x128xf32, #tpu.memory_space<hbm>>) dst(%arg9 : memref<128x128xf32, #tpu.memory_space<vmem>>)
      %run_scoped3A = arith.constant 0 : i32
      "tpu.region"() ({
        %run_scoped3A_78 = tpu.sem_alloc : memref<!tpu.dma_semaphore, #tpu.memory_space<semaphore_mem>>
        %dma_start3A_79 = arith.constant 0 : i32
        %dma_start3A_80 = tpu.memref_slice %arg8[%run_scoped3A, %dma_start3A_79] : memref<39x128xi32, #tpu.memory_space<vmem>> -> memref<1x128xi32, #tpu.memory_space<vmem>>
        %dma_start3A_81 = tpu.memref_squeeze %dma_start3A_80 : memref<1x128xi32, #tpu.memory_space<vmem>> -> memref<128xi32, #tpu.memory_space<vmem>>
        %dma_start3A_82 = arith.constant 0 : i32
        %dma_start3A_83 = arith.constant 0 : i32
        %dma_start3A_84 = tpu.memref_slice %arg13[%dma_start3A_82, %dma_start3A_83] : memref<10000x128xf32, #tpu.memory_space<vmem_shared>> -> memref<10000x128xf32, #tpu.memory_space<vmem_shared>>
        tpu.enqueue_indirect_dma source(%arg9 : memref<128x128xf32, #tpu.memory_space<vmem>>) target(%dma_start3A_84 : memref<10000x128xf32, #tpu.memory_space<vmem_shared>>) offsets(%dma_start3A_81 : memref<128xi32, #tpu.memory_space<vmem>>) semaphore(%run_scoped3A_78 : memref<!tpu.dma_semaphore, #tpu.memory_space<semaphore_mem>>) {add = true}
        %dma_wait3A_85 = arith.constant 0 : i32
        %dma_wait3A_86 = tpu.memref_slice %arg8[%run_scoped3A, %dma_wait3A_85] : memref<39x128xi32, #tpu.memory_space<vmem>> -> memref<1x128xi32, #tpu.memory_space<vmem>>
        %dma_wait3A_87 = tpu.memref_squeeze %dma_wait3A_86 : memref<1x128xi32, #tpu.memory_space<vmem>> -> memref<128xi32, #tpu.memory_space<vmem>>
        %dma_wait3A_88 = arith.constant 0 : i32
        %dma_wait3A_89 = arith.constant 0 : i32
        %dma_wait3A_90 = tpu.memref_slice %arg13[%dma_wait3A_88, %dma_wait3A_89] : memref<10000x128xf32, #tpu.memory_space<vmem_shared>> -> memref<10000x128xf32, #tpu.memory_space<vmem_shared>>
        tpu.wait_indirect_dma semaphore(%run_scoped3A_78 : memref<!tpu.dma_semaphore, #tpu.memory_space<semaphore_mem>>) src(%arg9 : memref<128x128xf32, #tpu.memory_space<vmem>>) dst(%dma_wait3A_90 : memref<10000x128xf32, #tpu.memory_space<vmem_shared>>)
        tpu.yield
      }) : () -> ()
    } else {
    }
    %barrier3A_55 = arith.constant 0 : index
    tpu.barrier barrier_id(%barrier3A_55)
    "tpu.region"() ({
      %run_scoped3A = tpu.sem_alloc : memref<!tpu.dma_semaphore, #tpu.memory_space<semaphore_mem>>
      %dma_start3A_61 = arith.constant 0 : i32
      %dma_start3A_62 = tpu.memref_slice %arg6[%arg0, %mul3A_2, %dma_start3A_61] : memref<2x10000x128xf32, #tpu.memory_space<hbm>> -> memref<1x624x128xf32, #tpu.memory_space<hbm>>
      %dma_start3A_63 = tpu.memref_squeeze %dma_start3A_62 : memref<1x624x128xf32, #tpu.memory_space<hbm>> -> memref<624x128xf32, #tpu.memory_space<hbm>>
      %dma_start3A_64 = arith.constant 0 : i32
      %dma_start3A_65 = tpu.memref_slice %arg13[%mul3A_2, %dma_start3A_64] : memref<10000x128xf32, #tpu.memory_space<vmem_shared>> -> memref<624x128xf32, #tpu.memory_space<vmem_shared>>
      tpu.enqueue_dma source(%dma_start3A_65 : memref<624x128xf32, #tpu.memory_space<vmem_shared>>) target(%dma_start3A_63 : memref<624x128xf32, #tpu.memory_space<hbm>>) target_semaphore(%run_scoped3A : memref<!tpu.dma_semaphore, #tpu.memory_space<semaphore_mem>>)
      %dma_wait3A = arith.constant 0 : i32
      %dma_wait3A_66 = tpu.memref_slice %arg6[%arg0, %mul3A_2, %dma_wait3A] : memref<2x10000x128xf32, #tpu.memory_space<hbm>> -> memref<1x624x128xf32, #tpu.memory_space<hbm>>
      %dma_wait3A_67 = tpu.memref_squeeze %dma_wait3A_66 : memref<1x624x128xf32, #tpu.memory_space<hbm>> -> memref<624x128xf32, #tpu.memory_space<hbm>>
      %dma_wait3A_68 = arith.constant 0 : i32
      %dma_wait3A_69 = tpu.memref_slice %arg13[%mul3A_2, %dma_wait3A_68] : memref<10000x128xf32, #tpu.memory_space<vmem_shared>> -> memref<624x128xf32, #tpu.memory_space<vmem_shared>>
      tpu.wait_dma2 semaphore(%run_scoped3A : memref<!tpu.dma_semaphore, #tpu.memory_space<semaphore_mem>>) src(%dma_wait3A_69 : memref<624x128xf32, #tpu.memory_space<vmem_shared>>) dst(%dma_wait3A_67 : memref<624x128xf32, #tpu.memory_space<hbm>>)
      tpu.yield
    }) : () -> ()
    %eq3A_56 = arith.constant 15 : i32
    %eq3A_57 = arith.cmpi eq, %arg1, %eq3A_56 : i32
    %convert_element_type3A_58 = arith.extui %eq3A_57 : i1 to i32
    %cond3A_59 = arith.constant 0 : i32
    %cond3A_60 = arith.cmpi ne, %convert_element_type3A_58, %cond3A_59 : i32
    scf.if %cond3A_60 {
      "tpu.region"() ({
        %run_scoped3A = tpu.sem_alloc : memref<!tpu.dma_semaphore, #tpu.memory_space<semaphore_mem>>
        %dma_start3A_61 = arith.constant 9984 : i32
        %dma_start3A_62 = arith.constant 0 : i32
        %dma_start3A_63 = tpu.memref_slice %arg6[%arg0, %dma_start3A_61, %dma_start3A_62] : memref<2x10000x128xf32, #tpu.memory_space<hbm>> -> memref<1x16x128xf32, #tpu.memory_space<hbm>>
        %dma_start3A_64 = tpu.memref_squeeze %dma_start3A_63 : memref<1x16x128xf32, #tpu.memory_space<hbm>> -> memref<16x128xf32, #tpu.memory_space<hbm>>
        %dma_start3A_65 = arith.constant 9984 : i32
        %dma_start3A_66 = arith.constant 0 : i32
        %dma_start3A_67 = tpu.memref_slice %arg13[%dma_start3A_65, %dma_start3A_66] : memref<10000x128xf32, #tpu.memory_space<vmem_shared>> -> memref<16x128xf32, #tpu.memory_space<vmem_shared>>
        tpu.enqueue_dma source(%dma_start3A_67 : memref<16x128xf32, #tpu.memory_space<vmem_shared>>) target(%dma_start3A_64 : memref<16x128xf32, #tpu.memory_space<hbm>>) target_semaphore(%run_scoped3A : memref<!tpu.dma_semaphore, #tpu.memory_space<semaphore_mem>>)
        %dma_wait3A = arith.constant 9984 : i32
        %dma_wait3A_68 = arith.constant 0 : i32
        %dma_wait3A_69 = tpu.memref_slice %arg6[%arg0, %dma_wait3A, %dma_wait3A_68] : memref<2x10000x128xf32, #tpu.memory_space<hbm>> -> memref<1x16x128xf32, #tpu.memory_space<hbm>>
        %dma_wait3A_70 = tpu.memref_squeeze %dma_wait3A_69 : memref<1x16x128xf32, #tpu.memory_space<hbm>> -> memref<16x128xf32, #tpu.memory_space<hbm>>
        %dma_wait3A_71 = arith.constant 9984 : i32
        %dma_wait3A_72 = arith.constant 0 : i32
        %dma_wait3A_73 = tpu.memref_slice %arg13[%dma_wait3A_71, %dma_wait3A_72] : memref<10000x128xf32, #tpu.memory_space<vmem_shared>> -> memref<16x128xf32, #tpu.memory_space<vmem_shared>>
        tpu.wait_dma2 semaphore(%run_scoped3A : memref<!tpu.dma_semaphore, #tpu.memory_space<semaphore_mem>>) src(%dma_wait3A_73 : memref<16x128xf32, #tpu.memory_space<vmem_shared>>) dst(%dma_wait3A_70 : memref<16x128xf32, #tpu.memory_space<hbm>>)
        tpu.yield
      }) : () -> ()
    } else {
    }
    return
  }
}

#map = affine_map<(d0, d1) -> (0, 0)>
#map1 = affine_map<(d0, d1) -> (0, 0, 0)>
module attributes {stable_mosaic.version = 14 : i64} {
  func.func @agg(%arg0: i32, %arg1: i32, %arg2: memref<10000x128xf32, #tpu.memory_space<hbm>>, %arg3: memref<2500x128xi32, #tpu.memory_space<hbm>>, %arg4: memref<2500x128xi32, #tpu.memory_space<hbm>>, %arg5: memref<640x128xf32, #tpu.memory_space<hbm>>, %arg6: memref<2x10000x128xf32, #tpu.memory_space<hbm>>, %arg7: memref<39x128xi32, #tpu.memory_space<vmem>>, %arg8: memref<39x128xi32, #tpu.memory_space<vmem>>, %arg9: memref<128x128xf32, #tpu.memory_space<vmem>>, %arg10: memref<128x128xf32, #tpu.memory_space<vmem>>, %arg11: memref<!tpu.dma_semaphore, #tpu.memory_space<semaphore_mem>>, %arg12: memref<!tpu.dma_semaphore, #tpu.memory_space<semaphore_mem>>, %arg13: memref<10000x128xf32, #tpu.memory_space<vmem_shared>>) attributes {dimension_semantics = [#tpu.dimension_semantics<core_parallel>, #tpu.dimension_semantics<subcore_parallel>], iteration_bounds = array<i64: 2, 16>, scalar_prefetch = 0 : i64, scratch_operands = 7 : i64, tpu.core_type = #tpu.core_type<sc_vector_subcore>, window_params = [{transform_indices = #map}, {transform_indices = #map}, {transform_indices = #map}, {transform_indices = #map}, {transform_indices = #map1}]} {
    %mul3A = arith.constant 16 : i32
    %mul3A_0 = arith.muli %arg0, %mul3A : i32
    %add3A = arith.addi %mul3A_0, %arg1 : i32
    %mul3A_1 = arith.constant 624 : i32
    %mul3A_2 = arith.muli %arg1, %mul3A_1 : i32
    "tpu.region"() ({
      %run_scoped3A = tpu.sem_alloc : memref<!tpu.dma_semaphore, #tpu.memory_space<semaphore_mem>>
      %dma_start3A_61 = arith.constant 0 : i32
      %dma_start3A_62 = tpu.memref_slice %arg13[%mul3A_2, %dma_start3A_61] : memref<10000x128xf32, #tpu.memory_space<vmem_shared>> -> memref<624x128xf32, #tpu.memory_space<vmem_shared>>
      %dma_start3A_63 = arith.constant 0 : i32
      %dma_start3A_64 = arith.constant 0 : i32
      %dma_start3A_65 = tpu.memref_slice %arg5[%dma_start3A_63, %dma_start3A_64] : memref<640x128xf32, #tpu.memory_space<hbm>> -> memref<624x128xf32, #tpu.memory_space<hbm>>
      tpu.enqueue_dma source(%dma_start3A_65 : memref<624x128xf32, #tpu.memory_space<hbm>>) target(%dma_start3A_62 : memref<624x128xf32, #tpu.memory_space<vmem_shared>>) target_semaphore(%run_scoped3A : memref<!tpu.dma_semaphore, #tpu.memory_space<semaphore_mem>>)
      %dma_wait3A = arith.constant 0 : i32
      %dma_wait3A_66 = tpu.memref_slice %arg13[%mul3A_2, %dma_wait3A] : memref<10000x128xf32, #tpu.memory_space<vmem_shared>> -> memref<624x128xf32, #tpu.memory_space<vmem_shared>>
      %dma_wait3A_67 = arith.constant 0 : i32
      %dma_wait3A_68 = arith.constant 0 : i32
      %dma_wait3A_69 = tpu.memref_slice %arg5[%dma_wait3A_67, %dma_wait3A_68] : memref<640x128xf32, #tpu.memory_space<hbm>> -> memref<624x128xf32, #tpu.memory_space<hbm>>
      tpu.wait_dma2 semaphore(%run_scoped3A : memref<!tpu.dma_semaphore, #tpu.memory_space<semaphore_mem>>) src(%dma_wait3A_69 : memref<624x128xf32, #tpu.memory_space<hbm>>) dst(%dma_wait3A_66 : memref<624x128xf32, #tpu.memory_space<vmem_shared>>)
      tpu.yield
    }) : () -> ()
    %eq3A = arith.constant 15 : i32
    %eq3A_3 = arith.cmpi eq, %arg1, %eq3A : i32
    %convert_element_type3A = arith.extui %eq3A_3 : i1 to i32
    %cond3A = arith.constant 0 : i32
    %cond3A_4 = arith.cmpi ne, %convert_element_type3A, %cond3A : i32
    scf.if %cond3A_4 {
      "tpu.region"() ({
        %run_scoped3A = tpu.sem_alloc : memref<!tpu.dma_semaphore, #tpu.memory_space<semaphore_mem>>
        %dma_start3A_61 = arith.constant 9984 : i32
        %dma_start3A_62 = arith.constant 0 : i32
        %dma_start3A_63 = tpu.memref_slice %arg13[%dma_start3A_61, %dma_start3A_62] : memref<10000x128xf32, #tpu.memory_space<vmem_shared>> -> memref<16x128xf32, #tpu.memory_space<vmem_shared>>
        %dma_start3A_64 = arith.constant 624 : i32
        %dma_start3A_65 = arith.constant 0 : i32
        %dma_start3A_66 = tpu.memref_slice %arg5[%dma_start3A_64, %dma_start3A_65] : memref<640x128xf32, #tpu.memory_space<hbm>> -> memref<16x128xf32, #tpu.memory_space<hbm>>
        tpu.enqueue_dma source(%dma_start3A_66 : memref<16x128xf32, #tpu.memory_space<hbm>>) target(%dma_start3A_63 : memref<16x128xf32, #tpu.memory_space<vmem_shared>>) target_semaphore(%run_scoped3A : memref<!tpu.dma_semaphore, #tpu.memory_space<semaphore_mem>>)
        %dma_wait3A = arith.constant 9984 : i32
        %dma_wait3A_67 = arith.constant 0 : i32
        %dma_wait3A_68 = tpu.memref_slice %arg13[%dma_wait3A, %dma_wait3A_67] : memref<10000x128xf32, #tpu.memory_space<vmem_shared>> -> memref<16x128xf32, #tpu.memory_space<vmem_shared>>
        %dma_wait3A_69 = arith.constant 624 : i32
        %dma_wait3A_70 = arith.constant 0 : i32
        %dma_wait3A_71 = tpu.memref_slice %arg5[%dma_wait3A_69, %dma_wait3A_70] : memref<640x128xf32, #tpu.memory_space<hbm>> -> memref<16x128xf32, #tpu.memory_space<hbm>>
        tpu.wait_dma2 semaphore(%run_scoped3A : memref<!tpu.dma_semaphore, #tpu.memory_space<semaphore_mem>>) src(%dma_wait3A_71 : memref<16x128xf32, #tpu.memory_space<hbm>>) dst(%dma_wait3A_68 : memref<16x128xf32, #tpu.memory_space<vmem_shared>>)
        tpu.yield
      }) : () -> ()
    } else {
    }
    %mul3A_5 = arith.constant 78 : i32
    %mul3A_6 = arith.muli %add3A, %mul3A_5 : i32
    %add3A_7 = arith.constant 0 : i32
    %add3A_8 = arith.addi %mul3A_6, %add3A_7 : i32
    "tpu.region"() ({
      %run_scoped3A = tpu.sem_alloc : memref<!tpu.dma_semaphore, #tpu.memory_space<semaphore_mem>>
      %dma_start3A_61 = arith.constant 0 : i32
      %dma_start3A_62 = tpu.memref_slice %arg3[%add3A_8, %dma_start3A_61] : memref<2500x128xi32, #tpu.memory_space<hbm>> -> memref<39x128xi32, #tpu.memory_space<hbm>>
      %dma_start3A_63 = arith.constant 0 : i32
      %dma_start3A_64 = tpu.memref_slice %arg3[%add3A_8, %dma_start3A_63] : memref<2500x128xi32, #tpu.memory_space<hbm>> -> memref<39x128xi32, #tpu.memory_space<hbm>>
      tpu.enqueue_dma source(%dma_start3A_64 : memref<39x128xi32, #tpu.memory_space<hbm>>) target(%arg7 : memref<39x128xi32, #tpu.memory_space<vmem>>) target_semaphore(%run_scoped3A : memref<!tpu.dma_semaphore, #tpu.memory_space<semaphore_mem>>)
      %dma_wait3A = arith.constant 0 : i32
      %dma_wait3A_65 = tpu.memref_slice %arg3[%add3A_8, %dma_wait3A] : memref<2500x128xi32, #tpu.memory_space<hbm>> -> memref<39x128xi32, #tpu.memory_space<hbm>>
      %dma_wait3A_66 = arith.constant 0 : i32
      %dma_wait3A_67 = tpu.memref_slice %arg3[%add3A_8, %dma_wait3A_66] : memref<2500x128xi32, #tpu.memory_space<hbm>> -> memref<39x128xi32, #tpu.memory_space<hbm>>
      tpu.wait_dma2 semaphore(%run_scoped3A : memref<!tpu.dma_semaphore, #tpu.memory_space<semaphore_mem>>) src(%dma_wait3A_67 : memref<39x128xi32, #tpu.memory_space<hbm>>) dst(%arg7 : memref<39x128xi32, #tpu.memory_space<vmem>>)
      tpu.yield
    }) : () -> ()
    "tpu.region"() ({
      %run_scoped3A = tpu.sem_alloc : memref<!tpu.dma_semaphore, #tpu.memory_space<semaphore_mem>>
      %dma_start3A_61 = arith.constant 0 : i32
      %dma_start3A_62 = tpu.memref_slice %arg4[%add3A_8, %dma_start3A_61] : memref<2500x128xi32, #tpu.memory_space<hbm>> -> memref<39x128xi32, #tpu.memory_space<hbm>>
      %dma_start3A_63 = arith.constant 0 : i32
      %dma_start3A_64 = tpu.memref_slice %arg4[%add3A_8, %dma_start3A_63] : memref<2500x128xi32, #tpu.memory_space<hbm>> -> memref<39x128xi32, #tpu.memory_space<hbm>>
      tpu.enqueue_dma source(%dma_start3A_64 : memref<39x128xi32, #tpu.memory_space<hbm>>) target(%arg8 : memref<39x128xi32, #tpu.memory_space<vmem>>) target_semaphore(%run_scoped3A : memref<!tpu.dma_semaphore, #tpu.memory_space<semaphore_mem>>)
      %dma_wait3A = arith.constant 0 : i32
      %dma_wait3A_65 = tpu.memref_slice %arg4[%add3A_8, %dma_wait3A] : memref<2500x128xi32, #tpu.memory_space<hbm>> -> memref<39x128xi32, #tpu.memory_space<hbm>>
      %dma_wait3A_66 = arith.constant 0 : i32
      %dma_wait3A_67 = tpu.memref_slice %arg4[%add3A_8, %dma_wait3A_66] : memref<2500x128xi32, #tpu.memory_space<hbm>> -> memref<39x128xi32, #tpu.memory_space<hbm>>
      tpu.wait_dma2 semaphore(%run_scoped3A : memref<!tpu.dma_semaphore, #tpu.memory_space<semaphore_mem>>) src(%dma_wait3A_67 : memref<39x128xi32, #tpu.memory_space<hbm>>) dst(%arg8 : memref<39x128xi32, #tpu.memory_space<vmem>>)
      tpu.yield
    }) : () -> ()
    %dma_start3A = arith.constant 0 : i32
    %dma_start3A_9 = arith.constant 0 : i32
    %dma_start3A_10 = tpu.memref_slice %arg7[%dma_start3A, %dma_start3A_9] : memref<39x128xi32, #tpu.memory_space<vmem>> -> memref<1x128xi32, #tpu.memory_space<vmem>>
    %dma_start3A_11 = tpu.memref_squeeze %dma_start3A_10 : memref<1x128xi32, #tpu.memory_space<vmem>> -> memref<128xi32, #tpu.memory_space<vmem>>
    %dma_start3A_12 = arith.constant 0 : i32
    %dma_start3A_13 = arith.constant 0 : i32
    %dma_start3A_14 = tpu.memref_slice %arg2[%dma_start3A_12, %dma_start3A_13] : memref<10000x128xf32, #tpu.memory_space<hbm>> -> memref<10000x128xf32, #tpu.memory_space<hbm>>
    tpu.enqueue_indirect_dma source(%dma_start3A_14 : memref<10000x128xf32, #tpu.memory_space<hbm>>) target(%arg9 : memref<128x128xf32, #tpu.memory_space<vmem>>) offsets(%dma_start3A_11 : memref<128xi32, #tpu.memory_space<vmem>>) semaphore(%arg11 : memref<!tpu.dma_semaphore, #tpu.memory_space<semaphore_mem>>)
    %dma_start3A_15 = arith.constant 1 : i32
    %dma_start3A_16 = arith.constant 0 : i32
    %dma_start3A_17 = tpu.memref_slice %arg7[%dma_start3A_15, %dma_start3A_16] : memref<39x128xi32, #tpu.memory_space<vmem>> -> memref<1x128xi32, #tpu.memory_space<vmem>>
    %dma_start3A_18 = tpu.memref_squeeze %dma_start3A_17 : memref<1x128xi32, #tpu.memory_space<vmem>> -> memref<128xi32, #tpu.memory_space<vmem>>
    %dma_start3A_19 = arith.constant 0 : i32
    %dma_start3A_20 = arith.constant 0 : i32
    %dma_start3A_21 = tpu.memref_slice %arg2[%dma_start3A_19, %dma_start3A_20] : memref<10000x128xf32, #tpu.memory_space<hbm>> -> memref<10000x128xf32, #tpu.memory_space<hbm>>
    tpu.enqueue_indirect_dma source(%dma_start3A_21 : memref<10000x128xf32, #tpu.memory_space<hbm>>) target(%arg10 : memref<128x128xf32, #tpu.memory_space<vmem>>) offsets(%dma_start3A_18 : memref<128xi32, #tpu.memory_space<vmem>>) semaphore(%arg12 : memref<!tpu.dma_semaphore, #tpu.memory_space<semaphore_mem>>)
    %barrier3A = arith.constant 0 : index
    tpu.barrier barrier_id(%barrier3A)
    %scan3A = arith.constant 0 : i32
    %scan3A_22 = arith.constant 0 : i32
    %scan3A_23 = arith.constant 20 : i32
    %scan3A_24 = arith.addi %scan3A_22, %scan3A_23 : i32
    %scan3A_25 = arith.constant 1 : i32
    scf.for %scan3A_61 = %scan3A_22 to %scan3A_24 step %scan3A_25  : i32 {
      %mul3A_62 = arith.constant 2 : i32
      %mul3A_63 = arith.muli %scan3A_61, %mul3A_62 : i32
      %add3A_64 = arith.constant 0 : i32
      %add3A_65 = arith.addi %mul3A_63, %add3A_64 : i32
      %lt3A_66 = arith.constant 39 : i32
      %lt3A_67 = arith.cmpi slt, %add3A_65, %lt3A_66 : i32
      %convert_element_type3A_68 = arith.extui %lt3A_67 : i1 to i32
      %cond3A_69 = arith.constant 0 : i32
      %cond3A_70 = arith.cmpi ne, %convert_element_type3A_68, %cond3A_69 : i32
      scf.if %cond3A_70 {
        %dma_wait3A = arith.constant 0 : i32
        %dma_wait3A_80 = arith.constant 0 : i32
        %dma_wait3A_81 = tpu.memref_slice %arg7[%dma_wait3A, %dma_wait3A_80] : memref<39x128xi32, #tpu.memory_space<vmem>> -> memref<1x128xi32, #tpu.memory_space<vmem>>
        %dma_wait3A_82 = tpu.memref_squeeze %dma_wait3A_81 : memref<1x128xi32, #tpu.memory_space<vmem>> -> memref<128xi32, #tpu.memory_space<vmem>>
        %dma_wait3A_83 = arith.constant 0 : i32
        %dma_wait3A_84 = arith.constant 0 : i32
        %dma_wait3A_85 = tpu.memref_slice %arg2[%dma_wait3A_83, %dma_wait3A_84] : memref<10000x128xf32, #tpu.memory_space<hbm>> -> memref<10000x128xf32, #tpu.memory_space<hbm>>
        tpu.wait_indirect_dma semaphore(%arg11 : memref<!tpu.dma_semaphore, #tpu.memory_space<semaphore_mem>>) src(%dma_wait3A_85 : memref<10000x128xf32, #tpu.memory_space<hbm>>) dst(%arg9 : memref<128x128xf32, #tpu.memory_space<vmem>>)
        "tpu.region"() ({
          %run_scoped3A = tpu.sem_alloc : memref<!tpu.dma_semaphore, #tpu.memory_space<semaphore_mem>>
          %dma_start3A_93 = arith.constant 0 : i32
          %dma_start3A_94 = tpu.memref_slice %arg8[%add3A_65, %dma_start3A_93] : memref<39x128xi32, #tpu.memory_space<vmem>> -> memref<1x128xi32, #tpu.memory_space<vmem>>
          %dma_start3A_95 = tpu.memref_squeeze %dma_start3A_94 : memref<1x128xi32, #tpu.memory_space<vmem>> -> memref<128xi32, #tpu.memory_space<vmem>>
          %dma_start3A_96 = arith.constant 0 : i32
          %dma_start3A_97 = arith.constant 0 : i32
          %dma_start3A_98 = tpu.memref_slice %arg13[%dma_start3A_96, %dma_start3A_97] : memref<10000x128xf32, #tpu.memory_space<vmem_shared>> -> memref<10000x128xf32, #tpu.memory_space<vmem_shared>>
          tpu.enqueue_indirect_dma source(%arg9 : memref<128x128xf32, #tpu.memory_space<vmem>>) target(%dma_start3A_98 : memref<10000x128xf32, #tpu.memory_space<vmem_shared>>) offsets(%dma_start3A_95 : memref<128xi32, #tpu.memory_space<vmem>>) semaphore(%run_scoped3A : memref<!tpu.dma_semaphore, #tpu.memory_space<semaphore_mem>>) {add = true}
          %dma_wait3A_99 = arith.constant 0 : i32
          %dma_wait3A_100 = tpu.memref_slice %arg8[%add3A_65, %dma_wait3A_99] : memref<39x128xi32, #tpu.memory_space<vmem>> -> memref<1x128xi32, #tpu.memory_space<vmem>>
          %dma_wait3A_101 = tpu.memref_squeeze %dma_wait3A_100 : memref<1x128xi32, #tpu.memory_space<vmem>> -> memref<128xi32, #tpu.memory_space<vmem>>
          %dma_wait3A_102 = arith.constant 0 : i32
          %dma_wait3A_103 = arith.constant 0 : i32
          %dma_wait3A_104 = tpu.memref_slice %arg13[%dma_wait3A_102, %dma_wait3A_103] : memref<10000x128xf32, #tpu.memory_space<vmem_shared>> -> memref<10000x128xf32, #tpu.memory_space<vmem_shared>>
          tpu.wait_indirect_dma semaphore(%run_scoped3A : memref<!tpu.dma_semaphore, #tpu.memory_space<semaphore_mem>>) src(%arg9 : memref<128x128xf32, #tpu.memory_space<vmem>>) dst(%dma_wait3A_104 : memref<10000x128xf32, #tpu.memory_space<vmem_shared>>)
          tpu.yield
        }) : () -> ()
        %add3A_86 = arith.constant 2 : i32
        %add3A_87 = arith.addi %add3A_65, %add3A_86 : i32
        %lt3A_88 = arith.constant 39 : i32
        %lt3A_89 = arith.cmpi slt, %add3A_87, %lt3A_88 : i32
        %convert_element_type3A_90 = arith.extui %lt3A_89 : i1 to i32
        %cond3A_91 = arith.constant 0 : i32
        %cond3A_92 = arith.cmpi ne, %convert_element_type3A_90, %cond3A_91 : i32
        scf.if %cond3A_92 {
          %add3A_93 = arith.constant 2 : i32
          %add3A_94 = arith.addi %add3A_65, %add3A_93 : i32
          %dma_start3A_95 = arith.constant 0 : i32
          %dma_start3A_96 = tpu.memref_slice %arg7[%add3A_94, %dma_start3A_95] : memref<39x128xi32, #tpu.memory_space<vmem>> -> memref<1x128xi32, #tpu.memory_space<vmem>>
          %dma_start3A_97 = tpu.memref_squeeze %dma_start3A_96 : memref<1x128xi32, #tpu.memory_space<vmem>> -> memref<128xi32, #tpu.memory_space<vmem>>
          %dma_start3A_98 = arith.constant 0 : i32
          %dma_start3A_99 = arith.constant 0 : i32
          %dma_start3A_100 = tpu.memref_slice %arg2[%dma_start3A_98, %dma_start3A_99] : memref<10000x128xf32, #tpu.memory_space<hbm>> -> memref<10000x128xf32, #tpu.memory_space<hbm>>
          tpu.enqueue_indirect_dma source(%dma_start3A_100 : memref<10000x128xf32, #tpu.memory_space<hbm>>) target(%arg9 : memref<128x128xf32, #tpu.memory_space<vmem>>) offsets(%dma_start3A_97 : memref<128xi32, #tpu.memory_space<vmem>>) semaphore(%arg11 : memref<!tpu.dma_semaphore, #tpu.memory_space<semaphore_mem>>)
        } else {
        }
      } else {
      }
      %mul3A_71 = arith.constant 2 : i32
      %mul3A_72 = arith.muli %scan3A_61, %mul3A_71 : i32
      %add3A_73 = arith.constant 1 : i32
      %add3A_74 = arith.addi %mul3A_72, %add3A_73 : i32
      %lt3A_75 = arith.constant 39 : i32
      %lt3A_76 = arith.cmpi slt, %add3A_74, %lt3A_75 : i32
      %convert_element_type3A_77 = arith.extui %lt3A_76 : i1 to i32
      %cond3A_78 = arith.constant 0 : i32
      %cond3A_79 = arith.cmpi ne, %convert_element_type3A_77, %cond3A_78 : i32
      scf.if %cond3A_79 {
        %dma_wait3A = arith.constant 0 : i32
        %dma_wait3A_80 = arith.constant 0 : i32
        %dma_wait3A_81 = tpu.memref_slice %arg7[%dma_wait3A, %dma_wait3A_80] : memref<39x128xi32, #tpu.memory_space<vmem>> -> memref<1x128xi32, #tpu.memory_space<vmem>>
        %dma_wait3A_82 = tpu.memref_squeeze %dma_wait3A_81 : memref<1x128xi32, #tpu.memory_space<vmem>> -> memref<128xi32, #tpu.memory_space<vmem>>
        %dma_wait3A_83 = arith.constant 0 : i32
        %dma_wait3A_84 = arith.constant 0 : i32
        %dma_wait3A_85 = tpu.memref_slice %arg2[%dma_wait3A_83, %dma_wait3A_84] : memref<10000x128xf32, #tpu.memory_space<hbm>> -> memref<10000x128xf32, #tpu.memory_space<hbm>>
        tpu.wait_indirect_dma semaphore(%arg12 : memref<!tpu.dma_semaphore, #tpu.memory_space<semaphore_mem>>) src(%dma_wait3A_85 : memref<10000x128xf32, #tpu.memory_space<hbm>>) dst(%arg10 : memref<128x128xf32, #tpu.memory_space<vmem>>)
        "tpu.region"() ({
          %run_scoped3A = tpu.sem_alloc : memref<!tpu.dma_semaphore, #tpu.memory_space<semaphore_mem>>
          %dma_start3A_93 = arith.constant 0 : i32
          %dma_start3A_94 = tpu.memref_slice %arg8[%add3A_74, %dma_start3A_93] : memref<39x128xi32, #tpu.memory_space<vmem>> -> memref<1x128xi32, #tpu.memory_space<vmem>>
          %dma_start3A_95 = tpu.memref_squeeze %dma_start3A_94 : memref<1x128xi32, #tpu.memory_space<vmem>> -> memref<128xi32, #tpu.memory_space<vmem>>
          %dma_start3A_96 = arith.constant 0 : i32
          %dma_start3A_97 = arith.constant 0 : i32
          %dma_start3A_98 = tpu.memref_slice %arg13[%dma_start3A_96, %dma_start3A_97] : memref<10000x128xf32, #tpu.memory_space<vmem_shared>> -> memref<10000x128xf32, #tpu.memory_space<vmem_shared>>
          tpu.enqueue_indirect_dma source(%arg10 : memref<128x128xf32, #tpu.memory_space<vmem>>) target(%dma_start3A_98 : memref<10000x128xf32, #tpu.memory_space<vmem_shared>>) offsets(%dma_start3A_95 : memref<128xi32, #tpu.memory_space<vmem>>) semaphore(%run_scoped3A : memref<!tpu.dma_semaphore, #tpu.memory_space<semaphore_mem>>) {add = true}
          %dma_wait3A_99 = arith.constant 0 : i32
          %dma_wait3A_100 = tpu.memref_slice %arg8[%add3A_74, %dma_wait3A_99] : memref<39x128xi32, #tpu.memory_space<vmem>> -> memref<1x128xi32, #tpu.memory_space<vmem>>
          %dma_wait3A_101 = tpu.memref_squeeze %dma_wait3A_100 : memref<1x128xi32, #tpu.memory_space<vmem>> -> memref<128xi32, #tpu.memory_space<vmem>>
          %dma_wait3A_102 = arith.constant 0 : i32
          %dma_wait3A_103 = arith.constant 0 : i32
          %dma_wait3A_104 = tpu.memref_slice %arg13[%dma_wait3A_102, %dma_wait3A_103] : memref<10000x128xf32, #tpu.memory_space<vmem_shared>> -> memref<10000x128xf32, #tpu.memory_space<vmem_shared>>
          tpu.wait_indirect_dma semaphore(%run_scoped3A : memref<!tpu.dma_semaphore, #tpu.memory_space<semaphore_mem>>) src(%arg10 : memref<128x128xf32, #tpu.memory_space<vmem>>) dst(%dma_wait3A_104 : memref<10000x128xf32, #tpu.memory_space<vmem_shared>>)
          tpu.yield
        }) : () -> ()
        %add3A_86 = arith.constant 2 : i32
        %add3A_87 = arith.addi %add3A_74, %add3A_86 : i32
        %lt3A_88 = arith.constant 39 : i32
        %lt3A_89 = arith.cmpi slt, %add3A_87, %lt3A_88 : i32
        %convert_element_type3A_90 = arith.extui %lt3A_89 : i1 to i32
        %cond3A_91 = arith.constant 0 : i32
        %cond3A_92 = arith.cmpi ne, %convert_element_type3A_90, %cond3A_91 : i32
        scf.if %cond3A_92 {
          %add3A_93 = arith.constant 2 : i32
          %add3A_94 = arith.addi %add3A_74, %add3A_93 : i32
          %dma_start3A_95 = arith.constant 0 : i32
          %dma_start3A_96 = tpu.memref_slice %arg7[%add3A_94, %dma_start3A_95] : memref<39x128xi32, #tpu.memory_space<vmem>> -> memref<1x128xi32, #tpu.memory_space<vmem>>
          %dma_start3A_97 = tpu.memref_squeeze %dma_start3A_96 : memref<1x128xi32, #tpu.memory_space<vmem>> -> memref<128xi32, #tpu.memory_space<vmem>>
          %dma_start3A_98 = arith.constant 0 : i32
          %dma_start3A_99 = arith.constant 0 : i32
          %dma_start3A_100 = tpu.memref_slice %arg2[%dma_start3A_98, %dma_start3A_99] : memref<10000x128xf32, #tpu.memory_space<hbm>> -> memref<10000x128xf32, #tpu.memory_space<hbm>>
          tpu.enqueue_indirect_dma source(%dma_start3A_100 : memref<10000x128xf32, #tpu.memory_space<hbm>>) target(%arg10 : memref<128x128xf32, #tpu.memory_space<vmem>>) offsets(%dma_start3A_97 : memref<128xi32, #tpu.memory_space<vmem>>) semaphore(%arg12 : memref<!tpu.dma_semaphore, #tpu.memory_space<semaphore_mem>>)
        } else {
        }
      } else {
      }
    }
    %scan3A_26 = arith.constant 20 : i32
    %mul3A_27 = arith.constant 78 : i32
    %mul3A_28 = arith.muli %add3A, %mul3A_27 : i32
    %add3A_29 = arith.constant 39 : i32
    %add3A_30 = arith.addi %mul3A_28, %add3A_29 : i32
    "tpu.region"() ({
      %run_scoped3A = tpu.sem_alloc : memref<!tpu.dma_semaphore, #tpu.memory_space<semaphore_mem>>
      %dma_start3A_61 = arith.constant 0 : i32
      %dma_start3A_62 = tpu.memref_slice %arg3[%add3A_30, %dma_start3A_61] : memref<2500x128xi32, #tpu.memory_space<hbm>> -> memref<39x128xi32, #tpu.memory_space<hbm>>
      %dma_start3A_63 = arith.constant 0 : i32
      %dma_start3A_64 = tpu.memref_slice %arg3[%add3A_30, %dma_start3A_63] : memref<2500x128xi32, #tpu.memory_space<hbm>> -> memref<39x128xi32, #tpu.memory_space<hbm>>
      tpu.enqueue_dma source(%dma_start3A_64 : memref<39x128xi32, #tpu.memory_space<hbm>>) target(%arg7 : memref<39x128xi32, #tpu.memory_space<vmem>>) target_semaphore(%run_scoped3A : memref<!tpu.dma_semaphore, #tpu.memory_space<semaphore_mem>>)
      %dma_wait3A = arith.constant 0 : i32
      %dma_wait3A_65 = tpu.memref_slice %arg3[%add3A_30, %dma_wait3A] : memref<2500x128xi32, #tpu.memory_space<hbm>> -> memref<39x128xi32, #tpu.memory_space<hbm>>
      %dma_wait3A_66 = arith.constant 0 : i32
      %dma_wait3A_67 = tpu.memref_slice %arg3[%add3A_30, %dma_wait3A_66] : memref<2500x128xi32, #tpu.memory_space<hbm>> -> memref<39x128xi32, #tpu.memory_space<hbm>>
      tpu.wait_dma2 semaphore(%run_scoped3A : memref<!tpu.dma_semaphore, #tpu.memory_space<semaphore_mem>>) src(%dma_wait3A_67 : memref<39x128xi32, #tpu.memory_space<hbm>>) dst(%arg7 : memref<39x128xi32, #tpu.memory_space<vmem>>)
      tpu.yield
    }) : () -> ()
    "tpu.region"() ({
      %run_scoped3A = tpu.sem_alloc : memref<!tpu.dma_semaphore, #tpu.memory_space<semaphore_mem>>
      %dma_start3A_61 = arith.constant 0 : i32
      %dma_start3A_62 = tpu.memref_slice %arg4[%add3A_30, %dma_start3A_61] : memref<2500x128xi32, #tpu.memory_space<hbm>> -> memref<39x128xi32, #tpu.memory_space<hbm>>
      %dma_start3A_63 = arith.constant 0 : i32
      %dma_start3A_64 = tpu.memref_slice %arg4[%add3A_30, %dma_start3A_63] : memref<2500x128xi32, #tpu.memory_space<hbm>> -> memref<39x128xi32, #tpu.memory_space<hbm>>
      tpu.enqueue_dma source(%dma_start3A_64 : memref<39x128xi32, #tpu.memory_space<hbm>>) target(%arg8 : memref<39x128xi32, #tpu.memory_space<vmem>>) target_semaphore(%run_scoped3A : memref<!tpu.dma_semaphore, #tpu.memory_space<semaphore_mem>>)
      %dma_wait3A = arith.constant 0 : i32
      %dma_wait3A_65 = tpu.memref_slice %arg4[%add3A_30, %dma_wait3A] : memref<2500x128xi32, #tpu.memory_space<hbm>> -> memref<39x128xi32, #tpu.memory_space<hbm>>
      %dma_wait3A_66 = arith.constant 0 : i32
      %dma_wait3A_67 = tpu.memref_slice %arg4[%add3A_30, %dma_wait3A_66] : memref<2500x128xi32, #tpu.memory_space<hbm>> -> memref<39x128xi32, #tpu.memory_space<hbm>>
      tpu.wait_dma2 semaphore(%run_scoped3A : memref<!tpu.dma_semaphore, #tpu.memory_space<semaphore_mem>>) src(%dma_wait3A_67 : memref<39x128xi32, #tpu.memory_space<hbm>>) dst(%arg8 : memref<39x128xi32, #tpu.memory_space<vmem>>)
      tpu.yield
    }) : () -> ()
    %dma_start3A_31 = arith.constant 0 : i32
    %dma_start3A_32 = arith.constant 0 : i32
    %dma_start3A_33 = tpu.memref_slice %arg7[%dma_start3A_31, %dma_start3A_32] : memref<39x128xi32, #tpu.memory_space<vmem>> -> memref<1x128xi32, #tpu.memory_space<vmem>>
    %dma_start3A_34 = tpu.memref_squeeze %dma_start3A_33 : memref<1x128xi32, #tpu.memory_space<vmem>> -> memref<128xi32, #tpu.memory_space<vmem>>
    %dma_start3A_35 = arith.constant 0 : i32
    %dma_start3A_36 = arith.constant 0 : i32
    %dma_start3A_37 = tpu.memref_slice %arg2[%dma_start3A_35, %dma_start3A_36] : memref<10000x128xf32, #tpu.memory_space<hbm>> -> memref<10000x128xf32, #tpu.memory_space<hbm>>
    tpu.enqueue_indirect_dma source(%dma_start3A_37 : memref<10000x128xf32, #tpu.memory_space<hbm>>) target(%arg9 : memref<128x128xf32, #tpu.memory_space<vmem>>) offsets(%dma_start3A_34 : memref<128xi32, #tpu.memory_space<vmem>>) semaphore(%arg11 : memref<!tpu.dma_semaphore, #tpu.memory_space<semaphore_mem>>)
    %dma_start3A_38 = arith.constant 1 : i32
    %dma_start3A_39 = arith.constant 0 : i32
    %dma_start3A_40 = tpu.memref_slice %arg7[%dma_start3A_38, %dma_start3A_39] : memref<39x128xi32, #tpu.memory_space<vmem>> -> memref<1x128xi32, #tpu.memory_space<vmem>>
    %dma_start3A_41 = tpu.memref_squeeze %dma_start3A_40 : memref<1x128xi32, #tpu.memory_space<vmem>> -> memref<128xi32, #tpu.memory_space<vmem>>
    %dma_start3A_42 = arith.constant 0 : i32
    %dma_start3A_43 = arith.constant 0 : i32
    %dma_start3A_44 = tpu.memref_slice %arg2[%dma_start3A_42, %dma_start3A_43] : memref<10000x128xf32, #tpu.memory_space<hbm>> -> memref<10000x128xf32, #tpu.memory_space<hbm>>
    tpu.enqueue_indirect_dma source(%dma_start3A_44 : memref<10000x128xf32, #tpu.memory_space<hbm>>) target(%arg10 : memref<128x128xf32, #tpu.memory_space<vmem>>) offsets(%dma_start3A_41 : memref<128xi32, #tpu.memory_space<vmem>>) semaphore(%arg12 : memref<!tpu.dma_semaphore, #tpu.memory_space<semaphore_mem>>)
    %scan3A_45 = arith.constant 0 : i32
    %scan3A_46 = arith.constant 0 : i32
    %scan3A_47 = arith.constant 20 : i32
    %scan3A_48 = arith.addi %scan3A_46, %scan3A_47 : i32
    %scan3A_49 = arith.constant 1 : i32
    scf.for %scan3A_61 = %scan3A_46 to %scan3A_48 step %scan3A_49  : i32 {
      %mul3A_62 = arith.constant 2 : i32
      %mul3A_63 = arith.muli %scan3A_61, %mul3A_62 : i32
      %add3A_64 = arith.constant 0 : i32
      %add3A_65 = arith.addi %mul3A_63, %add3A_64 : i32
      %lt3A_66 = arith.constant 39 : i32
      %lt3A_67 = arith.cmpi slt, %add3A_65, %lt3A_66 : i32
      %convert_element_type3A_68 = arith.extui %lt3A_67 : i1 to i32
      %cond3A_69 = arith.constant 0 : i32
      %cond3A_70 = arith.cmpi ne, %convert_element_type3A_68, %cond3A_69 : i32
      scf.if %cond3A_70 {
        %dma_wait3A = arith.constant 0 : i32
        %dma_wait3A_80 = arith.constant 0 : i32
        %dma_wait3A_81 = tpu.memref_slice %arg7[%dma_wait3A, %dma_wait3A_80] : memref<39x128xi32, #tpu.memory_space<vmem>> -> memref<1x128xi32, #tpu.memory_space<vmem>>
        %dma_wait3A_82 = tpu.memref_squeeze %dma_wait3A_81 : memref<1x128xi32, #tpu.memory_space<vmem>> -> memref<128xi32, #tpu.memory_space<vmem>>
        %dma_wait3A_83 = arith.constant 0 : i32
        %dma_wait3A_84 = arith.constant 0 : i32
        %dma_wait3A_85 = tpu.memref_slice %arg2[%dma_wait3A_83, %dma_wait3A_84] : memref<10000x128xf32, #tpu.memory_space<hbm>> -> memref<10000x128xf32, #tpu.memory_space<hbm>>
        tpu.wait_indirect_dma semaphore(%arg11 : memref<!tpu.dma_semaphore, #tpu.memory_space<semaphore_mem>>) src(%dma_wait3A_85 : memref<10000x128xf32, #tpu.memory_space<hbm>>) dst(%arg9 : memref<128x128xf32, #tpu.memory_space<vmem>>)
        "tpu.region"() ({
          %run_scoped3A = tpu.sem_alloc : memref<!tpu.dma_semaphore, #tpu.memory_space<semaphore_mem>>
          %dma_start3A_93 = arith.constant 0 : i32
          %dma_start3A_94 = tpu.memref_slice %arg8[%add3A_65, %dma_start3A_93] : memref<39x128xi32, #tpu.memory_space<vmem>> -> memref<1x128xi32, #tpu.memory_space<vmem>>
          %dma_start3A_95 = tpu.memref_squeeze %dma_start3A_94 : memref<1x128xi32, #tpu.memory_space<vmem>> -> memref<128xi32, #tpu.memory_space<vmem>>
          %dma_start3A_96 = arith.constant 0 : i32
          %dma_start3A_97 = arith.constant 0 : i32
          %dma_start3A_98 = tpu.memref_slice %arg13[%dma_start3A_96, %dma_start3A_97] : memref<10000x128xf32, #tpu.memory_space<vmem_shared>> -> memref<10000x128xf32, #tpu.memory_space<vmem_shared>>
          tpu.enqueue_indirect_dma source(%arg9 : memref<128x128xf32, #tpu.memory_space<vmem>>) target(%dma_start3A_98 : memref<10000x128xf32, #tpu.memory_space<vmem_shared>>) offsets(%dma_start3A_95 : memref<128xi32, #tpu.memory_space<vmem>>) semaphore(%run_scoped3A : memref<!tpu.dma_semaphore, #tpu.memory_space<semaphore_mem>>) {add = true}
          %dma_wait3A_99 = arith.constant 0 : i32
          %dma_wait3A_100 = tpu.memref_slice %arg8[%add3A_65, %dma_wait3A_99] : memref<39x128xi32, #tpu.memory_space<vmem>> -> memref<1x128xi32, #tpu.memory_space<vmem>>
          %dma_wait3A_101 = tpu.memref_squeeze %dma_wait3A_100 : memref<1x128xi32, #tpu.memory_space<vmem>> -> memref<128xi32, #tpu.memory_space<vmem>>
          %dma_wait3A_102 = arith.constant 0 : i32
          %dma_wait3A_103 = arith.constant 0 : i32
          %dma_wait3A_104 = tpu.memref_slice %arg13[%dma_wait3A_102, %dma_wait3A_103] : memref<10000x128xf32, #tpu.memory_space<vmem_shared>> -> memref<10000x128xf32, #tpu.memory_space<vmem_shared>>
          tpu.wait_indirect_dma semaphore(%run_scoped3A : memref<!tpu.dma_semaphore, #tpu.memory_space<semaphore_mem>>) src(%arg9 : memref<128x128xf32, #tpu.memory_space<vmem>>) dst(%dma_wait3A_104 : memref<10000x128xf32, #tpu.memory_space<vmem_shared>>)
          tpu.yield
        }) : () -> ()
        %add3A_86 = arith.constant 2 : i32
        %add3A_87 = arith.addi %add3A_65, %add3A_86 : i32
        %lt3A_88 = arith.constant 39 : i32
        %lt3A_89 = arith.cmpi slt, %add3A_87, %lt3A_88 : i32
        %convert_element_type3A_90 = arith.extui %lt3A_89 : i1 to i32
        %cond3A_91 = arith.constant 0 : i32
        %cond3A_92 = arith.cmpi ne, %convert_element_type3A_90, %cond3A_91 : i32
        scf.if %cond3A_92 {
          %add3A_93 = arith.constant 2 : i32
          %add3A_94 = arith.addi %add3A_65, %add3A_93 : i32
          %dma_start3A_95 = arith.constant 0 : i32
          %dma_start3A_96 = tpu.memref_slice %arg7[%add3A_94, %dma_start3A_95] : memref<39x128xi32, #tpu.memory_space<vmem>> -> memref<1x128xi32, #tpu.memory_space<vmem>>
          %dma_start3A_97 = tpu.memref_squeeze %dma_start3A_96 : memref<1x128xi32, #tpu.memory_space<vmem>> -> memref<128xi32, #tpu.memory_space<vmem>>
          %dma_start3A_98 = arith.constant 0 : i32
          %dma_start3A_99 = arith.constant 0 : i32
          %dma_start3A_100 = tpu.memref_slice %arg2[%dma_start3A_98, %dma_start3A_99] : memref<10000x128xf32, #tpu.memory_space<hbm>> -> memref<10000x128xf32, #tpu.memory_space<hbm>>
          tpu.enqueue_indirect_dma source(%dma_start3A_100 : memref<10000x128xf32, #tpu.memory_space<hbm>>) target(%arg9 : memref<128x128xf32, #tpu.memory_space<vmem>>) offsets(%dma_start3A_97 : memref<128xi32, #tpu.memory_space<vmem>>) semaphore(%arg11 : memref<!tpu.dma_semaphore, #tpu.memory_space<semaphore_mem>>)
        } else {
        }
      } else {
      }
      %mul3A_71 = arith.constant 2 : i32
      %mul3A_72 = arith.muli %scan3A_61, %mul3A_71 : i32
      %add3A_73 = arith.constant 1 : i32
      %add3A_74 = arith.addi %mul3A_72, %add3A_73 : i32
      %lt3A_75 = arith.constant 39 : i32
      %lt3A_76 = arith.cmpi slt, %add3A_74, %lt3A_75 : i32
      %convert_element_type3A_77 = arith.extui %lt3A_76 : i1 to i32
      %cond3A_78 = arith.constant 0 : i32
      %cond3A_79 = arith.cmpi ne, %convert_element_type3A_77, %cond3A_78 : i32
      scf.if %cond3A_79 {
        %dma_wait3A = arith.constant 0 : i32
        %dma_wait3A_80 = arith.constant 0 : i32
        %dma_wait3A_81 = tpu.memref_slice %arg7[%dma_wait3A, %dma_wait3A_80] : memref<39x128xi32, #tpu.memory_space<vmem>> -> memref<1x128xi32, #tpu.memory_space<vmem>>
        %dma_wait3A_82 = tpu.memref_squeeze %dma_wait3A_81 : memref<1x128xi32, #tpu.memory_space<vmem>> -> memref<128xi32, #tpu.memory_space<vmem>>
        %dma_wait3A_83 = arith.constant 0 : i32
        %dma_wait3A_84 = arith.constant 0 : i32
        %dma_wait3A_85 = tpu.memref_slice %arg2[%dma_wait3A_83, %dma_wait3A_84] : memref<10000x128xf32, #tpu.memory_space<hbm>> -> memref<10000x128xf32, #tpu.memory_space<hbm>>
        tpu.wait_indirect_dma semaphore(%arg12 : memref<!tpu.dma_semaphore, #tpu.memory_space<semaphore_mem>>) src(%dma_wait3A_85 : memref<10000x128xf32, #tpu.memory_space<hbm>>) dst(%arg10 : memref<128x128xf32, #tpu.memory_space<vmem>>)
        "tpu.region"() ({
          %run_scoped3A = tpu.sem_alloc : memref<!tpu.dma_semaphore, #tpu.memory_space<semaphore_mem>>
          %dma_start3A_93 = arith.constant 0 : i32
          %dma_start3A_94 = tpu.memref_slice %arg8[%add3A_74, %dma_start3A_93] : memref<39x128xi32, #tpu.memory_space<vmem>> -> memref<1x128xi32, #tpu.memory_space<vmem>>
          %dma_start3A_95 = tpu.memref_squeeze %dma_start3A_94 : memref<1x128xi32, #tpu.memory_space<vmem>> -> memref<128xi32, #tpu.memory_space<vmem>>
          %dma_start3A_96 = arith.constant 0 : i32
          %dma_start3A_97 = arith.constant 0 : i32
          %dma_start3A_98 = tpu.memref_slice %arg13[%dma_start3A_96, %dma_start3A_97] : memref<10000x128xf32, #tpu.memory_space<vmem_shared>> -> memref<10000x128xf32, #tpu.memory_space<vmem_shared>>
          tpu.enqueue_indirect_dma source(%arg10 : memref<128x128xf32, #tpu.memory_space<vmem>>) target(%dma_start3A_98 : memref<10000x128xf32, #tpu.memory_space<vmem_shared>>) offsets(%dma_start3A_95 : memref<128xi32, #tpu.memory_space<vmem>>) semaphore(%run_scoped3A : memref<!tpu.dma_semaphore, #tpu.memory_space<semaphore_mem>>) {add = true}
          %dma_wait3A_99 = arith.constant 0 : i32
          %dma_wait3A_100 = tpu.memref_slice %arg8[%add3A_74, %dma_wait3A_99] : memref<39x128xi32, #tpu.memory_space<vmem>> -> memref<1x128xi32, #tpu.memory_space<vmem>>
          %dma_wait3A_101 = tpu.memref_squeeze %dma_wait3A_100 : memref<1x128xi32, #tpu.memory_space<vmem>> -> memref<128xi32, #tpu.memory_space<vmem>>
          %dma_wait3A_102 = arith.constant 0 : i32
          %dma_wait3A_103 = arith.constant 0 : i32
          %dma_wait3A_104 = tpu.memref_slice %arg13[%dma_wait3A_102, %dma_wait3A_103] : memref<10000x128xf32, #tpu.memory_space<vmem_shared>> -> memref<10000x128xf32, #tpu.memory_space<vmem_shared>>
          tpu.wait_indirect_dma semaphore(%run_scoped3A : memref<!tpu.dma_semaphore, #tpu.memory_space<semaphore_mem>>) src(%arg10 : memref<128x128xf32, #tpu.memory_space<vmem>>) dst(%dma_wait3A_104 : memref<10000x128xf32, #tpu.memory_space<vmem_shared>>)
          tpu.yield
        }) : () -> ()
        %add3A_86 = arith.constant 2 : i32
        %add3A_87 = arith.addi %add3A_74, %add3A_86 : i32
        %lt3A_88 = arith.constant 39 : i32
        %lt3A_89 = arith.cmpi slt, %add3A_87, %lt3A_88 : i32
        %convert_element_type3A_90 = arith.extui %lt3A_89 : i1 to i32
        %cond3A_91 = arith.constant 0 : i32
        %cond3A_92 = arith.cmpi ne, %convert_element_type3A_90, %cond3A_91 : i32
        scf.if %cond3A_92 {
          %add3A_93 = arith.constant 2 : i32
          %add3A_94 = arith.addi %add3A_74, %add3A_93 : i32
          %dma_start3A_95 = arith.constant 0 : i32
          %dma_start3A_96 = tpu.memref_slice %arg7[%add3A_94, %dma_start3A_95] : memref<39x128xi32, #tpu.memory_space<vmem>> -> memref<1x128xi32, #tpu.memory_space<vmem>>
          %dma_start3A_97 = tpu.memref_squeeze %dma_start3A_96 : memref<1x128xi32, #tpu.memory_space<vmem>> -> memref<128xi32, #tpu.memory_space<vmem>>
          %dma_start3A_98 = arith.constant 0 : i32
          %dma_start3A_99 = arith.constant 0 : i32
          %dma_start3A_100 = tpu.memref_slice %arg2[%dma_start3A_98, %dma_start3A_99] : memref<10000x128xf32, #tpu.memory_space<hbm>> -> memref<10000x128xf32, #tpu.memory_space<hbm>>
          tpu.enqueue_indirect_dma source(%dma_start3A_100 : memref<10000x128xf32, #tpu.memory_space<hbm>>) target(%arg10 : memref<128x128xf32, #tpu.memory_space<vmem>>) offsets(%dma_start3A_97 : memref<128xi32, #tpu.memory_space<vmem>>) semaphore(%arg12 : memref<!tpu.dma_semaphore, #tpu.memory_space<semaphore_mem>>)
        } else {
        }
      } else {
      }
    }
    %scan3A_50 = arith.constant 20 : i32
    %lt3A = arith.constant 4 : i32
    %lt3A_51 = arith.cmpi slt, %add3A, %lt3A : i32
    %convert_element_type3A_52 = arith.extui %lt3A_51 : i1 to i32
    %cond3A_53 = arith.constant 0 : i32
    %cond3A_54 = arith.cmpi ne, %convert_element_type3A_52, %cond3A_53 : i32
    scf.if %cond3A_54 {
      %add3A_61 = arith.constant 2496 : i32
      %add3A_62 = arith.addi %add3A_61, %add3A : i32
      "tpu.region"() ({
        %run_scoped3A_78 = tpu.sem_alloc : memref<!tpu.dma_semaphore, #tpu.memory_space<semaphore_mem>>
        %dma_start3A_79 = arith.constant 0 : i32
        %dma_start3A_80 = arith.constant 0 : i32
        %dma_start3A_81 = tpu.memref_slice %arg7[%dma_start3A_79, %dma_start3A_80] : memref<39x128xi32, #tpu.memory_space<vmem>> -> memref<1x128xi32, #tpu.memory_space<vmem>>
        %dma_start3A_82 = arith.constant 0 : i32
        %dma_start3A_83 = tpu.memref_slice %arg3[%add3A_62, %dma_start3A_82] : memref<2500x128xi32, #tpu.memory_space<hbm>> -> memref<1x128xi32, #tpu.memory_space<hbm>>
        %dma_start3A_84 = arith.constant 0 : i32
        %dma_start3A_85 = arith.constant 0 : i32
        %dma_start3A_86 = tpu.memref_slice %arg7[%dma_start3A_84, %dma_start3A_85] : memref<39x128xi32, #tpu.memory_space<vmem>> -> memref<1x128xi32, #tpu.memory_space<vmem>>
        %dma_start3A_87 = arith.constant 0 : i32
        %dma_start3A_88 = tpu.memref_slice %arg3[%add3A_62, %dma_start3A_87] : memref<2500x128xi32, #tpu.memory_space<hbm>> -> memref<1x128xi32, #tpu.memory_space<hbm>>
        tpu.enqueue_dma source(%dma_start3A_88 : memref<1x128xi32, #tpu.memory_space<hbm>>) target(%dma_start3A_86 : memref<1x128xi32, #tpu.memory_space<vmem>>) target_semaphore(%run_scoped3A_78 : memref<!tpu.dma_semaphore, #tpu.memory_space<semaphore_mem>>)
        %dma_wait3A_89 = arith.constant 0 : i32
        %dma_wait3A_90 = arith.constant 0 : i32
        %dma_wait3A_91 = tpu.memref_slice %arg7[%dma_wait3A_89, %dma_wait3A_90] : memref<39x128xi32, #tpu.memory_space<vmem>> -> memref<1x128xi32, #tpu.memory_space<vmem>>
        %dma_wait3A_92 = arith.constant 0 : i32
        %dma_wait3A_93 = tpu.memref_slice %arg3[%add3A_62, %dma_wait3A_92] : memref<2500x128xi32, #tpu.memory_space<hbm>> -> memref<1x128xi32, #tpu.memory_space<hbm>>
        %dma_wait3A_94 = arith.constant 0 : i32
        %dma_wait3A_95 = arith.constant 0 : i32
        %dma_wait3A_96 = tpu.memref_slice %arg7[%dma_wait3A_94, %dma_wait3A_95] : memref<39x128xi32, #tpu.memory_space<vmem>> -> memref<1x128xi32, #tpu.memory_space<vmem>>
        %dma_wait3A_97 = arith.constant 0 : i32
        %dma_wait3A_98 = tpu.memref_slice %arg3[%add3A_62, %dma_wait3A_97] : memref<2500x128xi32, #tpu.memory_space<hbm>> -> memref<1x128xi32, #tpu.memory_space<hbm>>
        tpu.wait_dma2 semaphore(%run_scoped3A_78 : memref<!tpu.dma_semaphore, #tpu.memory_space<semaphore_mem>>) src(%dma_wait3A_98 : memref<1x128xi32, #tpu.memory_space<hbm>>) dst(%dma_wait3A_96 : memref<1x128xi32, #tpu.memory_space<vmem>>)
        tpu.yield
      }) : () -> ()
      %add3A_63 = arith.constant 2496 : i32
      %add3A_64 = arith.addi %add3A_63, %add3A : i32
      "tpu.region"() ({
        %run_scoped3A_78 = tpu.sem_alloc : memref<!tpu.dma_semaphore, #tpu.memory_space<semaphore_mem>>
        %dma_start3A_79 = arith.constant 0 : i32
        %dma_start3A_80 = arith.constant 0 : i32
        %dma_start3A_81 = tpu.memref_slice %arg8[%dma_start3A_79, %dma_start3A_80] : memref<39x128xi32, #tpu.memory_space<vmem>> -> memref<1x128xi32, #tpu.memory_space<vmem>>
        %dma_start3A_82 = arith.constant 0 : i32
        %dma_start3A_83 = tpu.memref_slice %arg4[%add3A_64, %dma_start3A_82] : memref<2500x128xi32, #tpu.memory_space<hbm>> -> memref<1x128xi32, #tpu.memory_space<hbm>>
        %dma_start3A_84 = arith.constant 0 : i32
        %dma_start3A_85 = arith.constant 0 : i32
        %dma_start3A_86 = tpu.memref_slice %arg8[%dma_start3A_84, %dma_start3A_85] : memref<39x128xi32, #tpu.memory_space<vmem>> -> memref<1x128xi32, #tpu.memory_space<vmem>>
        %dma_start3A_87 = arith.constant 0 : i32
        %dma_start3A_88 = tpu.memref_slice %arg4[%add3A_64, %dma_start3A_87] : memref<2500x128xi32, #tpu.memory_space<hbm>> -> memref<1x128xi32, #tpu.memory_space<hbm>>
        tpu.enqueue_dma source(%dma_start3A_88 : memref<1x128xi32, #tpu.memory_space<hbm>>) target(%dma_start3A_86 : memref<1x128xi32, #tpu.memory_space<vmem>>) target_semaphore(%run_scoped3A_78 : memref<!tpu.dma_semaphore, #tpu.memory_space<semaphore_mem>>)
        %dma_wait3A_89 = arith.constant 0 : i32
        %dma_wait3A_90 = arith.constant 0 : i32
        %dma_wait3A_91 = tpu.memref_slice %arg8[%dma_wait3A_89, %dma_wait3A_90] : memref<39x128xi32, #tpu.memory_space<vmem>> -> memref<1x128xi32, #tpu.memory_space<vmem>>
        %dma_wait3A_92 = arith.constant 0 : i32
        %dma_wait3A_93 = tpu.memref_slice %arg4[%add3A_64, %dma_wait3A_92] : memref<2500x128xi32, #tpu.memory_space<hbm>> -> memref<1x128xi32, #tpu.memory_space<hbm>>
        %dma_wait3A_94 = arith.constant 0 : i32
        %dma_wait3A_95 = arith.constant 0 : i32
        %dma_wait3A_96 = tpu.memref_slice %arg8[%dma_wait3A_94, %dma_wait3A_95] : memref<39x128xi32, #tpu.memory_space<vmem>> -> memref<1x128xi32, #tpu.memory_space<vmem>>
        %dma_wait3A_97 = arith.constant 0 : i32
        %dma_wait3A_98 = tpu.memref_slice %arg4[%add3A_64, %dma_wait3A_97] : memref<2500x128xi32, #tpu.memory_space<hbm>> -> memref<1x128xi32, #tpu.memory_space<hbm>>
        tpu.wait_dma2 semaphore(%run_scoped3A_78 : memref<!tpu.dma_semaphore, #tpu.memory_space<semaphore_mem>>) src(%dma_wait3A_98 : memref<1x128xi32, #tpu.memory_space<hbm>>) dst(%dma_wait3A_96 : memref<1x128xi32, #tpu.memory_space<vmem>>)
        tpu.yield
      }) : () -> ()
      %dma_start3A_65 = arith.constant 0 : i32
      %dma_start3A_66 = arith.constant 0 : i32
      %dma_start3A_67 = tpu.memref_slice %arg7[%dma_start3A_65, %dma_start3A_66] : memref<39x128xi32, #tpu.memory_space<vmem>> -> memref<1x128xi32, #tpu.memory_space<vmem>>
      %dma_start3A_68 = tpu.memref_squeeze %dma_start3A_67 : memref<1x128xi32, #tpu.memory_space<vmem>> -> memref<128xi32, #tpu.memory_space<vmem>>
      %dma_start3A_69 = arith.constant 0 : i32
      %dma_start3A_70 = arith.constant 0 : i32
      %dma_start3A_71 = tpu.memref_slice %arg2[%dma_start3A_69, %dma_start3A_70] : memref<10000x128xf32, #tpu.memory_space<hbm>> -> memref<10000x128xf32, #tpu.memory_space<hbm>>
      tpu.enqueue_indirect_dma source(%dma_start3A_71 : memref<10000x128xf32, #tpu.memory_space<hbm>>) target(%arg9 : memref<128x128xf32, #tpu.memory_space<vmem>>) offsets(%dma_start3A_68 : memref<128xi32, #tpu.memory_space<vmem>>) semaphore(%arg11 : memref<!tpu.dma_semaphore, #tpu.memory_space<semaphore_mem>>)
      %dma_wait3A = arith.constant 0 : i32
      %dma_wait3A_72 = arith.constant 0 : i32
      %dma_wait3A_73 = tpu.memref_slice %arg7[%dma_wait3A, %dma_wait3A_72] : memref<39x128xi32, #tpu.memory_space<vmem>> -> memref<1x128xi32, #tpu.memory_space<vmem>>
      %dma_wait3A_74 = tpu.memref_squeeze %dma_wait3A_73 : memref<1x128xi32, #tpu.memory_space<vmem>> -> memref<128xi32, #tpu.memory_space<vmem>>
      %dma_wait3A_75 = arith.constant 0 : i32
      %dma_wait3A_76 = arith.constant 0 : i32
      %dma_wait3A_77 = tpu.memref_slice %arg2[%dma_wait3A_75, %dma_wait3A_76] : memref<10000x128xf32, #tpu.memory_space<hbm>> -> memref<10000x128xf32, #tpu.memory_space<hbm>>
      tpu.wait_indirect_dma semaphore(%arg11 : memref<!tpu.dma_semaphore, #tpu.memory_space<semaphore_mem>>) src(%dma_wait3A_77 : memref<10000x128xf32, #tpu.memory_space<hbm>>) dst(%arg9 : memref<128x128xf32, #tpu.memory_space<vmem>>)
      %run_scoped3A = arith.constant 0 : i32
      "tpu.region"() ({
        %run_scoped3A_78 = tpu.sem_alloc : memref<!tpu.dma_semaphore, #tpu.memory_space<semaphore_mem>>
        %dma_start3A_79 = arith.constant 0 : i32
        %dma_start3A_80 = tpu.memref_slice %arg8[%run_scoped3A, %dma_start3A_79] : memref<39x128xi32, #tpu.memory_space<vmem>> -> memref<1x128xi32, #tpu.memory_space<vmem>>
        %dma_start3A_81 = tpu.memref_squeeze %dma_start3A_80 : memref<1x128xi32, #tpu.memory_space<vmem>> -> memref<128xi32, #tpu.memory_space<vmem>>
        %dma_start3A_82 = arith.constant 0 : i32
        %dma_start3A_83 = arith.constant 0 : i32
        %dma_start3A_84 = tpu.memref_slice %arg13[%dma_start3A_82, %dma_start3A_83] : memref<10000x128xf32, #tpu.memory_space<vmem_shared>> -> memref<10000x128xf32, #tpu.memory_space<vmem_shared>>
        tpu.enqueue_indirect_dma source(%arg9 : memref<128x128xf32, #tpu.memory_space<vmem>>) target(%dma_start3A_84 : memref<10000x128xf32, #tpu.memory_space<vmem_shared>>) offsets(%dma_start3A_81 : memref<128xi32, #tpu.memory_space<vmem>>) semaphore(%run_scoped3A_78 : memref<!tpu.dma_semaphore, #tpu.memory_space<semaphore_mem>>) {add = true}
        %dma_wait3A_85 = arith.constant 0 : i32
        %dma_wait3A_86 = tpu.memref_slice %arg8[%run_scoped3A, %dma_wait3A_85] : memref<39x128xi32, #tpu.memory_space<vmem>> -> memref<1x128xi32, #tpu.memory_space<vmem>>
        %dma_wait3A_87 = tpu.memref_squeeze %dma_wait3A_86 : memref<1x128xi32, #tpu.memory_space<vmem>> -> memref<128xi32, #tpu.memory_space<vmem>>
        %dma_wait3A_88 = arith.constant 0 : i32
        %dma_wait3A_89 = arith.constant 0 : i32
        %dma_wait3A_90 = tpu.memref_slice %arg13[%dma_wait3A_88, %dma_wait3A_89] : memref<10000x128xf32, #tpu.memory_space<vmem_shared>> -> memref<10000x128xf32, #tpu.memory_space<vmem_shared>>
        tpu.wait_indirect_dma semaphore(%run_scoped3A_78 : memref<!tpu.dma_semaphore, #tpu.memory_space<semaphore_mem>>) src(%arg9 : memref<128x128xf32, #tpu.memory_space<vmem>>) dst(%dma_wait3A_90 : memref<10000x128xf32, #tpu.memory_space<vmem_shared>>)
        tpu.yield
      }) : () -> ()
    } else {
    }
    %barrier3A_55 = arith.constant 0 : index
    tpu.barrier barrier_id(%barrier3A_55)
    "tpu.region"() ({
      %run_scoped3A = tpu.sem_alloc : memref<!tpu.dma_semaphore, #tpu.memory_space<semaphore_mem>>
      %dma_start3A_61 = arith.constant 0 : i32
      %dma_start3A_62 = tpu.memref_slice %arg6[%arg0, %mul3A_2, %dma_start3A_61] : memref<2x10000x128xf32, #tpu.memory_space<hbm>> -> memref<1x624x128xf32, #tpu.memory_space<hbm>>
      %dma_start3A_63 = tpu.memref_squeeze %dma_start3A_62 : memref<1x624x128xf32, #tpu.memory_space<hbm>> -> memref<624x128xf32, #tpu.memory_space<hbm>>
      %dma_start3A_64 = arith.constant 0 : i32
      %dma_start3A_65 = tpu.memref_slice %arg13[%mul3A_2, %dma_start3A_64] : memref<10000x128xf32, #tpu.memory_space<vmem_shared>> -> memref<624x128xf32, #tpu.memory_space<vmem_shared>>
      tpu.enqueue_dma source(%dma_start3A_65 : memref<624x128xf32, #tpu.memory_space<vmem_shared>>) target(%dma_start3A_63 : memref<624x128xf32, #tpu.memory_space<hbm>>) target_semaphore(%run_scoped3A : memref<!tpu.dma_semaphore, #tpu.memory_space<semaphore_mem>>)
      %dma_wait3A = arith.constant 0 : i32
      %dma_wait3A_66 = tpu.memref_slice %arg6[%arg0, %mul3A_2, %dma_wait3A] : memref<2x10000x128xf32, #tpu.memory_space<hbm>> -> memref<1x624x128xf32, #tpu.memory_space<hbm>>
      %dma_wait3A_67 = tpu.memref_squeeze %dma_wait3A_66 : memref<1x624x128xf32, #tpu.memory_space<hbm>> -> memref<624x128xf32, #tpu.memory_space<hbm>>
      %dma_wait3A_68 = arith.constant 0 : i32
      %dma_wait3A_69 = tpu.memref_slice %arg13[%mul3A_2, %dma_wait3A_68] : memref<10000x128xf32, #tpu.memory_space<vmem_shared>> -> memref<624x128xf32, #tpu.memory_space<vmem_shared>>
      tpu.wait_dma2 semaphore(%run_scoped3A : memref<!tpu.dma_semaphore, #tpu.memory_space<semaphore_mem>>) src(%dma_wait3A_69 : memref<624x128xf32, #tpu.memory_space<vmem_shared>>) dst(%dma_wait3A_67 : memref<624x128xf32, #tpu.memory_space<hbm>>)
      tpu.yield
    }) : () -> ()
    %eq3A_56 = arith.constant 15 : i32
    %eq3A_57 = arith.cmpi eq, %arg1, %eq3A_56 : i32
    %convert_element_type3A_58 = arith.extui %eq3A_57 : i1 to i32
    %cond3A_59 = arith.constant 0 : i32
    %cond3A_60 = arith.cmpi ne, %convert_element_type3A_58, %cond3A_59 : i32
    scf.if %cond3A_60 {
      "tpu.region"() ({
        %run_scoped3A = tpu.sem_alloc : memref<!tpu.dma_semaphore, #tpu.memory_space<semaphore_mem>>
        %dma_start3A_61 = arith.constant 9984 : i32
        %dma_start3A_62 = arith.constant 0 : i32
        %dma_start3A_63 = tpu.memref_slice %arg6[%arg0, %dma_start3A_61, %dma_start3A_62] : memref<2x10000x128xf32, #tpu.memory_space<hbm>> -> memref<1x16x128xf32, #tpu.memory_space<hbm>>
        %dma_start3A_64 = tpu.memref_squeeze %dma_start3A_63 : memref<1x16x128xf32, #tpu.memory_space<hbm>> -> memref<16x128xf32, #tpu.memory_space<hbm>>
        %dma_start3A_65 = arith.constant 9984 : i32
        %dma_start3A_66 = arith.constant 0 : i32
        %dma_start3A_67 = tpu.memref_slice %arg13[%dma_start3A_65, %dma_start3A_66] : memref<10000x128xf32, #tpu.memory_space<vmem_shared>> -> memref<16x128xf32, #tpu.memory_space<vmem_shared>>
        tpu.enqueue_dma source(%dma_start3A_67 : memref<16x128xf32, #tpu.memory_space<vmem_shared>>) target(%dma_start3A_64 : memref<16x128xf32, #tpu.memory_space<hbm>>) target_semaphore(%run_scoped3A : memref<!tpu.dma_semaphore, #tpu.memory_space<semaphore_mem>>)
        %dma_wait3A = arith.constant 9984 : i32
        %dma_wait3A_68 = arith.constant 0 : i32
        %dma_wait3A_69 = tpu.memref_slice %arg6[%arg0, %dma_wait3A, %dma_wait3A_68] : memref<2x10000x128xf32, #tpu.memory_space<hbm>> -> memref<1x16x128xf32, #tpu.memory_space<hbm>>
        %dma_wait3A_70 = tpu.memref_squeeze %dma_wait3A_69 : memref<1x16x128xf32, #tpu.memory_space<hbm>> -> memref<16x128xf32, #tpu.memory_space<hbm>>
        %dma_wait3A_71 = arith.constant 9984 : i32
        %dma_wait3A_72 = arith.constant 0 : i32
        %dma_wait3A_73 = tpu.memref_slice %arg13[%dma_wait3A_71, %dma_wait3A_72] : memref<10000x128xf32, #tpu.memory_space<vmem_shared>> -> memref<16x128xf32, #tpu.memory_space<vmem_shared>>
        tpu.wait_dma2 semaphore(%run_scoped3A : memref<!tpu.dma_semaphore, #tpu.memory_space<semaphore_mem>>) src(%dma_wait3A_73 : memref<16x128xf32, #tpu.memory_space<vmem_shared>>) dst(%dma_wait3A_70 : memref<16x128xf32, #tpu.memory_space<hbm>>)
        tpu.yield
      }) : () -> ()
    } else {
    }
    return
  }
}

#map = affine_map<(d0, d1) -> (0, 0)>
#map1 = affine_map<(d0, d1) -> (0, 0, 0)>
module attributes {stable_mosaic.version = 14 : i64} {
  func.func @agg(%arg0: i32, %arg1: i32, %arg2: memref<10000x64xf32, #tpu.memory_space<hbm>>, %arg3: memref<2500x128xi32, #tpu.memory_space<hbm>>, %arg4: memref<2500x128xi32, #tpu.memory_space<hbm>>, %arg5: memref<640x64xf32, #tpu.memory_space<hbm>>, %arg6: memref<2x10000x64xf32, #tpu.memory_space<hbm>>, %arg7: memref<39x128xi32, #tpu.memory_space<vmem>>, %arg8: memref<39x128xi32, #tpu.memory_space<vmem>>, %arg9: memref<128x64xf32, #tpu.memory_space<vmem>>, %arg10: memref<128x64xf32, #tpu.memory_space<vmem>>, %arg11: memref<!tpu.dma_semaphore, #tpu.memory_space<semaphore_mem>>, %arg12: memref<!tpu.dma_semaphore, #tpu.memory_space<semaphore_mem>>, %arg13: memref<10000x64xf32, #tpu.memory_space<vmem_shared>>) attributes {dimension_semantics = [#tpu.dimension_semantics<core_parallel>, #tpu.dimension_semantics<subcore_parallel>], iteration_bounds = array<i64: 2, 16>, scalar_prefetch = 0 : i64, scratch_operands = 7 : i64, tpu.core_type = #tpu.core_type<sc_vector_subcore>, window_params = [{transform_indices = #map}, {transform_indices = #map}, {transform_indices = #map}, {transform_indices = #map}, {transform_indices = #map1}]} {
    %mul3A = arith.constant 16 : i32
    %mul3A_0 = arith.muli %arg0, %mul3A : i32
    %add3A = arith.addi %mul3A_0, %arg1 : i32
    %mul3A_1 = arith.constant 624 : i32
    %mul3A_2 = arith.muli %arg1, %mul3A_1 : i32
    "tpu.region"() ({
      %run_scoped3A = tpu.sem_alloc : memref<!tpu.dma_semaphore, #tpu.memory_space<semaphore_mem>>
      %dma_start3A_61 = arith.constant 0 : i32
      %dma_start3A_62 = tpu.memref_slice %arg13[%mul3A_2, %dma_start3A_61] : memref<10000x64xf32, #tpu.memory_space<vmem_shared>> -> memref<624x64xf32, #tpu.memory_space<vmem_shared>>
      %dma_start3A_63 = arith.constant 0 : i32
      %dma_start3A_64 = arith.constant 0 : i32
      %dma_start3A_65 = tpu.memref_slice %arg5[%dma_start3A_63, %dma_start3A_64] : memref<640x64xf32, #tpu.memory_space<hbm>> -> memref<624x64xf32, #tpu.memory_space<hbm>>
      tpu.enqueue_dma source(%dma_start3A_65 : memref<624x64xf32, #tpu.memory_space<hbm>>) target(%dma_start3A_62 : memref<624x64xf32, #tpu.memory_space<vmem_shared>>) target_semaphore(%run_scoped3A : memref<!tpu.dma_semaphore, #tpu.memory_space<semaphore_mem>>)
      %dma_wait3A = arith.constant 0 : i32
      %dma_wait3A_66 = tpu.memref_slice %arg13[%mul3A_2, %dma_wait3A] : memref<10000x64xf32, #tpu.memory_space<vmem_shared>> -> memref<624x64xf32, #tpu.memory_space<vmem_shared>>
      %dma_wait3A_67 = arith.constant 0 : i32
      %dma_wait3A_68 = arith.constant 0 : i32
      %dma_wait3A_69 = tpu.memref_slice %arg5[%dma_wait3A_67, %dma_wait3A_68] : memref<640x64xf32, #tpu.memory_space<hbm>> -> memref<624x64xf32, #tpu.memory_space<hbm>>
      tpu.wait_dma2 semaphore(%run_scoped3A : memref<!tpu.dma_semaphore, #tpu.memory_space<semaphore_mem>>) src(%dma_wait3A_69 : memref<624x64xf32, #tpu.memory_space<hbm>>) dst(%dma_wait3A_66 : memref<624x64xf32, #tpu.memory_space<vmem_shared>>)
      tpu.yield
    }) : () -> ()
    %eq3A = arith.constant 15 : i32
    %eq3A_3 = arith.cmpi eq, %arg1, %eq3A : i32
    %convert_element_type3A = arith.extui %eq3A_3 : i1 to i32
    %cond3A = arith.constant 0 : i32
    %cond3A_4 = arith.cmpi ne, %convert_element_type3A, %cond3A : i32
    scf.if %cond3A_4 {
      "tpu.region"() ({
        %run_scoped3A = tpu.sem_alloc : memref<!tpu.dma_semaphore, #tpu.memory_space<semaphore_mem>>
        %dma_start3A_61 = arith.constant 9984 : i32
        %dma_start3A_62 = arith.constant 0 : i32
        %dma_start3A_63 = tpu.memref_slice %arg13[%dma_start3A_61, %dma_start3A_62] : memref<10000x64xf32, #tpu.memory_space<vmem_shared>> -> memref<16x64xf32, #tpu.memory_space<vmem_shared>>
        %dma_start3A_64 = arith.constant 624 : i32
        %dma_start3A_65 = arith.constant 0 : i32
        %dma_start3A_66 = tpu.memref_slice %arg5[%dma_start3A_64, %dma_start3A_65] : memref<640x64xf32, #tpu.memory_space<hbm>> -> memref<16x64xf32, #tpu.memory_space<hbm>>
        tpu.enqueue_dma source(%dma_start3A_66 : memref<16x64xf32, #tpu.memory_space<hbm>>) target(%dma_start3A_63 : memref<16x64xf32, #tpu.memory_space<vmem_shared>>) target_semaphore(%run_scoped3A : memref<!tpu.dma_semaphore, #tpu.memory_space<semaphore_mem>>)
        %dma_wait3A = arith.constant 9984 : i32
        %dma_wait3A_67 = arith.constant 0 : i32
        %dma_wait3A_68 = tpu.memref_slice %arg13[%dma_wait3A, %dma_wait3A_67] : memref<10000x64xf32, #tpu.memory_space<vmem_shared>> -> memref<16x64xf32, #tpu.memory_space<vmem_shared>>
        %dma_wait3A_69 = arith.constant 624 : i32
        %dma_wait3A_70 = arith.constant 0 : i32
        %dma_wait3A_71 = tpu.memref_slice %arg5[%dma_wait3A_69, %dma_wait3A_70] : memref<640x64xf32, #tpu.memory_space<hbm>> -> memref<16x64xf32, #tpu.memory_space<hbm>>
        tpu.wait_dma2 semaphore(%run_scoped3A : memref<!tpu.dma_semaphore, #tpu.memory_space<semaphore_mem>>) src(%dma_wait3A_71 : memref<16x64xf32, #tpu.memory_space<hbm>>) dst(%dma_wait3A_68 : memref<16x64xf32, #tpu.memory_space<vmem_shared>>)
        tpu.yield
      }) : () -> ()
    } else {
    }
    %mul3A_5 = arith.constant 78 : i32
    %mul3A_6 = arith.muli %add3A, %mul3A_5 : i32
    %add3A_7 = arith.constant 0 : i32
    %add3A_8 = arith.addi %mul3A_6, %add3A_7 : i32
    "tpu.region"() ({
      %run_scoped3A = tpu.sem_alloc : memref<!tpu.dma_semaphore, #tpu.memory_space<semaphore_mem>>
      %dma_start3A_61 = arith.constant 0 : i32
      %dma_start3A_62 = tpu.memref_slice %arg3[%add3A_8, %dma_start3A_61] : memref<2500x128xi32, #tpu.memory_space<hbm>> -> memref<39x128xi32, #tpu.memory_space<hbm>>
      %dma_start3A_63 = arith.constant 0 : i32
      %dma_start3A_64 = tpu.memref_slice %arg3[%add3A_8, %dma_start3A_63] : memref<2500x128xi32, #tpu.memory_space<hbm>> -> memref<39x128xi32, #tpu.memory_space<hbm>>
      tpu.enqueue_dma source(%dma_start3A_64 : memref<39x128xi32, #tpu.memory_space<hbm>>) target(%arg7 : memref<39x128xi32, #tpu.memory_space<vmem>>) target_semaphore(%run_scoped3A : memref<!tpu.dma_semaphore, #tpu.memory_space<semaphore_mem>>)
      %dma_wait3A = arith.constant 0 : i32
      %dma_wait3A_65 = tpu.memref_slice %arg3[%add3A_8, %dma_wait3A] : memref<2500x128xi32, #tpu.memory_space<hbm>> -> memref<39x128xi32, #tpu.memory_space<hbm>>
      %dma_wait3A_66 = arith.constant 0 : i32
      %dma_wait3A_67 = tpu.memref_slice %arg3[%add3A_8, %dma_wait3A_66] : memref<2500x128xi32, #tpu.memory_space<hbm>> -> memref<39x128xi32, #tpu.memory_space<hbm>>
      tpu.wait_dma2 semaphore(%run_scoped3A : memref<!tpu.dma_semaphore, #tpu.memory_space<semaphore_mem>>) src(%dma_wait3A_67 : memref<39x128xi32, #tpu.memory_space<hbm>>) dst(%arg7 : memref<39x128xi32, #tpu.memory_space<vmem>>)
      tpu.yield
    }) : () -> ()
    "tpu.region"() ({
      %run_scoped3A = tpu.sem_alloc : memref<!tpu.dma_semaphore, #tpu.memory_space<semaphore_mem>>
      %dma_start3A_61 = arith.constant 0 : i32
      %dma_start3A_62 = tpu.memref_slice %arg4[%add3A_8, %dma_start3A_61] : memref<2500x128xi32, #tpu.memory_space<hbm>> -> memref<39x128xi32, #tpu.memory_space<hbm>>
      %dma_start3A_63 = arith.constant 0 : i32
      %dma_start3A_64 = tpu.memref_slice %arg4[%add3A_8, %dma_start3A_63] : memref<2500x128xi32, #tpu.memory_space<hbm>> -> memref<39x128xi32, #tpu.memory_space<hbm>>
      tpu.enqueue_dma source(%dma_start3A_64 : memref<39x128xi32, #tpu.memory_space<hbm>>) target(%arg8 : memref<39x128xi32, #tpu.memory_space<vmem>>) target_semaphore(%run_scoped3A : memref<!tpu.dma_semaphore, #tpu.memory_space<semaphore_mem>>)
      %dma_wait3A = arith.constant 0 : i32
      %dma_wait3A_65 = tpu.memref_slice %arg4[%add3A_8, %dma_wait3A] : memref<2500x128xi32, #tpu.memory_space<hbm>> -> memref<39x128xi32, #tpu.memory_space<hbm>>
      %dma_wait3A_66 = arith.constant 0 : i32
      %dma_wait3A_67 = tpu.memref_slice %arg4[%add3A_8, %dma_wait3A_66] : memref<2500x128xi32, #tpu.memory_space<hbm>> -> memref<39x128xi32, #tpu.memory_space<hbm>>
      tpu.wait_dma2 semaphore(%run_scoped3A : memref<!tpu.dma_semaphore, #tpu.memory_space<semaphore_mem>>) src(%dma_wait3A_67 : memref<39x128xi32, #tpu.memory_space<hbm>>) dst(%arg8 : memref<39x128xi32, #tpu.memory_space<vmem>>)
      tpu.yield
    }) : () -> ()
    %dma_start3A = arith.constant 0 : i32
    %dma_start3A_9 = arith.constant 0 : i32
    %dma_start3A_10 = tpu.memref_slice %arg7[%dma_start3A, %dma_start3A_9] : memref<39x128xi32, #tpu.memory_space<vmem>> -> memref<1x128xi32, #tpu.memory_space<vmem>>
    %dma_start3A_11 = tpu.memref_squeeze %dma_start3A_10 : memref<1x128xi32, #tpu.memory_space<vmem>> -> memref<128xi32, #tpu.memory_space<vmem>>
    %dma_start3A_12 = arith.constant 0 : i32
    %dma_start3A_13 = arith.constant 0 : i32
    %dma_start3A_14 = tpu.memref_slice %arg2[%dma_start3A_12, %dma_start3A_13] : memref<10000x64xf32, #tpu.memory_space<hbm>> -> memref<10000x64xf32, #tpu.memory_space<hbm>>
    tpu.enqueue_indirect_dma source(%dma_start3A_14 : memref<10000x64xf32, #tpu.memory_space<hbm>>) target(%arg9 : memref<128x64xf32, #tpu.memory_space<vmem>>) offsets(%dma_start3A_11 : memref<128xi32, #tpu.memory_space<vmem>>) semaphore(%arg11 : memref<!tpu.dma_semaphore, #tpu.memory_space<semaphore_mem>>)
    %dma_start3A_15 = arith.constant 1 : i32
    %dma_start3A_16 = arith.constant 0 : i32
    %dma_start3A_17 = tpu.memref_slice %arg7[%dma_start3A_15, %dma_start3A_16] : memref<39x128xi32, #tpu.memory_space<vmem>> -> memref<1x128xi32, #tpu.memory_space<vmem>>
    %dma_start3A_18 = tpu.memref_squeeze %dma_start3A_17 : memref<1x128xi32, #tpu.memory_space<vmem>> -> memref<128xi32, #tpu.memory_space<vmem>>
    %dma_start3A_19 = arith.constant 0 : i32
    %dma_start3A_20 = arith.constant 0 : i32
    %dma_start3A_21 = tpu.memref_slice %arg2[%dma_start3A_19, %dma_start3A_20] : memref<10000x64xf32, #tpu.memory_space<hbm>> -> memref<10000x64xf32, #tpu.memory_space<hbm>>
    tpu.enqueue_indirect_dma source(%dma_start3A_21 : memref<10000x64xf32, #tpu.memory_space<hbm>>) target(%arg10 : memref<128x64xf32, #tpu.memory_space<vmem>>) offsets(%dma_start3A_18 : memref<128xi32, #tpu.memory_space<vmem>>) semaphore(%arg12 : memref<!tpu.dma_semaphore, #tpu.memory_space<semaphore_mem>>)
    %barrier3A = arith.constant 0 : index
    tpu.barrier barrier_id(%barrier3A)
    %scan3A = arith.constant 0 : i32
    %scan3A_22 = arith.constant 0 : i32
    %scan3A_23 = arith.constant 20 : i32
    %scan3A_24 = arith.addi %scan3A_22, %scan3A_23 : i32
    %scan3A_25 = arith.constant 1 : i32
    scf.for %scan3A_61 = %scan3A_22 to %scan3A_24 step %scan3A_25  : i32 {
      %mul3A_62 = arith.constant 2 : i32
      %mul3A_63 = arith.muli %scan3A_61, %mul3A_62 : i32
      %add3A_64 = arith.constant 0 : i32
      %add3A_65 = arith.addi %mul3A_63, %add3A_64 : i32
      %lt3A_66 = arith.constant 39 : i32
      %lt3A_67 = arith.cmpi slt, %add3A_65, %lt3A_66 : i32
      %convert_element_type3A_68 = arith.extui %lt3A_67 : i1 to i32
      %cond3A_69 = arith.constant 0 : i32
      %cond3A_70 = arith.cmpi ne, %convert_element_type3A_68, %cond3A_69 : i32
      scf.if %cond3A_70 {
        %dma_wait3A = arith.constant 0 : i32
        %dma_wait3A_80 = arith.constant 0 : i32
        %dma_wait3A_81 = tpu.memref_slice %arg7[%dma_wait3A, %dma_wait3A_80] : memref<39x128xi32, #tpu.memory_space<vmem>> -> memref<1x128xi32, #tpu.memory_space<vmem>>
        %dma_wait3A_82 = tpu.memref_squeeze %dma_wait3A_81 : memref<1x128xi32, #tpu.memory_space<vmem>> -> memref<128xi32, #tpu.memory_space<vmem>>
        %dma_wait3A_83 = arith.constant 0 : i32
        %dma_wait3A_84 = arith.constant 0 : i32
        %dma_wait3A_85 = tpu.memref_slice %arg2[%dma_wait3A_83, %dma_wait3A_84] : memref<10000x64xf32, #tpu.memory_space<hbm>> -> memref<10000x64xf32, #tpu.memory_space<hbm>>
        tpu.wait_indirect_dma semaphore(%arg11 : memref<!tpu.dma_semaphore, #tpu.memory_space<semaphore_mem>>) src(%dma_wait3A_85 : memref<10000x64xf32, #tpu.memory_space<hbm>>) dst(%arg9 : memref<128x64xf32, #tpu.memory_space<vmem>>)
        "tpu.region"() ({
          %run_scoped3A = tpu.sem_alloc : memref<!tpu.dma_semaphore, #tpu.memory_space<semaphore_mem>>
          %dma_start3A_93 = arith.constant 0 : i32
          %dma_start3A_94 = tpu.memref_slice %arg8[%add3A_65, %dma_start3A_93] : memref<39x128xi32, #tpu.memory_space<vmem>> -> memref<1x128xi32, #tpu.memory_space<vmem>>
          %dma_start3A_95 = tpu.memref_squeeze %dma_start3A_94 : memref<1x128xi32, #tpu.memory_space<vmem>> -> memref<128xi32, #tpu.memory_space<vmem>>
          %dma_start3A_96 = arith.constant 0 : i32
          %dma_start3A_97 = arith.constant 0 : i32
          %dma_start3A_98 = tpu.memref_slice %arg13[%dma_start3A_96, %dma_start3A_97] : memref<10000x64xf32, #tpu.memory_space<vmem_shared>> -> memref<10000x64xf32, #tpu.memory_space<vmem_shared>>
          tpu.enqueue_indirect_dma source(%arg9 : memref<128x64xf32, #tpu.memory_space<vmem>>) target(%dma_start3A_98 : memref<10000x64xf32, #tpu.memory_space<vmem_shared>>) offsets(%dma_start3A_95 : memref<128xi32, #tpu.memory_space<vmem>>) semaphore(%run_scoped3A : memref<!tpu.dma_semaphore, #tpu.memory_space<semaphore_mem>>) {add = true}
          %dma_wait3A_99 = arith.constant 0 : i32
          %dma_wait3A_100 = tpu.memref_slice %arg8[%add3A_65, %dma_wait3A_99] : memref<39x128xi32, #tpu.memory_space<vmem>> -> memref<1x128xi32, #tpu.memory_space<vmem>>
          %dma_wait3A_101 = tpu.memref_squeeze %dma_wait3A_100 : memref<1x128xi32, #tpu.memory_space<vmem>> -> memref<128xi32, #tpu.memory_space<vmem>>
          %dma_wait3A_102 = arith.constant 0 : i32
          %dma_wait3A_103 = arith.constant 0 : i32
          %dma_wait3A_104 = tpu.memref_slice %arg13[%dma_wait3A_102, %dma_wait3A_103] : memref<10000x64xf32, #tpu.memory_space<vmem_shared>> -> memref<10000x64xf32, #tpu.memory_space<vmem_shared>>
          tpu.wait_indirect_dma semaphore(%run_scoped3A : memref<!tpu.dma_semaphore, #tpu.memory_space<semaphore_mem>>) src(%arg9 : memref<128x64xf32, #tpu.memory_space<vmem>>) dst(%dma_wait3A_104 : memref<10000x64xf32, #tpu.memory_space<vmem_shared>>)
          tpu.yield
        }) : () -> ()
        %add3A_86 = arith.constant 2 : i32
        %add3A_87 = arith.addi %add3A_65, %add3A_86 : i32
        %lt3A_88 = arith.constant 39 : i32
        %lt3A_89 = arith.cmpi slt, %add3A_87, %lt3A_88 : i32
        %convert_element_type3A_90 = arith.extui %lt3A_89 : i1 to i32
        %cond3A_91 = arith.constant 0 : i32
        %cond3A_92 = arith.cmpi ne, %convert_element_type3A_90, %cond3A_91 : i32
        scf.if %cond3A_92 {
          %add3A_93 = arith.constant 2 : i32
          %add3A_94 = arith.addi %add3A_65, %add3A_93 : i32
          %dma_start3A_95 = arith.constant 0 : i32
          %dma_start3A_96 = tpu.memref_slice %arg7[%add3A_94, %dma_start3A_95] : memref<39x128xi32, #tpu.memory_space<vmem>> -> memref<1x128xi32, #tpu.memory_space<vmem>>
          %dma_start3A_97 = tpu.memref_squeeze %dma_start3A_96 : memref<1x128xi32, #tpu.memory_space<vmem>> -> memref<128xi32, #tpu.memory_space<vmem>>
          %dma_start3A_98 = arith.constant 0 : i32
          %dma_start3A_99 = arith.constant 0 : i32
          %dma_start3A_100 = tpu.memref_slice %arg2[%dma_start3A_98, %dma_start3A_99] : memref<10000x64xf32, #tpu.memory_space<hbm>> -> memref<10000x64xf32, #tpu.memory_space<hbm>>
          tpu.enqueue_indirect_dma source(%dma_start3A_100 : memref<10000x64xf32, #tpu.memory_space<hbm>>) target(%arg9 : memref<128x64xf32, #tpu.memory_space<vmem>>) offsets(%dma_start3A_97 : memref<128xi32, #tpu.memory_space<vmem>>) semaphore(%arg11 : memref<!tpu.dma_semaphore, #tpu.memory_space<semaphore_mem>>)
        } else {
        }
      } else {
      }
      %mul3A_71 = arith.constant 2 : i32
      %mul3A_72 = arith.muli %scan3A_61, %mul3A_71 : i32
      %add3A_73 = arith.constant 1 : i32
      %add3A_74 = arith.addi %mul3A_72, %add3A_73 : i32
      %lt3A_75 = arith.constant 39 : i32
      %lt3A_76 = arith.cmpi slt, %add3A_74, %lt3A_75 : i32
      %convert_element_type3A_77 = arith.extui %lt3A_76 : i1 to i32
      %cond3A_78 = arith.constant 0 : i32
      %cond3A_79 = arith.cmpi ne, %convert_element_type3A_77, %cond3A_78 : i32
      scf.if %cond3A_79 {
        %dma_wait3A = arith.constant 0 : i32
        %dma_wait3A_80 = arith.constant 0 : i32
        %dma_wait3A_81 = tpu.memref_slice %arg7[%dma_wait3A, %dma_wait3A_80] : memref<39x128xi32, #tpu.memory_space<vmem>> -> memref<1x128xi32, #tpu.memory_space<vmem>>
        %dma_wait3A_82 = tpu.memref_squeeze %dma_wait3A_81 : memref<1x128xi32, #tpu.memory_space<vmem>> -> memref<128xi32, #tpu.memory_space<vmem>>
        %dma_wait3A_83 = arith.constant 0 : i32
        %dma_wait3A_84 = arith.constant 0 : i32
        %dma_wait3A_85 = tpu.memref_slice %arg2[%dma_wait3A_83, %dma_wait3A_84] : memref<10000x64xf32, #tpu.memory_space<hbm>> -> memref<10000x64xf32, #tpu.memory_space<hbm>>
        tpu.wait_indirect_dma semaphore(%arg12 : memref<!tpu.dma_semaphore, #tpu.memory_space<semaphore_mem>>) src(%dma_wait3A_85 : memref<10000x64xf32, #tpu.memory_space<hbm>>) dst(%arg10 : memref<128x64xf32, #tpu.memory_space<vmem>>)
        "tpu.region"() ({
          %run_scoped3A = tpu.sem_alloc : memref<!tpu.dma_semaphore, #tpu.memory_space<semaphore_mem>>
          %dma_start3A_93 = arith.constant 0 : i32
          %dma_start3A_94 = tpu.memref_slice %arg8[%add3A_74, %dma_start3A_93] : memref<39x128xi32, #tpu.memory_space<vmem>> -> memref<1x128xi32, #tpu.memory_space<vmem>>
          %dma_start3A_95 = tpu.memref_squeeze %dma_start3A_94 : memref<1x128xi32, #tpu.memory_space<vmem>> -> memref<128xi32, #tpu.memory_space<vmem>>
          %dma_start3A_96 = arith.constant 0 : i32
          %dma_start3A_97 = arith.constant 0 : i32
          %dma_start3A_98 = tpu.memref_slice %arg13[%dma_start3A_96, %dma_start3A_97] : memref<10000x64xf32, #tpu.memory_space<vmem_shared>> -> memref<10000x64xf32, #tpu.memory_space<vmem_shared>>
          tpu.enqueue_indirect_dma source(%arg10 : memref<128x64xf32, #tpu.memory_space<vmem>>) target(%dma_start3A_98 : memref<10000x64xf32, #tpu.memory_space<vmem_shared>>) offsets(%dma_start3A_95 : memref<128xi32, #tpu.memory_space<vmem>>) semaphore(%run_scoped3A : memref<!tpu.dma_semaphore, #tpu.memory_space<semaphore_mem>>) {add = true}
          %dma_wait3A_99 = arith.constant 0 : i32
          %dma_wait3A_100 = tpu.memref_slice %arg8[%add3A_74, %dma_wait3A_99] : memref<39x128xi32, #tpu.memory_space<vmem>> -> memref<1x128xi32, #tpu.memory_space<vmem>>
          %dma_wait3A_101 = tpu.memref_squeeze %dma_wait3A_100 : memref<1x128xi32, #tpu.memory_space<vmem>> -> memref<128xi32, #tpu.memory_space<vmem>>
          %dma_wait3A_102 = arith.constant 0 : i32
          %dma_wait3A_103 = arith.constant 0 : i32
          %dma_wait3A_104 = tpu.memref_slice %arg13[%dma_wait3A_102, %dma_wait3A_103] : memref<10000x64xf32, #tpu.memory_space<vmem_shared>> -> memref<10000x64xf32, #tpu.memory_space<vmem_shared>>
          tpu.wait_indirect_dma semaphore(%run_scoped3A : memref<!tpu.dma_semaphore, #tpu.memory_space<semaphore_mem>>) src(%arg10 : memref<128x64xf32, #tpu.memory_space<vmem>>) dst(%dma_wait3A_104 : memref<10000x64xf32, #tpu.memory_space<vmem_shared>>)
          tpu.yield
        }) : () -> ()
        %add3A_86 = arith.constant 2 : i32
        %add3A_87 = arith.addi %add3A_74, %add3A_86 : i32
        %lt3A_88 = arith.constant 39 : i32
        %lt3A_89 = arith.cmpi slt, %add3A_87, %lt3A_88 : i32
        %convert_element_type3A_90 = arith.extui %lt3A_89 : i1 to i32
        %cond3A_91 = arith.constant 0 : i32
        %cond3A_92 = arith.cmpi ne, %convert_element_type3A_90, %cond3A_91 : i32
        scf.if %cond3A_92 {
          %add3A_93 = arith.constant 2 : i32
          %add3A_94 = arith.addi %add3A_74, %add3A_93 : i32
          %dma_start3A_95 = arith.constant 0 : i32
          %dma_start3A_96 = tpu.memref_slice %arg7[%add3A_94, %dma_start3A_95] : memref<39x128xi32, #tpu.memory_space<vmem>> -> memref<1x128xi32, #tpu.memory_space<vmem>>
          %dma_start3A_97 = tpu.memref_squeeze %dma_start3A_96 : memref<1x128xi32, #tpu.memory_space<vmem>> -> memref<128xi32, #tpu.memory_space<vmem>>
          %dma_start3A_98 = arith.constant 0 : i32
          %dma_start3A_99 = arith.constant 0 : i32
          %dma_start3A_100 = tpu.memref_slice %arg2[%dma_start3A_98, %dma_start3A_99] : memref<10000x64xf32, #tpu.memory_space<hbm>> -> memref<10000x64xf32, #tpu.memory_space<hbm>>
          tpu.enqueue_indirect_dma source(%dma_start3A_100 : memref<10000x64xf32, #tpu.memory_space<hbm>>) target(%arg10 : memref<128x64xf32, #tpu.memory_space<vmem>>) offsets(%dma_start3A_97 : memref<128xi32, #tpu.memory_space<vmem>>) semaphore(%arg12 : memref<!tpu.dma_semaphore, #tpu.memory_space<semaphore_mem>>)
        } else {
        }
      } else {
      }
    }
    %scan3A_26 = arith.constant 20 : i32
    %mul3A_27 = arith.constant 78 : i32
    %mul3A_28 = arith.muli %add3A, %mul3A_27 : i32
    %add3A_29 = arith.constant 39 : i32
    %add3A_30 = arith.addi %mul3A_28, %add3A_29 : i32
    "tpu.region"() ({
      %run_scoped3A = tpu.sem_alloc : memref<!tpu.dma_semaphore, #tpu.memory_space<semaphore_mem>>
      %dma_start3A_61 = arith.constant 0 : i32
      %dma_start3A_62 = tpu.memref_slice %arg3[%add3A_30, %dma_start3A_61] : memref<2500x128xi32, #tpu.memory_space<hbm>> -> memref<39x128xi32, #tpu.memory_space<hbm>>
      %dma_start3A_63 = arith.constant 0 : i32
      %dma_start3A_64 = tpu.memref_slice %arg3[%add3A_30, %dma_start3A_63] : memref<2500x128xi32, #tpu.memory_space<hbm>> -> memref<39x128xi32, #tpu.memory_space<hbm>>
      tpu.enqueue_dma source(%dma_start3A_64 : memref<39x128xi32, #tpu.memory_space<hbm>>) target(%arg7 : memref<39x128xi32, #tpu.memory_space<vmem>>) target_semaphore(%run_scoped3A : memref<!tpu.dma_semaphore, #tpu.memory_space<semaphore_mem>>)
      %dma_wait3A = arith.constant 0 : i32
      %dma_wait3A_65 = tpu.memref_slice %arg3[%add3A_30, %dma_wait3A] : memref<2500x128xi32, #tpu.memory_space<hbm>> -> memref<39x128xi32, #tpu.memory_space<hbm>>
      %dma_wait3A_66 = arith.constant 0 : i32
      %dma_wait3A_67 = tpu.memref_slice %arg3[%add3A_30, %dma_wait3A_66] : memref<2500x128xi32, #tpu.memory_space<hbm>> -> memref<39x128xi32, #tpu.memory_space<hbm>>
      tpu.wait_dma2 semaphore(%run_scoped3A : memref<!tpu.dma_semaphore, #tpu.memory_space<semaphore_mem>>) src(%dma_wait3A_67 : memref<39x128xi32, #tpu.memory_space<hbm>>) dst(%arg7 : memref<39x128xi32, #tpu.memory_space<vmem>>)
      tpu.yield
    }) : () -> ()
    "tpu.region"() ({
      %run_scoped3A = tpu.sem_alloc : memref<!tpu.dma_semaphore, #tpu.memory_space<semaphore_mem>>
      %dma_start3A_61 = arith.constant 0 : i32
      %dma_start3A_62 = tpu.memref_slice %arg4[%add3A_30, %dma_start3A_61] : memref<2500x128xi32, #tpu.memory_space<hbm>> -> memref<39x128xi32, #tpu.memory_space<hbm>>
      %dma_start3A_63 = arith.constant 0 : i32
      %dma_start3A_64 = tpu.memref_slice %arg4[%add3A_30, %dma_start3A_63] : memref<2500x128xi32, #tpu.memory_space<hbm>> -> memref<39x128xi32, #tpu.memory_space<hbm>>
      tpu.enqueue_dma source(%dma_start3A_64 : memref<39x128xi32, #tpu.memory_space<hbm>>) target(%arg8 : memref<39x128xi32, #tpu.memory_space<vmem>>) target_semaphore(%run_scoped3A : memref<!tpu.dma_semaphore, #tpu.memory_space<semaphore_mem>>)
      %dma_wait3A = arith.constant 0 : i32
      %dma_wait3A_65 = tpu.memref_slice %arg4[%add3A_30, %dma_wait3A] : memref<2500x128xi32, #tpu.memory_space<hbm>> -> memref<39x128xi32, #tpu.memory_space<hbm>>
      %dma_wait3A_66 = arith.constant 0 : i32
      %dma_wait3A_67 = tpu.memref_slice %arg4[%add3A_30, %dma_wait3A_66] : memref<2500x128xi32, #tpu.memory_space<hbm>> -> memref<39x128xi32, #tpu.memory_space<hbm>>
      tpu.wait_dma2 semaphore(%run_scoped3A : memref<!tpu.dma_semaphore, #tpu.memory_space<semaphore_mem>>) src(%dma_wait3A_67 : memref<39x128xi32, #tpu.memory_space<hbm>>) dst(%arg8 : memref<39x128xi32, #tpu.memory_space<vmem>>)
      tpu.yield
    }) : () -> ()
    %dma_start3A_31 = arith.constant 0 : i32
    %dma_start3A_32 = arith.constant 0 : i32
    %dma_start3A_33 = tpu.memref_slice %arg7[%dma_start3A_31, %dma_start3A_32] : memref<39x128xi32, #tpu.memory_space<vmem>> -> memref<1x128xi32, #tpu.memory_space<vmem>>
    %dma_start3A_34 = tpu.memref_squeeze %dma_start3A_33 : memref<1x128xi32, #tpu.memory_space<vmem>> -> memref<128xi32, #tpu.memory_space<vmem>>
    %dma_start3A_35 = arith.constant 0 : i32
    %dma_start3A_36 = arith.constant 0 : i32
    %dma_start3A_37 = tpu.memref_slice %arg2[%dma_start3A_35, %dma_start3A_36] : memref<10000x64xf32, #tpu.memory_space<hbm>> -> memref<10000x64xf32, #tpu.memory_space<hbm>>
    tpu.enqueue_indirect_dma source(%dma_start3A_37 : memref<10000x64xf32, #tpu.memory_space<hbm>>) target(%arg9 : memref<128x64xf32, #tpu.memory_space<vmem>>) offsets(%dma_start3A_34 : memref<128xi32, #tpu.memory_space<vmem>>) semaphore(%arg11 : memref<!tpu.dma_semaphore, #tpu.memory_space<semaphore_mem>>)
    %dma_start3A_38 = arith.constant 1 : i32
    %dma_start3A_39 = arith.constant 0 : i32
    %dma_start3A_40 = tpu.memref_slice %arg7[%dma_start3A_38, %dma_start3A_39] : memref<39x128xi32, #tpu.memory_space<vmem>> -> memref<1x128xi32, #tpu.memory_space<vmem>>
    %dma_start3A_41 = tpu.memref_squeeze %dma_start3A_40 : memref<1x128xi32, #tpu.memory_space<vmem>> -> memref<128xi32, #tpu.memory_space<vmem>>
    %dma_start3A_42 = arith.constant 0 : i32
    %dma_start3A_43 = arith.constant 0 : i32
    %dma_start3A_44 = tpu.memref_slice %arg2[%dma_start3A_42, %dma_start3A_43] : memref<10000x64xf32, #tpu.memory_space<hbm>> -> memref<10000x64xf32, #tpu.memory_space<hbm>>
    tpu.enqueue_indirect_dma source(%dma_start3A_44 : memref<10000x64xf32, #tpu.memory_space<hbm>>) target(%arg10 : memref<128x64xf32, #tpu.memory_space<vmem>>) offsets(%dma_start3A_41 : memref<128xi32, #tpu.memory_space<vmem>>) semaphore(%arg12 : memref<!tpu.dma_semaphore, #tpu.memory_space<semaphore_mem>>)
    %scan3A_45 = arith.constant 0 : i32
    %scan3A_46 = arith.constant 0 : i32
    %scan3A_47 = arith.constant 20 : i32
    %scan3A_48 = arith.addi %scan3A_46, %scan3A_47 : i32
    %scan3A_49 = arith.constant 1 : i32
    scf.for %scan3A_61 = %scan3A_46 to %scan3A_48 step %scan3A_49  : i32 {
      %mul3A_62 = arith.constant 2 : i32
      %mul3A_63 = arith.muli %scan3A_61, %mul3A_62 : i32
      %add3A_64 = arith.constant 0 : i32
      %add3A_65 = arith.addi %mul3A_63, %add3A_64 : i32
      %lt3A_66 = arith.constant 39 : i32
      %lt3A_67 = arith.cmpi slt, %add3A_65, %lt3A_66 : i32
      %convert_element_type3A_68 = arith.extui %lt3A_67 : i1 to i32
      %cond3A_69 = arith.constant 0 : i32
      %cond3A_70 = arith.cmpi ne, %convert_element_type3A_68, %cond3A_69 : i32
      scf.if %cond3A_70 {
        %dma_wait3A = arith.constant 0 : i32
        %dma_wait3A_80 = arith.constant 0 : i32
        %dma_wait3A_81 = tpu.memref_slice %arg7[%dma_wait3A, %dma_wait3A_80] : memref<39x128xi32, #tpu.memory_space<vmem>> -> memref<1x128xi32, #tpu.memory_space<vmem>>
        %dma_wait3A_82 = tpu.memref_squeeze %dma_wait3A_81 : memref<1x128xi32, #tpu.memory_space<vmem>> -> memref<128xi32, #tpu.memory_space<vmem>>
        %dma_wait3A_83 = arith.constant 0 : i32
        %dma_wait3A_84 = arith.constant 0 : i32
        %dma_wait3A_85 = tpu.memref_slice %arg2[%dma_wait3A_83, %dma_wait3A_84] : memref<10000x64xf32, #tpu.memory_space<hbm>> -> memref<10000x64xf32, #tpu.memory_space<hbm>>
        tpu.wait_indirect_dma semaphore(%arg11 : memref<!tpu.dma_semaphore, #tpu.memory_space<semaphore_mem>>) src(%dma_wait3A_85 : memref<10000x64xf32, #tpu.memory_space<hbm>>) dst(%arg9 : memref<128x64xf32, #tpu.memory_space<vmem>>)
        "tpu.region"() ({
          %run_scoped3A = tpu.sem_alloc : memref<!tpu.dma_semaphore, #tpu.memory_space<semaphore_mem>>
          %dma_start3A_93 = arith.constant 0 : i32
          %dma_start3A_94 = tpu.memref_slice %arg8[%add3A_65, %dma_start3A_93] : memref<39x128xi32, #tpu.memory_space<vmem>> -> memref<1x128xi32, #tpu.memory_space<vmem>>
          %dma_start3A_95 = tpu.memref_squeeze %dma_start3A_94 : memref<1x128xi32, #tpu.memory_space<vmem>> -> memref<128xi32, #tpu.memory_space<vmem>>
          %dma_start3A_96 = arith.constant 0 : i32
          %dma_start3A_97 = arith.constant 0 : i32
          %dma_start3A_98 = tpu.memref_slice %arg13[%dma_start3A_96, %dma_start3A_97] : memref<10000x64xf32, #tpu.memory_space<vmem_shared>> -> memref<10000x64xf32, #tpu.memory_space<vmem_shared>>
          tpu.enqueue_indirect_dma source(%arg9 : memref<128x64xf32, #tpu.memory_space<vmem>>) target(%dma_start3A_98 : memref<10000x64xf32, #tpu.memory_space<vmem_shared>>) offsets(%dma_start3A_95 : memref<128xi32, #tpu.memory_space<vmem>>) semaphore(%run_scoped3A : memref<!tpu.dma_semaphore, #tpu.memory_space<semaphore_mem>>) {add = true}
          %dma_wait3A_99 = arith.constant 0 : i32
          %dma_wait3A_100 = tpu.memref_slice %arg8[%add3A_65, %dma_wait3A_99] : memref<39x128xi32, #tpu.memory_space<vmem>> -> memref<1x128xi32, #tpu.memory_space<vmem>>
          %dma_wait3A_101 = tpu.memref_squeeze %dma_wait3A_100 : memref<1x128xi32, #tpu.memory_space<vmem>> -> memref<128xi32, #tpu.memory_space<vmem>>
          %dma_wait3A_102 = arith.constant 0 : i32
          %dma_wait3A_103 = arith.constant 0 : i32
          %dma_wait3A_104 = tpu.memref_slice %arg13[%dma_wait3A_102, %dma_wait3A_103] : memref<10000x64xf32, #tpu.memory_space<vmem_shared>> -> memref<10000x64xf32, #tpu.memory_space<vmem_shared>>
          tpu.wait_indirect_dma semaphore(%run_scoped3A : memref<!tpu.dma_semaphore, #tpu.memory_space<semaphore_mem>>) src(%arg9 : memref<128x64xf32, #tpu.memory_space<vmem>>) dst(%dma_wait3A_104 : memref<10000x64xf32, #tpu.memory_space<vmem_shared>>)
          tpu.yield
        }) : () -> ()
        %add3A_86 = arith.constant 2 : i32
        %add3A_87 = arith.addi %add3A_65, %add3A_86 : i32
        %lt3A_88 = arith.constant 39 : i32
        %lt3A_89 = arith.cmpi slt, %add3A_87, %lt3A_88 : i32
        %convert_element_type3A_90 = arith.extui %lt3A_89 : i1 to i32
        %cond3A_91 = arith.constant 0 : i32
        %cond3A_92 = arith.cmpi ne, %convert_element_type3A_90, %cond3A_91 : i32
        scf.if %cond3A_92 {
          %add3A_93 = arith.constant 2 : i32
          %add3A_94 = arith.addi %add3A_65, %add3A_93 : i32
          %dma_start3A_95 = arith.constant 0 : i32
          %dma_start3A_96 = tpu.memref_slice %arg7[%add3A_94, %dma_start3A_95] : memref<39x128xi32, #tpu.memory_space<vmem>> -> memref<1x128xi32, #tpu.memory_space<vmem>>
          %dma_start3A_97 = tpu.memref_squeeze %dma_start3A_96 : memref<1x128xi32, #tpu.memory_space<vmem>> -> memref<128xi32, #tpu.memory_space<vmem>>
          %dma_start3A_98 = arith.constant 0 : i32
          %dma_start3A_99 = arith.constant 0 : i32
          %dma_start3A_100 = tpu.memref_slice %arg2[%dma_start3A_98, %dma_start3A_99] : memref<10000x64xf32, #tpu.memory_space<hbm>> -> memref<10000x64xf32, #tpu.memory_space<hbm>>
          tpu.enqueue_indirect_dma source(%dma_start3A_100 : memref<10000x64xf32, #tpu.memory_space<hbm>>) target(%arg9 : memref<128x64xf32, #tpu.memory_space<vmem>>) offsets(%dma_start3A_97 : memref<128xi32, #tpu.memory_space<vmem>>) semaphore(%arg11 : memref<!tpu.dma_semaphore, #tpu.memory_space<semaphore_mem>>)
        } else {
        }
      } else {
      }
      %mul3A_71 = arith.constant 2 : i32
      %mul3A_72 = arith.muli %scan3A_61, %mul3A_71 : i32
      %add3A_73 = arith.constant 1 : i32
      %add3A_74 = arith.addi %mul3A_72, %add3A_73 : i32
      %lt3A_75 = arith.constant 39 : i32
      %lt3A_76 = arith.cmpi slt, %add3A_74, %lt3A_75 : i32
      %convert_element_type3A_77 = arith.extui %lt3A_76 : i1 to i32
      %cond3A_78 = arith.constant 0 : i32
      %cond3A_79 = arith.cmpi ne, %convert_element_type3A_77, %cond3A_78 : i32
      scf.if %cond3A_79 {
        %dma_wait3A = arith.constant 0 : i32
        %dma_wait3A_80 = arith.constant 0 : i32
        %dma_wait3A_81 = tpu.memref_slice %arg7[%dma_wait3A, %dma_wait3A_80] : memref<39x128xi32, #tpu.memory_space<vmem>> -> memref<1x128xi32, #tpu.memory_space<vmem>>
        %dma_wait3A_82 = tpu.memref_squeeze %dma_wait3A_81 : memref<1x128xi32, #tpu.memory_space<vmem>> -> memref<128xi32, #tpu.memory_space<vmem>>
        %dma_wait3A_83 = arith.constant 0 : i32
        %dma_wait3A_84 = arith.constant 0 : i32
        %dma_wait3A_85 = tpu.memref_slice %arg2[%dma_wait3A_83, %dma_wait3A_84] : memref<10000x64xf32, #tpu.memory_space<hbm>> -> memref<10000x64xf32, #tpu.memory_space<hbm>>
        tpu.wait_indirect_dma semaphore(%arg12 : memref<!tpu.dma_semaphore, #tpu.memory_space<semaphore_mem>>) src(%dma_wait3A_85 : memref<10000x64xf32, #tpu.memory_space<hbm>>) dst(%arg10 : memref<128x64xf32, #tpu.memory_space<vmem>>)
        "tpu.region"() ({
          %run_scoped3A = tpu.sem_alloc : memref<!tpu.dma_semaphore, #tpu.memory_space<semaphore_mem>>
          %dma_start3A_93 = arith.constant 0 : i32
          %dma_start3A_94 = tpu.memref_slice %arg8[%add3A_74, %dma_start3A_93] : memref<39x128xi32, #tpu.memory_space<vmem>> -> memref<1x128xi32, #tpu.memory_space<vmem>>
          %dma_start3A_95 = tpu.memref_squeeze %dma_start3A_94 : memref<1x128xi32, #tpu.memory_space<vmem>> -> memref<128xi32, #tpu.memory_space<vmem>>
          %dma_start3A_96 = arith.constant 0 : i32
          %dma_start3A_97 = arith.constant 0 : i32
          %dma_start3A_98 = tpu.memref_slice %arg13[%dma_start3A_96, %dma_start3A_97] : memref<10000x64xf32, #tpu.memory_space<vmem_shared>> -> memref<10000x64xf32, #tpu.memory_space<vmem_shared>>
          tpu.enqueue_indirect_dma source(%arg10 : memref<128x64xf32, #tpu.memory_space<vmem>>) target(%dma_start3A_98 : memref<10000x64xf32, #tpu.memory_space<vmem_shared>>) offsets(%dma_start3A_95 : memref<128xi32, #tpu.memory_space<vmem>>) semaphore(%run_scoped3A : memref<!tpu.dma_semaphore, #tpu.memory_space<semaphore_mem>>) {add = true}
          %dma_wait3A_99 = arith.constant 0 : i32
          %dma_wait3A_100 = tpu.memref_slice %arg8[%add3A_74, %dma_wait3A_99] : memref<39x128xi32, #tpu.memory_space<vmem>> -> memref<1x128xi32, #tpu.memory_space<vmem>>
          %dma_wait3A_101 = tpu.memref_squeeze %dma_wait3A_100 : memref<1x128xi32, #tpu.memory_space<vmem>> -> memref<128xi32, #tpu.memory_space<vmem>>
          %dma_wait3A_102 = arith.constant 0 : i32
          %dma_wait3A_103 = arith.constant 0 : i32
          %dma_wait3A_104 = tpu.memref_slice %arg13[%dma_wait3A_102, %dma_wait3A_103] : memref<10000x64xf32, #tpu.memory_space<vmem_shared>> -> memref<10000x64xf32, #tpu.memory_space<vmem_shared>>
          tpu.wait_indirect_dma semaphore(%run_scoped3A : memref<!tpu.dma_semaphore, #tpu.memory_space<semaphore_mem>>) src(%arg10 : memref<128x64xf32, #tpu.memory_space<vmem>>) dst(%dma_wait3A_104 : memref<10000x64xf32, #tpu.memory_space<vmem_shared>>)
          tpu.yield
        }) : () -> ()
        %add3A_86 = arith.constant 2 : i32
        %add3A_87 = arith.addi %add3A_74, %add3A_86 : i32
        %lt3A_88 = arith.constant 39 : i32
        %lt3A_89 = arith.cmpi slt, %add3A_87, %lt3A_88 : i32
        %convert_element_type3A_90 = arith.extui %lt3A_89 : i1 to i32
        %cond3A_91 = arith.constant 0 : i32
        %cond3A_92 = arith.cmpi ne, %convert_element_type3A_90, %cond3A_91 : i32
        scf.if %cond3A_92 {
          %add3A_93 = arith.constant 2 : i32
          %add3A_94 = arith.addi %add3A_74, %add3A_93 : i32
          %dma_start3A_95 = arith.constant 0 : i32
          %dma_start3A_96 = tpu.memref_slice %arg7[%add3A_94, %dma_start3A_95] : memref<39x128xi32, #tpu.memory_space<vmem>> -> memref<1x128xi32, #tpu.memory_space<vmem>>
          %dma_start3A_97 = tpu.memref_squeeze %dma_start3A_96 : memref<1x128xi32, #tpu.memory_space<vmem>> -> memref<128xi32, #tpu.memory_space<vmem>>
          %dma_start3A_98 = arith.constant 0 : i32
          %dma_start3A_99 = arith.constant 0 : i32
          %dma_start3A_100 = tpu.memref_slice %arg2[%dma_start3A_98, %dma_start3A_99] : memref<10000x64xf32, #tpu.memory_space<hbm>> -> memref<10000x64xf32, #tpu.memory_space<hbm>>
          tpu.enqueue_indirect_dma source(%dma_start3A_100 : memref<10000x64xf32, #tpu.memory_space<hbm>>) target(%arg10 : memref<128x64xf32, #tpu.memory_space<vmem>>) offsets(%dma_start3A_97 : memref<128xi32, #tpu.memory_space<vmem>>) semaphore(%arg12 : memref<!tpu.dma_semaphore, #tpu.memory_space<semaphore_mem>>)
        } else {
        }
      } else {
      }
    }
    %scan3A_50 = arith.constant 20 : i32
    %lt3A = arith.constant 4 : i32
    %lt3A_51 = arith.cmpi slt, %add3A, %lt3A : i32
    %convert_element_type3A_52 = arith.extui %lt3A_51 : i1 to i32
    %cond3A_53 = arith.constant 0 : i32
    %cond3A_54 = arith.cmpi ne, %convert_element_type3A_52, %cond3A_53 : i32
    scf.if %cond3A_54 {
      %add3A_61 = arith.constant 2496 : i32
      %add3A_62 = arith.addi %add3A_61, %add3A : i32
      "tpu.region"() ({
        %run_scoped3A_78 = tpu.sem_alloc : memref<!tpu.dma_semaphore, #tpu.memory_space<semaphore_mem>>
        %dma_start3A_79 = arith.constant 0 : i32
        %dma_start3A_80 = arith.constant 0 : i32
        %dma_start3A_81 = tpu.memref_slice %arg7[%dma_start3A_79, %dma_start3A_80] : memref<39x128xi32, #tpu.memory_space<vmem>> -> memref<1x128xi32, #tpu.memory_space<vmem>>
        %dma_start3A_82 = arith.constant 0 : i32
        %dma_start3A_83 = tpu.memref_slice %arg3[%add3A_62, %dma_start3A_82] : memref<2500x128xi32, #tpu.memory_space<hbm>> -> memref<1x128xi32, #tpu.memory_space<hbm>>
        %dma_start3A_84 = arith.constant 0 : i32
        %dma_start3A_85 = arith.constant 0 : i32
        %dma_start3A_86 = tpu.memref_slice %arg7[%dma_start3A_84, %dma_start3A_85] : memref<39x128xi32, #tpu.memory_space<vmem>> -> memref<1x128xi32, #tpu.memory_space<vmem>>
        %dma_start3A_87 = arith.constant 0 : i32
        %dma_start3A_88 = tpu.memref_slice %arg3[%add3A_62, %dma_start3A_87] : memref<2500x128xi32, #tpu.memory_space<hbm>> -> memref<1x128xi32, #tpu.memory_space<hbm>>
        tpu.enqueue_dma source(%dma_start3A_88 : memref<1x128xi32, #tpu.memory_space<hbm>>) target(%dma_start3A_86 : memref<1x128xi32, #tpu.memory_space<vmem>>) target_semaphore(%run_scoped3A_78 : memref<!tpu.dma_semaphore, #tpu.memory_space<semaphore_mem>>)
        %dma_wait3A_89 = arith.constant 0 : i32
        %dma_wait3A_90 = arith.constant 0 : i32
        %dma_wait3A_91 = tpu.memref_slice %arg7[%dma_wait3A_89, %dma_wait3A_90] : memref<39x128xi32, #tpu.memory_space<vmem>> -> memref<1x128xi32, #tpu.memory_space<vmem>>
        %dma_wait3A_92 = arith.constant 0 : i32
        %dma_wait3A_93 = tpu.memref_slice %arg3[%add3A_62, %dma_wait3A_92] : memref<2500x128xi32, #tpu.memory_space<hbm>> -> memref<1x128xi32, #tpu.memory_space<hbm>>
        %dma_wait3A_94 = arith.constant 0 : i32
        %dma_wait3A_95 = arith.constant 0 : i32
        %dma_wait3A_96 = tpu.memref_slice %arg7[%dma_wait3A_94, %dma_wait3A_95] : memref<39x128xi32, #tpu.memory_space<vmem>> -> memref<1x128xi32, #tpu.memory_space<vmem>>
        %dma_wait3A_97 = arith.constant 0 : i32
        %dma_wait3A_98 = tpu.memref_slice %arg3[%add3A_62, %dma_wait3A_97] : memref<2500x128xi32, #tpu.memory_space<hbm>> -> memref<1x128xi32, #tpu.memory_space<hbm>>
        tpu.wait_dma2 semaphore(%run_scoped3A_78 : memref<!tpu.dma_semaphore, #tpu.memory_space<semaphore_mem>>) src(%dma_wait3A_98 : memref<1x128xi32, #tpu.memory_space<hbm>>) dst(%dma_wait3A_96 : memref<1x128xi32, #tpu.memory_space<vmem>>)
        tpu.yield
      }) : () -> ()
      %add3A_63 = arith.constant 2496 : i32
      %add3A_64 = arith.addi %add3A_63, %add3A : i32
      "tpu.region"() ({
        %run_scoped3A_78 = tpu.sem_alloc : memref<!tpu.dma_semaphore, #tpu.memory_space<semaphore_mem>>
        %dma_start3A_79 = arith.constant 0 : i32
        %dma_start3A_80 = arith.constant 0 : i32
        %dma_start3A_81 = tpu.memref_slice %arg8[%dma_start3A_79, %dma_start3A_80] : memref<39x128xi32, #tpu.memory_space<vmem>> -> memref<1x128xi32, #tpu.memory_space<vmem>>
        %dma_start3A_82 = arith.constant 0 : i32
        %dma_start3A_83 = tpu.memref_slice %arg4[%add3A_64, %dma_start3A_82] : memref<2500x128xi32, #tpu.memory_space<hbm>> -> memref<1x128xi32, #tpu.memory_space<hbm>>
        %dma_start3A_84 = arith.constant 0 : i32
        %dma_start3A_85 = arith.constant 0 : i32
        %dma_start3A_86 = tpu.memref_slice %arg8[%dma_start3A_84, %dma_start3A_85] : memref<39x128xi32, #tpu.memory_space<vmem>> -> memref<1x128xi32, #tpu.memory_space<vmem>>
        %dma_start3A_87 = arith.constant 0 : i32
        %dma_start3A_88 = tpu.memref_slice %arg4[%add3A_64, %dma_start3A_87] : memref<2500x128xi32, #tpu.memory_space<hbm>> -> memref<1x128xi32, #tpu.memory_space<hbm>>
        tpu.enqueue_dma source(%dma_start3A_88 : memref<1x128xi32, #tpu.memory_space<hbm>>) target(%dma_start3A_86 : memref<1x128xi32, #tpu.memory_space<vmem>>) target_semaphore(%run_scoped3A_78 : memref<!tpu.dma_semaphore, #tpu.memory_space<semaphore_mem>>)
        %dma_wait3A_89 = arith.constant 0 : i32
        %dma_wait3A_90 = arith.constant 0 : i32
        %dma_wait3A_91 = tpu.memref_slice %arg8[%dma_wait3A_89, %dma_wait3A_90] : memref<39x128xi32, #tpu.memory_space<vmem>> -> memref<1x128xi32, #tpu.memory_space<vmem>>
        %dma_wait3A_92 = arith.constant 0 : i32
        %dma_wait3A_93 = tpu.memref_slice %arg4[%add3A_64, %dma_wait3A_92] : memref<2500x128xi32, #tpu.memory_space<hbm>> -> memref<1x128xi32, #tpu.memory_space<hbm>>
        %dma_wait3A_94 = arith.constant 0 : i32
        %dma_wait3A_95 = arith.constant 0 : i32
        %dma_wait3A_96 = tpu.memref_slice %arg8[%dma_wait3A_94, %dma_wait3A_95] : memref<39x128xi32, #tpu.memory_space<vmem>> -> memref<1x128xi32, #tpu.memory_space<vmem>>
        %dma_wait3A_97 = arith.constant 0 : i32
        %dma_wait3A_98 = tpu.memref_slice %arg4[%add3A_64, %dma_wait3A_97] : memref<2500x128xi32, #tpu.memory_space<hbm>> -> memref<1x128xi32, #tpu.memory_space<hbm>>
        tpu.wait_dma2 semaphore(%run_scoped3A_78 : memref<!tpu.dma_semaphore, #tpu.memory_space<semaphore_mem>>) src(%dma_wait3A_98 : memref<1x128xi32, #tpu.memory_space<hbm>>) dst(%dma_wait3A_96 : memref<1x128xi32, #tpu.memory_space<vmem>>)
        tpu.yield
      }) : () -> ()
      %dma_start3A_65 = arith.constant 0 : i32
      %dma_start3A_66 = arith.constant 0 : i32
      %dma_start3A_67 = tpu.memref_slice %arg7[%dma_start3A_65, %dma_start3A_66] : memref<39x128xi32, #tpu.memory_space<vmem>> -> memref<1x128xi32, #tpu.memory_space<vmem>>
      %dma_start3A_68 = tpu.memref_squeeze %dma_start3A_67 : memref<1x128xi32, #tpu.memory_space<vmem>> -> memref<128xi32, #tpu.memory_space<vmem>>
      %dma_start3A_69 = arith.constant 0 : i32
      %dma_start3A_70 = arith.constant 0 : i32
      %dma_start3A_71 = tpu.memref_slice %arg2[%dma_start3A_69, %dma_start3A_70] : memref<10000x64xf32, #tpu.memory_space<hbm>> -> memref<10000x64xf32, #tpu.memory_space<hbm>>
      tpu.enqueue_indirect_dma source(%dma_start3A_71 : memref<10000x64xf32, #tpu.memory_space<hbm>>) target(%arg9 : memref<128x64xf32, #tpu.memory_space<vmem>>) offsets(%dma_start3A_68 : memref<128xi32, #tpu.memory_space<vmem>>) semaphore(%arg11 : memref<!tpu.dma_semaphore, #tpu.memory_space<semaphore_mem>>)
      %dma_wait3A = arith.constant 0 : i32
      %dma_wait3A_72 = arith.constant 0 : i32
      %dma_wait3A_73 = tpu.memref_slice %arg7[%dma_wait3A, %dma_wait3A_72] : memref<39x128xi32, #tpu.memory_space<vmem>> -> memref<1x128xi32, #tpu.memory_space<vmem>>
      %dma_wait3A_74 = tpu.memref_squeeze %dma_wait3A_73 : memref<1x128xi32, #tpu.memory_space<vmem>> -> memref<128xi32, #tpu.memory_space<vmem>>
      %dma_wait3A_75 = arith.constant 0 : i32
      %dma_wait3A_76 = arith.constant 0 : i32
      %dma_wait3A_77 = tpu.memref_slice %arg2[%dma_wait3A_75, %dma_wait3A_76] : memref<10000x64xf32, #tpu.memory_space<hbm>> -> memref<10000x64xf32, #tpu.memory_space<hbm>>
      tpu.wait_indirect_dma semaphore(%arg11 : memref<!tpu.dma_semaphore, #tpu.memory_space<semaphore_mem>>) src(%dma_wait3A_77 : memref<10000x64xf32, #tpu.memory_space<hbm>>) dst(%arg9 : memref<128x64xf32, #tpu.memory_space<vmem>>)
      %run_scoped3A = arith.constant 0 : i32
      "tpu.region"() ({
        %run_scoped3A_78 = tpu.sem_alloc : memref<!tpu.dma_semaphore, #tpu.memory_space<semaphore_mem>>
        %dma_start3A_79 = arith.constant 0 : i32
        %dma_start3A_80 = tpu.memref_slice %arg8[%run_scoped3A, %dma_start3A_79] : memref<39x128xi32, #tpu.memory_space<vmem>> -> memref<1x128xi32, #tpu.memory_space<vmem>>
        %dma_start3A_81 = tpu.memref_squeeze %dma_start3A_80 : memref<1x128xi32, #tpu.memory_space<vmem>> -> memref<128xi32, #tpu.memory_space<vmem>>
        %dma_start3A_82 = arith.constant 0 : i32
        %dma_start3A_83 = arith.constant 0 : i32
        %dma_start3A_84 = tpu.memref_slice %arg13[%dma_start3A_82, %dma_start3A_83] : memref<10000x64xf32, #tpu.memory_space<vmem_shared>> -> memref<10000x64xf32, #tpu.memory_space<vmem_shared>>
        tpu.enqueue_indirect_dma source(%arg9 : memref<128x64xf32, #tpu.memory_space<vmem>>) target(%dma_start3A_84 : memref<10000x64xf32, #tpu.memory_space<vmem_shared>>) offsets(%dma_start3A_81 : memref<128xi32, #tpu.memory_space<vmem>>) semaphore(%run_scoped3A_78 : memref<!tpu.dma_semaphore, #tpu.memory_space<semaphore_mem>>) {add = true}
        %dma_wait3A_85 = arith.constant 0 : i32
        %dma_wait3A_86 = tpu.memref_slice %arg8[%run_scoped3A, %dma_wait3A_85] : memref<39x128xi32, #tpu.memory_space<vmem>> -> memref<1x128xi32, #tpu.memory_space<vmem>>
        %dma_wait3A_87 = tpu.memref_squeeze %dma_wait3A_86 : memref<1x128xi32, #tpu.memory_space<vmem>> -> memref<128xi32, #tpu.memory_space<vmem>>
        %dma_wait3A_88 = arith.constant 0 : i32
        %dma_wait3A_89 = arith.constant 0 : i32
        %dma_wait3A_90 = tpu.memref_slice %arg13[%dma_wait3A_88, %dma_wait3A_89] : memref<10000x64xf32, #tpu.memory_space<vmem_shared>> -> memref<10000x64xf32, #tpu.memory_space<vmem_shared>>
        tpu.wait_indirect_dma semaphore(%run_scoped3A_78 : memref<!tpu.dma_semaphore, #tpu.memory_space<semaphore_mem>>) src(%arg9 : memref<128x64xf32, #tpu.memory_space<vmem>>) dst(%dma_wait3A_90 : memref<10000x64xf32, #tpu.memory_space<vmem_shared>>)
        tpu.yield
      }) : () -> ()
    } else {
    }
    %barrier3A_55 = arith.constant 0 : index
    tpu.barrier barrier_id(%barrier3A_55)
    "tpu.region"() ({
      %run_scoped3A = tpu.sem_alloc : memref<!tpu.dma_semaphore, #tpu.memory_space<semaphore_mem>>
      %dma_start3A_61 = arith.constant 0 : i32
      %dma_start3A_62 = tpu.memref_slice %arg6[%arg0, %mul3A_2, %dma_start3A_61] : memref<2x10000x64xf32, #tpu.memory_space<hbm>> -> memref<1x624x64xf32, #tpu.memory_space<hbm>>
      %dma_start3A_63 = tpu.memref_squeeze %dma_start3A_62 : memref<1x624x64xf32, #tpu.memory_space<hbm>> -> memref<624x64xf32, #tpu.memory_space<hbm>>
      %dma_start3A_64 = arith.constant 0 : i32
      %dma_start3A_65 = tpu.memref_slice %arg13[%mul3A_2, %dma_start3A_64] : memref<10000x64xf32, #tpu.memory_space<vmem_shared>> -> memref<624x64xf32, #tpu.memory_space<vmem_shared>>
      tpu.enqueue_dma source(%dma_start3A_65 : memref<624x64xf32, #tpu.memory_space<vmem_shared>>) target(%dma_start3A_63 : memref<624x64xf32, #tpu.memory_space<hbm>>) target_semaphore(%run_scoped3A : memref<!tpu.dma_semaphore, #tpu.memory_space<semaphore_mem>>)
      %dma_wait3A = arith.constant 0 : i32
      %dma_wait3A_66 = tpu.memref_slice %arg6[%arg0, %mul3A_2, %dma_wait3A] : memref<2x10000x64xf32, #tpu.memory_space<hbm>> -> memref<1x624x64xf32, #tpu.memory_space<hbm>>
      %dma_wait3A_67 = tpu.memref_squeeze %dma_wait3A_66 : memref<1x624x64xf32, #tpu.memory_space<hbm>> -> memref<624x64xf32, #tpu.memory_space<hbm>>
      %dma_wait3A_68 = arith.constant 0 : i32
      %dma_wait3A_69 = tpu.memref_slice %arg13[%mul3A_2, %dma_wait3A_68] : memref<10000x64xf32, #tpu.memory_space<vmem_shared>> -> memref<624x64xf32, #tpu.memory_space<vmem_shared>>
      tpu.wait_dma2 semaphore(%run_scoped3A : memref<!tpu.dma_semaphore, #tpu.memory_space<semaphore_mem>>) src(%dma_wait3A_69 : memref<624x64xf32, #tpu.memory_space<vmem_shared>>) dst(%dma_wait3A_67 : memref<624x64xf32, #tpu.memory_space<hbm>>)
      tpu.yield
    }) : () -> ()
    %eq3A_56 = arith.constant 15 : i32
    %eq3A_57 = arith.cmpi eq, %arg1, %eq3A_56 : i32
    %convert_element_type3A_58 = arith.extui %eq3A_57 : i1 to i32
    %cond3A_59 = arith.constant 0 : i32
    %cond3A_60 = arith.cmpi ne, %convert_element_type3A_58, %cond3A_59 : i32
    scf.if %cond3A_60 {
      "tpu.region"() ({
        %run_scoped3A = tpu.sem_alloc : memref<!tpu.dma_semaphore, #tpu.memory_space<semaphore_mem>>
        %dma_start3A_61 = arith.constant 9984 : i32
        %dma_start3A_62 = arith.constant 0 : i32
        %dma_start3A_63 = tpu.memref_slice %arg6[%arg0, %dma_start3A_61, %dma_start3A_62] : memref<2x10000x64xf32, #tpu.memory_space<hbm>> -> memref<1x16x64xf32, #tpu.memory_space<hbm>>
        %dma_start3A_64 = tpu.memref_squeeze %dma_start3A_63 : memref<1x16x64xf32, #tpu.memory_space<hbm>> -> memref<16x64xf32, #tpu.memory_space<hbm>>
        %dma_start3A_65 = arith.constant 9984 : i32
        %dma_start3A_66 = arith.constant 0 : i32
        %dma_start3A_67 = tpu.memref_slice %arg13[%dma_start3A_65, %dma_start3A_66] : memref<10000x64xf32, #tpu.memory_space<vmem_shared>> -> memref<16x64xf32, #tpu.memory_space<vmem_shared>>
        tpu.enqueue_dma source(%dma_start3A_67 : memref<16x64xf32, #tpu.memory_space<vmem_shared>>) target(%dma_start3A_64 : memref<16x64xf32, #tpu.memory_space<hbm>>) target_semaphore(%run_scoped3A : memref<!tpu.dma_semaphore, #tpu.memory_space<semaphore_mem>>)
        %dma_wait3A = arith.constant 9984 : i32
        %dma_wait3A_68 = arith.constant 0 : i32
        %dma_wait3A_69 = tpu.memref_slice %arg6[%arg0, %dma_wait3A, %dma_wait3A_68] : memref<2x10000x64xf32, #tpu.memory_space<hbm>> -> memref<1x16x64xf32, #tpu.memory_space<hbm>>
        %dma_wait3A_70 = tpu.memref_squeeze %dma_wait3A_69 : memref<1x16x64xf32, #tpu.memory_space<hbm>> -> memref<16x64xf32, #tpu.memory_space<hbm>>
        %dma_wait3A_71 = arith.constant 9984 : i32
        %dma_wait3A_72 = arith.constant 0 : i32
        %dma_wait3A_73 = tpu.memref_slice %arg13[%dma_wait3A_71, %dma_wait3A_72] : memref<10000x64xf32, #tpu.memory_space<vmem_shared>> -> memref<16x64xf32, #tpu.memory_space<vmem_shared>>
        tpu.wait_dma2 semaphore(%run_scoped3A : memref<!tpu.dma_semaphore, #tpu.memory_space<semaphore_mem>>) src(%dma_wait3A_73 : memref<16x64xf32, #tpu.memory_space<vmem_shared>>) dst(%dma_wait3A_70 : memref<16x64xf32, #tpu.memory_space<hbm>>)
        tpu.yield
      }) : () -> ()
    } else {
    }
    return
  }
}

module attributes {stable_mosaic.version = 14 : i64} {
  func.func @_tc2_body(%arg0: i32, %arg1: memref<2x1000x128xf32, #tpu.memory_space<vmem>>, %arg2: memref<128x128xf32, #tpu.memory_space<vmem>>, %arg3: memref<1x128xf32, #tpu.memory_space<vmem>>, %arg4: memref<128x64xf32, #tpu.memory_space<vmem>>, %arg5: memref<1000x64xf32, #tpu.memory_space<vmem>>) attributes {dimension_semantics = [#tpu.dimension_semantics<arbitrary>], iteration_bounds = array<i64: 10>, scalar_prefetch = 0 : i64, scratch_operands = 0 : i64, tpu.core_type = #tpu.core_type<tc>, window_params = [{transform_indices = @transform_0, window_bounds = array<i64: 2, 1000, 128>}, {pipeline_mode = #tpu.pipeline_mode<synchronous>, transform_indices = @transform_1, window_bounds = array<i64: 128, 128>}, {pipeline_mode = #tpu.pipeline_mode<synchronous>, transform_indices = @transform_2, window_bounds = array<i64: 1, 128>}, {pipeline_mode = #tpu.pipeline_mode<synchronous>, transform_indices = @transform_3, window_bounds = array<i64: 128, 64>}, {transform_indices = @transform_4, window_bounds = array<i64: 1000, 64>}]} {
    %get3A = arith.constant 0 : index
    %get3A_0 = arith.constant 0 : index
    %get3A_1 = arith.constant 0 : index
    %get3A_2 = vector.load %arg1[%get3A, %get3A_0, %get3A_1] : memref<2x1000x128xf32, #tpu.memory_space<vmem>>, vector<1x1000x128xf32>
    %get3A_3 = vector.shape_cast %get3A_2 : vector<1x1000x128xf32> to vector<1000x128xf32>
    %get3A_4 = arith.constant 1 : index
    %get3A_5 = arith.constant 0 : index
    %get3A_6 = arith.constant 0 : index
    %get3A_7 = vector.load %arg1[%get3A_4, %get3A_5, %get3A_6] : memref<2x1000x128xf32, #tpu.memory_space<vmem>>, vector<1x1000x128xf32>
    %get3A_8 = vector.shape_cast %get3A_7 : vector<1x1000x128xf32> to vector<1000x128xf32>
    %add3A = arith.addf %get3A_3, %get3A_8 : vector<1000x128xf32>
    %get3A_9 = arith.constant 0 : index
    %get3A_10 = arith.constant 0 : index
    %get3A_11 = vector.load %arg2[%get3A_9, %get3A_10] : memref<128x128xf32, #tpu.memory_space<vmem>>, vector<128x128xf32>
    %dot_general3A = arith.constant dense<0.000000e+00> : vector<1000x128xf32>
    %dot_general3A_12 = tpu.matmul %add3A, %get3A_11, %dot_general3A {dimension_numbers = #tpu.dot_dimension_numbers<[1], [0], [0], [1], [0, 0, 1, 1], [], []>, transpose_lhs_hint = false} : vector<1000x128xf32>, vector<128x128xf32>, vector<1000x128xf32> -> vector<1000x128xf32>
    %get3A_13 = arith.constant 0 : index
    %get3A_14 = arith.constant 0 : index
    %get3A_15 = vector.load %arg3[%get3A_13, %get3A_14] : memref<1x128xf32, #tpu.memory_space<vmem>>, vector<1x128xf32>
    %add3A_16 = vector.broadcast %get3A_15 : vector<1x128xf32> to vector<1000x128xf32>
    %add3A_17 = arith.addf %dot_general3A_12, %add3A_16 : vector<1000x128xf32>
    %max3A = arith.constant 0.000000e+00 : f32
    %max3A_18 = vector.broadcast %max3A : f32 to vector<1000x128xf32>
    %max3A_19 = arith.maximumf %add3A_17, %max3A_18 : vector<1000x128xf32>
    %get3A_20 = arith.constant 0 : index
    %get3A_21 = arith.constant 0 : index
    %get3A_22 = vector.load %arg4[%get3A_20, %get3A_21] : memref<128x64xf32, #tpu.memory_space<vmem>>, vector<128x64xf32>
    %dot_general3A_23 = arith.constant dense<0.000000e+00> : vector<1000x64xf32>
    %dot_general3A_24 = tpu.matmul %max3A_19, %get3A_22, %dot_general3A_23 {dimension_numbers = #tpu.dot_dimension_numbers<[1], [0], [0], [1], [0, 0, 1, 1], [], []>, transpose_lhs_hint = false} : vector<1000x128xf32>, vector<128x64xf32>, vector<1000x64xf32> -> vector<1000x64xf32>
    %swap3A = arith.constant 0 : index
    %swap3A_25 = arith.constant 0 : index
    %swap3A_26 = vector.load %arg5[%swap3A, %swap3A_25] : memref<1000x64xf32, #tpu.memory_space<vmem>>, vector<1000x64xf32>
    tpu.vector_store %arg5[%swap3A, %swap3A_25], %dot_general3A_24 {strides = array<i32>} : memref<1000x64xf32, #tpu.memory_space<vmem>>, vector<1000x64xf32>,
    return
  }
  func.func @transform_0(%arg0: i32) -> (i32, i32, i32) {
    %c0_i32 = arith.constant 0 : i32
    %c0_i32_0 = arith.constant 0 : i32
    %c0_i32_1 = arith.constant 0 : i32
    return %c0_i32, %arg0, %c0_i32_0 : i32, i32, i32
  }
  func.func @transform_1(%arg0: i32) -> (i32, i32) {
    %c0_i32 = arith.constant 0 : i32
    %c0_i32_0 = arith.constant 0 : i32
    %c0_i32_1 = arith.constant 0 : i32
    return %c0_i32, %c0_i32_0 : i32, i32
  }
  func.func @transform_2(%arg0: i32) -> (i32, i32) {
    %c0_i32 = arith.constant 0 : i32
    %c0_i32_0 = arith.constant 0 : i32
    %c0_i32_1 = arith.constant 0 : i32
    return %c0_i32, %c0_i32_0 : i32, i32
  }
  func.func @transform_3(%arg0: i32) -> (i32, i32) {
    %c0_i32 = arith.constant 0 : i32
    %c0_i32_0 = arith.constant 0 : i32
    %c0_i32_1 = arith.constant 0 : i32
    return %c0_i32, %c0_i32_0 : i32, i32
  }
  func.func @transform_4(%arg0: i32) -> (i32, i32) {
    %c0_i32 = arith.constant 0 : i32
    %c0_i32_0 = arith.constant 0 : i32
    return %arg0, %c0_i32 : i32, i32
  }
}

module attributes {stable_mosaic.version = 14 : i64} {
  func.func @_tc1_body(%arg0: i32, %arg1: memref<2x1000x128xf32, #tpu.memory_space<vmem>>, %arg2: memref<128x128xf32, #tpu.memory_space<vmem>>, %arg3: memref<1x128xf32, #tpu.memory_space<vmem>>, %arg4: memref<1000x128xf32, #tpu.memory_space<vmem>>) attributes {dimension_semantics = [#tpu.dimension_semantics<arbitrary>], iteration_bounds = array<i64: 10>, scalar_prefetch = 0 : i64, scratch_operands = 0 : i64, tpu.core_type = #tpu.core_type<tc>, window_params = [{transform_indices = @transform_0, window_bounds = array<i64: 2, 1000, 128>}, {pipeline_mode = #tpu.pipeline_mode<synchronous>, transform_indices = @transform_1, window_bounds = array<i64: 128, 128>}, {pipeline_mode = #tpu.pipeline_mode<synchronous>, transform_indices = @transform_2, window_bounds = array<i64: 1, 128>}, {transform_indices = @transform_3, window_bounds = array<i64: 1000, 128>}]} {
    %get3A = arith.constant 0 : index
    %get3A_0 = arith.constant 0 : index
    %get3A_1 = arith.constant 0 : index
    %get3A_2 = vector.load %arg1[%get3A, %get3A_0, %get3A_1] : memref<2x1000x128xf32, #tpu.memory_space<vmem>>, vector<1x1000x128xf32>
    %get3A_3 = vector.shape_cast %get3A_2 : vector<1x1000x128xf32> to vector<1000x128xf32>
    %get3A_4 = arith.constant 1 : index
    %get3A_5 = arith.constant 0 : index
    %get3A_6 = arith.constant 0 : index
    %get3A_7 = vector.load %arg1[%get3A_4, %get3A_5, %get3A_6] : memref<2x1000x128xf32, #tpu.memory_space<vmem>>, vector<1x1000x128xf32>
    %get3A_8 = vector.shape_cast %get3A_7 : vector<1x1000x128xf32> to vector<1000x128xf32>
    %add3A = arith.addf %get3A_3, %get3A_8 : vector<1000x128xf32>
    %get3A_9 = arith.constant 0 : index
    %get3A_10 = arith.constant 0 : index
    %get3A_11 = vector.load %arg2[%get3A_9, %get3A_10] : memref<128x128xf32, #tpu.memory_space<vmem>>, vector<128x128xf32>
    %dot_general3A = arith.constant dense<0.000000e+00> : vector<1000x128xf32>
    %dot_general3A_12 = tpu.matmul %add3A, %get3A_11, %dot_general3A {dimension_numbers = #tpu.dot_dimension_numbers<[1], [0], [0], [1], [0, 0, 1, 1], [], []>, transpose_lhs_hint = false} : vector<1000x128xf32>, vector<128x128xf32>, vector<1000x128xf32> -> vector<1000x128xf32>
    %get3A_13 = arith.constant 0 : index
    %get3A_14 = arith.constant 0 : index
    %get3A_15 = vector.load %arg3[%get3A_13, %get3A_14] : memref<1x128xf32, #tpu.memory_space<vmem>>, vector<1x128xf32>
    %add3A_16 = vector.broadcast %get3A_15 : vector<1x128xf32> to vector<1000x128xf32>
    %add3A_17 = arith.addf %dot_general3A_12, %add3A_16 : vector<1000x128xf32>
    %max3A = arith.constant 0.000000e+00 : f32
    %max3A_18 = vector.broadcast %max3A : f32 to vector<1000x128xf32>
    %max3A_19 = arith.maximumf %add3A_17, %max3A_18 : vector<1000x128xf32>
    %swap3A = arith.constant 0 : index
    %swap3A_20 = arith.constant 0 : index
    %swap3A_21 = vector.load %arg4[%swap3A, %swap3A_20] : memref<1000x128xf32, #tpu.memory_space<vmem>>, vector<1000x128xf32>
    tpu.vector_store %arg4[%swap3A, %swap3A_20], %max3A_19 {strides = array<i32>} : memref<1000x128xf32, #tpu.memory_space<vmem>>, vector<1000x128xf32>,
    return
  }
  func.func @transform_0(%arg0: i32) -> (i32, i32, i32) {
    %c0_i32 = arith.constant 0 : i32
    %c0_i32_0 = arith.constant 0 : i32
    %c0_i32_1 = arith.constant 0 : i32
    return %c0_i32, %arg0, %c0_i32_0 : i32, i32, i32
  }
  func.func @transform_1(%arg0: i32) -> (i32, i32) {
    %c0_i32 = arith.constant 0 : i32
    %c0_i32_0 = arith.constant 0 : i32
    %c0_i32_1 = arith.constant 0 : i32
    return %c0_i32, %c0_i32_0 : i32, i32
  }
  func.func @transform_2(%arg0: i32) -> (i32, i32) {
    %c0_i32 = arith.constant 0 : i32
    %c0_i32_0 = arith.constant 0 : i32
    %c0_i32_1 = arith.constant 0 : i32
    return %c0_i32, %c0_i32_0 : i32, i32
  }
  func.func @transform_3(%arg0: i32) -> (i32, i32) {
    %c0_i32 = arith.constant 0 : i32
    %c0_i32_0 = arith.constant 0 : i32
    return %arg0, %c0_i32 : i32, i32
  }
}

module attributes {stable_mosaic.version = 14 : i64} {
  func.func @_tc3_body(%arg0: i32, %arg1: memref<2x1000x64xf32, #tpu.memory_space<vmem>>, %arg2: memref<1x64xf32, #tpu.memory_space<vmem>>, %arg3: memref<64x16xf32, #tpu.memory_space<vmem>>, %arg4: memref<1000x16xf32, #tpu.memory_space<vmem>>) attributes {dimension_semantics = [#tpu.dimension_semantics<arbitrary>], iteration_bounds = array<i64: 10>, scalar_prefetch = 0 : i64, scratch_operands = 0 : i64, tpu.core_type = #tpu.core_type<tc>, window_params = [{transform_indices = @transform_0, window_bounds = array<i64: 2, 1000, 64>}, {pipeline_mode = #tpu.pipeline_mode<synchronous>, transform_indices = @transform_1, window_bounds = array<i64: 1, 64>}, {pipeline_mode = #tpu.pipeline_mode<synchronous>, transform_indices = @transform_2, window_bounds = array<i64: 64, 16>}, {transform_indices = @transform_3, window_bounds = array<i64: 1000, 16>}]} {
    %get3A = arith.constant 0 : index
    %get3A_0 = arith.constant 0 : index
    %get3A_1 = arith.constant 0 : index
    %get3A_2 = vector.load %arg1[%get3A, %get3A_0, %get3A_1] : memref<2x1000x64xf32, #tpu.memory_space<vmem>>, vector<1x1000x64xf32>
    %get3A_3 = vector.shape_cast %get3A_2 : vector<1x1000x64xf32> to vector<1000x64xf32>
    %get3A_4 = arith.constant 1 : index
    %get3A_5 = arith.constant 0 : index
    %get3A_6 = arith.constant 0 : index
    %get3A_7 = vector.load %arg1[%get3A_4, %get3A_5, %get3A_6] : memref<2x1000x64xf32, #tpu.memory_space<vmem>>, vector<1x1000x64xf32>
    %get3A_8 = vector.shape_cast %get3A_7 : vector<1x1000x64xf32> to vector<1000x64xf32>
    %add3A = arith.addf %get3A_3, %get3A_8 : vector<1000x64xf32>
    %get3A_9 = arith.constant 0 : index
    %get3A_10 = arith.constant 0 : index
    %get3A_11 = vector.load %arg2[%get3A_9, %get3A_10] : memref<1x64xf32, #tpu.memory_space<vmem>>, vector<1x64xf32>
    %add3A_12 = vector.broadcast %get3A_11 : vector<1x64xf32> to vector<1000x64xf32>
    %add3A_13 = arith.addf %add3A, %add3A_12 : vector<1000x64xf32>
    %max3A = arith.constant 0.000000e+00 : f32
    %max3A_14 = vector.broadcast %max3A : f32 to vector<1000x64xf32>
    %max3A_15 = arith.maximumf %add3A_13, %max3A_14 : vector<1000x64xf32>
    %get3A_16 = arith.constant 0 : index
    %get3A_17 = arith.constant 0 : index
    %get3A_18 = vector.load %arg3[%get3A_16, %get3A_17] : memref<64x16xf32, #tpu.memory_space<vmem>>, vector<64x16xf32>
    %dot_general3A = arith.constant dense<0.000000e+00> : vector<1000x16xf32>
    %dot_general3A_19 = tpu.matmul %max3A_15, %get3A_18, %dot_general3A {dimension_numbers = #tpu.dot_dimension_numbers<[1], [0], [0], [1], [0, 0, 1, 1], [], []>, transpose_lhs_hint = false} : vector<1000x64xf32>, vector<64x16xf32>, vector<1000x16xf32> -> vector<1000x16xf32>
    %swap3A = arith.constant 0 : index
    %swap3A_20 = arith.constant 0 : index
    %swap3A_21 = vector.load %arg4[%swap3A, %swap3A_20] : memref<1000x16xf32, #tpu.memory_space<vmem>>, vector<1000x16xf32>
    tpu.vector_store %arg4[%swap3A, %swap3A_20], %dot_general3A_19 {strides = array<i32>} : memref<1000x16xf32, #tpu.memory_space<vmem>>, vector<1000x16xf32>,
    return
  }
  func.func @transform_0(%arg0: i32) -> (i32, i32, i32) {
    %c0_i32 = arith.constant 0 : i32
    %c0_i32_0 = arith.constant 0 : i32
    %c0_i32_1 = arith.constant 0 : i32
    return %c0_i32, %arg0, %c0_i32_0 : i32, i32, i32
  }
  func.func @transform_1(%arg0: i32) -> (i32, i32) {
    %c0_i32 = arith.constant 0 : i32
    %c0_i32_0 = arith.constant 0 : i32
    %c0_i32_1 = arith.constant 0 : i32
    return %c0_i32, %c0_i32_0 : i32, i32
  }
  func.func @transform_2(%arg0: i32) -> (i32, i32) {
    %c0_i32 = arith.constant 0 : i32
    %c0_i32_0 = arith.constant 0 : i32
    %c0_i32_1 = arith.constant 0 : i32
    return %c0_i32, %c0_i32_0 : i32, i32
  }
  func.func @transform_3(%arg0: i32) -> (i32, i32) {
    %c0_i32 = arith.constant 0 : i32
    %c0_i32_0 = arith.constant 0 : i32
    return %arg0, %c0_i32 : i32, i32
  }
}

module attributes {stable_mosaic.version = 14 : i64} {
  func.func @_tc4_body(%arg0: i32, %arg1: memref<2x1000x16xf32, #tpu.memory_space<vmem>>, %arg2: memref<1x2xf32, #tpu.memory_space<vmem>>, %arg3: memref<1000x2xf32, #tpu.memory_space<vmem>>) attributes {dimension_semantics = [#tpu.dimension_semantics<arbitrary>], iteration_bounds = array<i64: 10>, scalar_prefetch = 0 : i64, scratch_operands = 0 : i64, tpu.core_type = #tpu.core_type<tc>, window_params = [{transform_indices = @transform_0, window_bounds = array<i64: 2, 1000, 16>}, {pipeline_mode = #tpu.pipeline_mode<synchronous>, transform_indices = @transform_1, window_bounds = array<i64: 1, 2>}, {transform_indices = @transform_2, window_bounds = array<i64: 1000, 2>}]} {
    %get3A = arith.constant 0 : index
    %get3A_0 = arith.constant 0 : index
    %get3A_1 = arith.constant 0 : index
    %get3A_2 = vector.load %arg1[%get3A, %get3A_0, %get3A_1] : memref<2x1000x16xf32, #tpu.memory_space<vmem>>, vector<1x1000x16xf32>
    %get3A_3 = vector.shape_cast %get3A_2 : vector<1x1000x16xf32> to vector<1000x16xf32>
    %get3A_4 = arith.constant 1 : index
    %get3A_5 = arith.constant 0 : index
    %get3A_6 = arith.constant 0 : index
    %get3A_7 = vector.load %arg1[%get3A_4, %get3A_5, %get3A_6] : memref<2x1000x16xf32, #tpu.memory_space<vmem>>, vector<1x1000x16xf32>
    %get3A_8 = vector.shape_cast %get3A_7 : vector<1x1000x16xf32> to vector<1000x16xf32>
    %add3A = arith.addf %get3A_3, %get3A_8 : vector<1000x16xf32>
    %slice3A = vector.extract_strided_slice %add3A {offsets = [0, 0], sizes = [1000, 2], strides = [1, 1]} : vector<1000x16xf32> to vector<1000x2xf32>
    %get3A_9 = arith.constant 0 : index
    %get3A_10 = arith.constant 0 : index
    %get3A_11 = vector.load %arg2[%get3A_9, %get3A_10] : memref<1x2xf32, #tpu.memory_space<vmem>>, vector<1x2xf32>
    %add3A_12 = vector.broadcast %get3A_11 : vector<1x2xf32> to vector<1000x2xf32>
    %add3A_13 = arith.addf %slice3A, %add3A_12 : vector<1000x2xf32>
    %swap3A = arith.constant 0 : index
    %swap3A_14 = arith.constant 0 : index
    %swap3A_15 = vector.load %arg3[%swap3A, %swap3A_14] : memref<1000x2xf32, #tpu.memory_space<vmem>>, vector<1000x2xf32>
    tpu.vector_store %arg3[%swap3A, %swap3A_14], %add3A_13 {strides = array<i32>} : memref<1000x2xf32, #tpu.memory_space<vmem>>, vector<1000x2xf32>,
    return
  }
  func.func @transform_0(%arg0: i32) -> (i32, i32, i32) {
    %c0_i32 = arith.constant 0 : i32
    %c0_i32_0 = arith.constant 0 : i32
    %c0_i32_1 = arith.constant 0 : i32
    return %c0_i32, %arg0, %c0_i32_0 : i32, i32, i32
  }
  func.func @transform_1(%arg0: i32) -> (i32, i32) {
    %c0_i32 = arith.constant 0 : i32
    %c0_i32_0 = arith.constant 0 : i32
    %c0_i32_1 = arith.constant 0 : i32
    return %c0_i32, %c0_i32_0 : i32, i32
  }
  func.func @transform_2(%arg0: i32) -> (i32, i32) {
    %c0_i32 = arith.constant 0 : i32
    %c0_i32_0 = arith.constant 0 : i32
    return %arg0, %c0_i32 : i32, i32
  }
}

</mosaic_0001>

<sc_bundles>
// kernel: kernel.10.cloned.1.call-start
scs
__scs_entry_jumppad:
0x0: {  	(pc) =	sbr.rel $0x88, $3  }
0x1: {  	(tag) =	ssettag $0x0;
	lr =	simm.s32 $0x1  }
0x2: {  	[smem:$0x3F97] =	sst lr;
	_ =	strace $0xD0000000  }
0x3: {  	_ = 	snop  }
0x4: {  	_ = 	snop  }
0x5: {  	_ = 	snop  }
0x6: {  	_ = 	snop  }
0x7: {  	_ = 	snop  }
__scs_overlays_trampoline_lowered:
0x8: {  	[smem:$0x3FA6] =	sst s0  }
0x9: {  	[smem:$0x3FA7] =	sst s1  }
0xa: {  	[smem:$0x3FA8] =	sst s2  }
0xb: {  	[smem:$0x3FA9] =	sst s3  }
0xc: {  	[smem:$0x3FAA] =	sst s4  }
0xd: {  	[smem:$0x3FAB] =	sst s5  }
0xe: {  	[smem:$0x3FAC] =	sst s6  }
0xf: {  	[smem:$0x3FAD] =	sst s7  }
0x10: {  	[smem:$0x3FAE] =	sst s8  }
0x11: {  	[smem:$0x3FAF] =	sst s9;
	s0 =	simm.s32 @!p0 $0x0  }
0x12: {  	s1 =	sld [smem:$0x3F95];
	s0 =	simm.s32 @p0 $0x1  }
0x13: {  	[smem:$0x3FB0] =	sst s0;
	s0 =	simm.s32 @!p1 $0x0  }
0x14: {  	s2 =	sld [smem:$0x3F94];
	s0 =	simm.s32 @p1 $0x1  }
0x15: {  	[smem:$0x3FB1] =	sst s0;
	s0 =	simm.s32 @!p2 $0x0  }
0x16: {  	s3 =	sld [smem:$0x3FDB];
	s0 =	simm.s32 @p2 $0x1  }
0x17: {  	s4 =	simm.s32 $0x1BF5;
	[smem:$0x3FB3] =	sst s0  }
0x18: {  	s0 =	sld [smem:$0x3F96];
	_ =	swait.ge [sflag:s4], $0x0  }
0x19: {  	s7 =	sld [smem:$0x3F97]  }
0x1a: {  	s8 =	sadd.s32 $0xFFFFE003, lr  }
0x1b: {  	s9 =	sadd.s32 $0xFFFFFEF7, lr;
	s5 =	simm.s32 $0xFFFFFFFF;
	p2 =	slt.u32 s8, $0xFFFFF086  }
0x1c: {  	p1 =	slt.u32 s9, $0xF7A;
	s5 =	simm.s32 @!p2 $0x0  }
0x1d: {  	s5 =	simm.s32 @p1 $0x1;
	p0 =	seq.s32 s7, s2  }
0x1e: {  	s7 =	smul.u32 @!p0 $0xF7A, s2;
	p2 =	seq.s32 @!p0 s5, $0x0  }
0x1f: {  	s9 =	smul.u32 $0xF7A, s1;
	s8 =	simm.s32 @!p0 $0x1BF5;
	p2 =	por !p2, p0  }
0x20: {  	[sflag:s8] =	ssyncset.s32 @!p0 $0xFFFFF086;
	s6 =	sadd.s32 @!p0 s3, s7;
	s7 =	simm.s32 @!p0 $0x108  }
0x21: {  	s3 =	sadd.s32 s3, s9;
	s6 =	sadd.s32 @!p0 $0x88, s6;
	s7 =	simm.s32 @p2 $0x1082  }
0x22: {  	[simem:s7], [sflag:s8] =	dma.local @!p0 [hbm:s6], $0xF7A  }
0x23: {  	s9 =	sor.u32 $0xD0000000, s2;
	s6 =	simm.s32 $0x108;
	_ =	swait.ge @!p0 [sflag:s8], $0x0  }
0x24: {  	s3 =	sadd.s32 $0x88, s3;
	s6 =	simm.s32 @!p1 $0x1082;
	[sflag:s4] =	ssyncset.s32 $0xFFFFF086  }
0x25: {  	[simem:s6], [sflag:s4] =	dma.local [hbm:s3], $0xF7A  }
0x26: {  	[smem:$0x3F97] =	sst s1;
	(tag) =	ssettag s2;
	_ =	strace s9  }
0x27: {  	s1 =	sld [smem:$0x3FA7]  }
0x28: {  	s2 =	sld [smem:$0x3FA8]  }
0x29: {  	s4 =	sld [smem:$0x3FAA]  }
0x2a: {  	p0 =	seq.s32 s5, $0x0;
	s5 =	sld [smem:$0x3FAB]  }
0x2b: {  	s6 =	sld [smem:$0x3FAC]  }
0x2c: {  	s7 =	sld [smem:$0x3FAD]  }
0x2d: {  	s3 =	simm.s32 $0x108;
	s8 =	sld [smem:$0x3FAE]  }
0x2e: {  	s3 =	simm.s32 @!p0 $0x1082;
	s9 =	sld [smem:$0x3FAF]  }
0x2f: {  	lr =	sadd.s32 s0, s3;
	s0 =	sld [smem:$0x3FA6]  }
0x30: {  	s3 =	sld [smem:$0x3FA9]  }
0x31: {  	[smem:$0x3FB2] =	sst s10  }
0x32: {  	s10 =	sld [smem:$0x3FB0];
	_ =	sdelay $0x3  }
0x33: {  	p0 =	seq.s32 s10, $0x1;
	s10 =	sld [smem:$0x3FB2];
	_ =	sdelay $0x3  }
0x34: {  	[smem:$0x3FB2] =	sst s10  }
0x35: {  	s10 =	sld [smem:$0x3FB1];
	_ =	sdelay $0x3  }
0x36: {  	p1 =	seq.s32 s10, $0x1;
	s10 =	sld [smem:$0x3FB2];
	_ =	sdelay $0x3  }
0x37: {  	[smem:$0x3FB2] =	sst s10  }
0x38: {  	s10 =	sld [smem:$0x3FB3]  }
0x39: {  	_ = 	snop;
	(pc) =	sbr.ind lr, $3  }
0x3a: {  	_ = 	snop  }
0x3b: {  	_ = 	snop  }
0x3c: {  	p2 =	seq.s32 s10, $0x1;
	s10 =	sld [smem:$0x3FB2]  }
0x3d: {  	_ =	shalt  }
0x3e: {  	_ =	shalt  }
0x3f: {  	_ =	shalt  }
0x40: {  	_ =	shalt  }
0x41: {  	_ =	shalt  }
0x42: {  	_ =	shalt  }
0x43: {  	_ =	shalt  }
0x44: {  	_ =	shalt  }
0x45: {  	_ =	shalt  }
0x46: {  	_ =	shalt  }
0x47: {  	_ =	shalt  }
0x48: {  	_ =	shalt  }
0x49: {  	_ =	shalt  }
0x4a: {  	_ =	shalt  }
0x4b: {  	_ =	shalt  }
0x4c: {  	_ =	shalt  }
0x4d: {  	_ =	shalt  }
0x4e: {  	_ =	shalt  }
0x4f: {  	_ =	shalt  }
0x50: {  	_ =	shalt  }
0x51: {  	_ =	shalt  }
0x52: {  	_ =	shalt  }
0x53: {  	_ =	shalt  }
0x54: {  	_ =	shalt  }
0x55: {  	_ =	shalt  }
0x56: {  	_ =	shalt  }
0x57: {  	_ =	shalt  }
0x58: {  	_ =	shalt  }
0x59: {  	_ =	shalt  }
0x5a: {  	_ =	shalt  }
0x5b: {  	_ =	shalt  }
0x5c: {  	_ =	shalt  }
0x5d: {  	_ =	shalt  }
0x5e: {  	_ =	shalt  }
0x5f: {  	_ =	shalt  }
0x60: {  	_ =	shalt  }
0x61: {  	_ =	shalt  }
0x62: {  	_ =	shalt  }
0x63: {  	_ =	shalt  }
0x64: {  	_ =	shalt  }
0x65: {  	_ =	shalt  }
0x66: {  	_ =	shalt  }
0x67: {  	_ =	shalt  }
0x68: {  	_ =	shalt  }
0x69: {  	_ =	shalt  }
0x6a: {  	_ =	shalt  }
0x6b: {  	_ =	shalt  }
0x6c: {  	_ =	shalt  }
0x6d: {  	_ =	shalt  }
0x6e: {  	_ =	shalt  }
0x6f: {  	_ =	shalt  }
0x70: {  	_ =	shalt  }
0x71: {  	_ =	shalt  }
0x72: {  	_ =	shalt  }
0x73: {  	_ =	shalt  }
0x74: {  	_ =	shalt  }
0x75: {  	_ =	shalt  }
0x76: {  	_ =	shalt  }
0x77: {  	_ =	shalt  }
0x78: {  	_ =	shalt  }
0x79: {  	_ =	shalt  }
0x7a: {  	_ =	shalt  }
0x7b: {  	_ =	shalt  }
0x7c: {  	_ =	shalt  }
0x7d: {  	_ =	shalt  }
0x7e: {  	_ =	shalt  }
0x7f: {  	_ =	shalt  }
0x80: {  	_ =	shalt  }
0x81: {  	_ =	shalt  }
0x82: {  	_ =	shalt  }
0x83: {  	_ =	shalt  }
0x84: {  	_ =	shalt  }
0x85: {  	_ =	shalt  }
0x86: {  	_ =	shalt  }
0x87: {  	_ =	shalt  }
.Lfunc_end0:
.L_simem_size_0:
called_computation_lowered:
.L_overlay_start_0:
0x88: {  	s2 =	sld [smem:$0x3FD9]  }
0x89: {  	s3 =	sld [smem:$0x3FFE];
	_ =	sdelay $0x1  }
0x8a: {  	s1 =	srdreg.scid  }
0x8b: {  	s0 =	sand.u32 $0x1, s1  }
0x8c: {  	s17 =	sshll.u32 s0, $0xA;
	s2 =	sadd.s32 s3, s2  }
0x8d: {  	s2 =	sadd.s32 s2, s17  }
0x8e: {  	[smem:$0x3FBE] =	sst s2  }
0x8f: {  	_ = 	snop  }
0x90: {  	s2 =	sld [smem:$0x3FC9];
	(tm) =	ssettm $0x1  }
0x91: {  	s18 =	sld [smem:$0x3FFB];
	_ =	sdelay $0x3  }
0x92: {  	_ =	strace s18  }
0x93: {  	s3 =	sld [smem:$0x3FFC];
	_ =	sdelay $0x3  }
0x94: {  	_ =	strace s3  }
0x95: {  	s3 =	sld [smem:$0x3FFD];
	_ =	sdelay $0x3  }
0x96: {  	_ =	strace s3  }
0x97: {  	_ =	strace $0x8FFFFFFF  }
0x98: {  	s19 =	sld [smem:$0x3FDB];
	_ =	sdelay $0x1  }
0x99: {  	s4 =	simm.s32 $_scs_section_size  }
0x9a: {  	s5 =	simm.s32 $_size__tile_overlayer_lowered;
	s6 =	simm.s32 $_tile_overlayer_lowered  }
0x9b: {  	s22 =	simm.s32 $0x1BFF;
	s21 =	sshll.u32 s6, $0x1;
	s3 =	sadd.s32 s4, s19  }
0x9c: {  	s7 =	simm.s32 $0x0;
	s20 =	sshll.u32 s5, $0x1;
	s5 =	sadd.s32 s21, s3  }
0x9d: {  	[timem:s7], [sflag:s22] =	dma.local [hbm:s5], s20  }
0x9e: {  	_ =	swait.ge [sflag:s22], s20  }
0x9f: {  	s4 =	ssub.s32 $0x0, s20;
	[sflag:s22] =	ssyncset.done $0x0  }
0xa0: {  	[sflag:s22] =	ssyncadd.s32 s4;
	_ =	sdelay $0x1  }
0xa1: {  	s23 =	simm.s32 $0x1B8B  }
0xa2: {  	_ =	swait.ge [sflag:s23], $0x1  }
0xa3: {  	[sflag:s23] =	ssyncset.done $0x0  }
0xa4: {  	s25 =	simm.s32 $0x1B8E;
	s24 =	sld [smem:$0x3FFE];
	[sflag:s23] =	ssyncadd.s32 $0xFFFFFFFF  }
0xa5: {  	s26 =	simm.s32 $execute0_lowered;
	[smem:$0x3FD2] =	sst s25  }
0xa6: {  	s5 =	sshll.u32 s26, $0x1;
	_ =	strace $0x80000046;
	[dreg:$0x1] =	wrdreg $0xFFFFFFFF  }
0xa7: {  	s28 =	simm.s32 $_size_execute0_lowered;
	s3 =	sadd.s32 s3, s5;
	[dreg:$0x0] =	wrdreg $0x0  }
0xa8: {  	s5 =	sshll.u32 s28, $0x1;
	[dreg:$0x2] =	wrdreg s3  }
0xa9: {  	[dreg:$0x3] =	wrdreg s5  }
0xaa: {  	[dreg:$0x4] =	wrdreg $0xC0  }
0xab: {  	_ =	task [dreg:s7], $0x5FFFF  }
0xac: {  	[dreg:$0x1] =	wrdreg $0xFFFFFFFF  }
0xad: {  	[dreg:$0x0] =	wrdreg $0x60  }
0xae: {  	[dreg:$0x2] =	wrdreg s2  }
0xaf: {  	[dreg:$0x3] =	wrdreg s24  }
0xb0: {  	[dreg:$0x4] =	wrdreg $0xA7000  }
0xb1: {  	[dreg:$0x5] =	wrdreg $0x9  }
0xb2: {  	_ =	task.clear_ibuf [dreg:s7], $0x6FFFF;
	_ =	strace $0x90000046  }
0xb3: {  	s29 =	simm.s32 $0x9;
	_ =	strace $0x80000048  }
0xb4: {  	_ =	swait.ge [sflag:s29], $0x1  }
0xb5: {  	[sflag:s29] =	ssyncadd.s32 $0xFFFFFFFF  }
0xb6: {  	_ =	strace $0x90000048  }
0xb7: {  	_ =	sfence  }
0xb8: {  	s30 =	sld [smem:$0x0];
	_ =	sdelay $0x2  }
0xb9: {  	s31 =	sshll.u32 s1, $0xD;
	s1 =	sshrl.u32 s1, $0x2  }
0xba: {  	s3 =	sand.u32 $0x4000, s31;
	s1 =	sadd.s32 s1, s30  }
0xbb: {  	s0 =	sor.u32 s3, s0;
	s1 =	sshll.u32 s1, $0x11  }
0xbc: {  	s0 =	sor.u32 s1, s0  }
0xbd: {  	s0 =	sadd.s32 $0x8F2B, s0  }
0xbe: {  	[sflag:s0] =	ssyncadd.remote.s32 $0x1  }
0xbf: {  	_ =	sfence.sel $0xFFFF  }
0xc0: {  	[dreg:$0x0] =	wrdreg $0xFFFFFFFF;
	(pc) =	sbr.abs _section_cstart, $3  }
0xc1: {  	[dreg:$0x1] =	wrdreg $0xFFFFFFFF  }
0xc2: {  	_ =	task.clear_ibuf [dreg:s7], $0x2FFFF;
	_ =	strace $0x9FFFFFFF  }
0xc3: {  	(tm) =	ssettm $0x7FFFFFFF  }
tec
execute0_lowered:
.L_overlay_start_1:
0x0: {  	(tag) =	ssettag $0x1  }
0x1: {  	s1 =	rddreg [dreg:$0x0]  }
0x2: {  	s0 =	rddreg [dreg:$0x1]  }
0x3: {  	s2 =	rddreg [dreg:$0x2]  }
0x4: {  	s3 =	simm.s32 $0x0;
	s4 =	srdreg.scid;
	s9 =	stileid.u32  }
0x5: {  	s28 =	simm.s32 $0x1300;
	s29 =	simm.s32 $0x2600;
	s30 =	simm.s32 $0x2680  }
0x6: {  	s31 =	simm.s32 $0x0;
	[smem:$0x7FF] =	sst s3;
	s5 =	sadd.s32 $0xBC00, s0  }
0x7: {  	s6 =	sadd.s32 $0x1E00, s0;
	s4 =	sand.u32 $0x1, s4;
	s7 =	sadd.s32 $0x15A00, s0  }
0x8: {  	s14 =	smul.u32 $0x13800, s9;
	s16 =	sadd.s32 $0x18200, s0;
	s19 =	sshll.u32 s9, $0x6  }
0x9: {  	s21 =	sadd.s32 $0x138000, s2;
	s0 =	sadd.s32 $0x18100, s0;
	s24 =	sshll.u32 s9, $0x4  }
0xa: {  	p0 =	sne.s32 s9, $0xF;
	_ =	strace $0x80000047;
	[dreg:$0x4] =	wrdreg s7  }
0xb: {  	s17 =	sshll.u32 s4, $0x4;
	s8 =	ssub.s32 $0x2, s4;
	[dreg:$0x6] =	wrdreg s21  }
0xc: {  	s7 =	sor.u32 $0x1C03, s19;
	[dreg:$0x7] =	wrdreg s0;
	s4 =	smul.u32 $0x138800, s4  }
0xd: {  	s19 =	simm.s32 $0x3;
	s21 =	simm.s32 $0x80;
	s25 =	sor.u32 s9, s17  }
0xe: {  	s18 =	sshrl.u32 s8, $0x1;
	s20 =	sadd.s32 s14, s2;
	s11 =	smul.u32 $0x4E0, s25  }
0xf: {  	s18 =	ssub.s32 s8, s18;
	s12 =	smul.u32 $0x2700, s25;
	[dreg:$0x5] =	wrdreg s20  }
0x10: {  	s15 =	sadd.s32 s14, s4;
	s4 =	sshrl.u32 s4, $0x3;
	s20 =	simm.s32 $0x1380  }
0x11: {  	p1 =	sgt.u32 s25, $0x3;
	s25 =	simm.s32 $0x2;
	s26 =	sshrl.u32 s15, $0x3  }
0x12: {  	s4 =	sadd.s32 s16, s4;
	s18 =	smax.u32 s18, $0x1;
	s22 =	sadd.s32 s5, s11  }
0x13: {  	s23 =	sshrl.u32 s12, $0x3;
	s11 =	sadd.s32 s6, s11;
	s16 =	sadd.s32 s16, s26  }
0x14: {  	s17 =	sadd.s32 $0x27000, s4;
	s26 =	simm.s32 $0x2580;
	[dreg:$0x8] =	wrdreg s22  }
0x15: {  	s0 =	sadd.s32 $0x270, s23;
	s22 =	simm.s32 $0x2700;
	s23 =	simm.s32 $0x6700  }
0x16: {  	s12 =	sadd.s32 s5, s0;
	s13 =	sadd.s32 s6, s0;
	s0 =	sor.u32 $0x9C00, s24  }
0x17: {  	s24 =	simm.s32 $0x1;
	s14 =	sadd.s32 s5, s0;
	s15 =	sadd.s32 s6, s0  }
.LBB2_1:
0x18: {  	s0 =	rddreg [dreg:$0x5]  }
0x19: {  	s4 =	rddreg [dreg:$0x4];
	s0 =	sshrl.u32 s0, $0x3  }
0x1a: {  	[spmem:s0], [sflag:s7] =	dma.local [hbm:s4], $0x2700  }
0x1b: {  	_ =	swait.ge [sflag:s19], $0x2700  }
0x1c: {  	[sflag:s19] =	ssyncset.done $0x0;
	s4 =	rddreg [dreg:$0x6]  }
0x1d: {  	s5 =	rddreg [dreg:$0x7];
	[sflag:s19] =	ssyncadd.s32 $0xFFFFD900;
	s4 =	sshrl.u32 @!p0 s4, $0x3  }
0x1e: {  	[spmem:s4], [sflag:s7] =	dma.local @!p0 [hbm:s5], $0x100  }
0x1f: {  	s5 =	simm.s32 @!p0 $0x3  }
0x20: {  	_ =	swait.ge @!p0 [sflag:s5], $0x100  }
0x21: {  	[sflag:s5] =	ssyncset.done @!p0 $0x0  }
0x22: {  	s6 =	rddreg [dreg:$0x8];
	[sflag:s5] =	ssyncadd.s32 @!p0 $0xFFFFFF00  }
0x23: {  	[tilespmem:s3], [sflag:$0x3] =	stream.linear.gather [hbm4b:s6+s3], $0x1380, $0x38;
	[tilespmem:$0x1DF80] =	vst v63  }
0x24: {  	_ =	swait.ge [sflag:s19], $0x1380  }
0x25: {  	[sflag:s19] =	ssyncset.done $0x0  }
0x26: {  	[sflag:s19] =	ssyncadd.s32 $0xFFFFEC80  }
0x27: {  	[tilespmem:s20], [sflag:$0x3] =	stream.linear.gather [hbm4b:s11+s3], $0x1380, $0x38;
	[tilespmem:$0x1DF80] =	vst v63  }
0x28: {  	_ =	swait.ge [sflag:s19], $0x1380  }
0x29: {  	[sflag:s19] =	ssyncset.done $0x0  }
0x2a: {  	[sflag:s19] =	ssyncadd.s32 $0xFFFFEC80  }
0x2b: {  	[tilespmem:s22], [sflag:$0x1] =	stream.indirect.gather [hbm4b:s1+s21], $0x80, s3, s21, $0xb8;
	[tilespmem:$0x1DF80] =	vst v63  }
0x2c: {  	_ = 	snop  }
0x2d: {  	[tilespmem:s23], [sflag:$0x2] =	stream.indirect.gather [hbm4b:s1+s21], $0x80, s21, s21, $0xb8;
	[tilespmem:$0x1DF80] =	vst v63  }
0x2e: {  	[bflag:$0x0] =	sbarrier.arrive $0xFFFF  }
0x2f: {  	_ =	swait.ge [sflag:s24], $0x4000  }
0x30: {  	[sflag:s24] =	ssyncset.done $0x0  }
0x31: {  	s8 =	simm.s32 $0x1380;
	[sflag:s24] =	ssyncadd.s32 $0xFFFFC000  }
0x32: {  	[spmem:s2] =	stream.indirect.scatter.add.f32 [tilespmem:s22], [sflag:$0x3], $0x80, s8, s21, $0xb8;
	[tilespmem:$0x1DF80] =	vst v63  }
0x33: {  	_ =	swait.ge [sflag:s19], $0x4000  }
0x34: {  	[sflag:s19] =	ssyncset.done $0x0  }
0x35: {  	s9 =	simm.s32 $0x100;
	[sflag:s19] =	ssyncadd.s32 $0xFFFFC000  }
0x36: {  	[tilespmem:s22], [sflag:$0x1] =	stream.indirect.gather [hbm4b:s1+s21], $0x80, s9, s21, $0xb8;
	[tilespmem:$0x1DF80] =	vst v63  }
0x37: {  	_ =	swait.ge [sflag:s25], $0x4000  }
0x38: {  	[sflag:s25] =	ssyncset.done $0x0  }
0x39: {  	s10 =	simm.s32 $0x1400;
	[sflag:s25] =	ssyncadd.s32 $0xFFFFC000  }
0x3a: {  	[spmem:s2] =	stream.indirect.scatter.add.f32 [tilespmem:s23], [sflag:$0x3], $0x80, s10, s21, $0xb8;
	[tilespmem:$0x1DF80] =	vst v63  }
0x3b: {  	_ =	swait.ge [sflag:s19], $0x4000  }
0x3c: {  	[sflag:s19] =	ssyncset.done $0x0  }
0x3d: {  	s5 =	simm.s32 $0x400;
	s6 =	simm.s32 $0x180;
	[sflag:s19] =	ssyncadd.s32 $0xFFFFC000  }
.LBB2_2:
0x3e: {  	[tilespmem:s23], [sflag:$0x2] =	stream.indirect.gather [hbm4b:s1+s21], $0x80, s6, s21, $0xb8;
	[tilespmem:$0x1DF80] =	vst v63  }
0x3f: {  	s6 =	smov.u32 s5  }
0x40: {  	p2 =	sne.s32 s5, $0x4400;
	s5 =	sadd.s32 $0x400, s5;
	_ =	swait.ge [sflag:s24], $0x4000  }
0x41: {  	s6 =	sshra.s32 s6, $0x2;
	[sflag:s24] =	ssyncset.done $0x0  }
0x42: {  	s8 =	sadd.s32 $0x1380, s6;
	[sflag:s24] =	ssyncadd.s32 $0xFFFFC000  }
0x43: {  	[spmem:s2] =	stream.indirect.scatter.add.f32 [tilespmem:s22], [sflag:$0x3], $0x80, s8, s21, $0xb8;
	[tilespmem:$0x1DF80] =	vst v63  }
0x44: {  	_ =	swait.ge [sflag:s19], $0x4000  }
0x45: {  	[sflag:s19] =	ssyncset.done $0x0  }
0x46: {  	s8 =	sadd.s32 $0x100, s6;
	[sflag:s19] =	ssyncadd.s32 $0xFFFFC000  }
0x47: {  	[tilespmem:s22], [sflag:$0x1] =	stream.indirect.gather [hbm4b:s1+s21], $0x80, s8, s21, $0xb8;
	[tilespmem:$0x1DF80] =	vst v63  }
0x48: {  	_ =	swait.ge [sflag:s25], $0x4000  }
0x49: {  	[sflag:s25] =	ssyncset.done $0x0  }
.Ltmp0:
0x4a: {  	s8 =	sadd.s32 $0x1400, s6;
	[sflag:s25] =	ssyncadd.s32 $0xFFFFC000;
	(pc) =	sbr.rel @p2 .LBB2_2-.Ltmp0, $4  }
0x4b: {  	[spmem:s2] =	stream.indirect.scatter.add.f32 [tilespmem:s23], [sflag:$0x3], $0x80, s8, s21, $0xb8;
	[tilespmem:$0x1DF80] =	vst v63  }
0x4c: {  	_ =	swait.ge [sflag:s19], $0x4000  }
0x4d: {  	[sflag:s19] =	ssyncset.done $0x0  }
0x4e: {  	s6 =	sadd.s32 $0x180, s6;
	[sflag:s19] =	ssyncadd.s32 $0xFFFFC000  }
0x4f: {  	[tilespmem:s23], [sflag:$0x2] =	stream.indirect.gather [hbm4b:s1+s21], $0x80, s6, s21, $0xb8;
	[tilespmem:$0x1DF80] =	vst v63  }
0x50: {  	_ =	swait.ge [sflag:s24], $0x4000  }
0x51: {  	[sflag:s24] =	ssyncset.done $0x0  }
0x52: {  	[sflag:s24] =	ssyncadd.s32 $0xFFFFC000  }
0x53: {  	[spmem:s2] =	stream.indirect.scatter.add.f32 [tilespmem:s22], [sflag:$0x3], $0x80, s26, s21, $0xb8;
	[tilespmem:$0x1DF80] =	vst v63  }
0x54: {  	_ =	swait.ge [sflag:s19], $0x4000  }
0x55: {  	[sflag:s19] =	ssyncset.done $0x0  }
0x56: {  	[sflag:s19] =	ssyncadd.s32 $0xFFFFC000  }
0x57: {  	[tilespmem:s22], [sflag:$0x1] =	stream.indirect.gather [hbm4b:s1+s21], $0x80, s28, s21, $0xb8;
	[tilespmem:$0x1DF80] =	vst v63  }
0x58: {  	_ =	swait.ge [sflag:s25], $0x4000  }
0x59: {  	[sflag:s25] =	ssyncset.done $0x0  }
0x5a: {  	[sflag:s25] =	ssyncadd.s32 $0xFFFFC000  }
0x5b: {  	[spmem:s2] =	stream.indirect.scatter.add.f32 [tilespmem:s23], [sflag:$0x3], $0x80, s29, s21, $0xb8;
	[tilespmem:$0x1DF80] =	vst v63  }
0x5c: {  	_ =	swait.ge [sflag:s19], $0x4000  }
0x5d: {  	[sflag:s19] =	ssyncset.done $0x0  }
0x5e: {  	[sflag:s19] =	ssyncadd.s32 $0xFFFFC000  }
0x5f: {  	_ =	swait.ge [sflag:s24], $0x4000  }
0x60: {  	[sflag:s24] =	ssyncset.done $0x0  }
0x61: {  	[sflag:s24] =	ssyncadd.s32 $0xFFFFC000  }
0x62: {  	[spmem:s2] =	stream.indirect.scatter.add.f32 [tilespmem:s22], [sflag:$0x3], $0x80, s30, s21, $0xb8;
	[tilespmem:$0x1DF80] =	vst v63  }
0x63: {  	_ =	swait.ge [sflag:s19], $0x4000  }
0x64: {  	[sflag:s19] =	ssyncset.done $0x0  }
0x65: {  	s5 =	simm.s32 $0x0;
	[sflag:s19] =	ssyncadd.s32 $0xFFFFC000  }
0x66: {  	[tilespmem:s5], [sflag:$0x3] =	stream.linear.gather [hbm4b:s12+s5], $0x1380, $0x38;
	[tilespmem:$0x1DF80] =	vst v63  }
0x67: {  	_ =	swait.ge [sflag:s19], $0x1380  }
0x68: {  	[sflag:s19] =	ssyncset.done $0x0  }
0x69: {  	[sflag:s19] =	ssyncadd.s32 $0xFFFFEC80  }
0x6a: {  	[tilespmem:s20], [sflag:$0x3] =	stream.linear.gather [hbm4b:s13+s5], $0x1380, $0x38;
	[tilespmem:$0x1DF80] =	vst v63  }
0x6b: {  	_ =	swait.ge [sflag:s19], $0x1380  }
0x6c: {  	[sflag:s19] =	ssyncset.done $0x0  }
0x6d: {  	[sflag:s19] =	ssyncadd.s32 $0xFFFFEC80  }
0x6e: {  	[tilespmem:s22], [sflag:$0x1] =	stream.indirect.gather [hbm4b:s1+s21], $0x80, s5, s21, $0xb8;
	[tilespmem:$0x1DF80] =	vst v63  }
0x6f: {  	_ = 	snop  }
0x70: {  	[tilespmem:s23], [sflag:$0x2] =	stream.indirect.gather [hbm4b:s1+s21], $0x80, s21, s21, $0xb8;
	[tilespmem:$0x1DF80] =	vst v63  }
0x71: {  	_ =	swait.ge [sflag:s24], $0x4000  }
0x72: {  	[sflag:s24] =	ssyncset.done $0x0  }
0x73: {  	s8 =	simm.s32 $0x1380;
	[sflag:s24] =	ssyncadd.s32 $0xFFFFC000  }
0x74: {  	[spmem:s2] =	stream.indirect.scatter.add.f32 [tilespmem:s22], [sflag:$0x3], $0x80, s8, s21, $0xb8;
	[tilespmem:$0x1DF80] =	vst v63  }
0x75: {  	_ =	swait.ge [sflag:s19], $0x4000  }
0x76: {  	[sflag:s19] =	ssyncset.done $0x0  }
0x77: {  	s9 =	simm.s32 $0x100;
	[sflag:s19] =	ssyncadd.s32 $0xFFFFC000  }
0x78: {  	[tilespmem:s22], [sflag:$0x1] =	stream.indirect.gather [hbm4b:s1+s21], $0x80, s9, s21, $0xb8;
	[tilespmem:$0x1DF80] =	vst v63  }
0x79: {  	_ =	swait.ge [sflag:s25], $0x4000  }
0x7a: {  	[sflag:s25] =	ssyncset.done $0x0  }
0x7b: {  	s10 =	simm.s32 $0x1400;
	[sflag:s25] =	ssyncadd.s32 $0xFFFFC000  }
0x7c: {  	[spmem:s2] =	stream.indirect.scatter.add.f32 [tilespmem:s23], [sflag:$0x3], $0x80, s10, s21, $0xb8;
	[tilespmem:$0x1DF80] =	vst v63  }
0x7d: {  	_ =	swait.ge [sflag:s19], $0x4000  }
0x7e: {  	[sflag:s19] =	ssyncset.done $0x0  }
0x7f: {  	s6 =	simm.s32 $0x180;
	s5 =	simm.s32 $0x400;
	[sflag:s19] =	ssyncadd.s32 $0xFFFFC000  }
.LBB2_4:
0x80: {  	[tilespmem:s23], [sflag:$0x2] =	stream.indirect.gather [hbm4b:s1+s21], $0x80, s6, s21, $0xb8;
	[tilespmem:$0x1DF80] =	vst v63  }
0x81: {  	s6 =	smov.u32 s5  }
0x82: {  	p2 =	sne.s32 s5, $0x4400;
	s5 =	sadd.s32 $0x400, s5;
	_ =	swait.ge [sflag:s24], $0x4000  }
0x83: {  	s6 =	sshra.s32 s6, $0x2;
	[sflag:s24] =	ssyncset.done $0x0  }
0x84: {  	s8 =	sadd.s32 $0x1380, s6;
	[sflag:s24] =	ssyncadd.s32 $0xFFFFC000  }
0x85: {  	[spmem:s2] =	stream.indirect.scatter.add.f32 [tilespmem:s22], [sflag:$0x3], $0x80, s8, s21, $0xb8;
	[tilespmem:$0x1DF80] =	vst v63  }
0x86: {  	_ =	swait.ge [sflag:s19], $0x4000  }
0x87: {  	[sflag:s19] =	ssyncset.done $0x0  }
0x88: {  	s8 =	sadd.s32 $0x100, s6;
	[sflag:s19] =	ssyncadd.s32 $0xFFFFC000  }
0x89: {  	[tilespmem:s22], [sflag:$0x1] =	stream.indirect.gather [hbm4b:s1+s21], $0x80, s8, s21, $0xb8;
	[tilespmem:$0x1DF80] =	vst v63  }
0x8a: {  	_ =	swait.ge [sflag:s25], $0x4000  }
0x8b: {  	[sflag:s25] =	ssyncset.done $0x0  }
.Ltmp1:
0x8c: {  	s8 =	sadd.s32 $0x1400, s6;
	[sflag:s25] =	ssyncadd.s32 $0xFFFFC000;
	(pc) =	sbr.rel @p2 .LBB2_4-.Ltmp1, $4  }
0x8d: {  	[spmem:s2] =	stream.indirect.scatter.add.f32 [tilespmem:s23], [sflag:$0x3], $0x80, s8, s21, $0xb8;
	[tilespmem:$0x1DF80] =	vst v63  }
0x8e: {  	_ =	swait.ge [sflag:s19], $0x4000  }
0x8f: {  	[sflag:s19] =	ssyncset.done $0x0  }
0x90: {  	s6 =	sadd.s32 $0x180, s6;
	[sflag:s19] =	ssyncadd.s32 $0xFFFFC000  }
0x91: {  	[tilespmem:s23], [sflag:$0x2] =	stream.indirect.gather [hbm4b:s1+s21], $0x80, s6, s21, $0xb8;
	[tilespmem:$0x1DF80] =	vst v63  }
0x92: {  	_ =	swait.ge [sflag:s24], $0x4000  }
0x93: {  	[sflag:s24] =	ssyncset.done $0x0  }
0x94: {  	[sflag:s24] =	ssyncadd.s32 $0xFFFFC000  }
0x95: {  	[spmem:s2] =	stream.indirect.scatter.add.f32 [tilespmem:s22], [sflag:$0x3], $0x80, s26, s21, $0xb8;
	[tilespmem:$0x1DF80] =	vst v63  }
0x96: {  	_ =	swait.ge [sflag:s19], $0x4000  }
0x97: {  	[sflag:s19] =	ssyncset.done $0x0  }
0x98: {  	[sflag:s19] =	ssyncadd.s32 $0xFFFFC000  }
0x99: {  	[tilespmem:s22], [sflag:$0x1] =	stream.indirect.gather [hbm4b:s1+s21], $0x80, s28, s21, $0xb8;
	[tilespmem:$0x1DF80] =	vst v63  }
0x9a: {  	_ =	swait.ge [sflag:s25], $0x4000  }
0x9b: {  	[sflag:s25] =	ssyncset.done $0x0  }
0x9c: {  	[sflag:s25] =	ssyncadd.s32 $0xFFFFC000  }
0x9d: {  	[spmem:s2] =	stream.indirect.scatter.add.f32 [tilespmem:s23], [sflag:$0x3], $0x80, s29, s21, $0xb8;
	[tilespmem:$0x1DF80] =	vst v63  }
0x9e: {  	_ =	swait.ge [sflag:s19], $0x4000  }
0x9f: {  	[sflag:s19] =	ssyncset.done $0x0  }
0xa0: {  	[sflag:s19] =	ssyncadd.s32 $0xFFFFC000  }
0xa1: {  	_ =	swait.ge [sflag:s24], $0x4000  }
0xa2: {  	[sflag:s24] =	ssyncset.done $0x0  }
0xa3: {  	[sflag:s24] =	ssyncadd.s32 $0xFFFFC000  }
0xa4: {  	[spmem:s2] =	stream.indirect.scatter.add.f32 [tilespmem:s22], [sflag:$0x3], $0x80, s30, s21, $0xb8;
	[tilespmem:$0x1DF80] =	vst v63  }
0xa5: {  	_ =	swait.ge [sflag:s19], $0x4000  }
0xa6: {  	[sflag:s19] =	ssyncset.done $0x0  }
0xa7: {  	s5 =	simm.s32 @!p1 $0x0;
	s6 =	simm.s32 @!p1 $0x3;
	[sflag:s19] =	ssyncadd.s32 $0xFFFFC000  }
0xa8: {  	[tilespmem:s5], [sflag:$0x3] =	stream.linear.gather @!p1 [hbm4b:s14+s5], $0x80, $0x38;
	[tilespmem:$0x1DF80] =	vst v63  }
0xa9: {  	_ =	swait.ge @!p1 [sflag:s6], $0x80  }
0xaa: {  	[sflag:s6] =	ssyncset.done @!p1 $0x0  }
0xab: {  	s8 =	simm.s32 @!p1 $0x1380;
	[sflag:s6] =	ssyncadd.s32 @!p1 $0xFFFFFF80  }
0xac: {  	[tilespmem:s8], [sflag:$0x3] =	stream.linear.gather @!p1 [hbm4b:s15+s5], $0x80, $0x38;
	[tilespmem:$0x1DF80] =	vst v63  }
0xad: {  	_ =	swait.ge @!p1 [sflag:s6], $0x80  }
0xae: {  	[sflag:s6] =	ssyncset.done @!p1 $0x0  }
0xaf: {  	s9 =	simm.s32 @!p1 $0x80;
	s10 =	simm.s32 @!p1 $0x2700;
	[sflag:s6] =	ssyncadd.s32 @!p1 $0xFFFFFF80  }
0xb0: {  	[tilespmem:s10], [sflag:$0x1] =	stream.indirect.gather @!p1 [hbm4b:s1+s9], $0x80, s5, s9, $0xb8;
	[tilespmem:$0x1DF80] =	vst v63  }
0xb1: {  	s5 =	simm.s32 @!p1 $0x1  }
0xb2: {  	_ =	swait.ge @!p1 [sflag:s5], $0x4000  }
0xb3: {  	[sflag:s5] =	ssyncset.done @!p1 $0x0  }
0xb4: {  	[sflag:s5] =	ssyncadd.s32 @!p1 $0xFFFFC000  }
0xb5: {  	[spmem:s2] =	stream.indirect.scatter.add.f32 @!p1 [tilespmem:s10], [sflag:$0x3], $0x80, s8, s9, $0xb8;
	[tilespmem:$0x1DF80] =	vst v63  }
0xb6: {  	_ =	swait.ge @!p1 [sflag:s6], $0x4000  }
0xb7: {  	[sflag:s6] =	ssyncset.done @!p1 $0x0  }
0xb8: {  	[sflag:s6] =	ssyncadd.s32 @!p1 $0xFFFFC000  }
0xb9: {  	[bflag:$0x0] =	sbarrier.arrive $0xFFFF  }
0xba: {  	[hbm:s16], [sflag:s7] =	dma.local [spmem:s0], $0x2700  }
0xbb: {  	s31 =	sadd.s32 $0x1, s31;
	_ =	swait.ge [sflag:s19], $0x2700  }
0xbc: {  	p2 =	sne.s32 s31, s18;
	[sflag:s19] =	ssyncset.done $0x0  }
.Ltmp2:
0xbd: {  	s0 =	simm.s32 @!p0 $0x3;
	[sflag:s19] =	ssyncadd.s32 $0xFFFFD900;
	(pc) =	sbr.rel @p2 .LBB2_1-.Ltmp2, $4  }
0xbe: {  	[hbm:s17], [sflag:s7] =	dma.local @!p0 [spmem:s4], $0x100  }
0xbf: {  	_ =	swait.ge @!p0 [sflag:s0], $0x100  }
0xc0: {  	[sflag:s0] =	ssyncset.done @!p0 $0x0  }
0xc1: {  	[sflag:s0] =	ssyncadd.s32 @!p0 $0xFFFFFF00  }
0xc2: {  	_ =	sfence.sel $0x180000  }
0xc3: {  	[bflag:$0x0] =	sbarrier.arrive $0xFFFF  }
0xc4: {  	_ =	strace $0x90000047  }
0xc5: {  	s0 =	stileid.u32;
	[bflag:$0x2] =	sbarrier.arrive $0xFFFF  }
0xc6: {  	p0 =	sne.s32 s0, $0x0;
	s0 =	rddreg [dreg:$0x3]  }
0xc7: {  	s0 =	sadd.s32 @!p0 $0x100000, s0  }
0xc8: {  	[sflag:s0] =	ssyncadd.tile.s32 @!p0 $0x1;
	_ =	shalt  }
.Lfunc_end2:
_tile_overlayer_lowered:
.L_overlay_start_2:
0xc9: {  	(tag) =	ssettag $0x2  }
0xca: {  	s0 =	rddreg [dreg:$0x0];
	s2 =	stileid.u32  }
0xcb: {  	s1 =	rddreg [dreg:$0x1];
	p0 =	sne.s32 s2, $0x0  }
0xcc: {  	s3 =	rddreg [dreg:$0x2];
	[bflag:$0x3] =	sbarrier.arrive $0xFFFF;
	s2 =	simm.s32 @!p0 $0x1C03  }
0xcd: {  	[timem:s3], [sflag:s2] =	dma.local @!p0 [hbm:s0], s1  }
0xce: {  	s0 =	simm.s32 @!p0 $0x3  }
0xcf: {  	_ =	swait.ge @!p0 [sflag:s0], s1  }
0xd0: {  	s1 =	ssub.s32 @!p0 $0x0, s1;
	[sflag:s0] =	ssyncset.done @!p0 $0x0  }
0xd1: {  	[sflag:s0] =	ssyncadd.s32 @!p0 s1  }
0xd2: {  	[bflag:$0x3] =	sbarrier.arrive $0xFFFF  }
0xd3: {  	_ =	shalt  }

// kernel: kernel.13.cloned.1.call-start
scs
__scs_entry_jumppad:
0x0: {  	(pc) =	sbr.rel $0x88, $3  }
0x1: {  	(tag) =	ssettag $0x0;
	lr =	simm.s32 $0x1  }
0x2: {  	[smem:$0x3F97] =	sst lr;
	_ =	strace $0xD0000000  }
0x3: {  	_ = 	snop  }
0x4: {  	_ = 	snop  }
0x5: {  	_ = 	snop  }
0x6: {  	_ = 	snop  }
0x7: {  	_ = 	snop  }
__scs_overlays_trampoline_lowered:
0x8: {  	[smem:$0x3FA6] =	sst s0  }
0x9: {  	[smem:$0x3FA7] =	sst s1  }
0xa: {  	[smem:$0x3FA8] =	sst s2  }
0xb: {  	[smem:$0x3FA9] =	sst s3  }
0xc: {  	[smem:$0x3FAA] =	sst s4  }
0xd: {  	[smem:$0x3FAB] =	sst s5  }
0xe: {  	[smem:$0x3FAC] =	sst s6  }
0xf: {  	[smem:$0x3FAD] =	sst s7  }
0x10: {  	[smem:$0x3FAE] =	sst s8  }
0x11: {  	[smem:$0x3FAF] =	sst s9;
	s0 =	simm.s32 @!p0 $0x0  }
0x12: {  	s1 =	sld [smem:$0x3F95];
	s0 =	simm.s32 @p0 $0x1  }
0x13: {  	[smem:$0x3FB0] =	sst s0;
	s0 =	simm.s32 @!p1 $0x0  }
0x14: {  	s2 =	sld [smem:$0x3F94];
	s0 =	simm.s32 @p1 $0x1  }
0x15: {  	[smem:$0x3FB1] =	sst s0;
	s0 =	simm.s32 @!p2 $0x0  }
0x16: {  	s3 =	sld [smem:$0x3FDB];
	s0 =	simm.s32 @p2 $0x1  }
0x17: {  	s4 =	simm.s32 $0x1BF5;
	[smem:$0x3FB3] =	sst s0  }
0x18: {  	s0 =	sld [smem:$0x3F96];
	_ =	swait.ge [sflag:s4], $0x0  }
0x19: {  	s7 =	sld [smem:$0x3F97]  }
0x1a: {  	s8 =	sadd.s32 $0xFFFFE003, lr  }
0x1b: {  	s9 =	sadd.s32 $0xFFFFFEF7, lr;
	s5 =	simm.s32 $0xFFFFFFFF;
	p2 =	slt.u32 s8, $0xFFFFF086  }
0x1c: {  	p1 =	slt.u32 s9, $0xF7A;
	s5 =	simm.s32 @!p2 $0x0  }
0x1d: {  	s5 =	simm.s32 @p1 $0x1;
	p0 =	seq.s32 s7, s2  }
0x1e: {  	s7 =	smul.u32 @!p0 $0xF7A, s2;
	p2 =	seq.s32 @!p0 s5, $0x0  }
0x1f: {  	s9 =	smul.u32 $0xF7A, s1;
	s8 =	simm.s32 @!p0 $0x1BF5;
	p2 =	por !p2, p0  }
0x20: {  	[sflag:s8] =	ssyncset.s32 @!p0 $0xFFFFF086;
	s6 =	sadd.s32 @!p0 s3, s7;
	s7 =	simm.s32 @!p0 $0x108  }
0x21: {  	s3 =	sadd.s32 s3, s9;
	s6 =	sadd.s32 @!p0 $0x88, s6;
	s7 =	simm.s32 @p2 $0x1082  }
0x22: {  	[simem:s7], [sflag:s8] =	dma.local @!p0 [hbm:s6], $0xF7A  }
0x23: {  	s9 =	sor.u32 $0xD0000000, s2;
	s6 =	simm.s32 $0x108;
	_ =	swait.ge @!p0 [sflag:s8], $0x0  }
0x24: {  	s3 =	sadd.s32 $0x88, s3;
	s6 =	simm.s32 @!p1 $0x1082;
	[sflag:s4] =	ssyncset.s32 $0xFFFFF086  }
0x25: {  	[simem:s6], [sflag:s4] =	dma.local [hbm:s3], $0xF7A  }
0x26: {  	[smem:$0x3F97] =	sst s1;
	(tag) =	ssettag s2;
	_ =	strace s9  }
0x27: {  	s1 =	sld [smem:$0x3FA7]  }
0x28: {  	s2 =	sld [smem:$0x3FA8]  }
0x29: {  	s4 =	sld [smem:$0x3FAA]  }
0x2a: {  	p0 =	seq.s32 s5, $0x0;
	s5 =	sld [smem:$0x3FAB]  }
0x2b: {  	s6 =	sld [smem:$0x3FAC]  }
0x2c: {  	s7 =	sld [smem:$0x3FAD]  }
0x2d: {  	s3 =	simm.s32 $0x108;
	s8 =	sld [smem:$0x3FAE]  }
0x2e: {  	s3 =	simm.s32 @!p0 $0x1082;
	s9 =	sld [smem:$0x3FAF]  }
0x2f: {  	lr =	sadd.s32 s0, s3;
	s0 =	sld [smem:$0x3FA6]  }
0x30: {  	s3 =	sld [smem:$0x3FA9]  }
0x31: {  	[smem:$0x3FB2] =	sst s10  }
0x32: {  	s10 =	sld [smem:$0x3FB0];
	_ =	sdelay $0x3  }
0x33: {  	p0 =	seq.s32 s10, $0x1;
	s10 =	sld [smem:$0x3FB2];
	_ =	sdelay $0x3  }
0x34: {  	[smem:$0x3FB2] =	sst s10  }
0x35: {  	s10 =	sld [smem:$0x3FB1];
	_ =	sdelay $0x3  }
0x36: {  	p1 =	seq.s32 s10, $0x1;
	s10 =	sld [smem:$0x3FB2];
	_ =	sdelay $0x3  }
0x37: {  	[smem:$0x3FB2] =	sst s10  }
0x38: {  	s10 =	sld [smem:$0x3FB3]  }
0x39: {  	_ = 	snop;
	(pc) =	sbr.ind lr, $3  }
0x3a: {  	_ = 	snop  }
0x3b: {  	_ = 	snop  }
0x3c: {  	p2 =	seq.s32 s10, $0x1;
	s10 =	sld [smem:$0x3FB2]  }
0x3d: {  	_ =	shalt  }
0x3e: {  	_ =	shalt  }
0x3f: {  	_ =	shalt  }
0x40: {  	_ =	shalt  }
0x41: {  	_ =	shalt  }
0x42: {  	_ =	shalt  }
0x43: {  	_ =	shalt  }
0x44: {  	_ =	shalt  }
0x45: {  	_ =	shalt  }
0x46: {  	_ =	shalt  }
0x47: {  	_ =	shalt  }
0x48: {  	_ =	shalt  }
0x49: {  	_ =	shalt  }
0x4a: {  	_ =	shalt  }
0x4b: {  	_ =	shalt  }
0x4c: {  	_ =	shalt  }
0x4d: {  	_ =	shalt  }
0x4e: {  	_ =	shalt  }
0x4f: {  	_ =	shalt  }
0x50: {  	_ =	shalt  }
0x51: {  	_ =	shalt  }
0x52: {  	_ =	shalt  }
0x53: {  	_ =	shalt  }
0x54: {  	_ =	shalt  }
0x55: {  	_ =	shalt  }
0x56: {  	_ =	shalt  }
0x57: {  	_ =	shalt  }
0x58: {  	_ =	shalt  }
0x59: {  	_ =	shalt  }
0x5a: {  	_ =	shalt  }
0x5b: {  	_ =	shalt  }
0x5c: {  	_ =	shalt  }
0x5d: {  	_ =	shalt  }
0x5e: {  	_ =	shalt  }
0x5f: {  	_ =	shalt  }
0x60: {  	_ =	shalt  }
0x61: {  	_ =	shalt  }
0x62: {  	_ =	shalt  }
0x63: {  	_ =	shalt  }
0x64: {  	_ =	shalt  }
0x65: {  	_ =	shalt  }
0x66: {  	_ =	shalt  }
0x67: {  	_ =	shalt  }
0x68: {  	_ =	shalt  }
0x69: {  	_ =	shalt  }
0x6a: {  	_ =	shalt  }
0x6b: {  	_ =	shalt  }
0x6c: {  	_ =	shalt  }
0x6d: {  	_ =	shalt  }
0x6e: {  	_ =	shalt  }
0x6f: {  	_ =	shalt  }
0x70: {  	_ =	shalt  }
0x71: {  	_ =	shalt  }
0x72: {  	_ =	shalt  }
0x73: {  	_ =	shalt  }
0x74: {  	_ =	shalt  }
0x75: {  	_ =	shalt  }
0x76: {  	_ =	shalt  }
0x77: {  	_ =	shalt  }
0x78: {  	_ =	shalt  }
0x79: {  	_ =	shalt  }
0x7a: {  	_ =	shalt  }
0x7b: {  	_ =	shalt  }
0x7c: {  	_ =	shalt  }
0x7d: {  	_ =	shalt  }
0x7e: {  	_ =	shalt  }
0x7f: {  	_ =	shalt  }
0x80: {  	_ =	shalt  }
0x81: {  	_ =	shalt  }
0x82: {  	_ =	shalt  }
0x83: {  	_ =	shalt  }
0x84: {  	_ =	shalt  }
0x85: {  	_ =	shalt  }
0x86: {  	_ =	shalt  }
0x87: {  	_ =	shalt  }
.Lfunc_end0:
.L_simem_size_0:
called_computation.1_lowered:
.L_overlay_start_0:
0x88: {  	s2 =	sld [smem:$0x3FD9]  }
0x89: {  	s3 =	sld [smem:$0x3FFE];
	_ =	sdelay $0x1  }
0x8a: {  	s1 =	srdreg.scid  }
0x8b: {  	s0 =	sand.u32 $0x1, s1  }
0x8c: {  	s16 =	sshll.u32 s0, $0xA;
	s2 =	sadd.s32 s3, s2  }
0x8d: {  	s2 =	sadd.s32 s2, s16  }
0x8e: {  	[smem:$0x3FBE] =	sst s2  }
0x8f: {  	_ = 	snop  }
0x90: {  	(tm) =	ssettm $0x1  }
0x91: {  	s17 =	sld [smem:$0x3FFB];
	_ =	sdelay $0x3  }
0x92: {  	_ =	strace s17  }
0x93: {  	s2 =	sld [smem:$0x3FFC];
	_ =	sdelay $0x3  }
0x94: {  	_ =	strace s2  }
0x95: {  	s2 =	sld [smem:$0x3FFD];
	_ =	sdelay $0x3  }
0x96: {  	_ =	strace s2  }
0x97: {  	_ =	strace $0x8FFFFFFF  }
0x98: {  	s18 =	sld [smem:$0x3FDB];
	_ =	sdelay $0x1  }
0x99: {  	s19 =	simm.s32 $_scs_section_size  }
0x9a: {  	s4 =	simm.s32 $_size__tile_overlayer_lowered;
	s5 =	simm.s32 $_tile_overlayer_lowered  }
0x9b: {  	s22 =	simm.s32 $0x1BFF;
	s21 =	sshll.u32 s5, $0x1;
	s2 =	sadd.s32 s19, s18  }
0x9c: {  	s6 =	simm.s32 $0x0;
	s20 =	sshll.u32 s4, $0x1;
	s4 =	sadd.s32 s21, s2  }
0x9d: {  	[timem:s6], [sflag:s22] =	dma.local [hbm:s4], s20  }
0x9e: {  	_ =	swait.ge [sflag:s22], s20  }
0x9f: {  	s3 =	ssub.s32 $0x0, s20;
	[sflag:s22] =	ssyncset.done $0x0  }
0xa0: {  	[sflag:s22] =	ssyncadd.s32 s3;
	_ =	sdelay $0x1  }
0xa1: {  	s23 =	simm.s32 $0x1B8B  }
0xa2: {  	_ =	swait.ge [sflag:s23], $0x1  }
0xa3: {  	[sflag:s23] =	ssyncset.done $0x0  }
0xa4: {  	s25 =	simm.s32 $0x1B8E;
	s24 =	sld [smem:$0x3FFE];
	[sflag:s23] =	ssyncadd.s32 $0xFFFFFFFF  }
0xa5: {  	s26 =	simm.s32 $execute0_lowered;
	[smem:$0x3FD2] =	sst s25  }
0xa6: {  	s4 =	sshll.u32 s26, $0x1;
	_ =	strace $0x80000049;
	[dreg:$0x1] =	wrdreg $0xFFFFFFFF  }
0xa7: {  	s28 =	simm.s32 $_size_execute0_lowered;
	s2 =	sadd.s32 s2, s4;
	[dreg:$0x0] =	wrdreg $0x0  }
0xa8: {  	s4 =	sshll.u32 s28, $0x1;
	[dreg:$0x2] =	wrdreg s2  }
0xa9: {  	[dreg:$0x3] =	wrdreg s4  }
0xaa: {  	[dreg:$0x4] =	wrdreg $0xC0  }
0xab: {  	_ =	task [dreg:s6], $0x5FFFF  }
0xac: {  	[dreg:$0x1] =	wrdreg $0xFFFFFFFF  }
0xad: {  	[dreg:$0x0] =	wrdreg $0x60  }
0xae: {  	[dreg:$0x2] =	wrdreg s24  }
0xaf: {  	[dreg:$0x3] =	wrdreg $0xA7000  }
0xb0: {  	[dreg:$0x4] =	wrdreg $0x9  }
0xb1: {  	_ =	task.clear_ibuf [dreg:s6], $0x5FFFF;
	_ =	strace $0x90000049  }
0xb2: {  	s29 =	simm.s32 $0x9;
	_ =	strace $0x8000004B  }
0xb3: {  	_ =	swait.ge [sflag:s29], $0x1  }
0xb4: {  	[sflag:s29] =	ssyncadd.s32 $0xFFFFFFFF  }
0xb5: {  	_ =	strace $0x9000004B  }
0xb6: {  	_ =	sfence  }
0xb7: {  	s30 =	sld [smem:$0x0];
	_ =	sdelay $0x2  }
0xb8: {  	s31 =	sshll.u32 s1, $0xD;
	s1 =	sshrl.u32 s1, $0x2  }
0xb9: {  	s3 =	sand.u32 $0x4000, s31;
	s1 =	sadd.s32 s1, s30  }
0xba: {  	s0 =	sor.u32 s3, s0;
	s1 =	sshll.u32 s1, $0x11  }
0xbb: {  	s0 =	sor.u32 s1, s0  }
0xbc: {  	s0 =	sadd.s32 $0x8F2B, s0  }
0xbd: {  	[sflag:s0] =	ssyncadd.remote.s32 $0x1  }
0xbe: {  	_ =	sfence.sel $0xFFFF  }
0xbf: {  	[dreg:$0x0] =	wrdreg $0xFFFFFFFF;
	(pc) =	sbr.abs _section_cstart, $3  }
0xc0: {  	[dreg:$0x1] =	wrdreg $0xFFFFFFFF  }
0xc1: {  	_ =	task.clear_ibuf [dreg:s6], $0x2FFFF;
	_ =	strace $0x9FFFFFFF  }
0xc2: {  	(tm) =	ssettm $0x7FFFFFFF  }
0xc3: {  	_ =	shalt  }
tec
execute0_lowered:
.L_overlay_start_1:
0x0: {  	(tag) =	ssettag $0x1  }
0x1: {  	s0 =	rddreg [dreg:$0x0]  }
0x2: {  	s1 =	rddreg [dreg:$0x1];
	s2 =	simm.s32 $0x0  }
0x3: {  	s4 =	srdreg.scid;
	s9 =	stileid.u32;
	s28 =	simm.s32 $0x1300  }
0x4: {  	s29 =	simm.s32 $0x2600;
	s30 =	simm.s32 $0x2680;
	s31 =	simm.s32 $0x0  }
0x5: {  	[smem:$0x7FF] =	sst s2;
	s3 =	sadd.s32 $0x18200, s0;
	s5 =	sadd.s32 $0xBC00, s0  }
0x6: {  	s6 =	sadd.s32 $0x1E00, s0;
	s4 =	sand.u32 $0x1, s4;
	s7 =	sadd.s32 $0x15A00, s0  }
0x7: {  	s14 =	smul.u32 $0x13800, s9;
	s16 =	sadd.s32 $0x3F400, s0;
	s19 =	sshll.u32 s9, $0x6  }
0x8: {  	s21 =	sadd.s32 $0x138000, s1;
	s0 =	sadd.s32 $0x18100, s0;
	s24 =	sshll.u32 s9, $0x4  }
0x9: {  	p0 =	sne.s32 s9, $0xF;
	_ =	strace $0x8000004A;
	[dreg:$0x3] =	wrdreg s7  }
0xa: {  	s17 =	sshll.u32 s4, $0x4;
	s8 =	ssub.s32 $0x2, s4;
	[dreg:$0x5] =	wrdreg s21  }
0xb: {  	s7 =	sor.u32 $0x1C03, s19;
	[dreg:$0x6] =	wrdreg s0;
	s4 =	smul.u32 $0x138800, s4  }
0xc: {  	s19 =	simm.s32 $0x3;
	s21 =	simm.s32 $0x80;
	s25 =	sor.u32 s9, s17  }
0xd: {  	s18 =	sshrl.u32 s8, $0x1;
	s20 =	sadd.s32 s14, s1;
	s11 =	smul.u32 $0x4E0, s25  }
0xe: {  	s18 =	ssub.s32 s8, s18;
	s12 =	smul.u32 $0x2700, s25;
	[dreg:$0x4] =	wrdreg s20  }
0xf: {  	s15 =	sadd.s32 s14, s4;
	s4 =	sshrl.u32 s4, $0x3;
	s20 =	simm.s32 $0x1380  }
0x10: {  	p1 =	sgt.u32 s25, $0x3;
	s25 =	simm.s32 $0x2;
	s26 =	sshrl.u32 s15, $0x3  }
0x11: {  	s4 =	sadd.s32 s16, s4;
	s18 =	smax.u32 s18, $0x1;
	s22 =	sadd.s32 s5, s11  }
0x12: {  	s23 =	sshrl.u32 s12, $0x3;
	s11 =	sadd.s32 s6, s11;
	s16 =	sadd.s32 s16, s26  }
0x13: {  	s17 =	sadd.s32 $0x27000, s4;
	s26 =	simm.s32 $0x2580;
	[dreg:$0x7] =	wrdreg s22  }
0x14: {  	s0 =	sadd.s32 $0x270, s23;
	s22 =	simm.s32 $0x2700;
	s23 =	simm.s32 $0x6700  }
0x15: {  	s12 =	sadd.s32 s5, s0;
	s13 =	sadd.s32 s6, s0;
	s0 =	sor.u32 $0x9C00, s24  }
0x16: {  	s24 =	simm.s32 $0x1;
	s14 =	sadd.s32 s5, s0;
	s15 =	sadd.s32 s6, s0  }
.LBB2_1:
0x17: {  	s0 =	rddreg [dreg:$0x4]  }
0x18: {  	s4 =	rddreg [dreg:$0x3];
	s0 =	sshrl.u32 s0, $0x3  }
0x19: {  	[spmem:s0], [sflag:s7] =	dma.local [hbm:s4], $0x2700  }
0x1a: {  	_ =	swait.ge [sflag:s19], $0x2700  }
0x1b: {  	[sflag:s19] =	ssyncset.done $0x0;
	s4 =	rddreg [dreg:$0x5]  }
0x1c: {  	s5 =	rddreg [dreg:$0x6];
	[sflag:s19] =	ssyncadd.s32 $0xFFFFD900;
	s4 =	sshrl.u32 @!p0 s4, $0x3  }
0x1d: {  	[spmem:s4], [sflag:s7] =	dma.local @!p0 [hbm:s5], $0x100  }
0x1e: {  	s5 =	simm.s32 @!p0 $0x3  }
0x1f: {  	_ =	swait.ge @!p0 [sflag:s5], $0x100  }
0x20: {  	[sflag:s5] =	ssyncset.done @!p0 $0x0  }
0x21: {  	s6 =	rddreg [dreg:$0x7];
	[sflag:s5] =	ssyncadd.s32 @!p0 $0xFFFFFF00  }
0x22: {  	[tilespmem:s2], [sflag:$0x3] =	stream.linear.gather [hbm4b:s6+s2], $0x1380, $0x38;
	[tilespmem:$0x1DF80] =	vst v63  }
0x23: {  	_ =	swait.ge [sflag:s19], $0x1380  }
0x24: {  	[sflag:s19] =	ssyncset.done $0x0  }
0x25: {  	[sflag:s19] =	ssyncadd.s32 $0xFFFFEC80  }
0x26: {  	[tilespmem:s20], [sflag:$0x3] =	stream.linear.gather [hbm4b:s11+s2], $0x1380, $0x38;
	[tilespmem:$0x1DF80] =	vst v63  }
0x27: {  	_ =	swait.ge [sflag:s19], $0x1380  }
0x28: {  	[sflag:s19] =	ssyncset.done $0x0  }
0x29: {  	[sflag:s19] =	ssyncadd.s32 $0xFFFFEC80  }
0x2a: {  	[tilespmem:s22], [sflag:$0x1] =	stream.indirect.gather [hbm4b:s3+s21], $0x80, s2, s21, $0xb8;
	[tilespmem:$0x1DF80] =	vst v63  }
0x2b: {  	_ = 	snop  }
0x2c: {  	[tilespmem:s23], [sflag:$0x2] =	stream.indirect.gather [hbm4b:s3+s21], $0x80, s21, s21, $0xb8;
	[tilespmem:$0x1DF80] =	vst v63  }
0x2d: {  	[bflag:$0x0] =	sbarrier.arrive $0xFFFF  }
0x2e: {  	_ =	swait.ge [sflag:s24], $0x4000  }
0x2f: {  	[sflag:s24] =	ssyncset.done $0x0  }
0x30: {  	s8 =	simm.s32 $0x1380;
	[sflag:s24] =	ssyncadd.s32 $0xFFFFC000  }
0x31: {  	[spmem:s1] =	stream.indirect.scatter.add.f32 [tilespmem:s22], [sflag:$0x3], $0x80, s8, s21, $0xb8;
	[tilespmem:$0x1DF80] =	vst v63  }
0x32: {  	_ =	swait.ge [sflag:s19], $0x4000  }
0x33: {  	[sflag:s19] =	ssyncset.done $0x0  }
0x34: {  	s9 =	simm.s32 $0x100;
	[sflag:s19] =	ssyncadd.s32 $0xFFFFC000  }
0x35: {  	[tilespmem:s22], [sflag:$0x1] =	stream.indirect.gather [hbm4b:s3+s21], $0x80, s9, s21, $0xb8;
	[tilespmem:$0x1DF80] =	vst v63  }
0x36: {  	_ =	swait.ge [sflag:s25], $0x4000  }
0x37: {  	[sflag:s25] =	ssyncset.done $0x0  }
0x38: {  	s10 =	simm.s32 $0x1400;
	[sflag:s25] =	ssyncadd.s32 $0xFFFFC000  }
0x39: {  	[spmem:s1] =	stream.indirect.scatter.add.f32 [tilespmem:s23], [sflag:$0x3], $0x80, s10, s21, $0xb8;
	[tilespmem:$0x1DF80] =	vst v63  }
0x3a: {  	_ =	swait.ge [sflag:s19], $0x4000  }
0x3b: {  	[sflag:s19] =	ssyncset.done $0x0  }
0x3c: {  	s5 =	simm.s32 $0x400;
	s6 =	simm.s32 $0x180;
	[sflag:s19] =	ssyncadd.s32 $0xFFFFC000  }
.LBB2_2:
0x3d: {  	[tilespmem:s23], [sflag:$0x2] =	stream.indirect.gather [hbm4b:s3+s21], $0x80, s6, s21, $0xb8;
	[tilespmem:$0x1DF80] =	vst v63  }
0x3e: {  	s6 =	smov.u32 s5  }
0x3f: {  	p2 =	sne.s32 s5, $0x4400;
	s5 =	sadd.s32 $0x400, s5;
	_ =	swait.ge [sflag:s24], $0x4000  }
0x40: {  	s6 =	sshra.s32 s6, $0x2;
	[sflag:s24] =	ssyncset.done $0x0  }
0x41: {  	s8 =	sadd.s32 $0x1380, s6;
	[sflag:s24] =	ssyncadd.s32 $0xFFFFC000  }
0x42: {  	[spmem:s1] =	stream.indirect.scatter.add.f32 [tilespmem:s22], [sflag:$0x3], $0x80, s8, s21, $0xb8;
	[tilespmem:$0x1DF80] =	vst v63  }
0x43: {  	_ =	swait.ge [sflag:s19], $0x4000  }
0x44: {  	[sflag:s19] =	ssyncset.done $0x0  }
0x45: {  	s8 =	sadd.s32 $0x100, s6;
	[sflag:s19] =	ssyncadd.s32 $0xFFFFC000  }
0x46: {  	[tilespmem:s22], [sflag:$0x1] =	stream.indirect.gather [hbm4b:s3+s21], $0x80, s8, s21, $0xb8;
	[tilespmem:$0x1DF80] =	vst v63  }
0x47: {  	_ =	swait.ge [sflag:s25], $0x4000  }
0x48: {  	[sflag:s25] =	ssyncset.done $0x0  }
.Ltmp0:
0x49: {  	s8 =	sadd.s32 $0x1400, s6;
	[sflag:s25] =	ssyncadd.s32 $0xFFFFC000;
	(pc) =	sbr.rel @p2 .LBB2_2-.Ltmp0, $4  }
0x4a: {  	[spmem:s1] =	stream.indirect.scatter.add.f32 [tilespmem:s23], [sflag:$0x3], $0x80, s8, s21, $0xb8;
	[tilespmem:$0x1DF80] =	vst v63  }
0x4b: {  	_ =	swait.ge [sflag:s19], $0x4000  }
0x4c: {  	[sflag:s19] =	ssyncset.done $0x0  }
0x4d: {  	s6 =	sadd.s32 $0x180, s6;
	[sflag:s19] =	ssyncadd.s32 $0xFFFFC000  }
0x4e: {  	[tilespmem:s23], [sflag:$0x2] =	stream.indirect.gather [hbm4b:s3+s21], $0x80, s6, s21, $0xb8;
	[tilespmem:$0x1DF80] =	vst v63  }
0x4f: {  	_ =	swait.ge [sflag:s24], $0x4000  }
0x50: {  	[sflag:s24] =	ssyncset.done $0x0  }
0x51: {  	[sflag:s24] =	ssyncadd.s32 $0xFFFFC000  }
0x52: {  	[spmem:s1] =	stream.indirect.scatter.add.f32 [tilespmem:s22], [sflag:$0x3], $0x80, s26, s21, $0xb8;
	[tilespmem:$0x1DF80] =	vst v63  }
0x53: {  	_ =	swait.ge [sflag:s19], $0x4000  }
0x54: {  	[sflag:s19] =	ssyncset.done $0x0  }
0x55: {  	[sflag:s19] =	ssyncadd.s32 $0xFFFFC000  }
0x56: {  	[tilespmem:s22], [sflag:$0x1] =	stream.indirect.gather [hbm4b:s3+s21], $0x80, s28, s21, $0xb8;
	[tilespmem:$0x1DF80] =	vst v63  }
0x57: {  	_ =	swait.ge [sflag:s25], $0x4000  }
0x58: {  	[sflag:s25] =	ssyncset.done $0x0  }
0x59: {  	[sflag:s25] =	ssyncadd.s32 $0xFFFFC000  }
0x5a: {  	[spmem:s1] =	stream.indirect.scatter.add.f32 [tilespmem:s23], [sflag:$0x3], $0x80, s29, s21, $0xb8;
	[tilespmem:$0x1DF80] =	vst v63  }
0x5b: {  	_ =	swait.ge [sflag:s19], $0x4000  }
0x5c: {  	[sflag:s19] =	ssyncset.done $0x0  }
0x5d: {  	[sflag:s19] =	ssyncadd.s32 $0xFFFFC000  }
0x5e: {  	_ =	swait.ge [sflag:s24], $0x4000  }
0x5f: {  	[sflag:s24] =	ssyncset.done $0x0  }
0x60: {  	[sflag:s24] =	ssyncadd.s32 $0xFFFFC000  }
0x61: {  	[spmem:s1] =	stream.indirect.scatter.add.f32 [tilespmem:s22], [sflag:$0x3], $0x80, s30, s21, $0xb8;
	[tilespmem:$0x1DF80] =	vst v63  }
0x62: {  	_ =	swait.ge [sflag:s19], $0x4000  }
0x63: {  	[sflag:s19] =	ssyncset.done $0x0  }
0x64: {  	s5 =	simm.s32 $0x0;
	[sflag:s19] =	ssyncadd.s32 $0xFFFFC000  }
0x65: {  	[tilespmem:s5], [sflag:$0x3] =	stream.linear.gather [hbm4b:s12+s5], $0x1380, $0x38;
	[tilespmem:$0x1DF80] =	vst v63  }
0x66: {  	_ =	swait.ge [sflag:s19], $0x1380  }
0x67: {  	[sflag:s19] =	ssyncset.done $0x0  }
0x68: {  	[sflag:s19] =	ssyncadd.s32 $0xFFFFEC80  }
0x69: {  	[tilespmem:s20], [sflag:$0x3] =	stream.linear.gather [hbm4b:s13+s5], $0x1380, $0x38;
	[tilespmem:$0x1DF80] =	vst v63  }
0x6a: {  	_ =	swait.ge [sflag:s19], $0x1380  }
0x6b: {  	[sflag:s19] =	ssyncset.done $0x0  }
0x6c: {  	[sflag:s19] =	ssyncadd.s32 $0xFFFFEC80  }
0x6d: {  	[tilespmem:s22], [sflag:$0x1] =	stream.indirect.gather [hbm4b:s3+s21], $0x80, s5, s21, $0xb8;
	[tilespmem:$0x1DF80] =	vst v63  }
0x6e: {  	_ = 	snop  }
0x6f: {  	[tilespmem:s23], [sflag:$0x2] =	stream.indirect.gather [hbm4b:s3+s21], $0x80, s21, s21, $0xb8;
	[tilespmem:$0x1DF80] =	vst v63  }
0x70: {  	_ =	swait.ge [sflag:s24], $0x4000  }
0x71: {  	[sflag:s24] =	ssyncset.done $0x0  }
0x72: {  	s8 =	simm.s32 $0x1380;
	[sflag:s24] =	ssyncadd.s32 $0xFFFFC000  }
0x73: {  	[spmem:s1] =	stream.indirect.scatter.add.f32 [tilespmem:s22], [sflag:$0x3], $0x80, s8, s21, $0xb8;
	[tilespmem:$0x1DF80] =	vst v63  }
0x74: {  	_ =	swait.ge [sflag:s19], $0x4000  }
0x75: {  	[sflag:s19] =	ssyncset.done $0x0  }
0x76: {  	s9 =	simm.s32 $0x100;
	[sflag:s19] =	ssyncadd.s32 $0xFFFFC000  }
0x77: {  	[tilespmem:s22], [sflag:$0x1] =	stream.indirect.gather [hbm4b:s3+s21], $0x80, s9, s21, $0xb8;
	[tilespmem:$0x1DF80] =	vst v63  }
0x78: {  	_ =	swait.ge [sflag:s25], $0x4000  }
0x79: {  	[sflag:s25] =	ssyncset.done $0x0  }
0x7a: {  	s10 =	simm.s32 $0x1400;
	[sflag:s25] =	ssyncadd.s32 $0xFFFFC000  }
0x7b: {  	[spmem:s1] =	stream.indirect.scatter.add.f32 [tilespmem:s23], [sflag:$0x3], $0x80, s10, s21, $0xb8;
	[tilespmem:$0x1DF80] =	vst v63  }
0x7c: {  	_ =	swait.ge [sflag:s19], $0x4000  }
0x7d: {  	[sflag:s19] =	ssyncset.done $0x0  }
0x7e: {  	s6 =	simm.s32 $0x180;
	s5 =	simm.s32 $0x400;
	[sflag:s19] =	ssyncadd.s32 $0xFFFFC000  }
.LBB2_4:
0x7f: {  	[tilespmem:s23], [sflag:$0x2] =	stream.indirect.gather [hbm4b:s3+s21], $0x80, s6, s21, $0xb8;
	[tilespmem:$0x1DF80] =	vst v63  }
0x80: {  	s6 =	smov.u32 s5  }
0x81: {  	p2 =	sne.s32 s5, $0x4400;
	s5 =	sadd.s32 $0x400, s5;
	_ =	swait.ge [sflag:s24], $0x4000  }
0x82: {  	s6 =	sshra.s32 s6, $0x2;
	[sflag:s24] =	ssyncset.done $0x0  }
0x83: {  	s8 =	sadd.s32 $0x1380, s6;
	[sflag:s24] =	ssyncadd.s32 $0xFFFFC000  }
0x84: {  	[spmem:s1] =	stream.indirect.scatter.add.f32 [tilespmem:s22], [sflag:$0x3], $0x80, s8, s21, $0xb8;
	[tilespmem:$0x1DF80] =	vst v63  }
0x85: {  	_ =	swait.ge [sflag:s19], $0x4000  }
0x86: {  	[sflag:s19] =	ssyncset.done $0x0  }
0x87: {  	s8 =	sadd.s32 $0x100, s6;
	[sflag:s19] =	ssyncadd.s32 $0xFFFFC000  }
0x88: {  	[tilespmem:s22], [sflag:$0x1] =	stream.indirect.gather [hbm4b:s3+s21], $0x80, s8, s21, $0xb8;
	[tilespmem:$0x1DF80] =	vst v63  }
0x89: {  	_ =	swait.ge [sflag:s25], $0x4000  }
0x8a: {  	[sflag:s25] =	ssyncset.done $0x0  }
.Ltmp1:
0x8b: {  	s8 =	sadd.s32 $0x1400, s6;
	[sflag:s25] =	ssyncadd.s32 $0xFFFFC000;
	(pc) =	sbr.rel @p2 .LBB2_4-.Ltmp1, $4  }
0x8c: {  	[spmem:s1] =	stream.indirect.scatter.add.f32 [tilespmem:s23], [sflag:$0x3], $0x80, s8, s21, $0xb8;
	[tilespmem:$0x1DF80] =	vst v63  }
0x8d: {  	_ =	swait.ge [sflag:s19], $0x4000  }
0x8e: {  	[sflag:s19] =	ssyncset.done $0x0  }
0x8f: {  	s6 =	sadd.s32 $0x180, s6;
	[sflag:s19] =	ssyncadd.s32 $0xFFFFC000  }
0x90: {  	[tilespmem:s23], [sflag:$0x2] =	stream.indirect.gather [hbm4b:s3+s21], $0x80, s6, s21, $0xb8;
	[tilespmem:$0x1DF80] =	vst v63  }
0x91: {  	_ =	swait.ge [sflag:s24], $0x4000  }
0x92: {  	[sflag:s24] =	ssyncset.done $0x0  }
0x93: {  	[sflag:s24] =	ssyncadd.s32 $0xFFFFC000  }
0x94: {  	[spmem:s1] =	stream.indirect.scatter.add.f32 [tilespmem:s22], [sflag:$0x3], $0x80, s26, s21, $0xb8;
	[tilespmem:$0x1DF80] =	vst v63  }
0x95: {  	_ =	swait.ge [sflag:s19], $0x4000  }
0x96: {  	[sflag:s19] =	ssyncset.done $0x0  }
0x97: {  	[sflag:s19] =	ssyncadd.s32 $0xFFFFC000  }
0x98: {  	[tilespmem:s22], [sflag:$0x1] =	stream.indirect.gather [hbm4b:s3+s21], $0x80, s28, s21, $0xb8;
	[tilespmem:$0x1DF80] =	vst v63  }
0x99: {  	_ =	swait.ge [sflag:s25], $0x4000  }
0x9a: {  	[sflag:s25] =	ssyncset.done $0x0  }
0x9b: {  	[sflag:s25] =	ssyncadd.s32 $0xFFFFC000  }
0x9c: {  	[spmem:s1] =	stream.indirect.scatter.add.f32 [tilespmem:s23], [sflag:$0x3], $0x80, s29, s21, $0xb8;
	[tilespmem:$0x1DF80] =	vst v63  }
0x9d: {  	_ =	swait.ge [sflag:s19], $0x4000  }
0x9e: {  	[sflag:s19] =	ssyncset.done $0x0  }
0x9f: {  	[sflag:s19] =	ssyncadd.s32 $0xFFFFC000  }
0xa0: {  	_ =	swait.ge [sflag:s24], $0x4000  }
0xa1: {  	[sflag:s24] =	ssyncset.done $0x0  }
0xa2: {  	[sflag:s24] =	ssyncadd.s32 $0xFFFFC000  }
0xa3: {  	[spmem:s1] =	stream.indirect.scatter.add.f32 [tilespmem:s22], [sflag:$0x3], $0x80, s30, s21, $0xb8;
	[tilespmem:$0x1DF80] =	vst v63  }
0xa4: {  	_ =	swait.ge [sflag:s19], $0x4000  }
0xa5: {  	[sflag:s19] =	ssyncset.done $0x0  }
0xa6: {  	s5 =	simm.s32 @!p1 $0x0;
	s6 =	simm.s32 @!p1 $0x3;
	[sflag:s19] =	ssyncadd.s32 $0xFFFFC000  }
0xa7: {  	[tilespmem:s5], [sflag:$0x3] =	stream.linear.gather @!p1 [hbm4b:s14+s5], $0x80, $0x38;
	[tilespmem:$0x1DF80] =	vst v63  }
0xa8: {  	_ =	swait.ge @!p1 [sflag:s6], $0x80  }
0xa9: {  	[sflag:s6] =	ssyncset.done @!p1 $0x0  }
0xaa: {  	s8 =	simm.s32 @!p1 $0x1380;
	[sflag:s6] =	ssyncadd.s32 @!p1 $0xFFFFFF80  }
0xab: {  	[tilespmem:s8], [sflag:$0x3] =	stream.linear.gather @!p1 [hbm4b:s15+s5], $0x80, $0x38;
	[tilespmem:$0x1DF80] =	vst v63  }
0xac: {  	_ =	swait.ge @!p1 [sflag:s6], $0x80  }
0xad: {  	[sflag:s6] =	ssyncset.done @!p1 $0x0  }
0xae: {  	s9 =	simm.s32 @!p1 $0x80;
	s10 =	simm.s32 @!p1 $0x2700;
	[sflag:s6] =	ssyncadd.s32 @!p1 $0xFFFFFF80  }
0xaf: {  	[tilespmem:s10], [sflag:$0x1] =	stream.indirect.gather @!p1 [hbm4b:s3+s9], $0x80, s5, s9, $0xb8;
	[tilespmem:$0x1DF80] =	vst v63  }
0xb0: {  	s5 =	simm.s32 @!p1 $0x1  }
0xb1: {  	_ =	swait.ge @!p1 [sflag:s5], $0x4000  }
0xb2: {  	[sflag:s5] =	ssyncset.done @!p1 $0x0  }
0xb3: {  	[sflag:s5] =	ssyncadd.s32 @!p1 $0xFFFFC000  }
0xb4: {  	[spmem:s1] =	stream.indirect.scatter.add.f32 @!p1 [tilespmem:s10], [sflag:$0x3], $0x80, s8, s9, $0xb8;
	[tilespmem:$0x1DF80] =	vst v63  }
0xb5: {  	_ =	swait.ge @!p1 [sflag:s6], $0x4000  }
0xb6: {  	[sflag:s6] =	ssyncset.done @!p1 $0x0  }
0xb7: {  	[sflag:s6] =	ssyncadd.s32 @!p1 $0xFFFFC000  }
0xb8: {  	[bflag:$0x0] =	sbarrier.arrive $0xFFFF  }
0xb9: {  	[hbm:s16], [sflag:s7] =	dma.local [spmem:s0], $0x2700  }
0xba: {  	s31 =	sadd.s32 $0x1, s31;
	_ =	swait.ge [sflag:s19], $0x2700  }
0xbb: {  	p2 =	sne.s32 s31, s18;
	[sflag:s19] =	ssyncset.done $0x0  }
.Ltmp2:
0xbc: {  	s0 =	simm.s32 @!p0 $0x3;
	[sflag:s19] =	ssyncadd.s32 $0xFFFFD900;
	(pc) =	sbr.rel @p2 .LBB2_1-.Ltmp2, $4  }
0xbd: {  	[hbm:s17], [sflag:s7] =	dma.local @!p0 [spmem:s4], $0x100  }
0xbe: {  	_ =	swait.ge @!p0 [sflag:s0], $0x100  }
0xbf: {  	[sflag:s0] =	ssyncset.done @!p0 $0x0  }
0xc0: {  	[sflag:s0] =	ssyncadd.s32 @!p0 $0xFFFFFF00  }
0xc1: {  	_ =	sfence.sel $0x180000  }
0xc2: {  	[bflag:$0x0] =	sbarrier.arrive $0xFFFF  }
0xc3: {  	_ =	strace $0x9000004A  }
0xc4: {  	s0 =	stileid.u32;
	[bflag:$0x2] =	sbarrier.arrive $0xFFFF  }
0xc5: {  	p0 =	sne.s32 s0, $0x0;
	s0 =	rddreg [dreg:$0x2]  }
0xc6: {  	s0 =	sadd.s32 @!p0 $0x100000, s0  }
0xc7: {  	[sflag:s0] =	ssyncadd.tile.s32 @!p0 $0x1;
	_ =	shalt  }
.Lfunc_end2:
_tile_overlayer_lowered:
.L_overlay_start_2:
0xc8: {  	(tag) =	ssettag $0x2  }
0xc9: {  	s0 =	rddreg [dreg:$0x0];
	s2 =	stileid.u32  }
0xca: {  	s1 =	rddreg [dreg:$0x1];
	p0 =	sne.s32 s2, $0x0  }
0xcb: {  	s3 =	rddreg [dreg:$0x2];
	[bflag:$0x3] =	sbarrier.arrive $0xFFFF;
	s2 =	simm.s32 @!p0 $0x1C03  }
0xcc: {  	[timem:s3], [sflag:s2] =	dma.local @!p0 [hbm:s0], s1  }
0xcd: {  	s0 =	simm.s32 @!p0 $0x3  }
0xce: {  	_ =	swait.ge @!p0 [sflag:s0], s1  }
0xcf: {  	s1 =	ssub.s32 @!p0 $0x0, s1;
	[sflag:s0] =	ssyncset.done @!p0 $0x0  }
0xd0: {  	[sflag:s0] =	ssyncadd.s32 @!p0 s1  }
0xd1: {  	[bflag:$0x3] =	sbarrier.arrive $0xFFFF  }
0xd2: {  	_ =	shalt  }

// kernel: kernel.16.cloned.1.call-start
scs
__scs_entry_jumppad:
0x0: {  	(pc) =	sbr.rel $0x88, $3  }
0x1: {  	(tag) =	ssettag $0x0;
	lr =	simm.s32 $0x1  }
0x2: {  	[smem:$0x3F97] =	sst lr;
	_ =	strace $0xD0000000  }
0x3: {  	_ = 	snop  }
0x4: {  	_ = 	snop  }
0x5: {  	_ = 	snop  }
0x6: {  	_ = 	snop  }
0x7: {  	_ = 	snop  }
__scs_overlays_trampoline_lowered:
0x8: {  	[smem:$0x3FA6] =	sst s0  }
0x9: {  	[smem:$0x3FA7] =	sst s1  }
0xa: {  	[smem:$0x3FA8] =	sst s2  }
0xb: {  	[smem:$0x3FA9] =	sst s3  }
0xc: {  	[smem:$0x3FAA] =	sst s4  }
0xd: {  	[smem:$0x3FAB] =	sst s5  }
0xe: {  	[smem:$0x3FAC] =	sst s6  }
0xf: {  	[smem:$0x3FAD] =	sst s7  }
0x10: {  	[smem:$0x3FAE] =	sst s8  }
0x11: {  	[smem:$0x3FAF] =	sst s9;
	s0 =	simm.s32 @!p0 $0x0  }
0x12: {  	s1 =	sld [smem:$0x3F95];
	s0 =	simm.s32 @p0 $0x1  }
0x13: {  	[smem:$0x3FB0] =	sst s0;
	s0 =	simm.s32 @!p1 $0x0  }
0x14: {  	s2 =	sld [smem:$0x3F94];
	s0 =	simm.s32 @p1 $0x1  }
0x15: {  	[smem:$0x3FB1] =	sst s0;
	s0 =	simm.s32 @!p2 $0x0  }
0x16: {  	s3 =	sld [smem:$0x3FDB];
	s0 =	simm.s32 @p2 $0x1  }
0x17: {  	s4 =	simm.s32 $0x1BF5;
	[smem:$0x3FB3] =	sst s0  }
0x18: {  	s0 =	sld [smem:$0x3F96];
	_ =	swait.ge [sflag:s4], $0x0  }
0x19: {  	s7 =	sld [smem:$0x3F97]  }
0x1a: {  	s8 =	sadd.s32 $0xFFFFE003, lr  }
0x1b: {  	s9 =	sadd.s32 $0xFFFFFEF7, lr;
	s5 =	simm.s32 $0xFFFFFFFF;
	p2 =	slt.u32 s8, $0xFFFFF086  }
0x1c: {  	p1 =	slt.u32 s9, $0xF7A;
	s5 =	simm.s32 @!p2 $0x0  }
0x1d: {  	s5 =	simm.s32 @p1 $0x1;
	p0 =	seq.s32 s7, s2  }
0x1e: {  	s7 =	smul.u32 @!p0 $0xF7A, s2;
	p2 =	seq.s32 @!p0 s5, $0x0  }
0x1f: {  	s9 =	smul.u32 $0xF7A, s1;
	s8 =	simm.s32 @!p0 $0x1BF5;
	p2 =	por !p2, p0  }
0x20: {  	[sflag:s8] =	ssyncset.s32 @!p0 $0xFFFFF086;
	s6 =	sadd.s32 @!p0 s3, s7;
	s7 =	simm.s32 @!p0 $0x108  }
0x21: {  	s3 =	sadd.s32 s3, s9;
	s6 =	sadd.s32 @!p0 $0x88, s6;
	s7 =	simm.s32 @p2 $0x1082  }
0x22: {  	[simem:s7], [sflag:s8] =	dma.local @!p0 [hbm:s6], $0xF7A  }
0x23: {  	s9 =	sor.u32 $0xD0000000, s2;
	s6 =	simm.s32 $0x108;
	_ =	swait.ge @!p0 [sflag:s8], $0x0  }
0x24: {  	s3 =	sadd.s32 $0x88, s3;
	s6 =	simm.s32 @!p1 $0x1082;
	[sflag:s4] =	ssyncset.s32 $0xFFFFF086  }
0x25: {  	[simem:s6], [sflag:s4] =	dma.local [hbm:s3], $0xF7A  }
0x26: {  	[smem:$0x3F97] =	sst s1;
	(tag) =	ssettag s2;
	_ =	strace s9  }
0x27: {  	s1 =	sld [smem:$0x3FA7]  }
0x28: {  	s2 =	sld [smem:$0x3FA8]  }
0x29: {  	s4 =	sld [smem:$0x3FAA]  }
0x2a: {  	p0 =	seq.s32 s5, $0x0;
	s5 =	sld [smem:$0x3FAB]  }
0x2b: {  	s6 =	sld [smem:$0x3FAC]  }
0x2c: {  	s7 =	sld [smem:$0x3FAD]  }
0x2d: {  	s3 =	simm.s32 $0x108;
	s8 =	sld [smem:$0x3FAE]  }
0x2e: {  	s3 =	simm.s32 @!p0 $0x1082;
	s9 =	sld [smem:$0x3FAF]  }
0x2f: {  	lr =	sadd.s32 s0, s3;
	s0 =	sld [smem:$0x3FA6]  }
0x30: {  	s3 =	sld [smem:$0x3FA9]  }
0x31: {  	[smem:$0x3FB2] =	sst s10  }
0x32: {  	s10 =	sld [smem:$0x3FB0];
	_ =	sdelay $0x3  }
0x33: {  	p0 =	seq.s32 s10, $0x1;
	s10 =	sld [smem:$0x3FB2];
	_ =	sdelay $0x3  }
0x34: {  	[smem:$0x3FB2] =	sst s10  }
0x35: {  	s10 =	sld [smem:$0x3FB1];
	_ =	sdelay $0x3  }
0x36: {  	p1 =	seq.s32 s10, $0x1;
	s10 =	sld [smem:$0x3FB2];
	_ =	sdelay $0x3  }
0x37: {  	[smem:$0x3FB2] =	sst s10  }
0x38: {  	s10 =	sld [smem:$0x3FB3]  }
0x39: {  	_ = 	snop;
	(pc) =	sbr.ind lr, $3  }
0x3a: {  	_ = 	snop  }
0x3b: {  	_ = 	snop  }
0x3c: {  	p2 =	seq.s32 s10, $0x1;
	s10 =	sld [smem:$0x3FB2]  }
0x3d: {  	_ =	shalt  }
0x3e: {  	_ =	shalt  }
0x3f: {  	_ =	shalt  }
0x40: {  	_ =	shalt  }
0x41: {  	_ =	shalt  }
0x42: {  	_ =	shalt  }
0x43: {  	_ =	shalt  }
0x44: {  	_ =	shalt  }
0x45: {  	_ =	shalt  }
0x46: {  	_ =	shalt  }
0x47: {  	_ =	shalt  }
0x48: {  	_ =	shalt  }
0x49: {  	_ =	shalt  }
0x4a: {  	_ =	shalt  }
0x4b: {  	_ =	shalt  }
0x4c: {  	_ =	shalt  }
0x4d: {  	_ =	shalt  }
0x4e: {  	_ =	shalt  }
0x4f: {  	_ =	shalt  }
0x50: {  	_ =	shalt  }
0x51: {  	_ =	shalt  }
0x52: {  	_ =	shalt  }
0x53: {  	_ =	shalt  }
0x54: {  	_ =	shalt  }
0x55: {  	_ =	shalt  }
0x56: {  	_ =	shalt  }
0x57: {  	_ =	shalt  }
0x58: {  	_ =	shalt  }
0x59: {  	_ =	shalt  }
0x5a: {  	_ =	shalt  }
0x5b: {  	_ =	shalt  }
0x5c: {  	_ =	shalt  }
0x5d: {  	_ =	shalt  }
0x5e: {  	_ =	shalt  }
0x5f: {  	_ =	shalt  }
0x60: {  	_ =	shalt  }
0x61: {  	_ =	shalt  }
0x62: {  	_ =	shalt  }
0x63: {  	_ =	shalt  }
0x64: {  	_ =	shalt  }
0x65: {  	_ =	shalt  }
0x66: {  	_ =	shalt  }
0x67: {  	_ =	shalt  }
0x68: {  	_ =	shalt  }
0x69: {  	_ =	shalt  }
0x6a: {  	_ =	shalt  }
0x6b: {  	_ =	shalt  }
0x6c: {  	_ =	shalt  }
0x6d: {  	_ =	shalt  }
0x6e: {  	_ =	shalt  }
0x6f: {  	_ =	shalt  }
0x70: {  	_ =	shalt  }
0x71: {  	_ =	shalt  }
0x72: {  	_ =	shalt  }
0x73: {  	_ =	shalt  }
0x74: {  	_ =	shalt  }
0x75: {  	_ =	shalt  }
0x76: {  	_ =	shalt  }
0x77: {  	_ =	shalt  }
0x78: {  	_ =	shalt  }
0x79: {  	_ =	shalt  }
0x7a: {  	_ =	shalt  }
0x7b: {  	_ =	shalt  }
0x7c: {  	_ =	shalt  }
0x7d: {  	_ =	shalt  }
0x7e: {  	_ =	shalt  }
0x7f: {  	_ =	shalt  }
0x80: {  	_ =	shalt  }
0x81: {  	_ =	shalt  }
0x82: {  	_ =	shalt  }
0x83: {  	_ =	shalt  }
0x84: {  	_ =	shalt  }
0x85: {  	_ =	shalt  }
0x86: {  	_ =	shalt  }
0x87: {  	_ =	shalt  }
.Lfunc_end0:
.L_simem_size_0:
called_computation.2_lowered:
.L_overlay_start_0:
0x88: {  	s2 =	sld [smem:$0x3FD9]  }
0x89: {  	s3 =	sld [smem:$0x3FFE];
	_ =	sdelay $0x1  }
0x8a: {  	s1 =	srdreg.scid  }
0x8b: {  	s0 =	sand.u32 $0x1, s1  }
0x8c: {  	s16 =	sshll.u32 s0, $0xA;
	s2 =	sadd.s32 s3, s2  }
0x8d: {  	s2 =	sadd.s32 s2, s16  }
0x8e: {  	[smem:$0x3FBE] =	sst s2  }
0x8f: {  	_ = 	snop  }
0x90: {  	(tm) =	ssettm $0x1  }
0x91: {  	s17 =	sld [smem:$0x3FFB];
	_ =	sdelay $0x3  }
0x92: {  	_ =	strace s17  }
0x93: {  	s2 =	sld [smem:$0x3FFC];
	_ =	sdelay $0x3  }
0x94: {  	_ =	strace s2  }
0x95: {  	s2 =	sld [smem:$0x3FFD];
	_ =	sdelay $0x3  }
0x96: {  	_ =	strace s2  }
0x97: {  	_ =	strace $0x8FFFFFFF  }
0x98: {  	s18 =	sld [smem:$0x3FDB];
	_ =	sdelay $0x1  }
0x99: {  	s19 =	simm.s32 $_scs_section_size  }
0x9a: {  	s4 =	simm.s32 $_size__tile_overlayer_lowered;
	s5 =	simm.s32 $_tile_overlayer_lowered  }
0x9b: {  	s22 =	simm.s32 $0x1BFF;
	s21 =	sshll.u32 s5, $0x1;
	s2 =	sadd.s32 s19, s18  }
0x9c: {  	s6 =	simm.s32 $0x0;
	s20 =	sshll.u32 s4, $0x1;
	s4 =	sadd.s32 s21, s2  }
0x9d: {  	[timem:s6], [sflag:s22] =	dma.local [hbm:s4], s20  }
0x9e: {  	_ =	swait.ge [sflag:s22], s20  }
0x9f: {  	s3 =	ssub.s32 $0x0, s20;
	[sflag:s22] =	ssyncset.done $0x0  }
0xa0: {  	[sflag:s22] =	ssyncadd.s32 s3;
	_ =	sdelay $0x1  }
0xa1: {  	s23 =	simm.s32 $0x1B8B  }
0xa2: {  	_ =	swait.ge [sflag:s23], $0x1  }
0xa3: {  	[sflag:s23] =	ssyncset.done $0x0  }
0xa4: {  	s25 =	simm.s32 $0x1B8E;
	s24 =	sld [smem:$0x3FFE];
	[sflag:s23] =	ssyncadd.s32 $0xFFFFFFFF  }
0xa5: {  	s26 =	simm.s32 $execute0_lowered;
	[smem:$0x3FD2] =	sst s25  }
0xa6: {  	s4 =	sshll.u32 s26, $0x1;
	_ =	strace $0x8000004C;
	[dreg:$0x1] =	wrdreg $0xFFFFFFFF  }
0xa7: {  	s28 =	simm.s32 $_size_execute0_lowered;
	s2 =	sadd.s32 s2, s4;
	[dreg:$0x0] =	wrdreg $0x0  }
0xa8: {  	s4 =	sshll.u32 s28, $0x1;
	[dreg:$0x2] =	wrdreg s2  }
0xa9: {  	[dreg:$0x3] =	wrdreg s4  }
0xaa: {  	[dreg:$0x4] =	wrdreg $0xC0  }
0xab: {  	_ =	task [dreg:s6], $0x5FFFF  }
0xac: {  	[dreg:$0x1] =	wrdreg $0xFFFFFFFF  }
0xad: {  	[dreg:$0x0] =	wrdreg $0x60  }
0xae: {  	[dreg:$0x2] =	wrdreg s24  }
0xaf: {  	[dreg:$0x3] =	wrdreg $0x67000  }
0xb0: {  	[dreg:$0x4] =	wrdreg $0x9  }
0xb1: {  	_ =	task.clear_ibuf [dreg:s6], $0x5FFFF;
	_ =	strace $0x9000004C  }
0xb2: {  	s29 =	simm.s32 $0x9;
	_ =	strace $0x8000004E  }
0xb3: {  	_ =	swait.ge [sflag:s29], $0x1  }
0xb4: {  	[sflag:s29] =	ssyncadd.s32 $0xFFFFFFFF  }
0xb5: {  	_ =	strace $0x9000004E  }
0xb6: {  	_ =	sfence  }
0xb7: {  	s30 =	sld [smem:$0x0];
	_ =	sdelay $0x2  }
0xb8: {  	s31 =	sshll.u32 s1, $0xD;
	s1 =	sshrl.u32 s1, $0x2  }
0xb9: {  	s3 =	sand.u32 $0x4000, s31;
	s1 =	sadd.s32 s1, s30  }
0xba: {  	s0 =	sor.u32 s3, s0;
	s1 =	sshll.u32 s1, $0x11  }
0xbb: {  	s0 =	sor.u32 s1, s0  }
0xbc: {  	s0 =	sadd.s32 $0x8F2B, s0  }
0xbd: {  	[sflag:s0] =	ssyncadd.remote.s32 $0x1  }
0xbe: {  	_ =	sfence.sel $0xFFFF  }
0xbf: {  	[dreg:$0x0] =	wrdreg $0xFFFFFFFF;
	(pc) =	sbr.abs _section_cstart, $3  }
0xc0: {  	[dreg:$0x1] =	wrdreg $0xFFFFFFFF  }
0xc1: {  	_ =	task.clear_ibuf [dreg:s6], $0x2FFFF;
	_ =	strace $0x9FFFFFFF  }
0xc2: {  	(tm) =	ssettm $0x7FFFFFFF  }
0xc3: {  	_ =	shalt  }
tec
execute0_lowered:
.L_overlay_start_1:
0x0: {  	(tag) =	ssettag $0x1  }
0x1: {  	s0 =	rddreg [dreg:$0x0]  }
0x2: {  	s1 =	rddreg [dreg:$0x1];
	s2 =	simm.s32 $0x0  }
0x3: {  	s4 =	srdreg.scid;
	s9 =	stileid.u32;
	s28 =	simm.s32 $0x1300  }
0x4: {  	s29 =	simm.s32 $0x2600;
	s30 =	simm.s32 $0x2680;
	s31 =	simm.s32 $0x0  }
0x5: {  	[smem:$0x7FF] =	sst s2;
	s3 =	sadd.s32 $0x15A00, s0;
	s5 =	sadd.s32 $0xBC00, s0  }
0x6: {  	s6 =	sadd.s32 $0x1E00, s0;
	s4 =	sand.u32 $0x1, s4;
	s7 =	sadd.s32 $0x29400, s0  }
0x7: {  	s14 =	smul.u32 $0x9C00, s9;
	s16 =	sadd.s32 $0x2A800, s0;
	s19 =	sshll.u32 s9, $0x6  }
0x8: {  	s21 =	sadd.s32 $0x9C000, s1;
	s0 =	sadd.s32 $0x2A780, s0;
	s24 =	sshll.u32 s9, $0x4  }
0x9: {  	p0 =	sne.s32 s9, $0xF;
	_ =	strace $0x8000004D;
	[dreg:$0x3] =	wrdreg s7  }
0xa: {  	s17 =	sshll.u32 s4, $0x4;
	s8 =	ssub.s32 $0x2, s4;
	[dreg:$0x5] =	wrdreg s21  }
0xb: {  	s7 =	sor.u32 $0x1C03, s19;
	[dreg:$0x6] =	wrdreg s0;
	s4 =	smul.u32 $0x9C400, s4  }
0xc: {  	s19 =	simm.s32 $0x3;
	s21 =	simm.s32 $0x80;
	s25 =	sor.u32 s9, s17  }
0xd: {  	s18 =	sshrl.u32 s8, $0x1;
	s20 =	sadd.s32 s14, s1;
	s11 =	smul.u32 $0x4E0, s25  }
0xe: {  	s18 =	ssub.s32 s8, s18;
	s12 =	smul.u32 $0x2700, s25;
	[dreg:$0x4] =	wrdreg s20  }
0xf: {  	s15 =	sadd.s32 s14, s4;
	s4 =	sshrl.u32 s4, $0x3;
	s20 =	simm.s32 $0x1380  }
0x10: {  	p1 =	sgt.u32 s25, $0x3;
	s25 =	simm.s32 $0x2;
	s26 =	sshrl.u32 s15, $0x3  }
0x11: {  	s4 =	sadd.s32 s16, s4;
	s18 =	smax.u32 s18, $0x1;
	s22 =	sadd.s32 s5, s11  }
0x12: {  	s23 =	sshrl.u32 s12, $0x3;
	s11 =	sadd.s32 s6, s11;
	s16 =	sadd.s32 s16, s26  }
0x13: {  	s17 =	sadd.s32 $0x13800, s4;
	s26 =	simm.s32 $0x2580;
	[dreg:$0x7] =	wrdreg s22  }
0x14: {  	s0 =	sadd.s32 $0x270, s23;
	s22 =	simm.s32 $0x2700;
	s23 =	simm.s32 $0x4700  }
0x15: {  	s12 =	sadd.s32 s5, s0;
	s13 =	sadd.s32 s6, s0;
	s0 =	sor.u32 $0x9C00, s24  }
0x16: {  	s24 =	simm.s32 $0x1;
	s14 =	sadd.s32 s5, s0;
	s15 =	sadd.s32 s6, s0  }
.LBB2_1:
0x17: {  	s0 =	rddreg [dreg:$0x4]  }
0x18: {  	s4 =	rddreg [dreg:$0x3];
	s0 =	sshrl.u32 s0, $0x3  }
0x19: {  	[spmem:s0], [sflag:s7] =	dma.local [hbm:s4], $0x1380  }
0x1a: {  	_ =	swait.ge [sflag:s19], $0x1380  }
0x1b: {  	[sflag:s19] =	ssyncset.done $0x0;
	s4 =	rddreg [dreg:$0x5]  }
0x1c: {  	s5 =	rddreg [dreg:$0x6];
	[sflag:s19] =	ssyncadd.s32 $0xFFFFEC80;
	s4 =	sshrl.u32 @!p0 s4, $0x3  }
0x1d: {  	[spmem:s4], [sflag:s7] =	dma.local @!p0 [hbm:s5], $0x80  }
0x1e: {  	s5 =	simm.s32 @!p0 $0x3  }
0x1f: {  	_ =	swait.ge @!p0 [sflag:s5], $0x80  }
0x20: {  	[sflag:s5] =	ssyncset.done @!p0 $0x0  }
0x21: {  	s6 =	rddreg [dreg:$0x7];
	[sflag:s5] =	ssyncadd.s32 @!p0 $0xFFFFFF80  }
0x22: {  	[tilespmem:s2], [sflag:$0x3] =	stream.linear.gather [hbm4b:s6+s2], $0x1380, $0x38;
	[tilespmem:$0x10340] =	vst v63  }
0x23: {  	_ =	swait.ge [sflag:s19], $0x1380  }
0x24: {  	[sflag:s19] =	ssyncset.done $0x0  }
0x25: {  	[sflag:s19] =	ssyncadd.s32 $0xFFFFEC80  }
0x26: {  	[tilespmem:s20], [sflag:$0x3] =	stream.linear.gather [hbm4b:s11+s2], $0x1380, $0x38;
	[tilespmem:$0x10340] =	vst v63  }
0x27: {  	_ =	swait.ge [sflag:s19], $0x1380  }
0x28: {  	[sflag:s19] =	ssyncset.done $0x0  }
0x29: {  	[sflag:s19] =	ssyncadd.s32 $0xFFFFEC80  }
0x2a: {  	[tilespmem:s22], [sflag:$0x1] =	stream.indirect.gather [hbm4b:s3+s21], $0x40, s2, s21, $0xb8;
	[tilespmem:$0x10340] =	vst v63  }
0x2b: {  	_ = 	snop  }
0x2c: {  	[tilespmem:s23], [sflag:$0x2] =	stream.indirect.gather [hbm4b:s3+s21], $0x40, s21, s21, $0xb8;
	[tilespmem:$0x10340] =	vst v63  }
0x2d: {  	[bflag:$0x0] =	sbarrier.arrive $0xFFFF  }
0x2e: {  	_ =	swait.ge [sflag:s24], $0x2000  }
0x2f: {  	[sflag:s24] =	ssyncset.done $0x0  }
0x30: {  	s8 =	simm.s32 $0x1380;
	[sflag:s24] =	ssyncadd.s32 $0xFFFFE000  }
0x31: {  	[spmem:s1] =	stream.indirect.scatter.add.f32 [tilespmem:s22], [sflag:$0x3], $0x40, s8, s21, $0xb8;
	[tilespmem:$0x10340] =	vst v63  }
0x32: {  	_ =	swait.ge [sflag:s19], $0x2000  }
0x33: {  	[sflag:s19] =	ssyncset.done $0x0  }
0x34: {  	s9 =	simm.s32 $0x100;
	[sflag:s19] =	ssyncadd.s32 $0xFFFFE000  }
0x35: {  	[tilespmem:s22], [sflag:$0x1] =	stream.indirect.gather [hbm4b:s3+s21], $0x40, s9, s21, $0xb8;
	[tilespmem:$0x10340] =	vst v63  }
0x36: {  	_ =	swait.ge [sflag:s25], $0x2000  }
0x37: {  	[sflag:s25] =	ssyncset.done $0x0  }
0x38: {  	s10 =	simm.s32 $0x1400;
	[sflag:s25] =	ssyncadd.s32 $0xFFFFE000  }
0x39: {  	[spmem:s1] =	stream.indirect.scatter.add.f32 [tilespmem:s23], [sflag:$0x3], $0x40, s10, s21, $0xb8;
	[tilespmem:$0x10340] =	vst v63  }
0x3a: {  	_ =	swait.ge [sflag:s19], $0x2000  }
0x3b: {  	[sflag:s19] =	ssyncset.done $0x0  }
0x3c: {  	s5 =	simm.s32 $0x400;
	s6 =	simm.s32 $0x180;
	[sflag:s19] =	ssyncadd.s32 $0xFFFFE000  }
.LBB2_2:
0x3d: {  	[tilespmem:s23], [sflag:$0x2] =	stream.indirect.gather [hbm4b:s3+s21], $0x40, s6, s21, $0xb8;
	[tilespmem:$0x10340] =	vst v63  }
0x3e: {  	s6 =	smov.u32 s5  }
0x3f: {  	p2 =	sne.s32 s5, $0x4400;
	s5 =	sadd.s32 $0x400, s5;
	_ =	swait.ge [sflag:s24], $0x2000  }
0x40: {  	s6 =	sshra.s32 s6, $0x2;
	[sflag:s24] =	ssyncset.done $0x0  }
0x41: {  	s8 =	sadd.s32 $0x1380, s6;
	[sflag:s24] =	ssyncadd.s32 $0xFFFFE000  }
0x42: {  	[spmem:s1] =	stream.indirect.scatter.add.f32 [tilespmem:s22], [sflag:$0x3], $0x40, s8, s21, $0xb8;
	[tilespmem:$0x10340] =	vst v63  }
0x43: {  	_ =	swait.ge [sflag:s19], $0x2000  }
0x44: {  	[sflag:s19] =	ssyncset.done $0x0  }
0x45: {  	s8 =	sadd.s32 $0x100, s6;
	[sflag:s19] =	ssyncadd.s32 $0xFFFFE000  }
0x46: {  	[tilespmem:s22], [sflag:$0x1] =	stream.indirect.gather [hbm4b:s3+s21], $0x40, s8, s21, $0xb8;
	[tilespmem:$0x10340] =	vst v63  }
0x47: {  	_ =	swait.ge [sflag:s25], $0x2000  }
0x48: {  	[sflag:s25] =	ssyncset.done $0x0  }
.Ltmp0:
0x49: {  	s8 =	sadd.s32 $0x1400, s6;
	[sflag:s25] =	ssyncadd.s32 $0xFFFFE000;
	(pc) =	sbr.rel @p2 .LBB2_2-.Ltmp0, $4  }
0x4a: {  	[spmem:s1] =	stream.indirect.scatter.add.f32 [tilespmem:s23], [sflag:$0x3], $0x40, s8, s21, $0xb8;
	[tilespmem:$0x10340] =	vst v63  }
0x4b: {  	_ =	swait.ge [sflag:s19], $0x2000  }
0x4c: {  	[sflag:s19] =	ssyncset.done $0x0  }
0x4d: {  	s6 =	sadd.s32 $0x180, s6;
	[sflag:s19] =	ssyncadd.s32 $0xFFFFE000  }
0x4e: {  	[tilespmem:s23], [sflag:$0x2] =	stream.indirect.gather [hbm4b:s3+s21], $0x40, s6, s21, $0xb8;
	[tilespmem:$0x10340] =	vst v63  }
0x4f: {  	_ =	swait.ge [sflag:s24], $0x2000  }
0x50: {  	[sflag:s24] =	ssyncset.done $0x0  }
0x51: {  	[sflag:s24] =	ssyncadd.s32 $0xFFFFE000  }
0x52: {  	[spmem:s1] =	stream.indirect.scatter.add.f32 [tilespmem:s22], [sflag:$0x3], $0x40, s26, s21, $0xb8;
	[tilespmem:$0x10340] =	vst v63  }
0x53: {  	_ =	swait.ge [sflag:s19], $0x2000  }
0x54: {  	[sflag:s19] =	ssyncset.done $0x0  }
0x55: {  	[sflag:s19] =	ssyncadd.s32 $0xFFFFE000  }
0x56: {  	[tilespmem:s22], [sflag:$0x1] =	stream.indirect.gather [hbm4b:s3+s21], $0x40, s28, s21, $0xb8;
	[tilespmem:$0x10340] =	vst v63  }
0x57: {  	_ =	swait.ge [sflag:s25], $0x2000  }
0x58: {  	[sflag:s25] =	ssyncset.done $0x0  }
0x59: {  	[sflag:s25] =	ssyncadd.s32 $0xFFFFE000  }
0x5a: {  	[spmem:s1] =	stream.indirect.scatter.add.f32 [tilespmem:s23], [sflag:$0x3], $0x40, s29, s21, $0xb8;
	[tilespmem:$0x10340] =	vst v63  }
0x5b: {  	_ =	swait.ge [sflag:s19], $0x2000  }
0x5c: {  	[sflag:s19] =	ssyncset.done $0x0  }
0x5d: {  	[sflag:s19] =	ssyncadd.s32 $0xFFFFE000  }
0x5e: {  	_ =	swait.ge [sflag:s24], $0x2000  }
0x5f: {  	[sflag:s24] =	ssyncset.done $0x0  }
0x60: {  	[sflag:s24] =	ssyncadd.s32 $0xFFFFE000  }
0x61: {  	[spmem:s1] =	stream.indirect.scatter.add.f32 [tilespmem:s22], [sflag:$0x3], $0x40, s30, s21, $0xb8;
	[tilespmem:$0x10340] =	vst v63  }
0x62: {  	_ =	swait.ge [sflag:s19], $0x2000  }
0x63: {  	[sflag:s19] =	ssyncset.done $0x0  }
0x64: {  	s5 =	simm.s32 $0x0;
	[sflag:s19] =	ssyncadd.s32 $0xFFFFE000  }
0x65: {  	[tilespmem:s5], [sflag:$0x3] =	stream.linear.gather [hbm4b:s12+s5], $0x1380, $0x38;
	[tilespmem:$0x10340] =	vst v63  }
0x66: {  	_ =	swait.ge [sflag:s19], $0x1380  }
0x67: {  	[sflag:s19] =	ssyncset.done $0x0  }
0x68: {  	[sflag:s19] =	ssyncadd.s32 $0xFFFFEC80  }
0x69: {  	[tilespmem:s20], [sflag:$0x3] =	stream.linear.gather [hbm4b:s13+s5], $0x1380, $0x38;
	[tilespmem:$0x10340] =	vst v63  }
0x6a: {  	_ =	swait.ge [sflag:s19], $0x1380  }
0x6b: {  	[sflag:s19] =	ssyncset.done $0x0  }
0x6c: {  	[sflag:s19] =	ssyncadd.s32 $0xFFFFEC80  }
0x6d: {  	[tilespmem:s22], [sflag:$0x1] =	stream.indirect.gather [hbm4b:s3+s21], $0x40, s5, s21, $0xb8;
	[tilespmem:$0x10340] =	vst v63  }
0x6e: {  	_ = 	snop  }
0x6f: {  	[tilespmem:s23], [sflag:$0x2] =	stream.indirect.gather [hbm4b:s3+s21], $0x40, s21, s21, $0xb8;
	[tilespmem:$0x10340] =	vst v63  }
0x70: {  	_ =	swait.ge [sflag:s24], $0x2000  }
0x71: {  	[sflag:s24] =	ssyncset.done $0x0  }
0x72: {  	s8 =	simm.s32 $0x1380;
	[sflag:s24] =	ssyncadd.s32 $0xFFFFE000  }
0x73: {  	[spmem:s1] =	stream.indirect.scatter.add.f32 [tilespmem:s22], [sflag:$0x3], $0x40, s8, s21, $0xb8;
	[tilespmem:$0x10340] =	vst v63  }
0x74: {  	_ =	swait.ge [sflag:s19], $0x2000  }
0x75: {  	[sflag:s19] =	ssyncset.done $0x0  }
0x76: {  	s9 =	simm.s32 $0x100;
	[sflag:s19] =	ssyncadd.s32 $0xFFFFE000  }
0x77: {  	[tilespmem:s22], [sflag:$0x1] =	stream.indirect.gather [hbm4b:s3+s21], $0x40, s9, s21, $0xb8;
	[tilespmem:$0x10340] =	vst v63  }
0x78: {  	_ =	swait.ge [sflag:s25], $0x2000  }
0x79: {  	[sflag:s25] =	ssyncset.done $0x0  }
0x7a: {  	s10 =	simm.s32 $0x1400;
	[sflag:s25] =	ssyncadd.s32 $0xFFFFE000  }
0x7b: {  	[spmem:s1] =	stream.indirect.scatter.add.f32 [tilespmem:s23], [sflag:$0x3], $0x40, s10, s21, $0xb8;
	[tilespmem:$0x10340] =	vst v63  }
0x7c: {  	_ =	swait.ge [sflag:s19], $0x2000  }
0x7d: {  	[sflag:s19] =	ssyncset.done $0x0  }
0x7e: {  	s6 =	simm.s32 $0x180;
	s5 =	simm.s32 $0x400;
	[sflag:s19] =	ssyncadd.s32 $0xFFFFE000  }
.LBB2_4:
0x7f: {  	[tilespmem:s23], [sflag:$0x2] =	stream.indirect.gather [hbm4b:s3+s21], $0x40, s6, s21, $0xb8;
	[tilespmem:$0x10340] =	vst v63  }
0x80: {  	s6 =	smov.u32 s5  }
0x81: {  	p2 =	sne.s32 s5, $0x4400;
	s5 =	sadd.s32 $0x400, s5;
	_ =	swait.ge [sflag:s24], $0x2000  }
0x82: {  	s6 =	sshra.s32 s6, $0x2;
	[sflag:s24] =	ssyncset.done $0x0  }
0x83: {  	s8 =	sadd.s32 $0x1380, s6;
	[sflag:s24] =	ssyncadd.s32 $0xFFFFE000  }
0x84: {  	[spmem:s1] =	stream.indirect.scatter.add.f32 [tilespmem:s22], [sflag:$0x3], $0x40, s8, s21, $0xb8;
	[tilespmem:$0x10340] =	vst v63  }
0x85: {  	_ =	swait.ge [sflag:s19], $0x2000  }
0x86: {  	[sflag:s19] =	ssyncset.done $0x0  }
0x87: {  	s8 =	sadd.s32 $0x100, s6;
	[sflag:s19] =	ssyncadd.s32 $0xFFFFE000  }
0x88: {  	[tilespmem:s22], [sflag:$0x1] =	stream.indirect.gather [hbm4b:s3+s21], $0x40, s8, s21, $0xb8;
	[tilespmem:$0x10340] =	vst v63  }
0x89: {  	_ =	swait.ge [sflag:s25], $0x2000  }
0x8a: {  	[sflag:s25] =	ssyncset.done $0x0  }
.Ltmp1:
0x8b: {  	s8 =	sadd.s32 $0x1400, s6;
	[sflag:s25] =	ssyncadd.s32 $0xFFFFE000;
	(pc) =	sbr.rel @p2 .LBB2_4-.Ltmp1, $4  }
0x8c: {  	[spmem:s1] =	stream.indirect.scatter.add.f32 [tilespmem:s23], [sflag:$0x3], $0x40, s8, s21, $0xb8;
	[tilespmem:$0x10340] =	vst v63  }
0x8d: {  	_ =	swait.ge [sflag:s19], $0x2000  }
0x8e: {  	[sflag:s19] =	ssyncset.done $0x0  }
0x8f: {  	s6 =	sadd.s32 $0x180, s6;
	[sflag:s19] =	ssyncadd.s32 $0xFFFFE000  }
0x90: {  	[tilespmem:s23], [sflag:$0x2] =	stream.indirect.gather [hbm4b:s3+s21], $0x40, s6, s21, $0xb8;
	[tilespmem:$0x10340] =	vst v63  }
0x91: {  	_ =	swait.ge [sflag:s24], $0x2000  }
0x92: {  	[sflag:s24] =	ssyncset.done $0x0  }
0x93: {  	[sflag:s24] =	ssyncadd.s32 $0xFFFFE000  }
0x94: {  	[spmem:s1] =	stream.indirect.scatter.add.f32 [tilespmem:s22], [sflag:$0x3], $0x40, s26, s21, $0xb8;
	[tilespmem:$0x10340] =	vst v63  }
0x95: {  	_ =	swait.ge [sflag:s19], $0x2000  }
0x96: {  	[sflag:s19] =	ssyncset.done $0x0  }
0x97: {  	[sflag:s19] =	ssyncadd.s32 $0xFFFFE000  }
0x98: {  	[tilespmem:s22], [sflag:$0x1] =	stream.indirect.gather [hbm4b:s3+s21], $0x40, s28, s21, $0xb8;
	[tilespmem:$0x10340] =	vst v63  }
0x99: {  	_ =	swait.ge [sflag:s25], $0x2000  }
0x9a: {  	[sflag:s25] =	ssyncset.done $0x0  }
0x9b: {  	[sflag:s25] =	ssyncadd.s32 $0xFFFFE000  }
0x9c: {  	[spmem:s1] =	stream.indirect.scatter.add.f32 [tilespmem:s23], [sflag:$0x3], $0x40, s29, s21, $0xb8;
	[tilespmem:$0x10340] =	vst v63  }
0x9d: {  	_ =	swait.ge [sflag:s19], $0x2000  }
0x9e: {  	[sflag:s19] =	ssyncset.done $0x0  }
0x9f: {  	[sflag:s19] =	ssyncadd.s32 $0xFFFFE000  }
0xa0: {  	_ =	swait.ge [sflag:s24], $0x2000  }
0xa1: {  	[sflag:s24] =	ssyncset.done $0x0  }
0xa2: {  	[sflag:s24] =	ssyncadd.s32 $0xFFFFE000  }
0xa3: {  	[spmem:s1] =	stream.indirect.scatter.add.f32 [tilespmem:s22], [sflag:$0x3], $0x40, s30, s21, $0xb8;
	[tilespmem:$0x10340] =	vst v63  }
0xa4: {  	_ =	swait.ge [sflag:s19], $0x2000  }
0xa5: {  	[sflag:s19] =	ssyncset.done $0x0  }
0xa6: {  	s5 =	simm.s32 @!p1 $0x0;
	s6 =	simm.s32 @!p1 $0x3;
	[sflag:s19] =	ssyncadd.s32 $0xFFFFE000  }
0xa7: {  	[tilespmem:s5], [sflag:$0x3] =	stream.linear.gather @!p1 [hbm4b:s14+s5], $0x80, $0x38;
	[tilespmem:$0x10340] =	vst v63  }
0xa8: {  	_ =	swait.ge @!p1 [sflag:s6], $0x80  }
0xa9: {  	[sflag:s6] =	ssyncset.done @!p1 $0x0  }
0xaa: {  	s8 =	simm.s32 @!p1 $0x1380;
	[sflag:s6] =	ssyncadd.s32 @!p1 $0xFFFFFF80  }
0xab: {  	[tilespmem:s8], [sflag:$0x3] =	stream.linear.gather @!p1 [hbm4b:s15+s5], $0x80, $0x38;
	[tilespmem:$0x10340] =	vst v63  }
0xac: {  	_ =	swait.ge @!p1 [sflag:s6], $0x80  }
0xad: {  	[sflag:s6] =	ssyncset.done @!p1 $0x0  }
0xae: {  	s9 =	simm.s32 @!p1 $0x80;
	s10 =	simm.s32 @!p1 $0x2700;
	[sflag:s6] =	ssyncadd.s32 @!p1 $0xFFFFFF80  }
0xaf: {  	[tilespmem:s10], [sflag:$0x1] =	stream.indirect.gather @!p1 [hbm4b:s3+s9], $0x40, s5, s9, $0xb8;
	[tilespmem:$0x10340] =	vst v63  }
0xb0: {  	s5 =	simm.s32 @!p1 $0x1  }
0xb1: {  	_ =	swait.ge @!p1 [sflag:s5], $0x2000  }
0xb2: {  	[sflag:s5] =	ssyncset.done @!p1 $0x0  }
0xb3: {  	[sflag:s5] =	ssyncadd.s32 @!p1 $0xFFFFE000  }
0xb4: {  	[spmem:s1] =	stream.indirect.scatter.add.f32 @!p1 [tilespmem:s10], [sflag:$0x3], $0x40, s8, s9, $0xb8;
	[tilespmem:$0x10340] =	vst v63  }
0xb5: {  	_ =	swait.ge @!p1 [sflag:s6], $0x2000  }
0xb6: {  	[sflag:s6] =	ssyncset.done @!p1 $0x0  }
0xb7: {  	[sflag:s6] =	ssyncadd.s32 @!p1 $0xFFFFE000  }
0xb8: {  	[bflag:$0x0] =	sbarrier.arrive $0xFFFF  }
0xb9: {  	[hbm:s16], [sflag:s7] =	dma.local [spmem:s0], $0x1380  }
0xba: {  	s31 =	sadd.s32 $0x1, s31;
	_ =	swait.ge [sflag:s19], $0x1380  }
0xbb: {  	p2 =	sne.s32 s31, s18;
	[sflag:s19] =	ssyncset.done $0x0  }
.Ltmp2:
0xbc: {  	s0 =	simm.s32 @!p0 $0x3;
	[sflag:s19] =	ssyncadd.s32 $0xFFFFEC80;
	(pc) =	sbr.rel @p2 .LBB2_1-.Ltmp2, $4  }
0xbd: {  	[hbm:s17], [sflag:s7] =	dma.local @!p0 [spmem:s4], $0x80  }
0xbe: {  	_ =	swait.ge @!p0 [sflag:s0], $0x80  }
0xbf: {  	[sflag:s0] =	ssyncset.done @!p0 $0x0  }
0xc0: {  	[sflag:s0] =	ssyncadd.s32 @!p0 $0xFFFFFF80  }
0xc1: {  	_ =	sfence.sel $0x180000  }
0xc2: {  	[bflag:$0x0] =	sbarrier.arrive $0xFFFF  }
0xc3: {  	_ =	strace $0x9000004D  }
0xc4: {  	s0 =	stileid.u32;
	[bflag:$0x2] =	sbarrier.arrive $0xFFFF  }
0xc5: {  	p0 =	sne.s32 s0, $0x0;
	s0 =	rddreg [dreg:$0x2]  }
0xc6: {  	s0 =	sadd.s32 @!p0 $0x100000, s0  }
0xc7: {  	[sflag:s0] =	ssyncadd.tile.s32 @!p0 $0x1;
	_ =	shalt  }
.Lfunc_end2:
_tile_overlayer_lowered:
.L_overlay_start_2:
0xc8: {  	(tag) =	ssettag $0x2  }
0xc9: {  	s0 =	rddreg [dreg:$0x0];
	s2 =	stileid.u32  }
0xca: {  	s1 =	rddreg [dreg:$0x1];
	p0 =	sne.s32 s2, $0x0  }
0xcb: {  	s3 =	rddreg [dreg:$0x2];
	[bflag:$0x3] =	sbarrier.arrive $0xFFFF;
	s2 =	simm.s32 @!p0 $0x1C03  }
0xcc: {  	[timem:s3], [sflag:s2] =	dma.local @!p0 [hbm:s0], s1  }
0xcd: {  	s0 =	simm.s32 @!p0 $0x3  }
0xce: {  	_ =	swait.ge @!p0 [sflag:s0], s1  }
0xcf: {  	s1 =	ssub.s32 @!p0 $0x0, s1;
	[sflag:s0] =	ssyncset.done @!p0 $0x0  }
0xd0: {  	[sflag:s0] =	ssyncadd.s32 @!p0 s1  }
0xd1: {  	[bflag:$0x3] =	sbarrier.arrive $0xFFFF  }
0xd2: {  	_ =	shalt  }

// kernel: kernel.19.cloned.1.call-start
scs
__scs_entry_jumppad:
0x0: {  	(pc) =	sbr.rel $0x88, $3  }
0x1: {  	(tag) =	ssettag $0x0;
	lr =	simm.s32 $0x1  }
0x2: {  	[smem:$0x3F97] =	sst lr;
	_ =	strace $0xD0000000  }
0x3: {  	_ = 	snop  }
0x4: {  	_ = 	snop  }
0x5: {  	_ = 	snop  }
0x6: {  	_ = 	snop  }
0x7: {  	_ = 	snop  }
__scs_overlays_trampoline_lowered:
0x8: {  	[smem:$0x3FA6] =	sst s0  }
0x9: {  	[smem:$0x3FA7] =	sst s1  }
0xa: {  	[smem:$0x3FA8] =	sst s2  }
0xb: {  	[smem:$0x3FA9] =	sst s3  }
0xc: {  	[smem:$0x3FAA] =	sst s4  }
0xd: {  	[smem:$0x3FAB] =	sst s5  }
0xe: {  	[smem:$0x3FAC] =	sst s6  }
0xf: {  	[smem:$0x3FAD] =	sst s7  }
0x10: {  	[smem:$0x3FAE] =	sst s8  }
0x11: {  	[smem:$0x3FAF] =	sst s9;
	s0 =	simm.s32 @!p0 $0x0  }
0x12: {  	s1 =	sld [smem:$0x3F95];
	s0 =	simm.s32 @p0 $0x1  }
0x13: {  	[smem:$0x3FB0] =	sst s0;
	s0 =	simm.s32 @!p1 $0x0  }
0x14: {  	s2 =	sld [smem:$0x3F94];
	s0 =	simm.s32 @p1 $0x1  }
0x15: {  	[smem:$0x3FB1] =	sst s0;
	s0 =	simm.s32 @!p2 $0x0  }
0x16: {  	s3 =	sld [smem:$0x3FDB];
	s0 =	simm.s32 @p2 $0x1  }
0x17: {  	s4 =	simm.s32 $0x1BF5;
	[smem:$0x3FB3] =	sst s0  }
0x18: {  	s0 =	sld [smem:$0x3F96];
	_ =	swait.ge [sflag:s4], $0x0  }
0x19: {  	s7 =	sld [smem:$0x3F97]  }
0x1a: {  	s8 =	sadd.s32 $0xFFFFE003, lr  }
0x1b: {  	s9 =	sadd.s32 $0xFFFFFEF7, lr;
	s5 =	simm.s32 $0xFFFFFFFF;
	p2 =	slt.u32 s8, $0xFFFFF086  }
0x1c: {  	p1 =	slt.u32 s9, $0xF7A;
	s5 =	simm.s32 @!p2 $0x0  }
0x1d: {  	s5 =	simm.s32 @p1 $0x1;
	p0 =	seq.s32 s7, s2  }
0x1e: {  	s7 =	smul.u32 @!p0 $0xF7A, s2;
	p2 =	seq.s32 @!p0 s5, $0x0  }
0x1f: {  	s9 =	smul.u32 $0xF7A, s1;
	s8 =	simm.s32 @!p0 $0x1BF5;
	p2 =	por !p2, p0  }
0x20: {  	[sflag:s8] =	ssyncset.s32 @!p0 $0xFFFFF086;
	s6 =	sadd.s32 @!p0 s3, s7;
	s7 =	simm.s32 @!p0 $0x108  }
0x21: {  	s3 =	sadd.s32 s3, s9;
	s6 =	sadd.s32 @!p0 $0x88, s6;
	s7 =	simm.s32 @p2 $0x1082  }
0x22: {  	[simem:s7], [sflag:s8] =	dma.local @!p0 [hbm:s6], $0xF7A  }
0x23: {  	s9 =	sor.u32 $0xD0000000, s2;
	s6 =	simm.s32 $0x108;
	_ =	swait.ge @!p0 [sflag:s8], $0x0  }
0x24: {  	s3 =	sadd.s32 $0x88, s3;
	s6 =	simm.s32 @!p1 $0x1082;
	[sflag:s4] =	ssyncset.s32 $0xFFFFF086  }
0x25: {  	[simem:s6], [sflag:s4] =	dma.local [hbm:s3], $0xF7A  }
0x26: {  	[smem:$0x3F97] =	sst s1;
	(tag) =	ssettag s2;
	_ =	strace s9  }
0x27: {  	s1 =	sld [smem:$0x3FA7]  }
0x28: {  	s2 =	sld [smem:$0x3FA8]  }
0x29: {  	s4 =	sld [smem:$0x3FAA]  }
0x2a: {  	p0 =	seq.s32 s5, $0x0;
	s5 =	sld [smem:$0x3FAB]  }
0x2b: {  	s6 =	sld [smem:$0x3FAC]  }
0x2c: {  	s7 =	sld [smem:$0x3FAD]  }
0x2d: {  	s3 =	simm.s32 $0x108;
	s8 =	sld [smem:$0x3FAE]  }
0x2e: {  	s3 =	simm.s32 @!p0 $0x1082;
	s9 =	sld [smem:$0x3FAF]  }
0x2f: {  	lr =	sadd.s32 s0, s3;
	s0 =	sld [smem:$0x3FA6]  }
0x30: {  	s3 =	sld [smem:$0x3FA9]  }
0x31: {  	[smem:$0x3FB2] =	sst s10  }
0x32: {  	s10 =	sld [smem:$0x3FB0];
	_ =	sdelay $0x3  }
0x33: {  	p0 =	seq.s32 s10, $0x1;
	s10 =	sld [smem:$0x3FB2];
	_ =	sdelay $0x3  }
0x34: {  	[smem:$0x3FB2] =	sst s10  }
0x35: {  	s10 =	sld [smem:$0x3FB1];
	_ =	sdelay $0x3  }
0x36: {  	p1 =	seq.s32 s10, $0x1;
	s10 =	sld [smem:$0x3FB2];
	_ =	sdelay $0x3  }
0x37: {  	[smem:$0x3FB2] =	sst s10  }
0x38: {  	s10 =	sld [smem:$0x3FB3]  }
0x39: {  	_ = 	snop;
	(pc) =	sbr.ind lr, $3  }
0x3a: {  	_ = 	snop  }
0x3b: {  	_ = 	snop  }
0x3c: {  	p2 =	seq.s32 s10, $0x1;
	s10 =	sld [smem:$0x3FB2]  }
0x3d: {  	_ =	shalt  }
0x3e: {  	_ =	shalt  }
0x3f: {  	_ =	shalt  }
0x40: {  	_ =	shalt  }
0x41: {  	_ =	shalt  }
0x42: {  	_ =	shalt  }
0x43: {  	_ =	shalt  }
0x44: {  	_ =	shalt  }
0x45: {  	_ =	shalt  }
0x46: {  	_ =	shalt  }
0x47: {  	_ =	shalt  }
0x48: {  	_ =	shalt  }
0x49: {  	_ =	shalt  }
0x4a: {  	_ =	shalt  }
0x4b: {  	_ =	shalt  }
0x4c: {  	_ =	shalt  }
0x4d: {  	_ =	shalt  }
0x4e: {  	_ =	shalt  }
0x4f: {  	_ =	shalt  }
0x50: {  	_ =	shalt  }
0x51: {  	_ =	shalt  }
0x52: {  	_ =	shalt  }
0x53: {  	_ =	shalt  }
0x54: {  	_ =	shalt  }
0x55: {  	_ =	shalt  }
0x56: {  	_ =	shalt  }
0x57: {  	_ =	shalt  }
0x58: {  	_ =	shalt  }
0x59: {  	_ =	shalt  }
0x5a: {  	_ =	shalt  }
0x5b: {  	_ =	shalt  }
0x5c: {  	_ =	shalt  }
0x5d: {  	_ =	shalt  }
0x5e: {  	_ =	shalt  }
0x5f: {  	_ =	shalt  }
0x60: {  	_ =	shalt  }
0x61: {  	_ =	shalt  }
0x62: {  	_ =	shalt  }
0x63: {  	_ =	shalt  }
0x64: {  	_ =	shalt  }
0x65: {  	_ =	shalt  }
0x66: {  	_ =	shalt  }
0x67: {  	_ =	shalt  }
0x68: {  	_ =	shalt  }
0x69: {  	_ =	shalt  }
0x6a: {  	_ =	shalt  }
0x6b: {  	_ =	shalt  }
0x6c: {  	_ =	shalt  }
0x6d: {  	_ =	shalt  }
0x6e: {  	_ =	shalt  }
0x6f: {  	_ =	shalt  }
0x70: {  	_ =	shalt  }
0x71: {  	_ =	shalt  }
0x72: {  	_ =	shalt  }
0x73: {  	_ =	shalt  }
0x74: {  	_ =	shalt  }
0x75: {  	_ =	shalt  }
0x76: {  	_ =	shalt  }
0x77: {  	_ =	shalt  }
0x78: {  	_ =	shalt  }
0x79: {  	_ =	shalt  }
0x7a: {  	_ =	shalt  }
0x7b: {  	_ =	shalt  }
0x7c: {  	_ =	shalt  }
0x7d: {  	_ =	shalt  }
0x7e: {  	_ =	shalt  }
0x7f: {  	_ =	shalt  }
0x80: {  	_ =	shalt  }
0x81: {  	_ =	shalt  }
0x82: {  	_ =	shalt  }
0x83: {  	_ =	shalt  }
0x84: {  	_ =	shalt  }
0x85: {  	_ =	shalt  }
0x86: {  	_ =	shalt  }
0x87: {  	_ =	shalt  }
.Lfunc_end0:
.L_simem_size_0:
called_computation.3_lowered:
.L_overlay_start_0:
0x88: {  	s2 =	sld [smem:$0x3FD9]  }
0x89: {  	s3 =	sld [smem:$0x3FFE];
	_ =	sdelay $0x1  }
0x8a: {  	s1 =	srdreg.scid  }
0x8b: {  	s0 =	sand.u32 $0x1, s1  }
0x8c: {  	s17 =	sshll.u32 s0, $0xA;
	s2 =	sadd.s32 s3, s2  }
0x8d: {  	s2 =	sadd.s32 s2, s17  }
0x8e: {  	[smem:$0x3FBE] =	sst s2  }
0x8f: {  	_ = 	snop  }
0x90: {  	s2 =	sld [smem:$0x3FD0];
	(tm) =	ssettm $0x1  }
0x91: {  	s18 =	sld [smem:$0x3FFB];
	_ =	sdelay $0x3  }
0x92: {  	_ =	strace s18  }
0x93: {  	s3 =	sld [smem:$0x3FFC];
	_ =	sdelay $0x3  }
0x94: {  	_ =	strace s3  }
0x95: {  	s3 =	sld [smem:$0x3FFD];
	_ =	sdelay $0x3  }
0x96: {  	_ =	strace s3  }
0x97: {  	_ =	strace $0x8FFFFFFF  }
0x98: {  	s19 =	sld [smem:$0x3FDB];
	_ =	sdelay $0x1  }
0x99: {  	s4 =	simm.s32 $_scs_section_size  }
0x9a: {  	s5 =	simm.s32 $_size__tile_overlayer_lowered;
	s6 =	simm.s32 $_tile_overlayer_lowered  }
0x9b: {  	s22 =	simm.s32 $0x1BFF;
	s21 =	sshll.u32 s6, $0x1;
	s3 =	sadd.s32 s4, s19  }
0x9c: {  	s7 =	simm.s32 $0x0;
	s20 =	sshll.u32 s5, $0x1;
	s5 =	sadd.s32 s21, s3  }
0x9d: {  	[timem:s7], [sflag:s22] =	dma.local [hbm:s5], s20  }
0x9e: {  	_ =	swait.ge [sflag:s22], s20  }
0x9f: {  	s4 =	ssub.s32 $0x0, s20;
	[sflag:s22] =	ssyncset.done $0x0  }
0xa0: {  	[sflag:s22] =	ssyncadd.s32 s4;
	_ =	sdelay $0x1  }
0xa1: {  	s23 =	simm.s32 $0x1B8B  }
0xa2: {  	_ =	swait.ge [sflag:s23], $0x1  }
0xa3: {  	[sflag:s23] =	ssyncset.done $0x0  }
0xa4: {  	s25 =	simm.s32 $0x1B8E;
	s24 =	sld [smem:$0x3FFE];
	[sflag:s23] =	ssyncadd.s32 $0xFFFFFFFF  }
0xa5: {  	s26 =	simm.s32 $execute0_lowered;
	[smem:$0x3FD2] =	sst s25  }
0xa6: {  	s5 =	sshll.u32 s26, $0x1;
	_ =	strace $0x8000004F;
	[dreg:$0x1] =	wrdreg $0xFFFFFFFF  }
0xa7: {  	s28 =	simm.s32 $_size_execute0_lowered;
	s3 =	sadd.s32 s3, s5;
	[dreg:$0x0] =	wrdreg $0x0  }
0xa8: {  	s5 =	sshll.u32 s28, $0x1;
	[dreg:$0x2] =	wrdreg s3  }
0xa9: {  	[dreg:$0x3] =	wrdreg s5  }
0xaa: {  	[dreg:$0x4] =	wrdreg $0xC0  }
0xab: {  	_ =	task [dreg:s7], $0x5FFFF  }
0xac: {  	[dreg:$0x1] =	wrdreg $0xFFFFFFFF  }
0xad: {  	[dreg:$0x0] =	wrdreg $0x60  }
0xae: {  	[dreg:$0x2] =	wrdreg s24  }
0xaf: {  	[dreg:$0x3] =	wrdreg s2  }
0xb0: {  	[dreg:$0x4] =	wrdreg $0x37000  }
0xb1: {  	[dreg:$0x5] =	wrdreg $0x9  }
0xb2: {  	_ =	task.clear_ibuf [dreg:s7], $0x6FFFF;
	_ =	strace $0x9000004F  }
0xb3: {  	s29 =	simm.s32 $0x9;
	_ =	strace $0x80000051  }
0xb4: {  	_ =	swait.ge [sflag:s29], $0x1  }
0xb5: {  	[sflag:s29] =	ssyncadd.s32 $0xFFFFFFFF  }
0xb6: {  	_ =	strace $0x90000051  }
0xb7: {  	_ =	sfence  }
0xb8: {  	s30 =	sld [smem:$0x0];
	_ =	sdelay $0x2  }
0xb9: {  	s31 =	sshll.u32 s1, $0xD;
	s1 =	sshrl.u32 s1, $0x2  }
0xba: {  	s3 =	sand.u32 $0x4000, s31;
	s1 =	sadd.s32 s1, s30  }
0xbb: {  	s0 =	sor.u32 s3, s0;
	s1 =	sshll.u32 s1, $0x11  }
0xbc: {  	s0 =	sor.u32 s1, s0  }
0xbd: {  	s0 =	sadd.s32 $0x8F2B, s0  }
0xbe: {  	[sflag:s0] =	ssyncadd.remote.s32 $0x1  }
0xbf: {  	_ =	sfence.sel $0xFFFF  }
0xc0: {  	[dreg:$0x0] =	wrdreg $0xFFFFFFFF;
	(pc) =	sbr.abs _section_cstart, $3  }
0xc1: {  	[dreg:$0x1] =	wrdreg $0xFFFFFFFF  }
0xc2: {  	_ =	task.clear_ibuf [dreg:s7], $0x2FFFF;
	_ =	strace $0x9FFFFFFF  }
0xc3: {  	(tm) =	ssettm $0x7FFFFFFF  }
tec
execute0_lowered:
.L_overlay_start_1:
0x0: {  	(tag) =	ssettag $0x1  }
0x1: {  	s0 =	rddreg [dreg:$0x0]  }
0x2: {  	s9 =	rddreg [dreg:$0x1]  }
0x3: {  	s2 =	rddreg [dreg:$0x2];
	s3 =	simm.s32 $0x0;
	s1 =	srdreg.scid  }
0x4: {  	s10 =	stileid.u32;
	s28 =	simm.s32 $0x1300;
	s29 =	simm.s32 $0x2600  }
0x5: {  	s30 =	simm.s32 $0x2680;
	s31 =	simm.s32 $0x0;
	[smem:$0x7FF] =	sst s3  }
0x6: {  	s5 =	sadd.s32 $0x15A00, s0;
	s4 =	sadd.s32 $0xBC00, s0;
	s1 =	sand.u32 $0x1, s1  }
0x7: {  	s6 =	sadd.s32 $0x1E00, s0;
	s14 =	smul.u32 $0x2700, s10;
	s0 =	sadd.s32 $0x1AA00, s0  }
0x8: {  	s20 =	sshll.u32 s10, $0x6;
	s22 =	sadd.s32 $0x27000, s2;
	s23 =	sadd.s32 $0x4E0, s9  }
0x9: {  	s15 =	sshll.u32 s10, $0x4;
	p0 =	sne.s32 s10, $0xF;
	_ =	strace $0x80000050  }
0xa: {  	s7 =	sshll.u32 s1, $0x4;
	s8 =	ssub.s32 $0x2, s1;
	[dreg:$0x5] =	wrdreg s22  }
0xb: {  	[dreg:$0x6] =	wrdreg s23;
	s1 =	smul.u32 $0x27100, s1;
	s15 =	sor.u32 $0x9C00, s15  }
0xc: {  	s22 =	simm.s32 $0x2700;
	s23 =	simm.s32 $0x2F00;
	s25 =	sor.u32 s10, s7  }
0xd: {  	s19 =	sshrl.u32 s8, $0x1;
	s21 =	sadd.s32 s14, s2;
	s7 =	sor.u32 $0x1C03, s20  }
0xe: {  	s20 =	simm.s32 $0x1380;
	s11 =	smul.u32 $0x4E0, s25;
	s18 =	ssub.s32 s8, s19  }
0xf: {  	s12 =	smul.u32 $0x2700, s25;
	[dreg:$0x4] =	wrdreg s21;
	s16 =	sadd.s32 s14, s1  }
0x10: {  	s1 =	sshrl.u32 s1, $0x3;
	s14 =	sadd.s32 s4, s15;
	s15 =	sadd.s32 s6, s15  }
0x11: {  	s19 =	simm.s32 $0x3;
	s21 =	simm.s32 $0x80;
	p1 =	sgt.u32 s25, $0x3  }
0x12: {  	s25 =	simm.s32 $0x2;
	s26 =	sshrl.u32 s16, $0x3;
	s1 =	sadd.s32 s0, s1  }
0x13: {  	s18 =	smax.u32 s18, $0x1;
	s24 =	sadd.s32 s4, s11;
	s12 =	sshrl.u32 s12, $0x3  }
0x14: {  	s11 =	sadd.s32 s6, s11;
	s16 =	sadd.s32 s0, s26;
	s17 =	sadd.s32 $0x4E00, s1  }
0x15: {  	s26 =	simm.s32 $0x2580;
	[dreg:$0x7] =	wrdreg s24;
	s13 =	sadd.s32 $0x270, s12  }
0x16: {  	s24 =	simm.s32 $0x1;
	s12 =	sadd.s32 s4, s13;
	s13 =	sadd.s32 s6, s13  }
.LBB2_1:
0x17: {  	s0 =	rddreg [dreg:$0x4]  }
0x18: {  	s1 =	rddreg [dreg:$0x1];
	s0 =	sshrl.u32 s0, $0x3  }
0x19: {  	[spmem:s0], [sflag:s7] =	dma.local [hbm:s1], $0x4E0  }
0x1a: {  	_ =	swait.ge [sflag:s19], $0x4E0  }
0x1b: {  	[sflag:s19] =	ssyncset.done $0x0;
	s1 =	rddreg [dreg:$0x5]  }
0x1c: {  	[sflag:s19] =	ssyncadd.s32 $0xFFFFFB20;
	s4 =	sshrl.u32 @!p0 s1, $0x3;
	s1 =	rddreg [dreg:$0x6]  }
0x1d: {  	[spmem:s4], [sflag:s7] =	dma.local @!p0 [hbm:s1], $0x20  }
0x1e: {  	s1 =	simm.s32 @!p0 $0x3  }
0x1f: {  	_ =	swait.ge @!p0 [sflag:s1], $0x20  }
0x20: {  	[sflag:s1] =	ssyncset.done @!p0 $0x0  }
0x21: {  	s6 =	rddreg [dreg:$0x7];
	[sflag:s1] =	ssyncadd.s32 @!p0 $0xFFFFFFE0  }
0x22: {  	[tilespmem:s3], [sflag:$0x3] =	stream.linear.gather [hbm4b:s6+s3], $0x1380, $0x38;
	[tilespmem:$0x5E10] =	vst v63  }
0x23: {  	_ =	swait.ge [sflag:s19], $0x1380  }
0x24: {  	[sflag:s19] =	ssyncset.done $0x0  }
0x25: {  	[sflag:s19] =	ssyncadd.s32 $0xFFFFEC80  }
0x26: {  	[tilespmem:s20], [sflag:$0x3] =	stream.linear.gather [hbm4b:s11+s3], $0x1380, $0x38;
	[tilespmem:$0x5E10] =	vst v63  }
0x27: {  	_ =	swait.ge [sflag:s19], $0x1380  }
0x28: {  	[sflag:s19] =	ssyncset.done $0x0  }
0x29: {  	[sflag:s19] =	ssyncadd.s32 $0xFFFFEC80  }
0x2a: {  	[tilespmem:s22], [sflag:$0x1] =	stream.indirect.gather [hbm4b:s5+s21], $0x10, s3, s21, $0xb8;
	[tilespmem:$0x5E10] =	vst v63  }
0x2b: {  	_ = 	snop  }
0x2c: {  	[tilespmem:s23], [sflag:$0x2] =	stream.indirect.gather [hbm4b:s5+s21], $0x10, s21, s21, $0xb8;
	[tilespmem:$0x5E10] =	vst v63  }
0x2d: {  	[bflag:$0x0] =	sbarrier.arrive $0xFFFF  }
0x2e: {  	_ =	swait.ge [sflag:s24], $0x800  }
0x2f: {  	[sflag:s24] =	ssyncset.done $0x0  }
0x30: {  	s8 =	simm.s32 $0x1380;
	[sflag:s24] =	ssyncadd.s32 $0xFFFFF800  }
0x31: {  	[spmem:s2] =	stream.indirect.scatter.add.f32 [tilespmem:s22], [sflag:$0x3], $0x10, s8, s21, $0xb8;
	[tilespmem:$0x5E10] =	vst v63  }
0x32: {  	_ =	swait.ge [sflag:s19], $0x800  }
0x33: {  	[sflag:s19] =	ssyncset.done $0x0  }
0x34: {  	s9 =	simm.s32 $0x100;
	[sflag:s19] =	ssyncadd.s32 $0xFFFFF800  }
0x35: {  	[tilespmem:s22], [sflag:$0x1] =	stream.indirect.gather [hbm4b:s5+s21], $0x10, s9, s21, $0xb8;
	[tilespmem:$0x5E10] =	vst v63  }
0x36: {  	_ =	swait.ge [sflag:s25], $0x800  }
0x37: {  	[sflag:s25] =	ssyncset.done $0x0  }
0x38: {  	s10 =	simm.s32 $0x1400;
	[sflag:s25] =	ssyncadd.s32 $0xFFFFF800  }
0x39: {  	[spmem:s2] =	stream.indirect.scatter.add.f32 [tilespmem:s23], [sflag:$0x3], $0x10, s10, s21, $0xb8;
	[tilespmem:$0x5E10] =	vst v63  }
0x3a: {  	_ =	swait.ge [sflag:s19], $0x800  }
0x3b: {  	[sflag:s19] =	ssyncset.done $0x0  }
0x3c: {  	s1 =	simm.s32 $0x400;
	s6 =	simm.s32 $0x180;
	[sflag:s19] =	ssyncadd.s32 $0xFFFFF800  }
.LBB2_2:
0x3d: {  	[tilespmem:s23], [sflag:$0x2] =	stream.indirect.gather [hbm4b:s5+s21], $0x10, s6, s21, $0xb8;
	[tilespmem:$0x5E10] =	vst v63  }
0x3e: {  	s6 =	smov.u32 s1  }
0x3f: {  	p2 =	sne.s32 s1, $0x4400;
	s1 =	sadd.s32 $0x400, s1;
	_ =	swait.ge [sflag:s24], $0x800  }
0x40: {  	s6 =	sshra.s32 s6, $0x2;
	[sflag:s24] =	ssyncset.done $0x0  }
0x41: {  	s8 =	sadd.s32 $0x1380, s6;
	[sflag:s24] =	ssyncadd.s32 $0xFFFFF800  }
0x42: {  	[spmem:s2] =	stream.indirect.scatter.add.f32 [tilespmem:s22], [sflag:$0x3], $0x10, s8, s21, $0xb8;
	[tilespmem:$0x5E10] =	vst v63  }
0x43: {  	_ =	swait.ge [sflag:s19], $0x800  }
0x44: {  	[sflag:s19] =	ssyncset.done $0x0  }
0x45: {  	s8 =	sadd.s32 $0x100, s6;
	[sflag:s19] =	ssyncadd.s32 $0xFFFFF800  }
0x46: {  	[tilespmem:s22], [sflag:$0x1] =	stream.indirect.gather [hbm4b:s5+s21], $0x10, s8, s21, $0xb8;
	[tilespmem:$0x5E10] =	vst v63  }
0x47: {  	_ =	swait.ge [sflag:s25], $0x800  }
0x48: {  	[sflag:s25] =	ssyncset.done $0x0  }
.Ltmp0:
0x49: {  	s8 =	sadd.s32 $0x1400, s6;
	[sflag:s25] =	ssyncadd.s32 $0xFFFFF800;
	(pc) =	sbr.rel @p2 .LBB2_2-.Ltmp0, $4  }
0x4a: {  	[spmem:s2] =	stream.indirect.scatter.add.f32 [tilespmem:s23], [sflag:$0x3], $0x10, s8, s21, $0xb8;
	[tilespmem:$0x5E10] =	vst v63  }
0x4b: {  	_ =	swait.ge [sflag:s19], $0x800  }
0x4c: {  	[sflag:s19] =	ssyncset.done $0x0  }
0x4d: {  	s6 =	sadd.s32 $0x180, s6;
	[sflag:s19] =	ssyncadd.s32 $0xFFFFF800  }
0x4e: {  	[tilespmem:s23], [sflag:$0x2] =	stream.indirect.gather [hbm4b:s5+s21], $0x10, s6, s21, $0xb8;
	[tilespmem:$0x5E10] =	vst v63  }
0x4f: {  	_ =	swait.ge [sflag:s24], $0x800  }
0x50: {  	[sflag:s24] =	ssyncset.done $0x0  }
0x51: {  	[sflag:s24] =	ssyncadd.s32 $0xFFFFF800  }
0x52: {  	[spmem:s2] =	stream.indirect.scatter.add.f32 [tilespmem:s22], [sflag:$0x3], $0x10, s26, s21, $0xb8;
	[tilespmem:$0x5E10] =	vst v63  }
0x53: {  	_ =	swait.ge [sflag:s19], $0x800  }
0x54: {  	[sflag:s19] =	ssyncset.done $0x0  }
0x55: {  	[sflag:s19] =	ssyncadd.s32 $0xFFFFF800  }
0x56: {  	[tilespmem:s22], [sflag:$0x1] =	stream.indirect.gather [hbm4b:s5+s21], $0x10, s28, s21, $0xb8;
	[tilespmem:$0x5E10] =	vst v63  }
0x57: {  	_ =	swait.ge [sflag:s25], $0x800  }
0x58: {  	[sflag:s25] =	ssyncset.done $0x0  }
0x59: {  	[sflag:s25] =	ssyncadd.s32 $0xFFFFF800  }
0x5a: {  	[spmem:s2] =	stream.indirect.scatter.add.f32 [tilespmem:s23], [sflag:$0x3], $0x10, s29, s21, $0xb8;
	[tilespmem:$0x5E10] =	vst v63  }
0x5b: {  	_ =	swait.ge [sflag:s19], $0x800  }
0x5c: {  	[sflag:s19] =	ssyncset.done $0x0  }
0x5d: {  	[sflag:s19] =	ssyncadd.s32 $0xFFFFF800  }
0x5e: {  	_ =	swait.ge [sflag:s24], $0x800  }
0x5f: {  	[sflag:s24] =	ssyncset.done $0x0  }
0x60: {  	[sflag:s24] =	ssyncadd.s32 $0xFFFFF800  }
0x61: {  	[spmem:s2] =	stream.indirect.scatter.add.f32 [tilespmem:s22], [sflag:$0x3], $0x10, s30, s21, $0xb8;
	[tilespmem:$0x5E10] =	vst v63  }
0x62: {  	_ =	swait.ge [sflag:s19], $0x800  }
0x63: {  	[sflag:s19] =	ssyncset.done $0x0  }
0x64: {  	s1 =	simm.s32 $0x0;
	[sflag:s19] =	ssyncadd.s32 $0xFFFFF800  }
0x65: {  	[tilespmem:s1], [sflag:$0x3] =	stream.linear.gather [hbm4b:s12+s1], $0x1380, $0x38;
	[tilespmem:$0x5E10] =	vst v63  }
0x66: {  	_ =	swait.ge [sflag:s19], $0x1380  }
0x67: {  	[sflag:s19] =	ssyncset.done $0x0  }
0x68: {  	[sflag:s19] =	ssyncadd.s32 $0xFFFFEC80  }
0x69: {  	[tilespmem:s20], [sflag:$0x3] =	stream.linear.gather [hbm4b:s13+s1], $0x1380, $0x38;
	[tilespmem:$0x5E10] =	vst v63  }
0x6a: {  	_ =	swait.ge [sflag:s19], $0x1380  }
0x6b: {  	[sflag:s19] =	ssyncset.done $0x0  }
0x6c: {  	[sflag:s19] =	ssyncadd.s32 $0xFFFFEC80  }
0x6d: {  	[tilespmem:s22], [sflag:$0x1] =	stream.indirect.gather [hbm4b:s5+s21], $0x10, s1, s21, $0xb8;
	[tilespmem:$0x5E10] =	vst v63  }
0x6e: {  	_ = 	snop  }
0x6f: {  	[tilespmem:s23], [sflag:$0x2] =	stream.indirect.gather [hbm4b:s5+s21], $0x10, s21, s21, $0xb8;
	[tilespmem:$0x5E10] =	vst v63  }
0x70: {  	_ =	swait.ge [sflag:s24], $0x800  }
0x71: {  	[sflag:s24] =	ssyncset.done $0x0  }
0x72: {  	s8 =	simm.s32 $0x1380;
	[sflag:s24] =	ssyncadd.s32 $0xFFFFF800  }
0x73: {  	[spmem:s2] =	stream.indirect.scatter.add.f32 [tilespmem:s22], [sflag:$0x3], $0x10, s8, s21, $0xb8;
	[tilespmem:$0x5E10] =	vst v63  }
0x74: {  	_ =	swait.ge [sflag:s19], $0x800  }
0x75: {  	[sflag:s19] =	ssyncset.done $0x0  }
0x76: {  	s9 =	simm.s32 $0x100;
	[sflag:s19] =	ssyncadd.s32 $0xFFFFF800  }
0x77: {  	[tilespmem:s22], [sflag:$0x1] =	stream.indirect.gather [hbm4b:s5+s21], $0x10, s9, s21, $0xb8;
	[tilespmem:$0x5E10] =	vst v63  }
0x78: {  	_ =	swait.ge [sflag:s25], $0x800  }
0x79: {  	[sflag:s25] =	ssyncset.done $0x0  }
0x7a: {  	s10 =	simm.s32 $0x1400;
	[sflag:s25] =	ssyncadd.s32 $0xFFFFF800  }
0x7b: {  	[spmem:s2] =	stream.indirect.scatter.add.f32 [tilespmem:s23], [sflag:$0x3], $0x10, s10, s21, $0xb8;
	[tilespmem:$0x5E10] =	vst v63  }
0x7c: {  	_ =	swait.ge [sflag:s19], $0x800  }
0x7d: {  	[sflag:s19] =	ssyncset.done $0x0  }
0x7e: {  	s6 =	simm.s32 $0x180;
	s1 =	simm.s32 $0x400;
	[sflag:s19] =	ssyncadd.s32 $0xFFFFF800  }
.LBB2_4:
0x7f: {  	[tilespmem:s23], [sflag:$0x2] =	stream.indirect.gather [hbm4b:s5+s21], $0x10, s6, s21, $0xb8;
	[tilespmem:$0x5E10] =	vst v63  }
0x80: {  	s6 =	smov.u32 s1  }
0x81: {  	p2 =	sne.s32 s1, $0x4400;
	s1 =	sadd.s32 $0x400, s1;
	_ =	swait.ge [sflag:s24], $0x800  }
0x82: {  	s6 =	sshra.s32 s6, $0x2;
	[sflag:s24] =	ssyncset.done $0x0  }
0x83: {  	s8 =	sadd.s32 $0x1380, s6;
	[sflag:s24] =	ssyncadd.s32 $0xFFFFF800  }
0x84: {  	[spmem:s2] =	stream.indirect.scatter.add.f32 [tilespmem:s22], [sflag:$0x3], $0x10, s8, s21, $0xb8;
	[tilespmem:$0x5E10] =	vst v63  }
0x85: {  	_ =	swait.ge [sflag:s19], $0x800  }
0x86: {  	[sflag:s19] =	ssyncset.done $0x0  }
0x87: {  	s8 =	sadd.s32 $0x100, s6;
	[sflag:s19] =	ssyncadd.s32 $0xFFFFF800  }
0x88: {  	[tilespmem:s22], [sflag:$0x1] =	stream.indirect.gather [hbm4b:s5+s21], $0x10, s8, s21, $0xb8;
	[tilespmem:$0x5E10] =	vst v63  }
0x89: {  	_ =	swait.ge [sflag:s25], $0x800  }
0x8a: {  	[sflag:s25] =	ssyncset.done $0x0  }
.Ltmp1:
0x8b: {  	s8 =	sadd.s32 $0x1400, s6;
	[sflag:s25] =	ssyncadd.s32 $0xFFFFF800;
	(pc) =	sbr.rel @p2 .LBB2_4-.Ltmp1, $4  }
0x8c: {  	[spmem:s2] =	stream.indirect.scatter.add.f32 [tilespmem:s23], [sflag:$0x3], $0x10, s8, s21, $0xb8;
	[tilespmem:$0x5E10] =	vst v63  }
0x8d: {  	_ =	swait.ge [sflag:s19], $0x800  }
0x8e: {  	[sflag:s19] =	ssyncset.done $0x0  }
0x8f: {  	s6 =	sadd.s32 $0x180, s6;
	[sflag:s19] =	ssyncadd.s32 $0xFFFFF800  }
0x90: {  	[tilespmem:s23], [sflag:$0x2] =	stream.indirect.gather [hbm4b:s5+s21], $0x10, s6, s21, $0xb8;
	[tilespmem:$0x5E10] =	vst v63  }
0x91: {  	_ =	swait.ge [sflag:s24], $0x800  }
0x92: {  	[sflag:s24] =	ssyncset.done $0x0  }
0x93: {  	[sflag:s24] =	ssyncadd.s32 $0xFFFFF800  }
0x94: {  	[spmem:s2] =	stream.indirect.scatter.add.f32 [tilespmem:s22], [sflag:$0x3], $0x10, s26, s21, $0xb8;
	[tilespmem:$0x5E10] =	vst v63  }
0x95: {  	_ =	swait.ge [sflag:s19], $0x800  }
0x96: {  	[sflag:s19] =	ssyncset.done $0x0  }
0x97: {  	[sflag:s19] =	ssyncadd.s32 $0xFFFFF800  }
0x98: {  	[tilespmem:s22], [sflag:$0x1] =	stream.indirect.gather [hbm4b:s5+s21], $0x10, s28, s21, $0xb8;
	[tilespmem:$0x5E10] =	vst v63  }
0x99: {  	_ =	swait.ge [sflag:s25], $0x800  }
0x9a: {  	[sflag:s25] =	ssyncset.done $0x0  }
0x9b: {  	[sflag:s25] =	ssyncadd.s32 $0xFFFFF800  }
0x9c: {  	[spmem:s2] =	stream.indirect.scatter.add.f32 [tilespmem:s23], [sflag:$0x3], $0x10, s29, s21, $0xb8;
	[tilespmem:$0x5E10] =	vst v63  }
0x9d: {  	_ =	swait.ge [sflag:s19], $0x800  }
0x9e: {  	[sflag:s19] =	ssyncset.done $0x0  }
0x9f: {  	[sflag:s19] =	ssyncadd.s32 $0xFFFFF800  }
0xa0: {  	_ =	swait.ge [sflag:s24], $0x800  }
0xa1: {  	[sflag:s24] =	ssyncset.done $0x0  }
0xa2: {  	[sflag:s24] =	ssyncadd.s32 $0xFFFFF800  }
0xa3: {  	[spmem:s2] =	stream.indirect.scatter.add.f32 [tilespmem:s22], [sflag:$0x3], $0x10, s30, s21, $0xb8;
	[tilespmem:$0x5E10] =	vst v63  }
0xa4: {  	_ =	swait.ge [sflag:s19], $0x800  }
0xa5: {  	[sflag:s19] =	ssyncset.done $0x0  }
0xa6: {  	s1 =	simm.s32 @!p1 $0x0;
	s6 =	simm.s32 @!p1 $0x3;
	[sflag:s19] =	ssyncadd.s32 $0xFFFFF800  }
0xa7: {  	[tilespmem:s1], [sflag:$0x3] =	stream.linear.gather @!p1 [hbm4b:s14+s1], $0x80, $0x38;
	[tilespmem:$0x5E10] =	vst v63  }
0xa8: {  	_ =	swait.ge @!p1 [sflag:s6], $0x80  }
0xa9: {  	[sflag:s6] =	ssyncset.done @!p1 $0x0  }
0xaa: {  	s8 =	simm.s32 @!p1 $0x1380;
	[sflag:s6] =	ssyncadd.s32 @!p1 $0xFFFFFF80  }
0xab: {  	[tilespmem:s8], [sflag:$0x3] =	stream.linear.gather @!p1 [hbm4b:s15+s1], $0x80, $0x38;
	[tilespmem:$0x5E10] =	vst v63  }
0xac: {  	_ =	swait.ge @!p1 [sflag:s6], $0x80  }
0xad: {  	[sflag:s6] =	ssyncset.done @!p1 $0x0  }
0xae: {  	s9 =	simm.s32 @!p1 $0x80;
	s10 =	simm.s32 @!p1 $0x2700;
	[sflag:s6] =	ssyncadd.s32 @!p1 $0xFFFFFF80  }
0xaf: {  	[tilespmem:s10], [sflag:$0x1] =	stream.indirect.gather @!p1 [hbm4b:s5+s9], $0x10, s1, s9, $0xb8;
	[tilespmem:$0x5E10] =	vst v63  }
0xb0: {  	s1 =	simm.s32 @!p1 $0x1  }
0xb1: {  	_ =	swait.ge @!p1 [sflag:s1], $0x800  }
0xb2: {  	[sflag:s1] =	ssyncset.done @!p1 $0x0  }
0xb3: {  	[sflag:s1] =	ssyncadd.s32 @!p1 $0xFFFFF800  }
0xb4: {  	[spmem:s2] =	stream.indirect.scatter.add.f32 @!p1 [tilespmem:s10], [sflag:$0x3], $0x10, s8, s9, $0xb8;
	[tilespmem:$0x5E10] =	vst v63  }
0xb5: {  	_ =	swait.ge @!p1 [sflag:s6], $0x800  }
0xb6: {  	[sflag:s6] =	ssyncset.done @!p1 $0x0  }
0xb7: {  	[sflag:s6] =	ssyncadd.s32 @!p1 $0xFFFFF800  }
0xb8: {  	[bflag:$0x0] =	sbarrier.arrive $0xFFFF  }
0xb9: {  	[hbm:s16], [sflag:s7] =	dma.local [spmem:s0], $0x4E0  }
0xba: {  	s31 =	sadd.s32 $0x1, s31;
	_ =	swait.ge [sflag:s19], $0x4E0  }
0xbb: {  	p2 =	sne.s32 s31, s18;
	[sflag:s19] =	ssyncset.done $0x0  }
.Ltmp2:
0xbc: {  	s0 =	simm.s32 @!p0 $0x3;
	[sflag:s19] =	ssyncadd.s32 $0xFFFFFB20;
	(pc) =	sbr.rel @p2 .LBB2_1-.Ltmp2, $4  }
0xbd: {  	[hbm:s17], [sflag:s7] =	dma.local @!p0 [spmem:s4], $0x20  }
0xbe: {  	_ =	swait.ge @!p0 [sflag:s0], $0x20  }
0xbf: {  	[sflag:s0] =	ssyncset.done @!p0 $0x0  }
0xc0: {  	[sflag:s0] =	ssyncadd.s32 @!p0 $0xFFFFFFE0  }
0xc1: {  	_ =	sfence.sel $0x180000  }
0xc2: {  	[bflag:$0x0] =	sbarrier.arrive $0xFFFF  }
0xc3: {  	_ =	strace $0x90000050  }
0xc4: {  	s0 =	stileid.u32;
	[bflag:$0x2] =	sbarrier.arrive $0xFFFF  }
0xc5: {  	p0 =	sne.s32 s0, $0x0;
	s0 =	rddreg [dreg:$0x3]  }
0xc6: {  	s0 =	sadd.s32 @!p0 $0x100000, s0  }
0xc7: {  	[sflag:s0] =	ssyncadd.tile.s32 @!p0 $0x1;
	_ =	shalt  }
.Lfunc_end2:
_tile_overlayer_lowered:
.L_overlay_start_2:
0xc8: {  	(tag) =	ssettag $0x2  }
0xc9: {  	s0 =	rddreg [dreg:$0x0];
	s2 =	stileid.u32  }
0xca: {  	s1 =	rddreg [dreg:$0x1];
	p0 =	sne.s32 s2, $0x0  }
0xcb: {  	s3 =	rddreg [dreg:$0x2];
	[bflag:$0x3] =	sbarrier.arrive $0xFFFF;
	s2 =	simm.s32 @!p0 $0x1C03  }
0xcc: {  	[timem:s3], [sflag:s2] =	dma.local @!p0 [hbm:s0], s1  }
0xcd: {  	s0 =	simm.s32 @!p0 $0x3  }
0xce: {  	_ =	swait.ge @!p0 [sflag:s0], s1  }
0xcf: {  	s1 =	ssub.s32 @!p0 $0x0, s1;
	[sflag:s0] =	ssyncset.done @!p0 $0x0  }
0xd0: {  	[sflag:s0] =	ssyncadd.s32 @!p0 s1  }
0xd1: {  	[bflag:$0x3] =	sbarrier.arrive $0xFFFF  }
0xd2: {  	_ =	shalt  }

</sc_bundles>
